<compile_context>
chip_gen: v7x
topology: tpu7x:2x2x1
jax: 0.10.2.dev20260603
libtpu: 0.0.44.dev20260713+nightly
codegen_flags: <defaults>
</compile_context>

<pallas_src>
import functools

import jax
import jax.numpy as jnp
from jax import lax
from jax.experimental import pallas as pl
from jax.experimental.pallas import tpu as pltpu
from jax.experimental.pallas import tpu_sc as plsc

NC = 2
NS = 16
LANES = 16
DG = 32
CHUNK = 128
ZR = 128
NP = 10240
EP = 327680
NRING = 10
NAHEAD = 5
DW = 128


def _seg_sum_sc(h, src2d, dst2d):
    d = DG
    n_rows = h.shape[0]
    ew = EP // NS
    nchunk = ew // CHUNK
    rows_per_tile = NP // NS
    hrpt = n_rows // NS
    mesh = plsc.VectorSubcoreMesh(
        core_axis_name="c", subcore_axis_name="s", num_cores=NC, num_subcores=NS
    )

    @functools.partial(
        pl.kernel,
        out_type=jax.ShapeDtypeStruct((NP, DW), jnp.float32),
        mesh=mesh,
        scratch_types=[
            pltpu.VMEM((nchunk, CHUNK), jnp.int32),
            pltpu.VMEM((nchunk, CHUNK), jnp.int32),
        ]
        + [pltpu.VMEM((CHUNK, d), jnp.float32)] * NRING
        + [
            pltpu.VMEM_SHARED((NP, d), jnp.float32),
            pltpu.VMEM_SHARED((n_rows, d), jnp.float32),
            pltpu.SemaphoreType.DMA,
            pltpu.SemaphoreType.DMA,
        ],
        compiler_params=pltpu.CompilerParams(use_tc_tiling_on_sc=False),
    )
    def k(h_hbm, src_hbm, dst_hbm, out_hbm, sidx, didx, *rest):
        rows = rest[:NRING]
        acc = rest[NRING]
        hstage = rest[NRING + 1]
        gsem = rest[NRING + 2]
        ssem = rest[NRING + 3]
        cid = lax.axis_index("c")
        sid = lax.axis_index("s")
        col0 = cid * DG
        z16 = jnp.zeros((LANES,), jnp.float32)

        def zrow(i, carry):
            for j in range(d // LANES):
                rows[0][i, pl.ds(j * LANES, LANES)] = z16
            return carry

        lax.fori_loop(0, ZR, zrow, 0)
        row0 = sid * rows_per_tile
        for kk in range(rows_per_tile // ZR):
            pltpu.sync_copy(rows[0], acc.at[pl.ds(row0 + kk * ZR, ZR)])

        pltpu.sync_copy(
            h_hbm.at[pl.ds(sid * hrpt, hrpt), pl.ds(col0, DG)],
            hstage.at[pl.ds(sid * hrpt, hrpt)],
        )
        pltpu.sync_copy(src_hbm.at[pl.ds(sid * nchunk, nchunk)], sidx)
        pltpu.sync_copy(dst_hbm.at[pl.ds(sid * nchunk, nchunk)], didx)
        plsc.subcore_barrier()
        for b in range(NAHEAD):
            pltpu.async_copy(hstage.at[sidx.at[b]], rows[b], gsem)

        def outer(g, carry):
            for b in range(NRING):
                jj = g * NRING + b
                rbuf = rows[b]
                nbuf = rows[(b + NAHEAD) % NRING]
                pltpu.make_async_copy(hstage.at[sidx.at[jj]], rbuf, gsem).wait()

                @pl.when(jj + NAHEAD < nchunk)
                def _():
                    pltpu.async_copy(
                        hstage.at[sidx.at[jj + NAHEAD]], nbuf, gsem
                    )

            return carry

        lax.fori_loop(0, nchunk // NRING, outer, 0)
        plsc.subcore_barrier()

        for kk in range(rows_per_tile // ZR):
            r = row0 + kk * ZR
            pltpu.sync_copy(
                acc.at[pl.ds(r, ZR)],
                out_hbm.at[pl.ds(r, ZR), pl.ds(col0, DG)],
            )

    return k(h, src2d, dst2d)


def _indeg_sc(dst2d):
    d = LANES
    ew = EP // (NC * NS)
    nchunk = ew // CHUNK
    rows_per_tile = NP // NS
    mesh = plsc.VectorSubcoreMesh(
        core_axis_name="c", subcore_axis_name="s", num_cores=NC, num_subcores=NS
    )

    @functools.partial(
        pl.kernel,
        out_type=jax.ShapeDtypeStruct((NP, DW), jnp.float32),
        mesh=mesh,
        scratch_types=[
            pltpu.VMEM((nchunk, CHUNK), jnp.int32),
            pltpu.VMEM((CHUNK, d), jnp.float32),
            pltpu.VMEM((ZR, d), jnp.float32),
            pltpu.VMEM_SHARED((NP, d), jnp.float32),
        ],
        compiler_params=pltpu.CompilerParams(use_tc_tiling_on_sc=False),
    )
    def k(dst_hbm, out_hbm, didx, ones, zbuf, acc):
        cid = lax.axis_index("c")
        sid = lax.axis_index("s")
        wid = sid * NC + cid
        z16 = jnp.zeros((LANES,), jnp.float32)
        o16 = jnp.ones((LANES,), jnp.float32)

        def zrow(i, carry):
            zbuf[i, pl.ds(0, LANES)] = z16
            ones[i, pl.ds(0, LANES)] = o16
            return carry

        lax.fori_loop(0, ZR, zrow, 0)

        row0 = sid * rows_per_tile
        for kk in range(rows_per_tile // ZR):
            pltpu.sync_copy(zbuf, acc.at[pl.ds(row0 + kk * ZR, ZR)])
        pltpu.sync_copy(dst_hbm.at[pl.ds(wid * nchunk, nchunk)], didx)
        plsc.subcore_barrier()

        def body(j, carry):
            pltpu.sync_copy(ones, acc.at[didx.at[j]], add=True)
            return carry

        lax.fori_loop(0, nchunk, body, 0)
        plsc.subcore_barrier()

        for kk in range(rows_per_tile // ZR):
            r = row0 + kk * ZR
            pltpu.sync_copy(
                acc.at[pl.ds(r, ZR)],
                out_hbm.at[pl.ds(r, ZR), pl.ds(cid * LANES, LANES)],
            )

    return k(dst2d)


_BN = 1000
_HW = 64


def _tc_first(x, w, ind):
    n, din = x.shape
    dh = w.shape[1]

    def body(x_ref, w_ref, ind_ref, dis_ref, ha_ref, hb_ref):
        indeg = ind_ref[:, :1] + ind_ref[:, LANES:LANES + 1]
        dis = lax.rsqrt(indeg + 1.0)
        dis_ref[...] = dis
        h = jnp.dot(x_ref[...], w_ref[...], preferred_element_type=jnp.float32)
        hs = h * dis
        ha_ref[...] = hs
        hb_ref[...] = jnp.concatenate([hs[:, _HW:], hs[:, :_HW]], axis=-1)

    return pl.pallas_call(
        body,
        grid=(n // _BN,),
        in_specs=[
            pl.BlockSpec((_BN, din), lambda i: (i, 0)),
            pl.BlockSpec((din, dh), lambda i: (0, 0)),
            pl.BlockSpec((_BN, DW), lambda i: (i, 0)),
        ],
        out_specs=[
            pl.BlockSpec((_BN, 1), lambda i: (i, 0)),
            pl.BlockSpec((_BN, DW), lambda i: (i, 0)),
            pl.BlockSpec((_BN, DW), lambda i: (i, 0)),
        ],
        out_shape=[
            jax.ShapeDtypeStruct((n, 1), jnp.float32),
            jax.ShapeDtypeStruct((n, DW), jnp.float32),
            jax.ShapeDtypeStruct((n, DW), jnp.float32),
        ],
    )(x, w, ind)


def _tc_mid1(sa, sb, ha, hb, b, dis, w):
    n = ha.shape[0]
    dn = w.shape[1]

    def body(sa_ref, sb_ref, ha_ref, hb_ref, b_ref, dis_ref, w_ref, out_ref):
        agg = jnp.concatenate(
            [
                sa_ref[:, :_HW] + ha_ref[:, :_HW],
                sb_ref[:, :_HW] + hb_ref[:, :_HW],
            ],
            axis=-1,
        )
        xv = agg * dis_ref[...] + b_ref[...]
        xv = jnp.maximum(xv, 0.0)
        y = (
            jnp.dot(xv, w_ref[...], preferred_element_type=jnp.float32)
            * dis_ref[...]
        )
        out_ref[...] = jnp.concatenate([y, y], axis=-1)

    return pl.pallas_call(
        body,
        grid=(n // _BN,),
        in_specs=[
            pl.BlockSpec((_BN, DW), lambda i: (i, 0)),
            pl.BlockSpec((_BN, DW), lambda i: (i, 0)),
            pl.BlockSpec((_BN, DW), lambda i: (i, 0)),
            pl.BlockSpec((_BN, DW), lambda i: (i, 0)),
            pl.BlockSpec((1, 2 * _HW), lambda i: (0, 0)),
            pl.BlockSpec((_BN, 1), lambda i: (i, 0)),
            pl.BlockSpec((2 * _HW, dn), lambda i: (0, 0)),
        ],
        out_specs=pl.BlockSpec((_BN, DW), lambda i: (i, 0)),
        out_shape=jax.ShapeDtypeStruct((n, DW), jnp.float32),
    )(sa, sb, ha, hb, b, dis, w)


def _tc_mid2(s, hs, b, dis, w):
    n = hs.shape[0]
    dn = w.shape[1]

    def body(s_ref, hs_ref, b_ref, dis_ref, w_ref, out_ref):
        agg = s_ref[:, :_HW] + hs_ref[:, :_HW]
        xv = agg * dis_ref[...] + b_ref[...]
        xv = jnp.maximum(xv, 0.0)
        y = (
            jnp.dot(xv, w_ref[...], preferred_element_type=jnp.float32)
            * dis_ref[...]
        )
        out_ref[...] = jnp.concatenate([y, y], axis=-1)

    return pl.pallas_call(
        body,
        grid=(n // _BN,),
        in_specs=[
            pl.BlockSpec((_BN, DW), lambda i: (i, 0)),
            pl.BlockSpec((_BN, DW), lambda i: (i, 0)),
            pl.BlockSpec((1, _HW), lambda i: (0, 0)),
            pl.BlockSpec((_BN, 1), lambda i: (i, 0)),
            pl.BlockSpec((_HW, dn), lambda i: (0, 0)),
        ],
        out_specs=pl.BlockSpec((_BN, DW), lambda i: (i, 0)),
        out_shape=jax.ShapeDtypeStruct((n, DW), jnp.float32),
    )(s, hs, b, dis, w)


def _tc_final(s, hs, b, dis):
    n = hs.shape[0]

    def body(s_ref, hs_ref, b_ref, dis_ref, out_ref):
        agg = s_ref[:, :_HW] + hs_ref[:, :_HW]
        out_ref[...] = agg * dis_ref[...] + b_ref[...]

    return pl.pallas_call(
        body,
        grid=(n // _BN,),
        in_specs=[
            pl.BlockSpec((_BN, DW), lambda i: (i, 0)),
            pl.BlockSpec((_BN, DW), lambda i: (i, 0)),
            pl.BlockSpec((1, _HW), lambda i: (0, 0)),
            pl.BlockSpec((_BN, 1), lambda i: (i, 0)),
        ],
        out_specs=pl.BlockSpec((_BN, _HW), lambda i: (i, 0)),
        out_shape=jax.ShapeDtypeStruct((n, _HW), jnp.float32),
    )(s, hs, b, dis)


def kernel(x, edge_index, W1, b1, W2, b2, W3, b3):
    e = edge_index.shape[1]
    pad = EP - e
    src2d = jnp.concatenate(
        [edge_index[0], jnp.zeros((pad,), jnp.int32)]
    ).reshape(EP // CHUNK, CHUNK)
    dst2d = jnp.concatenate(
        [edge_index[1], jnp.full((pad,), NP - 1, jnp.int32)]
    ).reshape(EP // CHUNK, CHUNK)

    ind = _indeg_sc(dst2d)
    dis, hs1a, hs1b = _tc_first(x, W1, ind)

    s1a = _seg_sum_sc(hs1a, src2d, dst2d)
    s1b = _seg_sum_sc(hs1b, src2d, dst2d)
    hs2 = _tc_mid1(s1a, s1b, hs1a, hs1b, b1.reshape(1, -1), dis, W2)

    s2 = _seg_sum_sc(hs2, src2d, dst2d)
    hs3 = _tc_mid2(s2, hs2, b2.reshape(1, -1), dis, W3)

    s3 = _seg_sum_sc(hs3, src2d, dst2d)
    return _tc_final(s3, hs3, b3.reshape(1, -1), dis)

# --- scband reference (transcript-rebuilt; emitter-appended) ---
"""Pipeline reference for scband-gnnclustering-73985106641234 (READ-ONLY COPY).

The authoritative reference and input builder live on the scoring server;
editing this copy changes nothing except your own understanding.
"""

import jax, jax.numpy as jnp
import numpy as np

N = 10000
E = 320000
D_IN = 128
D_H1 = 128
D_H2 = 64
D_OUT = 64


def _glorot(key, shape):
    fan_in, fan_out = shape[0], shape[1]
    limit = np.sqrt(6.0 / (fan_in + fan_out))
    return jax.random.uniform(key, shape, dtype=jnp.float32, minval=-limit, maxval=limit)


def setup_inputs(seed: int = 0) -> dict:
    key = jax.random.key(seed)
    ks = jax.random.split(key, 8)
    x = jax.random.normal(ks[0], (N, D_IN), dtype=jnp.float32)
    edge_index = jax.random.randint(ks[1], (2, E), 0, N, dtype=jnp.int32)
    W1 = _glorot(ks[2], (D_IN, D_H1))
    b1 = jnp.zeros((D_H1,), dtype=jnp.float32)
    W2 = _glorot(ks[3], (D_H1, D_H2))
    b2 = jnp.zeros((D_H2,), dtype=jnp.float32)
    W3 = _glorot(ks[4], (D_H2, D_OUT))
    b3 = jnp.zeros((D_OUT,), dtype=jnp.float32)
    return {"x": x, "edge_index": edge_index, "W1": W1, "b1": b1, "W2": W2, "b2": b2, "W3": W3, "b3": b3}


def _gcn_conv(x, edge_index, W, b):
    # GCNConv: add self-loops, symmetric normalization D^-1/2 (A+I) D^-1/2 X W + b
    n = x.shape[0]
    loop = jnp.arange(n, dtype=edge_index.dtype)
    src = jnp.concatenate([edge_index[0], loop])
    dst = jnp.concatenate([edge_index[1], loop])
    ones = jnp.ones(src.shape[0], dtype=x.dtype)
    deg = jax.ops.segment_sum(ones, dst, num_segments=n)
    deg_inv_sqrt = jnp.where(deg > 0, jax.lax.rsqrt(deg), 0.0)
    norm = deg_inv_sqrt[src] * deg_inv_sqrt[dst]
    h = x @ W
    msg = h[src] * norm[:, None]
    out = jax.ops.segment_sum(msg, dst, num_segments=n)
    return out + b


def reference(x, edge_index, W1, b1, W2, b2, W3, b3):
    h = jax.nn.relu(_gcn_conv(x, edge_index, W1, b1))
    h = jax.nn.relu(_gcn_conv(h, edge_index, W2, b2))
    out = _gcn_conv(h, edge_index, W3, b3)
    return out

if __name__ == "__main__":
    import jax
    _d = setup_inputs()
    print(jax.jit(kernel)(*tuple(_d.values())))

</pallas_src>

<mosaic_0001>
#map = affine_map<(d0, d1) -> (0, 0)>
module attributes {stable_mosaic.version = 14 : i64} {
  func.func @k(%arg0: i32, %arg1: i32, %arg2: memref<10000x128xf32, #tpu.memory_space<hbm>>, %arg3: memref<2560x128xi32, #tpu.memory_space<hbm>>, %arg4: memref<2560x128xi32, #tpu.memory_space<hbm>>, %arg5: memref<10240x128xf32, #tpu.memory_space<hbm>>, %arg6: memref<160x128xi32, #tpu.memory_space<vmem>>, %arg7: memref<160x128xi32, #tpu.memory_space<vmem>>, %arg8: memref<128x32xf32, #tpu.memory_space<vmem>>, %arg9: memref<128x32xf32, #tpu.memory_space<vmem>>, %arg10: memref<128x32xf32, #tpu.memory_space<vmem>>, %arg11: memref<128x32xf32, #tpu.memory_space<vmem>>, %arg12: memref<128x32xf32, #tpu.memory_space<vmem>>, %arg13: memref<128x32xf32, #tpu.memory_space<vmem>>, %arg14: memref<128x32xf32, #tpu.memory_space<vmem>>, %arg15: memref<128x32xf32, #tpu.memory_space<vmem>>, %arg16: memref<128x32xf32, #tpu.memory_space<vmem>>, %arg17: memref<128x32xf32, #tpu.memory_space<vmem>>, %arg18: memref<10240x32xf32, #tpu.memory_space<vmem_shared>>, %arg19: memref<10000x32xf32, #tpu.memory_space<vmem_shared>>, %arg20: memref<!tpu.dma_semaphore, #tpu.memory_space<semaphore_mem>>, %arg21: memref<!tpu.dma_semaphore, #tpu.memory_space<semaphore_mem>>) attributes {dimension_semantics = [#tpu.dimension_semantics<core_parallel>, #tpu.dimension_semantics<subcore_parallel>], iteration_bounds = array<i64: 2, 16>, scalar_prefetch = 0 : i64, scratch_operands = 16 : i64, tpu.core_type = #tpu.core_type<sc_vector_subcore>, window_params = [{transform_indices = #map}, {transform_indices = #map}, {transform_indices = #map}, {transform_indices = #map}]} {
    %mul3A = arith.constant 32 : i32
    %mul3A_0 = arith.muli %arg0, %mul3A : i32
    %broadcast_in_dim3A = arith.constant 0.000000e+00 : f32
    %broadcast_in_dim3A_1 = vector.broadcast %broadcast_in_dim3A : f32 to vector<16xf32>
    %scan3A = arith.constant 0 : i32
    %scan3A_2 = arith.constant 0 : i32
    %scan3A_3 = arith.constant 128 : i32
    %scan3A_4 = arith.addi %scan3A_2, %scan3A_3 : i32
    %scan3A_5 = arith.constant 1 : i32
    scf.for %scan3A_77 = %scan3A_2 to %scan3A_4 step %scan3A_5  : i32 {
      %swap3A = arith.index_cast %scan3A_77 : i32 to index
      %swap3A_78 = arith.constant 0 : index
      %swap3A_79 = tpu.vector_load %arg8[%swap3A, %swap3A_78] {strides = array<i32>} : memref<128x32xf32, #tpu.memory_space<vmem>>, vector<1x16xf32>,
      %swap3A_80 = vector.shape_cast %swap3A_79 : vector<1x16xf32> to vector<16xf32>
      %swap3A_81 = vector.shape_cast %broadcast_in_dim3A_1 : vector<16xf32> to vector<1x16xf32>
      tpu.vector_store %arg8[%swap3A, %swap3A_78], %swap3A_81 {strides = array<i32>} : memref<128x32xf32, #tpu.memory_space<vmem>>, vector<1x16xf32>,
      %swap3A_82 = arith.index_cast %scan3A_77 : i32 to index
      %swap3A_83 = arith.constant 16 : index
      %swap3A_84 = tpu.vector_load %arg8[%swap3A_82, %swap3A_83] {strides = array<i32>} : memref<128x32xf32, #tpu.memory_space<vmem>>, vector<1x16xf32>,
      %swap3A_85 = vector.shape_cast %swap3A_84 : vector<1x16xf32> to vector<16xf32>
      %swap3A_86 = vector.shape_cast %broadcast_in_dim3A_1 : vector<16xf32> to vector<1x16xf32>
      tpu.vector_store %arg8[%swap3A_82, %swap3A_83], %swap3A_86 {strides = array<i32>} : memref<128x32xf32, #tpu.memory_space<vmem>>, vector<1x16xf32>,
    }
    %scan3A_6 = arith.constant 128 : i32
    %mul3A_7 = arith.constant 640 : i32
    %mul3A_8 = arith.muli %arg1, %mul3A_7 : i32
    %add3A = arith.constant 0 : i32
    %add3A_9 = arith.addi %mul3A_8, %add3A : i32
    "tpu.region"() ({
      %run_scoped3A = tpu.sem_alloc : memref<!tpu.dma_semaphore, #tpu.memory_space<semaphore_mem>>
      %dma_start3A_77 = arith.constant 0 : i32
      %dma_start3A_78 = tpu.memref_slice %arg18[%add3A_9, %dma_start3A_77] : memref<10240x32xf32, #tpu.memory_space<vmem_shared>> -> memref<128x32xf32, #tpu.memory_space<vmem_shared>>
      %dma_start3A_79 = arith.constant 0 : i32
      %dma_start3A_80 = tpu.memref_slice %arg18[%add3A_9, %dma_start3A_79] : memref<10240x32xf32, #tpu.memory_space<vmem_shared>> -> memref<128x32xf32, #tpu.memory_space<vmem_shared>>
      tpu.enqueue_dma source(%arg8 : memref<128x32xf32, #tpu.memory_space<vmem>>) target(%dma_start3A_80 : memref<128x32xf32, #tpu.memory_space<vmem_shared>>) target_semaphore(%run_scoped3A : memref<!tpu.dma_semaphore, #tpu.memory_space<semaphore_mem>>)
      %dma_wait3A = arith.constant 0 : i32
      %dma_wait3A_81 = tpu.memref_slice %arg18[%add3A_9, %dma_wait3A] : memref<10240x32xf32, #tpu.memory_space<vmem_shared>> -> memref<128x32xf32, #tpu.memory_space<vmem_shared>>
      %dma_wait3A_82 = arith.constant 0 : i32
      %dma_wait3A_83 = tpu.memref_slice %arg18[%add3A_9, %dma_wait3A_82] : memref<10240x32xf32, #tpu.memory_space<vmem_shared>> -> memref<128x32xf32, #tpu.memory_space<vmem_shared>>
      tpu.wait_dma2 semaphore(%run_scoped3A : memref<!tpu.dma_semaphore, #tpu.memory_space<semaphore_mem>>) src(%arg8 : memref<128x32xf32, #tpu.memory_space<vmem>>) dst(%dma_wait3A_83 : memref<128x32xf32, #tpu.memory_space<vmem_shared>>)
      tpu.yield
    }) : () -> ()
    %add3A_10 = arith.constant 128 : i32
    %add3A_11 = arith.addi %mul3A_8, %add3A_10 : i32
    "tpu.region"() ({
      %run_scoped3A = tpu.sem_alloc : memref<!tpu.dma_semaphore, #tpu.memory_space<semaphore_mem>>
      %dma_start3A_77 = arith.constant 0 : i32
      %dma_start3A_78 = tpu.memref_slice %arg18[%add3A_11, %dma_start3A_77] : memref<10240x32xf32, #tpu.memory_space<vmem_shared>> -> memref<128x32xf32, #tpu.memory_space<vmem_shared>>
      %dma_start3A_79 = arith.constant 0 : i32
      %dma_start3A_80 = tpu.memref_slice %arg18[%add3A_11, %dma_start3A_79] : memref<10240x32xf32, #tpu.memory_space<vmem_shared>> -> memref<128x32xf32, #tpu.memory_space<vmem_shared>>
      tpu.enqueue_dma source(%arg8 : memref<128x32xf32, #tpu.memory_space<vmem>>) target(%dma_start3A_80 : memref<128x32xf32, #tpu.memory_space<vmem_shared>>) target_semaphore(%run_scoped3A : memref<!tpu.dma_semaphore, #tpu.memory_space<semaphore_mem>>)
      %dma_wait3A = arith.constant 0 : i32
      %dma_wait3A_81 = tpu.memref_slice %arg18[%add3A_11, %dma_wait3A] : memref<10240x32xf32, #tpu.memory_space<vmem_shared>> -> memref<128x32xf32, #tpu.memory_space<vmem_shared>>
      %dma_wait3A_82 = arith.constant 0 : i32
      %dma_wait3A_83 = tpu.memref_slice %arg18[%add3A_11, %dma_wait3A_82] : memref<10240x32xf32, #tpu.memory_space<vmem_shared>> -> memref<128x32xf32, #tpu.memory_space<vmem_shared>>
      tpu.wait_dma2 semaphore(%run_scoped3A : memref<!tpu.dma_semaphore, #tpu.memory_space<semaphore_mem>>) src(%arg8 : memref<128x32xf32, #tpu.memory_space<vmem>>) dst(%dma_wait3A_83 : memref<128x32xf32, #tpu.memory_space<vmem_shared>>)
      tpu.yield
    }) : () -> ()
    %add3A_12 = arith.constant 256 : i32
    %add3A_13 = arith.addi %mul3A_8, %add3A_12 : i32
    "tpu.region"() ({
      %run_scoped3A = tpu.sem_alloc : memref<!tpu.dma_semaphore, #tpu.memory_space<semaphore_mem>>
      %dma_start3A_77 = arith.constant 0 : i32
      %dma_start3A_78 = tpu.memref_slice %arg18[%add3A_13, %dma_start3A_77] : memref<10240x32xf32, #tpu.memory_space<vmem_shared>> -> memref<128x32xf32, #tpu.memory_space<vmem_shared>>
      %dma_start3A_79 = arith.constant 0 : i32
      %dma_start3A_80 = tpu.memref_slice %arg18[%add3A_13, %dma_start3A_79] : memref<10240x32xf32, #tpu.memory_space<vmem_shared>> -> memref<128x32xf32, #tpu.memory_space<vmem_shared>>
      tpu.enqueue_dma source(%arg8 : memref<128x32xf32, #tpu.memory_space<vmem>>) target(%dma_start3A_80 : memref<128x32xf32, #tpu.memory_space<vmem_shared>>) target_semaphore(%run_scoped3A : memref<!tpu.dma_semaphore, #tpu.memory_space<semaphore_mem>>)
      %dma_wait3A = arith.constant 0 : i32
      %dma_wait3A_81 = tpu.memref_slice %arg18[%add3A_13, %dma_wait3A] : memref<10240x32xf32, #tpu.memory_space<vmem_shared>> -> memref<128x32xf32, #tpu.memory_space<vmem_shared>>
      %dma_wait3A_82 = arith.constant 0 : i32
      %dma_wait3A_83 = tpu.memref_slice %arg18[%add3A_13, %dma_wait3A_82] : memref<10240x32xf32, #tpu.memory_space<vmem_shared>> -> memref<128x32xf32, #tpu.memory_space<vmem_shared>>
      tpu.wait_dma2 semaphore(%run_scoped3A : memref<!tpu.dma_semaphore, #tpu.memory_space<semaphore_mem>>) src(%arg8 : memref<128x32xf32, #tpu.memory_space<vmem>>) dst(%dma_wait3A_83 : memref<128x32xf32, #tpu.memory_space<vmem_shared>>)
      tpu.yield
    }) : () -> ()
    %add3A_14 = arith.constant 384 : i32
    %add3A_15 = arith.addi %mul3A_8, %add3A_14 : i32
    "tpu.region"() ({
      %run_scoped3A = tpu.sem_alloc : memref<!tpu.dma_semaphore, #tpu.memory_space<semaphore_mem>>
      %dma_start3A_77 = arith.constant 0 : i32
      %dma_start3A_78 = tpu.memref_slice %arg18[%add3A_15, %dma_start3A_77] : memref<10240x32xf32, #tpu.memory_space<vmem_shared>> -> memref<128x32xf32, #tpu.memory_space<vmem_shared>>
      %dma_start3A_79 = arith.constant 0 : i32
      %dma_start3A_80 = tpu.memref_slice %arg18[%add3A_15, %dma_start3A_79] : memref<10240x32xf32, #tpu.memory_space<vmem_shared>> -> memref<128x32xf32, #tpu.memory_space<vmem_shared>>
      tpu.enqueue_dma source(%arg8 : memref<128x32xf32, #tpu.memory_space<vmem>>) target(%dma_start3A_80 : memref<128x32xf32, #tpu.memory_space<vmem_shared>>) target_semaphore(%run_scoped3A : memref<!tpu.dma_semaphore, #tpu.memory_space<semaphore_mem>>)
      %dma_wait3A = arith.constant 0 : i32
      %dma_wait3A_81 = tpu.memref_slice %arg18[%add3A_15, %dma_wait3A] : memref<10240x32xf32, #tpu.memory_space<vmem_shared>> -> memref<128x32xf32, #tpu.memory_space<vmem_shared>>
      %dma_wait3A_82 = arith.constant 0 : i32
      %dma_wait3A_83 = tpu.memref_slice %arg18[%add3A_15, %dma_wait3A_82] : memref<10240x32xf32, #tpu.memory_space<vmem_shared>> -> memref<128x32xf32, #tpu.memory_space<vmem_shared>>
      tpu.wait_dma2 semaphore(%run_scoped3A : memref<!tpu.dma_semaphore, #tpu.memory_space<semaphore_mem>>) src(%arg8 : memref<128x32xf32, #tpu.memory_space<vmem>>) dst(%dma_wait3A_83 : memref<128x32xf32, #tpu.memory_space<vmem_shared>>)
      tpu.yield
    }) : () -> ()
    %add3A_16 = arith.constant 512 : i32
    %add3A_17 = arith.addi %mul3A_8, %add3A_16 : i32
    "tpu.region"() ({
      %run_scoped3A = tpu.sem_alloc : memref<!tpu.dma_semaphore, #tpu.memory_space<semaphore_mem>>
      %dma_start3A_77 = arith.constant 0 : i32
      %dma_start3A_78 = tpu.memref_slice %arg18[%add3A_17, %dma_start3A_77] : memref<10240x32xf32, #tpu.memory_space<vmem_shared>> -> memref<128x32xf32, #tpu.memory_space<vmem_shared>>
      %dma_start3A_79 = arith.constant 0 : i32
      %dma_start3A_80 = tpu.memref_slice %arg18[%add3A_17, %dma_start3A_79] : memref<10240x32xf32, #tpu.memory_space<vmem_shared>> -> memref<128x32xf32, #tpu.memory_space<vmem_shared>>
      tpu.enqueue_dma source(%arg8 : memref<128x32xf32, #tpu.memory_space<vmem>>) target(%dma_start3A_80 : memref<128x32xf32, #tpu.memory_space<vmem_shared>>) target_semaphore(%run_scoped3A : memref<!tpu.dma_semaphore, #tpu.memory_space<semaphore_mem>>)
      %dma_wait3A = arith.constant 0 : i32
      %dma_wait3A_81 = tpu.memref_slice %arg18[%add3A_17, %dma_wait3A] : memref<10240x32xf32, #tpu.memory_space<vmem_shared>> -> memref<128x32xf32, #tpu.memory_space<vmem_shared>>
      %dma_wait3A_82 = arith.constant 0 : i32
      %dma_wait3A_83 = tpu.memref_slice %arg18[%add3A_17, %dma_wait3A_82] : memref<10240x32xf32, #tpu.memory_space<vmem_shared>> -> memref<128x32xf32, #tpu.memory_space<vmem_shared>>
      tpu.wait_dma2 semaphore(%run_scoped3A : memref<!tpu.dma_semaphore, #tpu.memory_space<semaphore_mem>>) src(%arg8 : memref<128x32xf32, #tpu.memory_space<vmem>>) dst(%dma_wait3A_83 : memref<128x32xf32, #tpu.memory_space<vmem_shared>>)
      tpu.yield
    }) : () -> ()
    %mul3A_18 = arith.constant 625 : i32
    %mul3A_19 = arith.muli %arg1, %mul3A_18 : i32
    %mul3A_20 = arith.constant 625 : i32
    %mul3A_21 = arith.muli %arg1, %mul3A_20 : i32
    "tpu.region"() ({
      %run_scoped3A = tpu.sem_alloc : memref<!tpu.dma_semaphore, #tpu.memory_space<semaphore_mem>>
      %dma_start3A_77 = arith.constant 0 : i32
      %dma_start3A_78 = tpu.memref_slice %arg19[%mul3A_21, %dma_start3A_77] : memref<10000x32xf32, #tpu.memory_space<vmem_shared>> -> memref<625x32xf32, #tpu.memory_space<vmem_shared>>
      %dma_start3A_79 = tpu.memref_slice %arg2[%mul3A_19, %mul3A_0] : memref<10000x128xf32, #tpu.memory_space<hbm>> -> memref<625x32xf32, #tpu.memory_space<hbm>>
      tpu.enqueue_dma source(%dma_start3A_79 : memref<625x32xf32, #tpu.memory_space<hbm>>) target(%dma_start3A_78 : memref<625x32xf32, #tpu.memory_space<vmem_shared>>) target_semaphore(%run_scoped3A : memref<!tpu.dma_semaphore, #tpu.memory_space<semaphore_mem>>)
      %dma_wait3A = arith.constant 0 : i32
      %dma_wait3A_80 = tpu.memref_slice %arg19[%mul3A_21, %dma_wait3A] : memref<10000x32xf32, #tpu.memory_space<vmem_shared>> -> memref<625x32xf32, #tpu.memory_space<vmem_shared>>
      %dma_wait3A_81 = tpu.memref_slice %arg2[%mul3A_19, %mul3A_0] : memref<10000x128xf32, #tpu.memory_space<hbm>> -> memref<625x32xf32, #tpu.memory_space<hbm>>
      tpu.wait_dma2 semaphore(%run_scoped3A : memref<!tpu.dma_semaphore, #tpu.memory_space<semaphore_mem>>) src(%dma_wait3A_81 : memref<625x32xf32, #tpu.memory_space<hbm>>) dst(%dma_wait3A_80 : memref<625x32xf32, #tpu.memory_space<vmem_shared>>)
      tpu.yield
    }) : () -> ()
    %mul3A_22 = arith.constant 160 : i32
    %mul3A_23 = arith.muli %arg1, %mul3A_22 : i32
    "tpu.region"() ({
      %run_scoped3A = tpu.sem_alloc : memref<!tpu.dma_semaphore, #tpu.memory_space<semaphore_mem>>
      %dma_start3A_77 = arith.constant 0 : i32
      %dma_start3A_78 = tpu.memref_slice %arg3[%mul3A_23, %dma_start3A_77] : memref<2560x128xi32, #tpu.memory_space<hbm>> -> memref<160x128xi32, #tpu.memory_space<hbm>>
      %dma_start3A_79 = arith.constant 0 : i32
      %dma_start3A_80 = tpu.memref_slice %arg3[%mul3A_23, %dma_start3A_79] : memref<2560x128xi32, #tpu.memory_space<hbm>> -> memref<160x128xi32, #tpu.memory_space<hbm>>
      tpu.enqueue_dma source(%dma_start3A_80 : memref<160x128xi32, #tpu.memory_space<hbm>>) target(%arg6 : memref<160x128xi32, #tpu.memory_space<vmem>>) target_semaphore(%run_scoped3A : memref<!tpu.dma_semaphore, #tpu.memory_space<semaphore_mem>>)
      %dma_wait3A = arith.constant 0 : i32
      %dma_wait3A_81 = tpu.memref_slice %arg3[%mul3A_23, %dma_wait3A] : memref<2560x128xi32, #tpu.memory_space<hbm>> -> memref<160x128xi32, #tpu.memory_space<hbm>>
      %dma_wait3A_82 = arith.constant 0 : i32
      %dma_wait3A_83 = tpu.memref_slice %arg3[%mul3A_23, %dma_wait3A_82] : memref<2560x128xi32, #tpu.memory_space<hbm>> -> memref<160x128xi32, #tpu.memory_space<hbm>>
      tpu.wait_dma2 semaphore(%run_scoped3A : memref<!tpu.dma_semaphore, #tpu.memory_space<semaphore_mem>>) src(%dma_wait3A_83 : memref<160x128xi32, #tpu.memory_space<hbm>>) dst(%arg6 : memref<160x128xi32, #tpu.memory_space<vmem>>)
      tpu.yield
    }) : () -> ()
    %mul3A_24 = arith.constant 160 : i32
    %mul3A_25 = arith.muli %arg1, %mul3A_24 : i32
    "tpu.region"() ({
      %run_scoped3A = tpu.sem_alloc : memref<!tpu.dma_semaphore, #tpu.memory_space<semaphore_mem>>
      %dma_start3A_77 = arith.constant 0 : i32
      %dma_start3A_78 = tpu.memref_slice %arg4[%mul3A_25, %dma_start3A_77] : memref<2560x128xi32, #tpu.memory_space<hbm>> -> memref<160x128xi32, #tpu.memory_space<hbm>>
      %dma_start3A_79 = arith.constant 0 : i32
      %dma_start3A_80 = tpu.memref_slice %arg4[%mul3A_25, %dma_start3A_79] : memref<2560x128xi32, #tpu.memory_space<hbm>> -> memref<160x128xi32, #tpu.memory_space<hbm>>
      tpu.enqueue_dma source(%dma_start3A_80 : memref<160x128xi32, #tpu.memory_space<hbm>>) target(%arg7 : memref<160x128xi32, #tpu.memory_space<vmem>>) target_semaphore(%run_scoped3A : memref<!tpu.dma_semaphore, #tpu.memory_space<semaphore_mem>>)
      %dma_wait3A = arith.constant 0 : i32
      %dma_wait3A_81 = tpu.memref_slice %arg4[%mul3A_25, %dma_wait3A] : memref<2560x128xi32, #tpu.memory_space<hbm>> -> memref<160x128xi32, #tpu.memory_space<hbm>>
      %dma_wait3A_82 = arith.constant 0 : i32
      %dma_wait3A_83 = tpu.memref_slice %arg4[%mul3A_25, %dma_wait3A_82] : memref<2560x128xi32, #tpu.memory_space<hbm>> -> memref<160x128xi32, #tpu.memory_space<hbm>>
      tpu.wait_dma2 semaphore(%run_scoped3A : memref<!tpu.dma_semaphore, #tpu.memory_space<semaphore_mem>>) src(%dma_wait3A_83 : memref<160x128xi32, #tpu.memory_space<hbm>>) dst(%arg7 : memref<160x128xi32, #tpu.memory_space<vmem>>)
      tpu.yield
    }) : () -> ()
    %barrier3A = arith.constant 0 : index
    tpu.barrier barrier_id(%barrier3A)
    %dma_start3A = arith.constant 0 : i32
    %dma_start3A_26 = arith.constant 0 : i32
    %dma_start3A_27 = tpu.memref_slice %arg6[%dma_start3A, %dma_start3A_26] : memref<160x128xi32, #tpu.memory_space<vmem>> -> memref<1x128xi32, #tpu.memory_space<vmem>>
    %dma_start3A_28 = tpu.memref_squeeze %dma_start3A_27 : memref<1x128xi32, #tpu.memory_space<vmem>> -> memref<128xi32, #tpu.memory_space<vmem>>
    %dma_start3A_29 = arith.constant 0 : i32
    %dma_start3A_30 = arith.constant 0 : i32
    %dma_start3A_31 = tpu.memref_slice %arg19[%dma_start3A_29, %dma_start3A_30] : memref<10000x32xf32, #tpu.memory_space<vmem_shared>> -> memref<10000x32xf32, #tpu.memory_space<vmem_shared>>
    tpu.enqueue_indirect_dma source(%dma_start3A_31 : memref<10000x32xf32, #tpu.memory_space<vmem_shared>>) target(%arg8 : memref<128x32xf32, #tpu.memory_space<vmem>>) offsets(%dma_start3A_28 : memref<128xi32, #tpu.memory_space<vmem>>) semaphore(%arg20 : memref<!tpu.dma_semaphore, #tpu.memory_space<semaphore_mem>>)
    %dma_start3A_32 = arith.constant 1 : i32
    %dma_start3A_33 = arith.constant 0 : i32
    %dma_start3A_34 = tpu.memref_slice %arg6[%dma_start3A_32, %dma_start3A_33] : memref<160x128xi32, #tpu.memory_space<vmem>> -> memref<1x128xi32, #tpu.memory_space<vmem>>
    %dma_start3A_35 = tpu.memref_squeeze %dma_start3A_34 : memref<1x128xi32, #tpu.memory_space<vmem>> -> memref<128xi32, #tpu.memory_space<vmem>>
    %dma_start3A_36 = arith.constant 0 : i32
    %dma_start3A_37 = arith.constant 0 : i32
    %dma_start3A_38 = tpu.memref_slice %arg19[%dma_start3A_36, %dma_start3A_37] : memref<10000x32xf32, #tpu.memory_space<vmem_shared>> -> memref<10000x32xf32, #tpu.memory_space<vmem_shared>>
    tpu.enqueue_indirect_dma source(%dma_start3A_38 : memref<10000x32xf32, #tpu.memory_space<vmem_shared>>) target(%arg9 : memref<128x32xf32, #tpu.memory_space<vmem>>) offsets(%dma_start3A_35 : memref<128xi32, #tpu.memory_space<vmem>>) semaphore(%arg20 : memref<!tpu.dma_semaphore, #tpu.memory_space<semaphore_mem>>)
    %dma_start3A_39 = arith.constant 2 : i32
    %dma_start3A_40 = arith.constant 0 : i32
    %dma_start3A_41 = tpu.memref_slice %arg6[%dma_start3A_39, %dma_start3A_40] : memref<160x128xi32, #tpu.memory_space<vmem>> -> memref<1x128xi32, #tpu.memory_space<vmem>>
    %dma_start3A_42 = tpu.memref_squeeze %dma_start3A_41 : memref<1x128xi32, #tpu.memory_space<vmem>> -> memref<128xi32, #tpu.memory_space<vmem>>
    %dma_start3A_43 = arith.constant 0 : i32
    %dma_start3A_44 = arith.constant 0 : i32
    %dma_start3A_45 = tpu.memref_slice %arg19[%dma_start3A_43, %dma_start3A_44] : memref<10000x32xf32, #tpu.memory_space<vmem_shared>> -> memref<10000x32xf32, #tpu.memory_space<vmem_shared>>
    tpu.enqueue_indirect_dma source(%dma_start3A_45 : memref<10000x32xf32, #tpu.memory_space<vmem_shared>>) target(%arg10 : memref<128x32xf32, #tpu.memory_space<vmem>>) offsets(%dma_start3A_42 : memref<128xi32, #tpu.memory_space<vmem>>) semaphore(%arg20 : memref<!tpu.dma_semaphore, #tpu.memory_space<semaphore_mem>>)
    %dma_start3A_46 = arith.constant 3 : i32
    %dma_start3A_47 = arith.constant 0 : i32
    %dma_start3A_48 = tpu.memref_slice %arg6[%dma_start3A_46, %dma_start3A_47] : memref<160x128xi32, #tpu.memory_space<vmem>> -> memref<1x128xi32, #tpu.memory_space<vmem>>
    %dma_start3A_49 = tpu.memref_squeeze %dma_start3A_48 : memref<1x128xi32, #tpu.memory_space<vmem>> -> memref<128xi32, #tpu.memory_space<vmem>>
    %dma_start3A_50 = arith.constant 0 : i32
    %dma_start3A_51 = arith.constant 0 : i32
    %dma_start3A_52 = tpu.memref_slice %arg19[%dma_start3A_50, %dma_start3A_51] : memref<10000x32xf32, #tpu.memory_space<vmem_shared>> -> memref<10000x32xf32, #tpu.memory_space<vmem_shared>>
    tpu.enqueue_indirect_dma source(%dma_start3A_52 : memref<10000x32xf32, #tpu.memory_space<vmem_shared>>) target(%arg11 : memref<128x32xf32, #tpu.memory_space<vmem>>) offsets(%dma_start3A_49 : memref<128xi32, #tpu.memory_space<vmem>>) semaphore(%arg20 : memref<!tpu.dma_semaphore, #tpu.memory_space<semaphore_mem>>)
    %dma_start3A_53 = arith.constant 4 : i32
    %dma_start3A_54 = arith.constant 0 : i32
    %dma_start3A_55 = tpu.memref_slice %arg6[%dma_start3A_53, %dma_start3A_54] : memref<160x128xi32, #tpu.memory_space<vmem>> -> memref<1x128xi32, #tpu.memory_space<vmem>>
    %dma_start3A_56 = tpu.memref_squeeze %dma_start3A_55 : memref<1x128xi32, #tpu.memory_space<vmem>> -> memref<128xi32, #tpu.memory_space<vmem>>
    %dma_start3A_57 = arith.constant 0 : i32
    %dma_start3A_58 = arith.constant 0 : i32
    %dma_start3A_59 = tpu.memref_slice %arg19[%dma_start3A_57, %dma_start3A_58] : memref<10000x32xf32, #tpu.memory_space<vmem_shared>> -> memref<10000x32xf32, #tpu.memory_space<vmem_shared>>
    tpu.enqueue_indirect_dma source(%dma_start3A_59 : memref<10000x32xf32, #tpu.memory_space<vmem_shared>>) target(%arg12 : memref<128x32xf32, #tpu.memory_space<vmem>>) offsets(%dma_start3A_56 : memref<128xi32, #tpu.memory_space<vmem>>) semaphore(%arg20 : memref<!tpu.dma_semaphore, #tpu.memory_space<semaphore_mem>>)
    %scan3A_60 = arith.constant 0 : i32
    %scan3A_61 = arith.constant 0 : i32
    %scan3A_62 = arith.constant 16 : i32
    %scan3A_63 = arith.addi %scan3A_61, %scan3A_62 : i32
    %scan3A_64 = arith.constant 1 : i32
    scf.for %scan3A_77 = %scan3A_61 to %scan3A_63 step %scan3A_64  : i32 {
      %mul3A_78 = arith.constant 10 : i32
      %mul3A_79 = arith.muli %scan3A_77, %mul3A_78 : i32
      %add3A_80 = arith.constant 0 : i32
      %add3A_81 = arith.addi %mul3A_79, %add3A_80 : i32
      %dma_wait3A = arith.constant 0 : i32
      %dma_wait3A_82 = tpu.memref_slice %arg6[%add3A_81, %dma_wait3A] : memref<160x128xi32, #tpu.memory_space<vmem>> -> memref<1x128xi32, #tpu.memory_space<vmem>>
      %dma_wait3A_83 = tpu.memref_squeeze %dma_wait3A_82 : memref<1x128xi32, #tpu.memory_space<vmem>> -> memref<128xi32, #tpu.memory_space<vmem>>
      %dma_wait3A_84 = arith.constant 0 : i32
      %dma_wait3A_85 = arith.constant 0 : i32
      %dma_wait3A_86 = tpu.memref_slice %arg19[%dma_wait3A_84, %dma_wait3A_85] : memref<10000x32xf32, #tpu.memory_space<vmem_shared>> -> memref<10000x32xf32, #tpu.memory_space<vmem_shared>>
      tpu.wait_indirect_dma semaphore(%arg20 : memref<!tpu.dma_semaphore, #tpu.memory_space<semaphore_mem>>) src(%dma_wait3A_86 : memref<10000x32xf32, #tpu.memory_space<vmem_shared>>) dst(%arg8 : memref<128x32xf32, #tpu.memory_space<vmem>>)
      %add3A_87 = arith.constant 5 : i32
      %add3A_88 = arith.addi %add3A_81, %add3A_87 : i32
      %lt3A = arith.constant 160 : i32
      %lt3A_89 = arith.cmpi slt, %add3A_88, %lt3A : i32
      %convert_element_type3A = arith.extui %lt3A_89 : i1 to i32
      %cond3A = arith.constant 0 : i32
      %cond3A_90 = arith.cmpi ne, %convert_element_type3A, %cond3A : i32
      scf.if %cond3A_90 {
        %add3A_244 = arith.constant 5 : i32
        %add3A_245 = arith.addi %add3A_81, %add3A_244 : i32
        %dma_start3A_246 = arith.constant 0 : i32
        %dma_start3A_247 = tpu.memref_slice %arg6[%add3A_245, %dma_start3A_246] : memref<160x128xi32, #tpu.memory_space<vmem>> -> memref<1x128xi32, #tpu.memory_space<vmem>>
        %dma_start3A_248 = tpu.memref_squeeze %dma_start3A_247 : memref<1x128xi32, #tpu.memory_space<vmem>> -> memref<128xi32, #tpu.memory_space<vmem>>
        %dma_start3A_249 = arith.constant 0 : i32
        %dma_start3A_250 = arith.constant 0 : i32
        %dma_start3A_251 = tpu.memref_slice %arg19[%dma_start3A_249, %dma_start3A_250] : memref<10000x32xf32, #tpu.memory_space<vmem_shared>> -> memref<10000x32xf32, #tpu.memory_space<vmem_shared>>
        tpu.enqueue_indirect_dma source(%dma_start3A_251 : memref<10000x32xf32, #tpu.memory_space<vmem_shared>>) target(%arg13 : memref<128x32xf32, #tpu.memory_space<vmem>>) offsets(%dma_start3A_248 : memref<128xi32, #tpu.memory_space<vmem>>) semaphore(%arg20 : memref<!tpu.dma_semaphore, #tpu.memory_space<semaphore_mem>>)
      } else {
      }
      %mul3A_91 = arith.constant 10 : i32
      %mul3A_92 = arith.muli %scan3A_77, %mul3A_91 : i32
      %add3A_93 = arith.constant 1 : i32
      %add3A_94 = arith.addi %mul3A_92, %add3A_93 : i32
      %dma_wait3A_95 = arith.constant 0 : i32
      %dma_wait3A_96 = tpu.memref_slice %arg6[%add3A_94, %dma_wait3A_95] : memref<160x128xi32, #tpu.memory_space<vmem>> -> memref<1x128xi32, #tpu.memory_space<vmem>>
      %dma_wait3A_97 = tpu.memref_squeeze %dma_wait3A_96 : memref<1x128xi32, #tpu.memory_space<vmem>> -> memref<128xi32, #tpu.memory_space<vmem>>
      %dma_wait3A_98 = arith.constant 0 : i32
      %dma_wait3A_99 = arith.constant 0 : i32
      %dma_wait3A_100 = tpu.memref_slice %arg19[%dma_wait3A_98, %dma_wait3A_99] : memref<10000x32xf32, #tpu.memory_space<vmem_shared>> -> memref<10000x32xf32, #tpu.memory_space<vmem_shared>>
      tpu.wait_indirect_dma semaphore(%arg20 : memref<!tpu.dma_semaphore, #tpu.memory_space<semaphore_mem>>) src(%dma_wait3A_100 : memref<10000x32xf32, #tpu.memory_space<vmem_shared>>) dst(%arg9 : memref<128x32xf32, #tpu.memory_space<vmem>>)
      %add3A_101 = arith.constant 5 : i32
      %add3A_102 = arith.addi %add3A_94, %add3A_101 : i32
      %lt3A_103 = arith.constant 160 : i32
      %lt3A_104 = arith.cmpi slt, %add3A_102, %lt3A_103 : i32
      %convert_element_type3A_105 = arith.extui %lt3A_104 : i1 to i32
      %cond3A_106 = arith.constant 0 : i32
      %cond3A_107 = arith.cmpi ne, %convert_element_type3A_105, %cond3A_106 : i32
      scf.if %cond3A_107 {
        %add3A_244 = arith.constant 5 : i32
        %add3A_245 = arith.addi %add3A_94, %add3A_244 : i32
        %dma_start3A_246 = arith.constant 0 : i32
        %dma_start3A_247 = tpu.memref_slice %arg6[%add3A_245, %dma_start3A_246] : memref<160x128xi32, #tpu.memory_space<vmem>> -> memref<1x128xi32, #tpu.memory_space<vmem>>
        %dma_start3A_248 = tpu.memref_squeeze %dma_start3A_247 : memref<1x128xi32, #tpu.memory_space<vmem>> -> memref<128xi32, #tpu.memory_space<vmem>>
        %dma_start3A_249 = arith.constant 0 : i32
        %dma_start3A_250 = arith.constant 0 : i32
        %dma_start3A_251 = tpu.memref_slice %arg19[%dma_start3A_249, %dma_start3A_250] : memref<10000x32xf32, #tpu.memory_space<vmem_shared>> -> memref<10000x32xf32, #tpu.memory_space<vmem_shared>>
        tpu.enqueue_indirect_dma source(%dma_start3A_251 : memref<10000x32xf32, #tpu.memory_space<vmem_shared>>) target(%arg14 : memref<128x32xf32, #tpu.memory_space<vmem>>) offsets(%dma_start3A_248 : memref<128xi32, #tpu.memory_space<vmem>>) semaphore(%arg20 : memref<!tpu.dma_semaphore, #tpu.memory_space<semaphore_mem>>)
      } else {
      }
      %mul3A_108 = arith.constant 10 : i32
      %mul3A_109 = arith.muli %scan3A_77, %mul3A_108 : i32
      %add3A_110 = arith.constant 2 : i32
      %add3A_111 = arith.addi %mul3A_109, %add3A_110 : i32
      %dma_wait3A_112 = arith.constant 0 : i32
      %dma_wait3A_113 = tpu.memref_slice %arg6[%add3A_111, %dma_wait3A_112] : memref<160x128xi32, #tpu.memory_space<vmem>> -> memref<1x128xi32, #tpu.memory_space<vmem>>
      %dma_wait3A_114 = tpu.memref_squeeze %dma_wait3A_113 : memref<1x128xi32, #tpu.memory_space<vmem>> -> memref<128xi32, #tpu.memory_space<vmem>>
      %dma_wait3A_115 = arith.constant 0 : i32
      %dma_wait3A_116 = arith.constant 0 : i32
      %dma_wait3A_117 = tpu.memref_slice %arg19[%dma_wait3A_115, %dma_wait3A_116] : memref<10000x32xf32, #tpu.memory_space<vmem_shared>> -> memref<10000x32xf32, #tpu.memory_space<vmem_shared>>
      tpu.wait_indirect_dma semaphore(%arg20 : memref<!tpu.dma_semaphore, #tpu.memory_space<semaphore_mem>>) src(%dma_wait3A_117 : memref<10000x32xf32, #tpu.memory_space<vmem_shared>>) dst(%arg10 : memref<128x32xf32, #tpu.memory_space<vmem>>)
      %add3A_118 = arith.constant 5 : i32
      %add3A_119 = arith.addi %add3A_111, %add3A_118 : i32
      %lt3A_120 = arith.constant 160 : i32
      %lt3A_121 = arith.cmpi slt, %add3A_119, %lt3A_120 : i32
      %convert_element_type3A_122 = arith.extui %lt3A_121 : i1 to i32
      %cond3A_123 = arith.constant 0 : i32
      %cond3A_124 = arith.cmpi ne, %convert_element_type3A_122, %cond3A_123 : i32
      scf.if %cond3A_124 {
        %add3A_244 = arith.constant 5 : i32
        %add3A_245 = arith.addi %add3A_111, %add3A_244 : i32
        %dma_start3A_246 = arith.constant 0 : i32
        %dma_start3A_247 = tpu.memref_slice %arg6[%add3A_245, %dma_start3A_246] : memref<160x128xi32, #tpu.memory_space<vmem>> -> memref<1x128xi32, #tpu.memory_space<vmem>>
        %dma_start3A_248 = tpu.memref_squeeze %dma_start3A_247 : memref<1x128xi32, #tpu.memory_space<vmem>> -> memref<128xi32, #tpu.memory_space<vmem>>
        %dma_start3A_249 = arith.constant 0 : i32
        %dma_start3A_250 = arith.constant 0 : i32
        %dma_start3A_251 = tpu.memref_slice %arg19[%dma_start3A_249, %dma_start3A_250] : memref<10000x32xf32, #tpu.memory_space<vmem_shared>> -> memref<10000x32xf32, #tpu.memory_space<vmem_shared>>
        tpu.enqueue_indirect_dma source(%dma_start3A_251 : memref<10000x32xf32, #tpu.memory_space<vmem_shared>>) target(%arg15 : memref<128x32xf32, #tpu.memory_space<vmem>>) offsets(%dma_start3A_248 : memref<128xi32, #tpu.memory_space<vmem>>) semaphore(%arg20 : memref<!tpu.dma_semaphore, #tpu.memory_space<semaphore_mem>>)
      } else {
      }
      %mul3A_125 = arith.constant 10 : i32
      %mul3A_126 = arith.muli %scan3A_77, %mul3A_125 : i32
      %add3A_127 = arith.constant 3 : i32
      %add3A_128 = arith.addi %mul3A_126, %add3A_127 : i32
      %dma_wait3A_129 = arith.constant 0 : i32
      %dma_wait3A_130 = tpu.memref_slice %arg6[%add3A_128, %dma_wait3A_129] : memref<160x128xi32, #tpu.memory_space<vmem>> -> memref<1x128xi32, #tpu.memory_space<vmem>>
      %dma_wait3A_131 = tpu.memref_squeeze %dma_wait3A_130 : memref<1x128xi32, #tpu.memory_space<vmem>> -> memref<128xi32, #tpu.memory_space<vmem>>
      %dma_wait3A_132 = arith.constant 0 : i32
      %dma_wait3A_133 = arith.constant 0 : i32
      %dma_wait3A_134 = tpu.memref_slice %arg19[%dma_wait3A_132, %dma_wait3A_133] : memref<10000x32xf32, #tpu.memory_space<vmem_shared>> -> memref<10000x32xf32, #tpu.memory_space<vmem_shared>>
      tpu.wait_indirect_dma semaphore(%arg20 : memref<!tpu.dma_semaphore, #tpu.memory_space<semaphore_mem>>) src(%dma_wait3A_134 : memref<10000x32xf32, #tpu.memory_space<vmem_shared>>) dst(%arg11 : memref<128x32xf32, #tpu.memory_space<vmem>>)
      %add3A_135 = arith.constant 5 : i32
      %add3A_136 = arith.addi %add3A_128, %add3A_135 : i32
      %lt3A_137 = arith.constant 160 : i32
      %lt3A_138 = arith.cmpi slt, %add3A_136, %lt3A_137 : i32
      %convert_element_type3A_139 = arith.extui %lt3A_138 : i1 to i32
      %cond3A_140 = arith.constant 0 : i32
      %cond3A_141 = arith.cmpi ne, %convert_element_type3A_139, %cond3A_140 : i32
      scf.if %cond3A_141 {
        %add3A_244 = arith.constant 5 : i32
        %add3A_245 = arith.addi %add3A_128, %add3A_244 : i32
        %dma_start3A_246 = arith.constant 0 : i32
        %dma_start3A_247 = tpu.memref_slice %arg6[%add3A_245, %dma_start3A_246] : memref<160x128xi32, #tpu.memory_space<vmem>> -> memref<1x128xi32, #tpu.memory_space<vmem>>
        %dma_start3A_248 = tpu.memref_squeeze %dma_start3A_247 : memref<1x128xi32, #tpu.memory_space<vmem>> -> memref<128xi32, #tpu.memory_space<vmem>>
        %dma_start3A_249 = arith.constant 0 : i32
        %dma_start3A_250 = arith.constant 0 : i32
        %dma_start3A_251 = tpu.memref_slice %arg19[%dma_start3A_249, %dma_start3A_250] : memref<10000x32xf32, #tpu.memory_space<vmem_shared>> -> memref<10000x32xf32, #tpu.memory_space<vmem_shared>>
        tpu.enqueue_indirect_dma source(%dma_start3A_251 : memref<10000x32xf32, #tpu.memory_space<vmem_shared>>) target(%arg16 : memref<128x32xf32, #tpu.memory_space<vmem>>) offsets(%dma_start3A_248 : memref<128xi32, #tpu.memory_space<vmem>>) semaphore(%arg20 : memref<!tpu.dma_semaphore, #tpu.memory_space<semaphore_mem>>)
      } else {
      }
      %mul3A_142 = arith.constant 10 : i32
      %mul3A_143 = arith.muli %scan3A_77, %mul3A_142 : i32
      %add3A_144 = arith.constant 4 : i32
      %add3A_145 = arith.addi %mul3A_143, %add3A_144 : i32
      %dma_wait3A_146 = arith.constant 0 : i32
      %dma_wait3A_147 = tpu.memref_slice %arg6[%add3A_145, %dma_wait3A_146] : memref<160x128xi32, #tpu.memory_space<vmem>> -> memref<1x128xi32, #tpu.memory_space<vmem>>
      %dma_wait3A_148 = tpu.memref_squeeze %dma_wait3A_147 : memref<1x128xi32, #tpu.memory_space<vmem>> -> memref<128xi32, #tpu.memory_space<vmem>>
      %dma_wait3A_149 = arith.constant 0 : i32
      %dma_wait3A_150 = arith.constant 0 : i32
      %dma_wait3A_151 = tpu.memref_slice %arg19[%dma_wait3A_149, %dma_wait3A_150] : memref<10000x32xf32, #tpu.memory_space<vmem_shared>> -> memref<10000x32xf32, #tpu.memory_space<vmem_shared>>
      tpu.wait_indirect_dma semaphore(%arg20 : memref<!tpu.dma_semaphore, #tpu.memory_space<semaphore_mem>>) src(%dma_wait3A_151 : memref<10000x32xf32, #tpu.memory_space<vmem_shared>>) dst(%arg12 : memref<128x32xf32, #tpu.memory_space<vmem>>)
      %add3A_152 = arith.constant 5 : i32
      %add3A_153 = arith.addi %add3A_145, %add3A_152 : i32
      %lt3A_154 = arith.constant 160 : i32
      %lt3A_155 = arith.cmpi slt, %add3A_153, %lt3A_154 : i32
      %convert_element_type3A_156 = arith.extui %lt3A_155 : i1 to i32
      %cond3A_157 = arith.constant 0 : i32
      %cond3A_158 = arith.cmpi ne, %convert_element_type3A_156, %cond3A_157 : i32
      scf.if %cond3A_158 {
        %add3A_244 = arith.constant 5 : i32
        %add3A_245 = arith.addi %add3A_145, %add3A_244 : i32
        %dma_start3A_246 = arith.constant 0 : i32
        %dma_start3A_247 = tpu.memref_slice %arg6[%add3A_245, %dma_start3A_246] : memref<160x128xi32, #tpu.memory_space<vmem>> -> memref<1x128xi32, #tpu.memory_space<vmem>>
        %dma_start3A_248 = tpu.memref_squeeze %dma_start3A_247 : memref<1x128xi32, #tpu.memory_space<vmem>> -> memref<128xi32, #tpu.memory_space<vmem>>
        %dma_start3A_249 = arith.constant 0 : i32
        %dma_start3A_250 = arith.constant 0 : i32
        %dma_start3A_251 = tpu.memref_slice %arg19[%dma_start3A_249, %dma_start3A_250] : memref<10000x32xf32, #tpu.memory_space<vmem_shared>> -> memref<10000x32xf32, #tpu.memory_space<vmem_shared>>
        tpu.enqueue_indirect_dma source(%dma_start3A_251 : memref<10000x32xf32, #tpu.memory_space<vmem_shared>>) target(%arg17 : memref<128x32xf32, #tpu.memory_space<vmem>>) offsets(%dma_start3A_248 : memref<128xi32, #tpu.memory_space<vmem>>) semaphore(%arg20 : memref<!tpu.dma_semaphore, #tpu.memory_space<semaphore_mem>>)
      } else {
      }
      %mul3A_159 = arith.constant 10 : i32
      %mul3A_160 = arith.muli %scan3A_77, %mul3A_159 : i32
      %add3A_161 = arith.constant 5 : i32
      %add3A_162 = arith.addi %mul3A_160, %add3A_161 : i32
      %dma_wait3A_163 = arith.constant 0 : i32
      %dma_wait3A_164 = tpu.memref_slice %arg6[%add3A_162, %dma_wait3A_163] : memref<160x128xi32, #tpu.memory_space<vmem>> -> memref<1x128xi32, #tpu.memory_space<vmem>>
      %dma_wait3A_165 = tpu.memref_squeeze %dma_wait3A_164 : memref<1x128xi32, #tpu.memory_space<vmem>> -> memref<128xi32, #tpu.memory_space<vmem>>
      %dma_wait3A_166 = arith.constant 0 : i32
      %dma_wait3A_167 = arith.constant 0 : i32
      %dma_wait3A_168 = tpu.memref_slice %arg19[%dma_wait3A_166, %dma_wait3A_167] : memref<10000x32xf32, #tpu.memory_space<vmem_shared>> -> memref<10000x32xf32, #tpu.memory_space<vmem_shared>>
      tpu.wait_indirect_dma semaphore(%arg20 : memref<!tpu.dma_semaphore, #tpu.memory_space<semaphore_mem>>) src(%dma_wait3A_168 : memref<10000x32xf32, #tpu.memory_space<vmem_shared>>) dst(%arg13 : memref<128x32xf32, #tpu.memory_space<vmem>>)
      %add3A_169 = arith.constant 5 : i32
      %add3A_170 = arith.addi %add3A_162, %add3A_169 : i32
      %lt3A_171 = arith.constant 160 : i32
      %lt3A_172 = arith.cmpi slt, %add3A_170, %lt3A_171 : i32
      %convert_element_type3A_173 = arith.extui %lt3A_172 : i1 to i32
      %cond3A_174 = arith.constant 0 : i32
      %cond3A_175 = arith.cmpi ne, %convert_element_type3A_173, %cond3A_174 : i32
      scf.if %cond3A_175 {
        %add3A_244 = arith.constant 5 : i32
        %add3A_245 = arith.addi %add3A_162, %add3A_244 : i32
        %dma_start3A_246 = arith.constant 0 : i32
        %dma_start3A_247 = tpu.memref_slice %arg6[%add3A_245, %dma_start3A_246] : memref<160x128xi32, #tpu.memory_space<vmem>> -> memref<1x128xi32, #tpu.memory_space<vmem>>
        %dma_start3A_248 = tpu.memref_squeeze %dma_start3A_247 : memref<1x128xi32, #tpu.memory_space<vmem>> -> memref<128xi32, #tpu.memory_space<vmem>>
        %dma_start3A_249 = arith.constant 0 : i32
        %dma_start3A_250 = arith.constant 0 : i32
        %dma_start3A_251 = tpu.memref_slice %arg19[%dma_start3A_249, %dma_start3A_250] : memref<10000x32xf32, #tpu.memory_space<vmem_shared>> -> memref<10000x32xf32, #tpu.memory_space<vmem_shared>>
        tpu.enqueue_indirect_dma source(%dma_start3A_251 : memref<10000x32xf32, #tpu.memory_space<vmem_shared>>) target(%arg8 : memref<128x32xf32, #tpu.memory_space<vmem>>) offsets(%dma_start3A_248 : memref<128xi32, #tpu.memory_space<vmem>>) semaphore(%arg20 : memref<!tpu.dma_semaphore, #tpu.memory_space<semaphore_mem>>)
      } else {
      }
      %mul3A_176 = arith.constant 10 : i32
      %mul3A_177 = arith.muli %scan3A_77, %mul3A_176 : i32
      %add3A_178 = arith.constant 6 : i32
      %add3A_179 = arith.addi %mul3A_177, %add3A_178 : i32
      %dma_wait3A_180 = arith.constant 0 : i32
      %dma_wait3A_181 = tpu.memref_slice %arg6[%add3A_179, %dma_wait3A_180] : memref<160x128xi32, #tpu.memory_space<vmem>> -> memref<1x128xi32, #tpu.memory_space<vmem>>
      %dma_wait3A_182 = tpu.memref_squeeze %dma_wait3A_181 : memref<1x128xi32, #tpu.memory_space<vmem>> -> memref<128xi32, #tpu.memory_space<vmem>>
      %dma_wait3A_183 = arith.constant 0 : i32
      %dma_wait3A_184 = arith.constant 0 : i32
      %dma_wait3A_185 = tpu.memref_slice %arg19[%dma_wait3A_183, %dma_wait3A_184] : memref<10000x32xf32, #tpu.memory_space<vmem_shared>> -> memref<10000x32xf32, #tpu.memory_space<vmem_shared>>
      tpu.wait_indirect_dma semaphore(%arg20 : memref<!tpu.dma_semaphore, #tpu.memory_space<semaphore_mem>>) src(%dma_wait3A_185 : memref<10000x32xf32, #tpu.memory_space<vmem_shared>>) dst(%arg14 : memref<128x32xf32, #tpu.memory_space<vmem>>)
      %add3A_186 = arith.constant 5 : i32
      %add3A_187 = arith.addi %add3A_179, %add3A_186 : i32
      %lt3A_188 = arith.constant 160 : i32
      %lt3A_189 = arith.cmpi slt, %add3A_187, %lt3A_188 : i32
      %convert_element_type3A_190 = arith.extui %lt3A_189 : i1 to i32
      %cond3A_191 = arith.constant 0 : i32
      %cond3A_192 = arith.cmpi ne, %convert_element_type3A_190, %cond3A_191 : i32
      scf.if %cond3A_192 {
        %add3A_244 = arith.constant 5 : i32
        %add3A_245 = arith.addi %add3A_179, %add3A_244 : i32
        %dma_start3A_246 = arith.constant 0 : i32
        %dma_start3A_247 = tpu.memref_slice %arg6[%add3A_245, %dma_start3A_246] : memref<160x128xi32, #tpu.memory_space<vmem>> -> memref<1x128xi32, #tpu.memory_space<vmem>>
        %dma_start3A_248 = tpu.memref_squeeze %dma_start3A_247 : memref<1x128xi32, #tpu.memory_space<vmem>> -> memref<128xi32, #tpu.memory_space<vmem>>
        %dma_start3A_249 = arith.constant 0 : i32
        %dma_start3A_250 = arith.constant 0 : i32
        %dma_start3A_251 = tpu.memref_slice %arg19[%dma_start3A_249, %dma_start3A_250] : memref<10000x32xf32, #tpu.memory_space<vmem_shared>> -> memref<10000x32xf32, #tpu.memory_space<vmem_shared>>
        tpu.enqueue_indirect_dma source(%dma_start3A_251 : memref<10000x32xf32, #tpu.memory_space<vmem_shared>>) target(%arg9 : memref<128x32xf32, #tpu.memory_space<vmem>>) offsets(%dma_start3A_248 : memref<128xi32, #tpu.memory_space<vmem>>) semaphore(%arg20 : memref<!tpu.dma_semaphore, #tpu.memory_space<semaphore_mem>>)
      } else {
      }
      %mul3A_193 = arith.constant 10 : i32
      %mul3A_194 = arith.muli %scan3A_77, %mul3A_193 : i32
      %add3A_195 = arith.constant 7 : i32
      %add3A_196 = arith.addi %mul3A_194, %add3A_195 : i32
      %dma_wait3A_197 = arith.constant 0 : i32
      %dma_wait3A_198 = tpu.memref_slice %arg6[%add3A_196, %dma_wait3A_197] : memref<160x128xi32, #tpu.memory_space<vmem>> -> memref<1x128xi32, #tpu.memory_space<vmem>>
      %dma_wait3A_199 = tpu.memref_squeeze %dma_wait3A_198 : memref<1x128xi32, #tpu.memory_space<vmem>> -> memref<128xi32, #tpu.memory_space<vmem>>
      %dma_wait3A_200 = arith.constant 0 : i32
      %dma_wait3A_201 = arith.constant 0 : i32
      %dma_wait3A_202 = tpu.memref_slice %arg19[%dma_wait3A_200, %dma_wait3A_201] : memref<10000x32xf32, #tpu.memory_space<vmem_shared>> -> memref<10000x32xf32, #tpu.memory_space<vmem_shared>>
      tpu.wait_indirect_dma semaphore(%arg20 : memref<!tpu.dma_semaphore, #tpu.memory_space<semaphore_mem>>) src(%dma_wait3A_202 : memref<10000x32xf32, #tpu.memory_space<vmem_shared>>) dst(%arg15 : memref<128x32xf32, #tpu.memory_space<vmem>>)
      %add3A_203 = arith.constant 5 : i32
      %add3A_204 = arith.addi %add3A_196, %add3A_203 : i32
      %lt3A_205 = arith.constant 160 : i32
      %lt3A_206 = arith.cmpi slt, %add3A_204, %lt3A_205 : i32
      %convert_element_type3A_207 = arith.extui %lt3A_206 : i1 to i32
      %cond3A_208 = arith.constant 0 : i32
      %cond3A_209 = arith.cmpi ne, %convert_element_type3A_207, %cond3A_208 : i32
      scf.if %cond3A_209 {
        %add3A_244 = arith.constant 5 : i32
        %add3A_245 = arith.addi %add3A_196, %add3A_244 : i32
        %dma_start3A_246 = arith.constant 0 : i32
        %dma_start3A_247 = tpu.memref_slice %arg6[%add3A_245, %dma_start3A_246] : memref<160x128xi32, #tpu.memory_space<vmem>> -> memref<1x128xi32, #tpu.memory_space<vmem>>
        %dma_start3A_248 = tpu.memref_squeeze %dma_start3A_247 : memref<1x128xi32, #tpu.memory_space<vmem>> -> memref<128xi32, #tpu.memory_space<vmem>>
        %dma_start3A_249 = arith.constant 0 : i32
        %dma_start3A_250 = arith.constant 0 : i32
        %dma_start3A_251 = tpu.memref_slice %arg19[%dma_start3A_249, %dma_start3A_250] : memref<10000x32xf32, #tpu.memory_space<vmem_shared>> -> memref<10000x32xf32, #tpu.memory_space<vmem_shared>>
        tpu.enqueue_indirect_dma source(%dma_start3A_251 : memref<10000x32xf32, #tpu.memory_space<vmem_shared>>) target(%arg10 : memref<128x32xf32, #tpu.memory_space<vmem>>) offsets(%dma_start3A_248 : memref<128xi32, #tpu.memory_space<vmem>>) semaphore(%arg20 : memref<!tpu.dma_semaphore, #tpu.memory_space<semaphore_mem>>)
      } else {
      }
      %mul3A_210 = arith.constant 10 : i32
      %mul3A_211 = arith.muli %scan3A_77, %mul3A_210 : i32
      %add3A_212 = arith.constant 8 : i32
      %add3A_213 = arith.addi %mul3A_211, %add3A_212 : i32
      %dma_wait3A_214 = arith.constant 0 : i32
      %dma_wait3A_215 = tpu.memref_slice %arg6[%add3A_213, %dma_wait3A_214] : memref<160x128xi32, #tpu.memory_space<vmem>> -> memref<1x128xi32, #tpu.memory_space<vmem>>
      %dma_wait3A_216 = tpu.memref_squeeze %dma_wait3A_215 : memref<1x128xi32, #tpu.memory_space<vmem>> -> memref<128xi32, #tpu.memory_space<vmem>>
      %dma_wait3A_217 = arith.constant 0 : i32
      %dma_wait3A_218 = arith.constant 0 : i32
      %dma_wait3A_219 = tpu.memref_slice %arg19[%dma_wait3A_217, %dma_wait3A_218] : memref<10000x32xf32, #tpu.memory_space<vmem_shared>> -> memref<10000x32xf32, #tpu.memory_space<vmem_shared>>
      tpu.wait_indirect_dma semaphore(%arg20 : memref<!tpu.dma_semaphore, #tpu.memory_space<semaphore_mem>>) src(%dma_wait3A_219 : memref<10000x32xf32, #tpu.memory_space<vmem_shared>>) dst(%arg16 : memref<128x32xf32, #tpu.memory_space<vmem>>)
      %add3A_220 = arith.constant 5 : i32
      %add3A_221 = arith.addi %add3A_213, %add3A_220 : i32
      %lt3A_222 = arith.constant 160 : i32
      %lt3A_223 = arith.cmpi slt, %add3A_221, %lt3A_222 : i32
      %convert_element_type3A_224 = arith.extui %lt3A_223 : i1 to i32
      %cond3A_225 = arith.constant 0 : i32
      %cond3A_226 = arith.cmpi ne, %convert_element_type3A_224, %cond3A_225 : i32
      scf.if %cond3A_226 {
        %add3A_244 = arith.constant 5 : i32
        %add3A_245 = arith.addi %add3A_213, %add3A_244 : i32
        %dma_start3A_246 = arith.constant 0 : i32
        %dma_start3A_247 = tpu.memref_slice %arg6[%add3A_245, %dma_start3A_246] : memref<160x128xi32, #tpu.memory_space<vmem>> -> memref<1x128xi32, #tpu.memory_space<vmem>>
        %dma_start3A_248 = tpu.memref_squeeze %dma_start3A_247 : memref<1x128xi32, #tpu.memory_space<vmem>> -> memref<128xi32, #tpu.memory_space<vmem>>
        %dma_start3A_249 = arith.constant 0 : i32
        %dma_start3A_250 = arith.constant 0 : i32
        %dma_start3A_251 = tpu.memref_slice %arg19[%dma_start3A_249, %dma_start3A_250] : memref<10000x32xf32, #tpu.memory_space<vmem_shared>> -> memref<10000x32xf32, #tpu.memory_space<vmem_shared>>
        tpu.enqueue_indirect_dma source(%dma_start3A_251 : memref<10000x32xf32, #tpu.memory_space<vmem_shared>>) target(%arg11 : memref<128x32xf32, #tpu.memory_space<vmem>>) offsets(%dma_start3A_248 : memref<128xi32, #tpu.memory_space<vmem>>) semaphore(%arg20 : memref<!tpu.dma_semaphore, #tpu.memory_space<semaphore_mem>>)
      } else {
      }
      %mul3A_227 = arith.constant 10 : i32
      %mul3A_228 = arith.muli %scan3A_77, %mul3A_227 : i32
      %add3A_229 = arith.constant 9 : i32
      %add3A_230 = arith.addi %mul3A_228, %add3A_229 : i32
      %dma_wait3A_231 = arith.constant 0 : i32
      %dma_wait3A_232 = tpu.memref_slice %arg6[%add3A_230, %dma_wait3A_231] : memref<160x128xi32, #tpu.memory_space<vmem>> -> memref<1x128xi32, #tpu.memory_space<vmem>>
      %dma_wait3A_233 = tpu.memref_squeeze %dma_wait3A_232 : memref<1x128xi32, #tpu.memory_space<vmem>> -> memref<128xi32, #tpu.memory_space<vmem>>
      %dma_wait3A_234 = arith.constant 0 : i32
      %dma_wait3A_235 = arith.constant 0 : i32
      %dma_wait3A_236 = tpu.memref_slice %arg19[%dma_wait3A_234, %dma_wait3A_235] : memref<10000x32xf32, #tpu.memory_space<vmem_shared>> -> memref<10000x32xf32, #tpu.memory_space<vmem_shared>>
      tpu.wait_indirect_dma semaphore(%arg20 : memref<!tpu.dma_semaphore, #tpu.memory_space<semaphore_mem>>) src(%dma_wait3A_236 : memref<10000x32xf32, #tpu.memory_space<vmem_shared>>) dst(%arg17 : memref<128x32xf32, #tpu.memory_space<vmem>>)
      %add3A_237 = arith.constant 5 : i32
      %add3A_238 = arith.addi %add3A_230, %add3A_237 : i32
      %lt3A_239 = arith.constant 160 : i32
      %lt3A_240 = arith.cmpi slt, %add3A_238, %lt3A_239 : i32
      %convert_element_type3A_241 = arith.extui %lt3A_240 : i1 to i32
      %cond3A_242 = arith.constant 0 : i32
      %cond3A_243 = arith.cmpi ne, %convert_element_type3A_241, %cond3A_242 : i32
      scf.if %cond3A_243 {
        %add3A_244 = arith.constant 5 : i32
        %add3A_245 = arith.addi %add3A_230, %add3A_244 : i32
        %dma_start3A_246 = arith.constant 0 : i32
        %dma_start3A_247 = tpu.memref_slice %arg6[%add3A_245, %dma_start3A_246] : memref<160x128xi32, #tpu.memory_space<vmem>> -> memref<1x128xi32, #tpu.memory_space<vmem>>
        %dma_start3A_248 = tpu.memref_squeeze %dma_start3A_247 : memref<1x128xi32, #tpu.memory_space<vmem>> -> memref<128xi32, #tpu.memory_space<vmem>>
        %dma_start3A_249 = arith.constant 0 : i32
        %dma_start3A_250 = arith.constant 0 : i32
        %dma_start3A_251 = tpu.memref_slice %arg19[%dma_start3A_249, %dma_start3A_250] : memref<10000x32xf32, #tpu.memory_space<vmem_shared>> -> memref<10000x32xf32, #tpu.memory_space<vmem_shared>>
        tpu.enqueue_indirect_dma source(%dma_start3A_251 : memref<10000x32xf32, #tpu.memory_space<vmem_shared>>) target(%arg12 : memref<128x32xf32, #tpu.memory_space<vmem>>) offsets(%dma_start3A_248 : memref<128xi32, #tpu.memory_space<vmem>>) semaphore(%arg20 : memref<!tpu.dma_semaphore, #tpu.memory_space<semaphore_mem>>)
      } else {
      }
    }
    %scan3A_65 = arith.constant 16 : i32
    %barrier3A_66 = arith.constant 0 : index
    tpu.barrier barrier_id(%barrier3A_66)
    %add3A_67 = arith.constant 0 : i32
    %add3A_68 = arith.addi %mul3A_8, %add3A_67 : i32
    "tpu.region"() ({
      %run_scoped3A = tpu.sem_alloc : memref<!tpu.dma_semaphore, #tpu.memory_space<semaphore_mem>>
      %dma_start3A_77 = tpu.memref_slice %arg5[%add3A_68, %mul3A_0] : memref<10240x128xf32, #tpu.memory_space<hbm>> -> memref<128x32xf32, #tpu.memory_space<hbm>>
      %dma_start3A_78 = arith.constant 0 : i32
      %dma_start3A_79 = tpu.memref_slice %arg18[%add3A_68, %dma_start3A_78] : memref<10240x32xf32, #tpu.memory_space<vmem_shared>> -> memref<128x32xf32, #tpu.memory_space<vmem_shared>>
      tpu.enqueue_dma source(%dma_start3A_79 : memref<128x32xf32, #tpu.memory_space<vmem_shared>>) target(%dma_start3A_77 : memref<128x32xf32, #tpu.memory_space<hbm>>) target_semaphore(%run_scoped3A : memref<!tpu.dma_semaphore, #tpu.memory_space<semaphore_mem>>)
      %dma_wait3A = tpu.memref_slice %arg5[%add3A_68, %mul3A_0] : memref<10240x128xf32, #tpu.memory_space<hbm>> -> memref<128x32xf32, #tpu.memory_space<hbm>>
      %dma_wait3A_80 = arith.constant 0 : i32
      %dma_wait3A_81 = tpu.memref_slice %arg18[%add3A_68, %dma_wait3A_80] : memref<10240x32xf32, #tpu.memory_space<vmem_shared>> -> memref<128x32xf32, #tpu.memory_space<vmem_shared>>
      tpu.wait_dma2 semaphore(%run_scoped3A : memref<!tpu.dma_semaphore, #tpu.memory_space<semaphore_mem>>) src(%dma_wait3A_81 : memref<128x32xf32, #tpu.memory_space<vmem_shared>>) dst(%dma_wait3A : memref<128x32xf32, #tpu.memory_space<hbm>>)
      tpu.yield
    }) : () -> ()
    %add3A_69 = arith.constant 128 : i32
    %add3A_70 = arith.addi %mul3A_8, %add3A_69 : i32
    "tpu.region"() ({
      %run_scoped3A = tpu.sem_alloc : memref<!tpu.dma_semaphore, #tpu.memory_space<semaphore_mem>>
      %dma_start3A_77 = tpu.memref_slice %arg5[%add3A_70, %mul3A_0] : memref<10240x128xf32, #tpu.memory_space<hbm>> -> memref<128x32xf32, #tpu.memory_space<hbm>>
      %dma_start3A_78 = arith.constant 0 : i32
      %dma_start3A_79 = tpu.memref_slice %arg18[%add3A_70, %dma_start3A_78] : memref<10240x32xf32, #tpu.memory_space<vmem_shared>> -> memref<128x32xf32, #tpu.memory_space<vmem_shared>>
      tpu.enqueue_dma source(%dma_start3A_79 : memref<128x32xf32, #tpu.memory_space<vmem_shared>>) target(%dma_start3A_77 : memref<128x32xf32, #tpu.memory_space<hbm>>) target_semaphore(%run_scoped3A : memref<!tpu.dma_semaphore, #tpu.memory_space<semaphore_mem>>)
      %dma_wait3A = tpu.memref_slice %arg5[%add3A_70, %mul3A_0] : memref<10240x128xf32, #tpu.memory_space<hbm>> -> memref<128x32xf32, #tpu.memory_space<hbm>>
      %dma_wait3A_80 = arith.constant 0 : i32
      %dma_wait3A_81 = tpu.memref_slice %arg18[%add3A_70, %dma_wait3A_80] : memref<10240x32xf32, #tpu.memory_space<vmem_shared>> -> memref<128x32xf32, #tpu.memory_space<vmem_shared>>
      tpu.wait_dma2 semaphore(%run_scoped3A : memref<!tpu.dma_semaphore, #tpu.memory_space<semaphore_mem>>) src(%dma_wait3A_81 : memref<128x32xf32, #tpu.memory_space<vmem_shared>>) dst(%dma_wait3A : memref<128x32xf32, #tpu.memory_space<hbm>>)
      tpu.yield
    }) : () -> ()
    %add3A_71 = arith.constant 256 : i32
    %add3A_72 = arith.addi %mul3A_8, %add3A_71 : i32
    "tpu.region"() ({
      %run_scoped3A = tpu.sem_alloc : memref<!tpu.dma_semaphore, #tpu.memory_space<semaphore_mem>>
      %dma_start3A_77 = tpu.memref_slice %arg5[%add3A_72, %mul3A_0] : memref<10240x128xf32, #tpu.memory_space<hbm>> -> memref<128x32xf32, #tpu.memory_space<hbm>>
      %dma_start3A_78 = arith.constant 0 : i32
      %dma_start3A_79 = tpu.memref_slice %arg18[%add3A_72, %dma_start3A_78] : memref<10240x32xf32, #tpu.memory_space<vmem_shared>> -> memref<128x32xf32, #tpu.memory_space<vmem_shared>>
      tpu.enqueue_dma source(%dma_start3A_79 : memref<128x32xf32, #tpu.memory_space<vmem_shared>>) target(%dma_start3A_77 : memref<128x32xf32, #tpu.memory_space<hbm>>) target_semaphore(%run_scoped3A : memref<!tpu.dma_semaphore, #tpu.memory_space<semaphore_mem>>)
      %dma_wait3A = tpu.memref_slice %arg5[%add3A_72, %mul3A_0] : memref<10240x128xf32, #tpu.memory_space<hbm>> -> memref<128x32xf32, #tpu.memory_space<hbm>>
      %dma_wait3A_80 = arith.constant 0 : i32
      %dma_wait3A_81 = tpu.memref_slice %arg18[%add3A_72, %dma_wait3A_80] : memref<10240x32xf32, #tpu.memory_space<vmem_shared>> -> memref<128x32xf32, #tpu.memory_space<vmem_shared>>
      tpu.wait_dma2 semaphore(%run_scoped3A : memref<!tpu.dma_semaphore, #tpu.memory_space<semaphore_mem>>) src(%dma_wait3A_81 : memref<128x32xf32, #tpu.memory_space<vmem_shared>>) dst(%dma_wait3A : memref<128x32xf32, #tpu.memory_space<hbm>>)
      tpu.yield
    }) : () -> ()
    %add3A_73 = arith.constant 384 : i32
    %add3A_74 = arith.addi %mul3A_8, %add3A_73 : i32
    "tpu.region"() ({
      %run_scoped3A = tpu.sem_alloc : memref<!tpu.dma_semaphore, #tpu.memory_space<semaphore_mem>>
      %dma_start3A_77 = tpu.memref_slice %arg5[%add3A_74, %mul3A_0] : memref<10240x128xf32, #tpu.memory_space<hbm>> -> memref<128x32xf32, #tpu.memory_space<hbm>>
      %dma_start3A_78 = arith.constant 0 : i32
      %dma_start3A_79 = tpu.memref_slice %arg18[%add3A_74, %dma_start3A_78] : memref<10240x32xf32, #tpu.memory_space<vmem_shared>> -> memref<128x32xf32, #tpu.memory_space<vmem_shared>>
      tpu.enqueue_dma source(%dma_start3A_79 : memref<128x32xf32, #tpu.memory_space<vmem_shared>>) target(%dma_start3A_77 : memref<128x32xf32, #tpu.memory_space<hbm>>) target_semaphore(%run_scoped3A : memref<!tpu.dma_semaphore, #tpu.memory_space<semaphore_mem>>)
      %dma_wait3A = tpu.memref_slice %arg5[%add3A_74, %mul3A_0] : memref<10240x128xf32, #tpu.memory_space<hbm>> -> memref<128x32xf32, #tpu.memory_space<hbm>>
      %dma_wait3A_80 = arith.constant 0 : i32
      %dma_wait3A_81 = tpu.memref_slice %arg18[%add3A_74, %dma_wait3A_80] : memref<10240x32xf32, #tpu.memory_space<vmem_shared>> -> memref<128x32xf32, #tpu.memory_space<vmem_shared>>
      tpu.wait_dma2 semaphore(%run_scoped3A : memref<!tpu.dma_semaphore, #tpu.memory_space<semaphore_mem>>) src(%dma_wait3A_81 : memref<128x32xf32, #tpu.memory_space<vmem_shared>>) dst(%dma_wait3A : memref<128x32xf32, #tpu.memory_space<hbm>>)
      tpu.yield
    }) : () -> ()
    %add3A_75 = arith.constant 512 : i32
    %add3A_76 = arith.addi %mul3A_8, %add3A_75 : i32
    "tpu.region"() ({
      %run_scoped3A = tpu.sem_alloc : memref<!tpu.dma_semaphore, #tpu.memory_space<semaphore_mem>>
      %dma_start3A_77 = tpu.memref_slice %arg5[%add3A_76, %mul3A_0] : memref<10240x128xf32, #tpu.memory_space<hbm>> -> memref<128x32xf32, #tpu.memory_space<hbm>>
      %dma_start3A_78 = arith.constant 0 : i32
      %dma_start3A_79 = tpu.memref_slice %arg18[%add3A_76, %dma_start3A_78] : memref<10240x32xf32, #tpu.memory_space<vmem_shared>> -> memref<128x32xf32, #tpu.memory_space<vmem_shared>>
      tpu.enqueue_dma source(%dma_start3A_79 : memref<128x32xf32, #tpu.memory_space<vmem_shared>>) target(%dma_start3A_77 : memref<128x32xf32, #tpu.memory_space<hbm>>) target_semaphore(%run_scoped3A : memref<!tpu.dma_semaphore, #tpu.memory_space<semaphore_mem>>)
      %dma_wait3A = tpu.memref_slice %arg5[%add3A_76, %mul3A_0] : memref<10240x128xf32, #tpu.memory_space<hbm>> -> memref<128x32xf32, #tpu.memory_space<hbm>>
      %dma_wait3A_80 = arith.constant 0 : i32
      %dma_wait3A_81 = tpu.memref_slice %arg18[%add3A_76, %dma_wait3A_80] : memref<10240x32xf32, #tpu.memory_space<vmem_shared>> -> memref<128x32xf32, #tpu.memory_space<vmem_shared>>
      tpu.wait_dma2 semaphore(%run_scoped3A : memref<!tpu.dma_semaphore, #tpu.memory_space<semaphore_mem>>) src(%dma_wait3A_81 : memref<128x32xf32, #tpu.memory_space<vmem_shared>>) dst(%dma_wait3A : memref<128x32xf32, #tpu.memory_space<hbm>>)
      tpu.yield
    }) : () -> ()
    return
  }
}

#map = affine_map<(d0, d1) -> (0, 0)>
module attributes {stable_mosaic.version = 14 : i64} {
  func.func @k(%arg0: i32, %arg1: i32, %arg2: memref<10000x128xf32, #tpu.memory_space<hbm>>, %arg3: memref<2560x128xi32, #tpu.memory_space<hbm>>, %arg4: memref<2560x128xi32, #tpu.memory_space<hbm>>, %arg5: memref<10240x128xf32, #tpu.memory_space<hbm>>, %arg6: memref<160x128xi32, #tpu.memory_space<vmem>>, %arg7: memref<160x128xi32, #tpu.memory_space<vmem>>, %arg8: memref<128x32xf32, #tpu.memory_space<vmem>>, %arg9: memref<128x32xf32, #tpu.memory_space<vmem>>, %arg10: memref<128x32xf32, #tpu.memory_space<vmem>>, %arg11: memref<128x32xf32, #tpu.memory_space<vmem>>, %arg12: memref<128x32xf32, #tpu.memory_space<vmem>>, %arg13: memref<128x32xf32, #tpu.memory_space<vmem>>, %arg14: memref<128x32xf32, #tpu.memory_space<vmem>>, %arg15: memref<128x32xf32, #tpu.memory_space<vmem>>, %arg16: memref<128x32xf32, #tpu.memory_space<vmem>>, %arg17: memref<128x32xf32, #tpu.memory_space<vmem>>, %arg18: memref<10240x32xf32, #tpu.memory_space<vmem_shared>>, %arg19: memref<10000x32xf32, #tpu.memory_space<vmem_shared>>, %arg20: memref<!tpu.dma_semaphore, #tpu.memory_space<semaphore_mem>>, %arg21: memref<!tpu.dma_semaphore, #tpu.memory_space<semaphore_mem>>) attributes {dimension_semantics = [#tpu.dimension_semantics<core_parallel>, #tpu.dimension_semantics<subcore_parallel>], iteration_bounds = array<i64: 2, 16>, scalar_prefetch = 0 : i64, scratch_operands = 16 : i64, tpu.core_type = #tpu.core_type<sc_vector_subcore>, window_params = [{transform_indices = #map}, {transform_indices = #map}, {transform_indices = #map}, {transform_indices = #map}]} {
    %mul3A = arith.constant 32 : i32
    %mul3A_0 = arith.muli %arg0, %mul3A : i32
    %broadcast_in_dim3A = arith.constant 0.000000e+00 : f32
    %broadcast_in_dim3A_1 = vector.broadcast %broadcast_in_dim3A : f32 to vector<16xf32>
    %scan3A = arith.constant 0 : i32
    %scan3A_2 = arith.constant 0 : i32
    %scan3A_3 = arith.constant 128 : i32
    %scan3A_4 = arith.addi %scan3A_2, %scan3A_3 : i32
    %scan3A_5 = arith.constant 1 : i32
    scf.for %scan3A_77 = %scan3A_2 to %scan3A_4 step %scan3A_5  : i32 {
      %swap3A = arith.index_cast %scan3A_77 : i32 to index
      %swap3A_78 = arith.constant 0 : index
      %swap3A_79 = tpu.vector_load %arg8[%swap3A, %swap3A_78] {strides = array<i32>} : memref<128x32xf32, #tpu.memory_space<vmem>>, vector<1x16xf32>,
      %swap3A_80 = vector.shape_cast %swap3A_79 : vector<1x16xf32> to vector<16xf32>
      %swap3A_81 = vector.shape_cast %broadcast_in_dim3A_1 : vector<16xf32> to vector<1x16xf32>
      tpu.vector_store %arg8[%swap3A, %swap3A_78], %swap3A_81 {strides = array<i32>} : memref<128x32xf32, #tpu.memory_space<vmem>>, vector<1x16xf32>,
      %swap3A_82 = arith.index_cast %scan3A_77 : i32 to index
      %swap3A_83 = arith.constant 16 : index
      %swap3A_84 = tpu.vector_load %arg8[%swap3A_82, %swap3A_83] {strides = array<i32>} : memref<128x32xf32, #tpu.memory_space<vmem>>, vector<1x16xf32>,
      %swap3A_85 = vector.shape_cast %swap3A_84 : vector<1x16xf32> to vector<16xf32>
      %swap3A_86 = vector.shape_cast %broadcast_in_dim3A_1 : vector<16xf32> to vector<1x16xf32>
      tpu.vector_store %arg8[%swap3A_82, %swap3A_83], %swap3A_86 {strides = array<i32>} : memref<128x32xf32, #tpu.memory_space<vmem>>, vector<1x16xf32>,
    }
    %scan3A_6 = arith.constant 128 : i32
    %mul3A_7 = arith.constant 640 : i32
    %mul3A_8 = arith.muli %arg1, %mul3A_7 : i32
    %add3A = arith.constant 0 : i32
    %add3A_9 = arith.addi %mul3A_8, %add3A : i32
    "tpu.region"() ({
      %run_scoped3A = tpu.sem_alloc : memref<!tpu.dma_semaphore, #tpu.memory_space<semaphore_mem>>
      %dma_start3A_77 = arith.constant 0 : i32
      %dma_start3A_78 = tpu.memref_slice %arg18[%add3A_9, %dma_start3A_77] : memref<10240x32xf32, #tpu.memory_space<vmem_shared>> -> memref<128x32xf32, #tpu.memory_space<vmem_shared>>
      %dma_start3A_79 = arith.constant 0 : i32
      %dma_start3A_80 = tpu.memref_slice %arg18[%add3A_9, %dma_start3A_79] : memref<10240x32xf32, #tpu.memory_space<vmem_shared>> -> memref<128x32xf32, #tpu.memory_space<vmem_shared>>
      tpu.enqueue_dma source(%arg8 : memref<128x32xf32, #tpu.memory_space<vmem>>) target(%dma_start3A_80 : memref<128x32xf32, #tpu.memory_space<vmem_shared>>) target_semaphore(%run_scoped3A : memref<!tpu.dma_semaphore, #tpu.memory_space<semaphore_mem>>)
      %dma_wait3A = arith.constant 0 : i32
      %dma_wait3A_81 = tpu.memref_slice %arg18[%add3A_9, %dma_wait3A] : memref<10240x32xf32, #tpu.memory_space<vmem_shared>> -> memref<128x32xf32, #tpu.memory_space<vmem_shared>>
      %dma_wait3A_82 = arith.constant 0 : i32
      %dma_wait3A_83 = tpu.memref_slice %arg18[%add3A_9, %dma_wait3A_82] : memref<10240x32xf32, #tpu.memory_space<vmem_shared>> -> memref<128x32xf32, #tpu.memory_space<vmem_shared>>
      tpu.wait_dma2 semaphore(%run_scoped3A : memref<!tpu.dma_semaphore, #tpu.memory_space<semaphore_mem>>) src(%arg8 : memref<128x32xf32, #tpu.memory_space<vmem>>) dst(%dma_wait3A_83 : memref<128x32xf32, #tpu.memory_space<vmem_shared>>)
      tpu.yield
    }) : () -> ()
    %add3A_10 = arith.constant 128 : i32
    %add3A_11 = arith.addi %mul3A_8, %add3A_10 : i32
    "tpu.region"() ({
      %run_scoped3A = tpu.sem_alloc : memref<!tpu.dma_semaphore, #tpu.memory_space<semaphore_mem>>
      %dma_start3A_77 = arith.constant 0 : i32
      %dma_start3A_78 = tpu.memref_slice %arg18[%add3A_11, %dma_start3A_77] : memref<10240x32xf32, #tpu.memory_space<vmem_shared>> -> memref<128x32xf32, #tpu.memory_space<vmem_shared>>
      %dma_start3A_79 = arith.constant 0 : i32
      %dma_start3A_80 = tpu.memref_slice %arg18[%add3A_11, %dma_start3A_79] : memref<10240x32xf32, #tpu.memory_space<vmem_shared>> -> memref<128x32xf32, #tpu.memory_space<vmem_shared>>
      tpu.enqueue_dma source(%arg8 : memref<128x32xf32, #tpu.memory_space<vmem>>) target(%dma_start3A_80 : memref<128x32xf32, #tpu.memory_space<vmem_shared>>) target_semaphore(%run_scoped3A : memref<!tpu.dma_semaphore, #tpu.memory_space<semaphore_mem>>)
      %dma_wait3A = arith.constant 0 : i32
      %dma_wait3A_81 = tpu.memref_slice %arg18[%add3A_11, %dma_wait3A] : memref<10240x32xf32, #tpu.memory_space<vmem_shared>> -> memref<128x32xf32, #tpu.memory_space<vmem_shared>>
      %dma_wait3A_82 = arith.constant 0 : i32
      %dma_wait3A_83 = tpu.memref_slice %arg18[%add3A_11, %dma_wait3A_82] : memref<10240x32xf32, #tpu.memory_space<vmem_shared>> -> memref<128x32xf32, #tpu.memory_space<vmem_shared>>
      tpu.wait_dma2 semaphore(%run_scoped3A : memref<!tpu.dma_semaphore, #tpu.memory_space<semaphore_mem>>) src(%arg8 : memref<128x32xf32, #tpu.memory_space<vmem>>) dst(%dma_wait3A_83 : memref<128x32xf32, #tpu.memory_space<vmem_shared>>)
      tpu.yield
    }) : () -> ()
    %add3A_12 = arith.constant 256 : i32
    %add3A_13 = arith.addi %mul3A_8, %add3A_12 : i32
    "tpu.region"() ({
      %run_scoped3A = tpu.sem_alloc : memref<!tpu.dma_semaphore, #tpu.memory_space<semaphore_mem>>
      %dma_start3A_77 = arith.constant 0 : i32
      %dma_start3A_78 = tpu.memref_slice %arg18[%add3A_13, %dma_start3A_77] : memref<10240x32xf32, #tpu.memory_space<vmem_shared>> -> memref<128x32xf32, #tpu.memory_space<vmem_shared>>
      %dma_start3A_79 = arith.constant 0 : i32
      %dma_start3A_80 = tpu.memref_slice %arg18[%add3A_13, %dma_start3A_79] : memref<10240x32xf32, #tpu.memory_space<vmem_shared>> -> memref<128x32xf32, #tpu.memory_space<vmem_shared>>
      tpu.enqueue_dma source(%arg8 : memref<128x32xf32, #tpu.memory_space<vmem>>) target(%dma_start3A_80 : memref<128x32xf32, #tpu.memory_space<vmem_shared>>) target_semaphore(%run_scoped3A : memref<!tpu.dma_semaphore, #tpu.memory_space<semaphore_mem>>)
      %dma_wait3A = arith.constant 0 : i32
      %dma_wait3A_81 = tpu.memref_slice %arg18[%add3A_13, %dma_wait3A] : memref<10240x32xf32, #tpu.memory_space<vmem_shared>> -> memref<128x32xf32, #tpu.memory_space<vmem_shared>>
      %dma_wait3A_82 = arith.constant 0 : i32
      %dma_wait3A_83 = tpu.memref_slice %arg18[%add3A_13, %dma_wait3A_82] : memref<10240x32xf32, #tpu.memory_space<vmem_shared>> -> memref<128x32xf32, #tpu.memory_space<vmem_shared>>
      tpu.wait_dma2 semaphore(%run_scoped3A : memref<!tpu.dma_semaphore, #tpu.memory_space<semaphore_mem>>) src(%arg8 : memref<128x32xf32, #tpu.memory_space<vmem>>) dst(%dma_wait3A_83 : memref<128x32xf32, #tpu.memory_space<vmem_shared>>)
      tpu.yield
    }) : () -> ()
    %add3A_14 = arith.constant 384 : i32
    %add3A_15 = arith.addi %mul3A_8, %add3A_14 : i32
    "tpu.region"() ({
      %run_scoped3A = tpu.sem_alloc : memref<!tpu.dma_semaphore, #tpu.memory_space<semaphore_mem>>
      %dma_start3A_77 = arith.constant 0 : i32
      %dma_start3A_78 = tpu.memref_slice %arg18[%add3A_15, %dma_start3A_77] : memref<10240x32xf32, #tpu.memory_space<vmem_shared>> -> memref<128x32xf32, #tpu.memory_space<vmem_shared>>
      %dma_start3A_79 = arith.constant 0 : i32
      %dma_start3A_80 = tpu.memref_slice %arg18[%add3A_15, %dma_start3A_79] : memref<10240x32xf32, #tpu.memory_space<vmem_shared>> -> memref<128x32xf32, #tpu.memory_space<vmem_shared>>
      tpu.enqueue_dma source(%arg8 : memref<128x32xf32, #tpu.memory_space<vmem>>) target(%dma_start3A_80 : memref<128x32xf32, #tpu.memory_space<vmem_shared>>) target_semaphore(%run_scoped3A : memref<!tpu.dma_semaphore, #tpu.memory_space<semaphore_mem>>)
      %dma_wait3A = arith.constant 0 : i32
      %dma_wait3A_81 = tpu.memref_slice %arg18[%add3A_15, %dma_wait3A] : memref<10240x32xf32, #tpu.memory_space<vmem_shared>> -> memref<128x32xf32, #tpu.memory_space<vmem_shared>>
      %dma_wait3A_82 = arith.constant 0 : i32
      %dma_wait3A_83 = tpu.memref_slice %arg18[%add3A_15, %dma_wait3A_82] : memref<10240x32xf32, #tpu.memory_space<vmem_shared>> -> memref<128x32xf32, #tpu.memory_space<vmem_shared>>
      tpu.wait_dma2 semaphore(%run_scoped3A : memref<!tpu.dma_semaphore, #tpu.memory_space<semaphore_mem>>) src(%arg8 : memref<128x32xf32, #tpu.memory_space<vmem>>) dst(%dma_wait3A_83 : memref<128x32xf32, #tpu.memory_space<vmem_shared>>)
      tpu.yield
    }) : () -> ()
    %add3A_16 = arith.constant 512 : i32
    %add3A_17 = arith.addi %mul3A_8, %add3A_16 : i32
    "tpu.region"() ({
      %run_scoped3A = tpu.sem_alloc : memref<!tpu.dma_semaphore, #tpu.memory_space<semaphore_mem>>
      %dma_start3A_77 = arith.constant 0 : i32
      %dma_start3A_78 = tpu.memref_slice %arg18[%add3A_17, %dma_start3A_77] : memref<10240x32xf32, #tpu.memory_space<vmem_shared>> -> memref<128x32xf32, #tpu.memory_space<vmem_shared>>
      %dma_start3A_79 = arith.constant 0 : i32
      %dma_start3A_80 = tpu.memref_slice %arg18[%add3A_17, %dma_start3A_79] : memref<10240x32xf32, #tpu.memory_space<vmem_shared>> -> memref<128x32xf32, #tpu.memory_space<vmem_shared>>
      tpu.enqueue_dma source(%arg8 : memref<128x32xf32, #tpu.memory_space<vmem>>) target(%dma_start3A_80 : memref<128x32xf32, #tpu.memory_space<vmem_shared>>) target_semaphore(%run_scoped3A : memref<!tpu.dma_semaphore, #tpu.memory_space<semaphore_mem>>)
      %dma_wait3A = arith.constant 0 : i32
      %dma_wait3A_81 = tpu.memref_slice %arg18[%add3A_17, %dma_wait3A] : memref<10240x32xf32, #tpu.memory_space<vmem_shared>> -> memref<128x32xf32, #tpu.memory_space<vmem_shared>>
      %dma_wait3A_82 = arith.constant 0 : i32
      %dma_wait3A_83 = tpu.memref_slice %arg18[%add3A_17, %dma_wait3A_82] : memref<10240x32xf32, #tpu.memory_space<vmem_shared>> -> memref<128x32xf32, #tpu.memory_space<vmem_shared>>
      tpu.wait_dma2 semaphore(%run_scoped3A : memref<!tpu.dma_semaphore, #tpu.memory_space<semaphore_mem>>) src(%arg8 : memref<128x32xf32, #tpu.memory_space<vmem>>) dst(%dma_wait3A_83 : memref<128x32xf32, #tpu.memory_space<vmem_shared>>)
      tpu.yield
    }) : () -> ()
    %mul3A_18 = arith.constant 625 : i32
    %mul3A_19 = arith.muli %arg1, %mul3A_18 : i32
    %mul3A_20 = arith.constant 625 : i32
    %mul3A_21 = arith.muli %arg1, %mul3A_20 : i32
    "tpu.region"() ({
      %run_scoped3A = tpu.sem_alloc : memref<!tpu.dma_semaphore, #tpu.memory_space<semaphore_mem>>
      %dma_start3A_77 = arith.constant 0 : i32
      %dma_start3A_78 = tpu.memref_slice %arg19[%mul3A_21, %dma_start3A_77] : memref<10000x32xf32, #tpu.memory_space<vmem_shared>> -> memref<625x32xf32, #tpu.memory_space<vmem_shared>>
      %dma_start3A_79 = tpu.memref_slice %arg2[%mul3A_19, %mul3A_0] : memref<10000x128xf32, #tpu.memory_space<hbm>> -> memref<625x32xf32, #tpu.memory_space<hbm>>
      tpu.enqueue_dma source(%dma_start3A_79 : memref<625x32xf32, #tpu.memory_space<hbm>>) target(%dma_start3A_78 : memref<625x32xf32, #tpu.memory_space<vmem_shared>>) target_semaphore(%run_scoped3A : memref<!tpu.dma_semaphore, #tpu.memory_space<semaphore_mem>>)
      %dma_wait3A = arith.constant 0 : i32
      %dma_wait3A_80 = tpu.memref_slice %arg19[%mul3A_21, %dma_wait3A] : memref<10000x32xf32, #tpu.memory_space<vmem_shared>> -> memref<625x32xf32, #tpu.memory_space<vmem_shared>>
      %dma_wait3A_81 = tpu.memref_slice %arg2[%mul3A_19, %mul3A_0] : memref<10000x128xf32, #tpu.memory_space<hbm>> -> memref<625x32xf32, #tpu.memory_space<hbm>>
      tpu.wait_dma2 semaphore(%run_scoped3A : memref<!tpu.dma_semaphore, #tpu.memory_space<semaphore_mem>>) src(%dma_wait3A_81 : memref<625x32xf32, #tpu.memory_space<hbm>>) dst(%dma_wait3A_80 : memref<625x32xf32, #tpu.memory_space<vmem_shared>>)
      tpu.yield
    }) : () -> ()
    %mul3A_22 = arith.constant 160 : i32
    %mul3A_23 = arith.muli %arg1, %mul3A_22 : i32
    "tpu.region"() ({
      %run_scoped3A = tpu.sem_alloc : memref<!tpu.dma_semaphore, #tpu.memory_space<semaphore_mem>>
      %dma_start3A_77 = arith.constant 0 : i32
      %dma_start3A_78 = tpu.memref_slice %arg3[%mul3A_23, %dma_start3A_77] : memref<2560x128xi32, #tpu.memory_space<hbm>> -> memref<160x128xi32, #tpu.memory_space<hbm>>
      %dma_start3A_79 = arith.constant 0 : i32
      %dma_start3A_80 = tpu.memref_slice %arg3[%mul3A_23, %dma_start3A_79] : memref<2560x128xi32, #tpu.memory_space<hbm>> -> memref<160x128xi32, #tpu.memory_space<hbm>>
      tpu.enqueue_dma source(%dma_start3A_80 : memref<160x128xi32, #tpu.memory_space<hbm>>) target(%arg6 : memref<160x128xi32, #tpu.memory_space<vmem>>) target_semaphore(%run_scoped3A : memref<!tpu.dma_semaphore, #tpu.memory_space<semaphore_mem>>)
      %dma_wait3A = arith.constant 0 : i32
      %dma_wait3A_81 = tpu.memref_slice %arg3[%mul3A_23, %dma_wait3A] : memref<2560x128xi32, #tpu.memory_space<hbm>> -> memref<160x128xi32, #tpu.memory_space<hbm>>
      %dma_wait3A_82 = arith.constant 0 : i32
      %dma_wait3A_83 = tpu.memref_slice %arg3[%mul3A_23, %dma_wait3A_82] : memref<2560x128xi32, #tpu.memory_space<hbm>> -> memref<160x128xi32, #tpu.memory_space<hbm>>
      tpu.wait_dma2 semaphore(%run_scoped3A : memref<!tpu.dma_semaphore, #tpu.memory_space<semaphore_mem>>) src(%dma_wait3A_83 : memref<160x128xi32, #tpu.memory_space<hbm>>) dst(%arg6 : memref<160x128xi32, #tpu.memory_space<vmem>>)
      tpu.yield
    }) : () -> ()
    %mul3A_24 = arith.constant 160 : i32
    %mul3A_25 = arith.muli %arg1, %mul3A_24 : i32
    "tpu.region"() ({
      %run_scoped3A = tpu.sem_alloc : memref<!tpu.dma_semaphore, #tpu.memory_space<semaphore_mem>>
      %dma_start3A_77 = arith.constant 0 : i32
      %dma_start3A_78 = tpu.memref_slice %arg4[%mul3A_25, %dma_start3A_77] : memref<2560x128xi32, #tpu.memory_space<hbm>> -> memref<160x128xi32, #tpu.memory_space<hbm>>
      %dma_start3A_79 = arith.constant 0 : i32
      %dma_start3A_80 = tpu.memref_slice %arg4[%mul3A_25, %dma_start3A_79] : memref<2560x128xi32, #tpu.memory_space<hbm>> -> memref<160x128xi32, #tpu.memory_space<hbm>>
      tpu.enqueue_dma source(%dma_start3A_80 : memref<160x128xi32, #tpu.memory_space<hbm>>) target(%arg7 : memref<160x128xi32, #tpu.memory_space<vmem>>) target_semaphore(%run_scoped3A : memref<!tpu.dma_semaphore, #tpu.memory_space<semaphore_mem>>)
      %dma_wait3A = arith.constant 0 : i32
      %dma_wait3A_81 = tpu.memref_slice %arg4[%mul3A_25, %dma_wait3A] : memref<2560x128xi32, #tpu.memory_space<hbm>> -> memref<160x128xi32, #tpu.memory_space<hbm>>
      %dma_wait3A_82 = arith.constant 0 : i32
      %dma_wait3A_83 = tpu.memref_slice %arg4[%mul3A_25, %dma_wait3A_82] : memref<2560x128xi32, #tpu.memory_space<hbm>> -> memref<160x128xi32, #tpu.memory_space<hbm>>
      tpu.wait_dma2 semaphore(%run_scoped3A : memref<!tpu.dma_semaphore, #tpu.memory_space<semaphore_mem>>) src(%dma_wait3A_83 : memref<160x128xi32, #tpu.memory_space<hbm>>) dst(%arg7 : memref<160x128xi32, #tpu.memory_space<vmem>>)
      tpu.yield
    }) : () -> ()
    %barrier3A = arith.constant 0 : index
    tpu.barrier barrier_id(%barrier3A)
    %dma_start3A = arith.constant 0 : i32
    %dma_start3A_26 = arith.constant 0 : i32
    %dma_start3A_27 = tpu.memref_slice %arg6[%dma_start3A, %dma_start3A_26] : memref<160x128xi32, #tpu.memory_space<vmem>> -> memref<1x128xi32, #tpu.memory_space<vmem>>
    %dma_start3A_28 = tpu.memref_squeeze %dma_start3A_27 : memref<1x128xi32, #tpu.memory_space<vmem>> -> memref<128xi32, #tpu.memory_space<vmem>>
    %dma_start3A_29 = arith.constant 0 : i32
    %dma_start3A_30 = arith.constant 0 : i32
    %dma_start3A_31 = tpu.memref_slice %arg19[%dma_start3A_29, %dma_start3A_30] : memref<10000x32xf32, #tpu.memory_space<vmem_shared>> -> memref<10000x32xf32, #tpu.memory_space<vmem_shared>>
    tpu.enqueue_indirect_dma source(%dma_start3A_31 : memref<10000x32xf32, #tpu.memory_space<vmem_shared>>) target(%arg8 : memref<128x32xf32, #tpu.memory_space<vmem>>) offsets(%dma_start3A_28 : memref<128xi32, #tpu.memory_space<vmem>>) semaphore(%arg20 : memref<!tpu.dma_semaphore, #tpu.memory_space<semaphore_mem>>)
    %dma_start3A_32 = arith.constant 1 : i32
    %dma_start3A_33 = arith.constant 0 : i32
    %dma_start3A_34 = tpu.memref_slice %arg6[%dma_start3A_32, %dma_start3A_33] : memref<160x128xi32, #tpu.memory_space<vmem>> -> memref<1x128xi32, #tpu.memory_space<vmem>>
    %dma_start3A_35 = tpu.memref_squeeze %dma_start3A_34 : memref<1x128xi32, #tpu.memory_space<vmem>> -> memref<128xi32, #tpu.memory_space<vmem>>
    %dma_start3A_36 = arith.constant 0 : i32
    %dma_start3A_37 = arith.constant 0 : i32
    %dma_start3A_38 = tpu.memref_slice %arg19[%dma_start3A_36, %dma_start3A_37] : memref<10000x32xf32, #tpu.memory_space<vmem_shared>> -> memref<10000x32xf32, #tpu.memory_space<vmem_shared>>
    tpu.enqueue_indirect_dma source(%dma_start3A_38 : memref<10000x32xf32, #tpu.memory_space<vmem_shared>>) target(%arg9 : memref<128x32xf32, #tpu.memory_space<vmem>>) offsets(%dma_start3A_35 : memref<128xi32, #tpu.memory_space<vmem>>) semaphore(%arg20 : memref<!tpu.dma_semaphore, #tpu.memory_space<semaphore_mem>>)
    %dma_start3A_39 = arith.constant 2 : i32
    %dma_start3A_40 = arith.constant 0 : i32
    %dma_start3A_41 = tpu.memref_slice %arg6[%dma_start3A_39, %dma_start3A_40] : memref<160x128xi32, #tpu.memory_space<vmem>> -> memref<1x128xi32, #tpu.memory_space<vmem>>
    %dma_start3A_42 = tpu.memref_squeeze %dma_start3A_41 : memref<1x128xi32, #tpu.memory_space<vmem>> -> memref<128xi32, #tpu.memory_space<vmem>>
    %dma_start3A_43 = arith.constant 0 : i32
    %dma_start3A_44 = arith.constant 0 : i32
    %dma_start3A_45 = tpu.memref_slice %arg19[%dma_start3A_43, %dma_start3A_44] : memref<10000x32xf32, #tpu.memory_space<vmem_shared>> -> memref<10000x32xf32, #tpu.memory_space<vmem_shared>>
    tpu.enqueue_indirect_dma source(%dma_start3A_45 : memref<10000x32xf32, #tpu.memory_space<vmem_shared>>) target(%arg10 : memref<128x32xf32, #tpu.memory_space<vmem>>) offsets(%dma_start3A_42 : memref<128xi32, #tpu.memory_space<vmem>>) semaphore(%arg20 : memref<!tpu.dma_semaphore, #tpu.memory_space<semaphore_mem>>)
    %dma_start3A_46 = arith.constant 3 : i32
    %dma_start3A_47 = arith.constant 0 : i32
    %dma_start3A_48 = tpu.memref_slice %arg6[%dma_start3A_46, %dma_start3A_47] : memref<160x128xi32, #tpu.memory_space<vmem>> -> memref<1x128xi32, #tpu.memory_space<vmem>>
    %dma_start3A_49 = tpu.memref_squeeze %dma_start3A_48 : memref<1x128xi32, #tpu.memory_space<vmem>> -> memref<128xi32, #tpu.memory_space<vmem>>
    %dma_start3A_50 = arith.constant 0 : i32
    %dma_start3A_51 = arith.constant 0 : i32
    %dma_start3A_52 = tpu.memref_slice %arg19[%dma_start3A_50, %dma_start3A_51] : memref<10000x32xf32, #tpu.memory_space<vmem_shared>> -> memref<10000x32xf32, #tpu.memory_space<vmem_shared>>
    tpu.enqueue_indirect_dma source(%dma_start3A_52 : memref<10000x32xf32, #tpu.memory_space<vmem_shared>>) target(%arg11 : memref<128x32xf32, #tpu.memory_space<vmem>>) offsets(%dma_start3A_49 : memref<128xi32, #tpu.memory_space<vmem>>) semaphore(%arg20 : memref<!tpu.dma_semaphore, #tpu.memory_space<semaphore_mem>>)
    %dma_start3A_53 = arith.constant 4 : i32
    %dma_start3A_54 = arith.constant 0 : i32
    %dma_start3A_55 = tpu.memref_slice %arg6[%dma_start3A_53, %dma_start3A_54] : memref<160x128xi32, #tpu.memory_space<vmem>> -> memref<1x128xi32, #tpu.memory_space<vmem>>
    %dma_start3A_56 = tpu.memref_squeeze %dma_start3A_55 : memref<1x128xi32, #tpu.memory_space<vmem>> -> memref<128xi32, #tpu.memory_space<vmem>>
    %dma_start3A_57 = arith.constant 0 : i32
    %dma_start3A_58 = arith.constant 0 : i32
    %dma_start3A_59 = tpu.memref_slice %arg19[%dma_start3A_57, %dma_start3A_58] : memref<10000x32xf32, #tpu.memory_space<vmem_shared>> -> memref<10000x32xf32, #tpu.memory_space<vmem_shared>>
    tpu.enqueue_indirect_dma source(%dma_start3A_59 : memref<10000x32xf32, #tpu.memory_space<vmem_shared>>) target(%arg12 : memref<128x32xf32, #tpu.memory_space<vmem>>) offsets(%dma_start3A_56 : memref<128xi32, #tpu.memory_space<vmem>>) semaphore(%arg20 : memref<!tpu.dma_semaphore, #tpu.memory_space<semaphore_mem>>)
    %scan3A_60 = arith.constant 0 : i32
    %scan3A_61 = arith.constant 0 : i32
    %scan3A_62 = arith.constant 16 : i32
    %scan3A_63 = arith.addi %scan3A_61, %scan3A_62 : i32
    %scan3A_64 = arith.constant 1 : i32
    scf.for %scan3A_77 = %scan3A_61 to %scan3A_63 step %scan3A_64  : i32 {
      %mul3A_78 = arith.constant 10 : i32
      %mul3A_79 = arith.muli %scan3A_77, %mul3A_78 : i32
      %add3A_80 = arith.constant 0 : i32
      %add3A_81 = arith.addi %mul3A_79, %add3A_80 : i32
      %dma_wait3A = arith.constant 0 : i32
      %dma_wait3A_82 = tpu.memref_slice %arg6[%add3A_81, %dma_wait3A] : memref<160x128xi32, #tpu.memory_space<vmem>> -> memref<1x128xi32, #tpu.memory_space<vmem>>
      %dma_wait3A_83 = tpu.memref_squeeze %dma_wait3A_82 : memref<1x128xi32, #tpu.memory_space<vmem>> -> memref<128xi32, #tpu.memory_space<vmem>>
      %dma_wait3A_84 = arith.constant 0 : i32
      %dma_wait3A_85 = arith.constant 0 : i32
      %dma_wait3A_86 = tpu.memref_slice %arg19[%dma_wait3A_84, %dma_wait3A_85] : memref<10000x32xf32, #tpu.memory_space<vmem_shared>> -> memref<10000x32xf32, #tpu.memory_space<vmem_shared>>
      tpu.wait_indirect_dma semaphore(%arg20 : memref<!tpu.dma_semaphore, #tpu.memory_space<semaphore_mem>>) src(%dma_wait3A_86 : memref<10000x32xf32, #tpu.memory_space<vmem_shared>>) dst(%arg8 : memref<128x32xf32, #tpu.memory_space<vmem>>)
      %add3A_87 = arith.constant 5 : i32
      %add3A_88 = arith.addi %add3A_81, %add3A_87 : i32
      %lt3A = arith.constant 160 : i32
      %lt3A_89 = arith.cmpi slt, %add3A_88, %lt3A : i32
      %convert_element_type3A = arith.extui %lt3A_89 : i1 to i32
      %cond3A = arith.constant 0 : i32
      %cond3A_90 = arith.cmpi ne, %convert_element_type3A, %cond3A : i32
      scf.if %cond3A_90 {
        %add3A_244 = arith.constant 5 : i32
        %add3A_245 = arith.addi %add3A_81, %add3A_244 : i32
        %dma_start3A_246 = arith.constant 0 : i32
        %dma_start3A_247 = tpu.memref_slice %arg6[%add3A_245, %dma_start3A_246] : memref<160x128xi32, #tpu.memory_space<vmem>> -> memref<1x128xi32, #tpu.memory_space<vmem>>
        %dma_start3A_248 = tpu.memref_squeeze %dma_start3A_247 : memref<1x128xi32, #tpu.memory_space<vmem>> -> memref<128xi32, #tpu.memory_space<vmem>>
        %dma_start3A_249 = arith.constant 0 : i32
        %dma_start3A_250 = arith.constant 0 : i32
        %dma_start3A_251 = tpu.memref_slice %arg19[%dma_start3A_249, %dma_start3A_250] : memref<10000x32xf32, #tpu.memory_space<vmem_shared>> -> memref<10000x32xf32, #tpu.memory_space<vmem_shared>>
        tpu.enqueue_indirect_dma source(%dma_start3A_251 : memref<10000x32xf32, #tpu.memory_space<vmem_shared>>) target(%arg13 : memref<128x32xf32, #tpu.memory_space<vmem>>) offsets(%dma_start3A_248 : memref<128xi32, #tpu.memory_space<vmem>>) semaphore(%arg20 : memref<!tpu.dma_semaphore, #tpu.memory_space<semaphore_mem>>)
      } else {
      }
      %mul3A_91 = arith.constant 10 : i32
      %mul3A_92 = arith.muli %scan3A_77, %mul3A_91 : i32
      %add3A_93 = arith.constant 1 : i32
      %add3A_94 = arith.addi %mul3A_92, %add3A_93 : i32
      %dma_wait3A_95 = arith.constant 0 : i32
      %dma_wait3A_96 = tpu.memref_slice %arg6[%add3A_94, %dma_wait3A_95] : memref<160x128xi32, #tpu.memory_space<vmem>> -> memref<1x128xi32, #tpu.memory_space<vmem>>
      %dma_wait3A_97 = tpu.memref_squeeze %dma_wait3A_96 : memref<1x128xi32, #tpu.memory_space<vmem>> -> memref<128xi32, #tpu.memory_space<vmem>>
      %dma_wait3A_98 = arith.constant 0 : i32
      %dma_wait3A_99 = arith.constant 0 : i32
      %dma_wait3A_100 = tpu.memref_slice %arg19[%dma_wait3A_98, %dma_wait3A_99] : memref<10000x32xf32, #tpu.memory_space<vmem_shared>> -> memref<10000x32xf32, #tpu.memory_space<vmem_shared>>
      tpu.wait_indirect_dma semaphore(%arg20 : memref<!tpu.dma_semaphore, #tpu.memory_space<semaphore_mem>>) src(%dma_wait3A_100 : memref<10000x32xf32, #tpu.memory_space<vmem_shared>>) dst(%arg9 : memref<128x32xf32, #tpu.memory_space<vmem>>)
      %add3A_101 = arith.constant 5 : i32
      %add3A_102 = arith.addi %add3A_94, %add3A_101 : i32
      %lt3A_103 = arith.constant 160 : i32
      %lt3A_104 = arith.cmpi slt, %add3A_102, %lt3A_103 : i32
      %convert_element_type3A_105 = arith.extui %lt3A_104 : i1 to i32
      %cond3A_106 = arith.constant 0 : i32
      %cond3A_107 = arith.cmpi ne, %convert_element_type3A_105, %cond3A_106 : i32
      scf.if %cond3A_107 {
        %add3A_244 = arith.constant 5 : i32
        %add3A_245 = arith.addi %add3A_94, %add3A_244 : i32
        %dma_start3A_246 = arith.constant 0 : i32
        %dma_start3A_247 = tpu.memref_slice %arg6[%add3A_245, %dma_start3A_246] : memref<160x128xi32, #tpu.memory_space<vmem>> -> memref<1x128xi32, #tpu.memory_space<vmem>>
        %dma_start3A_248 = tpu.memref_squeeze %dma_start3A_247 : memref<1x128xi32, #tpu.memory_space<vmem>> -> memref<128xi32, #tpu.memory_space<vmem>>
        %dma_start3A_249 = arith.constant 0 : i32
        %dma_start3A_250 = arith.constant 0 : i32
        %dma_start3A_251 = tpu.memref_slice %arg19[%dma_start3A_249, %dma_start3A_250] : memref<10000x32xf32, #tpu.memory_space<vmem_shared>> -> memref<10000x32xf32, #tpu.memory_space<vmem_shared>>
        tpu.enqueue_indirect_dma source(%dma_start3A_251 : memref<10000x32xf32, #tpu.memory_space<vmem_shared>>) target(%arg14 : memref<128x32xf32, #tpu.memory_space<vmem>>) offsets(%dma_start3A_248 : memref<128xi32, #tpu.memory_space<vmem>>) semaphore(%arg20 : memref<!tpu.dma_semaphore, #tpu.memory_space<semaphore_mem>>)
      } else {
      }
      %mul3A_108 = arith.constant 10 : i32
      %mul3A_109 = arith.muli %scan3A_77, %mul3A_108 : i32
      %add3A_110 = arith.constant 2 : i32
      %add3A_111 = arith.addi %mul3A_109, %add3A_110 : i32
      %dma_wait3A_112 = arith.constant 0 : i32
      %dma_wait3A_113 = tpu.memref_slice %arg6[%add3A_111, %dma_wait3A_112] : memref<160x128xi32, #tpu.memory_space<vmem>> -> memref<1x128xi32, #tpu.memory_space<vmem>>
      %dma_wait3A_114 = tpu.memref_squeeze %dma_wait3A_113 : memref<1x128xi32, #tpu.memory_space<vmem>> -> memref<128xi32, #tpu.memory_space<vmem>>
      %dma_wait3A_115 = arith.constant 0 : i32
      %dma_wait3A_116 = arith.constant 0 : i32
      %dma_wait3A_117 = tpu.memref_slice %arg19[%dma_wait3A_115, %dma_wait3A_116] : memref<10000x32xf32, #tpu.memory_space<vmem_shared>> -> memref<10000x32xf32, #tpu.memory_space<vmem_shared>>
      tpu.wait_indirect_dma semaphore(%arg20 : memref<!tpu.dma_semaphore, #tpu.memory_space<semaphore_mem>>) src(%dma_wait3A_117 : memref<10000x32xf32, #tpu.memory_space<vmem_shared>>) dst(%arg10 : memref<128x32xf32, #tpu.memory_space<vmem>>)
      %add3A_118 = arith.constant 5 : i32
      %add3A_119 = arith.addi %add3A_111, %add3A_118 : i32
      %lt3A_120 = arith.constant 160 : i32
      %lt3A_121 = arith.cmpi slt, %add3A_119, %lt3A_120 : i32
      %convert_element_type3A_122 = arith.extui %lt3A_121 : i1 to i32
      %cond3A_123 = arith.constant 0 : i32
      %cond3A_124 = arith.cmpi ne, %convert_element_type3A_122, %cond3A_123 : i32
      scf.if %cond3A_124 {
        %add3A_244 = arith.constant 5 : i32
        %add3A_245 = arith.addi %add3A_111, %add3A_244 : i32
        %dma_start3A_246 = arith.constant 0 : i32
        %dma_start3A_247 = tpu.memref_slice %arg6[%add3A_245, %dma_start3A_246] : memref<160x128xi32, #tpu.memory_space<vmem>> -> memref<1x128xi32, #tpu.memory_space<vmem>>
        %dma_start3A_248 = tpu.memref_squeeze %dma_start3A_247 : memref<1x128xi32, #tpu.memory_space<vmem>> -> memref<128xi32, #tpu.memory_space<vmem>>
        %dma_start3A_249 = arith.constant 0 : i32
        %dma_start3A_250 = arith.constant 0 : i32
        %dma_start3A_251 = tpu.memref_slice %arg19[%dma_start3A_249, %dma_start3A_250] : memref<10000x32xf32, #tpu.memory_space<vmem_shared>> -> memref<10000x32xf32, #tpu.memory_space<vmem_shared>>
        tpu.enqueue_indirect_dma source(%dma_start3A_251 : memref<10000x32xf32, #tpu.memory_space<vmem_shared>>) target(%arg15 : memref<128x32xf32, #tpu.memory_space<vmem>>) offsets(%dma_start3A_248 : memref<128xi32, #tpu.memory_space<vmem>>) semaphore(%arg20 : memref<!tpu.dma_semaphore, #tpu.memory_space<semaphore_mem>>)
      } else {
      }
      %mul3A_125 = arith.constant 10 : i32
      %mul3A_126 = arith.muli %scan3A_77, %mul3A_125 : i32
      %add3A_127 = arith.constant 3 : i32
      %add3A_128 = arith.addi %mul3A_126, %add3A_127 : i32
      %dma_wait3A_129 = arith.constant 0 : i32
      %dma_wait3A_130 = tpu.memref_slice %arg6[%add3A_128, %dma_wait3A_129] : memref<160x128xi32, #tpu.memory_space<vmem>> -> memref<1x128xi32, #tpu.memory_space<vmem>>
      %dma_wait3A_131 = tpu.memref_squeeze %dma_wait3A_130 : memref<1x128xi32, #tpu.memory_space<vmem>> -> memref<128xi32, #tpu.memory_space<vmem>>
      %dma_wait3A_132 = arith.constant 0 : i32
      %dma_wait3A_133 = arith.constant 0 : i32
      %dma_wait3A_134 = tpu.memref_slice %arg19[%dma_wait3A_132, %dma_wait3A_133] : memref<10000x32xf32, #tpu.memory_space<vmem_shared>> -> memref<10000x32xf32, #tpu.memory_space<vmem_shared>>
      tpu.wait_indirect_dma semaphore(%arg20 : memref<!tpu.dma_semaphore, #tpu.memory_space<semaphore_mem>>) src(%dma_wait3A_134 : memref<10000x32xf32, #tpu.memory_space<vmem_shared>>) dst(%arg11 : memref<128x32xf32, #tpu.memory_space<vmem>>)
      %add3A_135 = arith.constant 5 : i32
      %add3A_136 = arith.addi %add3A_128, %add3A_135 : i32
      %lt3A_137 = arith.constant 160 : i32
      %lt3A_138 = arith.cmpi slt, %add3A_136, %lt3A_137 : i32
      %convert_element_type3A_139 = arith.extui %lt3A_138 : i1 to i32
      %cond3A_140 = arith.constant 0 : i32
      %cond3A_141 = arith.cmpi ne, %convert_element_type3A_139, %cond3A_140 : i32
      scf.if %cond3A_141 {
        %add3A_244 = arith.constant 5 : i32
        %add3A_245 = arith.addi %add3A_128, %add3A_244 : i32
        %dma_start3A_246 = arith.constant 0 : i32
        %dma_start3A_247 = tpu.memref_slice %arg6[%add3A_245, %dma_start3A_246] : memref<160x128xi32, #tpu.memory_space<vmem>> -> memref<1x128xi32, #tpu.memory_space<vmem>>
        %dma_start3A_248 = tpu.memref_squeeze %dma_start3A_247 : memref<1x128xi32, #tpu.memory_space<vmem>> -> memref<128xi32, #tpu.memory_space<vmem>>
        %dma_start3A_249 = arith.constant 0 : i32
        %dma_start3A_250 = arith.constant 0 : i32
        %dma_start3A_251 = tpu.memref_slice %arg19[%dma_start3A_249, %dma_start3A_250] : memref<10000x32xf32, #tpu.memory_space<vmem_shared>> -> memref<10000x32xf32, #tpu.memory_space<vmem_shared>>
        tpu.enqueue_indirect_dma source(%dma_start3A_251 : memref<10000x32xf32, #tpu.memory_space<vmem_shared>>) target(%arg16 : memref<128x32xf32, #tpu.memory_space<vmem>>) offsets(%dma_start3A_248 : memref<128xi32, #tpu.memory_space<vmem>>) semaphore(%arg20 : memref<!tpu.dma_semaphore, #tpu.memory_space<semaphore_mem>>)
      } else {
      }
      %mul3A_142 = arith.constant 10 : i32
      %mul3A_143 = arith.muli %scan3A_77, %mul3A_142 : i32
      %add3A_144 = arith.constant 4 : i32
      %add3A_145 = arith.addi %mul3A_143, %add3A_144 : i32
      %dma_wait3A_146 = arith.constant 0 : i32
      %dma_wait3A_147 = tpu.memref_slice %arg6[%add3A_145, %dma_wait3A_146] : memref<160x128xi32, #tpu.memory_space<vmem>> -> memref<1x128xi32, #tpu.memory_space<vmem>>
      %dma_wait3A_148 = tpu.memref_squeeze %dma_wait3A_147 : memref<1x128xi32, #tpu.memory_space<vmem>> -> memref<128xi32, #tpu.memory_space<vmem>>
      %dma_wait3A_149 = arith.constant 0 : i32
      %dma_wait3A_150 = arith.constant 0 : i32
      %dma_wait3A_151 = tpu.memref_slice %arg19[%dma_wait3A_149, %dma_wait3A_150] : memref<10000x32xf32, #tpu.memory_space<vmem_shared>> -> memref<10000x32xf32, #tpu.memory_space<vmem_shared>>
      tpu.wait_indirect_dma semaphore(%arg20 : memref<!tpu.dma_semaphore, #tpu.memory_space<semaphore_mem>>) src(%dma_wait3A_151 : memref<10000x32xf32, #tpu.memory_space<vmem_shared>>) dst(%arg12 : memref<128x32xf32, #tpu.memory_space<vmem>>)
      %add3A_152 = arith.constant 5 : i32
      %add3A_153 = arith.addi %add3A_145, %add3A_152 : i32
      %lt3A_154 = arith.constant 160 : i32
      %lt3A_155 = arith.cmpi slt, %add3A_153, %lt3A_154 : i32
      %convert_element_type3A_156 = arith.extui %lt3A_155 : i1 to i32
      %cond3A_157 = arith.constant 0 : i32
      %cond3A_158 = arith.cmpi ne, %convert_element_type3A_156, %cond3A_157 : i32
      scf.if %cond3A_158 {
        %add3A_244 = arith.constant 5 : i32
        %add3A_245 = arith.addi %add3A_145, %add3A_244 : i32
        %dma_start3A_246 = arith.constant 0 : i32
        %dma_start3A_247 = tpu.memref_slice %arg6[%add3A_245, %dma_start3A_246] : memref<160x128xi32, #tpu.memory_space<vmem>> -> memref<1x128xi32, #tpu.memory_space<vmem>>
        %dma_start3A_248 = tpu.memref_squeeze %dma_start3A_247 : memref<1x128xi32, #tpu.memory_space<vmem>> -> memref<128xi32, #tpu.memory_space<vmem>>
        %dma_start3A_249 = arith.constant 0 : i32
        %dma_start3A_250 = arith.constant 0 : i32
        %dma_start3A_251 = tpu.memref_slice %arg19[%dma_start3A_249, %dma_start3A_250] : memref<10000x32xf32, #tpu.memory_space<vmem_shared>> -> memref<10000x32xf32, #tpu.memory_space<vmem_shared>>
        tpu.enqueue_indirect_dma source(%dma_start3A_251 : memref<10000x32xf32, #tpu.memory_space<vmem_shared>>) target(%arg17 : memref<128x32xf32, #tpu.memory_space<vmem>>) offsets(%dma_start3A_248 : memref<128xi32, #tpu.memory_space<vmem>>) semaphore(%arg20 : memref<!tpu.dma_semaphore, #tpu.memory_space<semaphore_mem>>)
      } else {
      }
      %mul3A_159 = arith.constant 10 : i32
      %mul3A_160 = arith.muli %scan3A_77, %mul3A_159 : i32
      %add3A_161 = arith.constant 5 : i32
      %add3A_162 = arith.addi %mul3A_160, %add3A_161 : i32
      %dma_wait3A_163 = arith.constant 0 : i32
      %dma_wait3A_164 = tpu.memref_slice %arg6[%add3A_162, %dma_wait3A_163] : memref<160x128xi32, #tpu.memory_space<vmem>> -> memref<1x128xi32, #tpu.memory_space<vmem>>
      %dma_wait3A_165 = tpu.memref_squeeze %dma_wait3A_164 : memref<1x128xi32, #tpu.memory_space<vmem>> -> memref<128xi32, #tpu.memory_space<vmem>>
      %dma_wait3A_166 = arith.constant 0 : i32
      %dma_wait3A_167 = arith.constant 0 : i32
      %dma_wait3A_168 = tpu.memref_slice %arg19[%dma_wait3A_166, %dma_wait3A_167] : memref<10000x32xf32, #tpu.memory_space<vmem_shared>> -> memref<10000x32xf32, #tpu.memory_space<vmem_shared>>
      tpu.wait_indirect_dma semaphore(%arg20 : memref<!tpu.dma_semaphore, #tpu.memory_space<semaphore_mem>>) src(%dma_wait3A_168 : memref<10000x32xf32, #tpu.memory_space<vmem_shared>>) dst(%arg13 : memref<128x32xf32, #tpu.memory_space<vmem>>)
      %add3A_169 = arith.constant 5 : i32
      %add3A_170 = arith.addi %add3A_162, %add3A_169 : i32
      %lt3A_171 = arith.constant 160 : i32
      %lt3A_172 = arith.cmpi slt, %add3A_170, %lt3A_171 : i32
      %convert_element_type3A_173 = arith.extui %lt3A_172 : i1 to i32
      %cond3A_174 = arith.constant 0 : i32
      %cond3A_175 = arith.cmpi ne, %convert_element_type3A_173, %cond3A_174 : i32
      scf.if %cond3A_175 {
        %add3A_244 = arith.constant 5 : i32
        %add3A_245 = arith.addi %add3A_162, %add3A_244 : i32
        %dma_start3A_246 = arith.constant 0 : i32
        %dma_start3A_247 = tpu.memref_slice %arg6[%add3A_245, %dma_start3A_246] : memref<160x128xi32, #tpu.memory_space<vmem>> -> memref<1x128xi32, #tpu.memory_space<vmem>>
        %dma_start3A_248 = tpu.memref_squeeze %dma_start3A_247 : memref<1x128xi32, #tpu.memory_space<vmem>> -> memref<128xi32, #tpu.memory_space<vmem>>
        %dma_start3A_249 = arith.constant 0 : i32
        %dma_start3A_250 = arith.constant 0 : i32
        %dma_start3A_251 = tpu.memref_slice %arg19[%dma_start3A_249, %dma_start3A_250] : memref<10000x32xf32, #tpu.memory_space<vmem_shared>> -> memref<10000x32xf32, #tpu.memory_space<vmem_shared>>
        tpu.enqueue_indirect_dma source(%dma_start3A_251 : memref<10000x32xf32, #tpu.memory_space<vmem_shared>>) target(%arg8 : memref<128x32xf32, #tpu.memory_space<vmem>>) offsets(%dma_start3A_248 : memref<128xi32, #tpu.memory_space<vmem>>) semaphore(%arg20 : memref<!tpu.dma_semaphore, #tpu.memory_space<semaphore_mem>>)
      } else {
      }
      %mul3A_176 = arith.constant 10 : i32
      %mul3A_177 = arith.muli %scan3A_77, %mul3A_176 : i32
      %add3A_178 = arith.constant 6 : i32
      %add3A_179 = arith.addi %mul3A_177, %add3A_178 : i32
      %dma_wait3A_180 = arith.constant 0 : i32
      %dma_wait3A_181 = tpu.memref_slice %arg6[%add3A_179, %dma_wait3A_180] : memref<160x128xi32, #tpu.memory_space<vmem>> -> memref<1x128xi32, #tpu.memory_space<vmem>>
      %dma_wait3A_182 = tpu.memref_squeeze %dma_wait3A_181 : memref<1x128xi32, #tpu.memory_space<vmem>> -> memref<128xi32, #tpu.memory_space<vmem>>
      %dma_wait3A_183 = arith.constant 0 : i32
      %dma_wait3A_184 = arith.constant 0 : i32
      %dma_wait3A_185 = tpu.memref_slice %arg19[%dma_wait3A_183, %dma_wait3A_184] : memref<10000x32xf32, #tpu.memory_space<vmem_shared>> -> memref<10000x32xf32, #tpu.memory_space<vmem_shared>>
      tpu.wait_indirect_dma semaphore(%arg20 : memref<!tpu.dma_semaphore, #tpu.memory_space<semaphore_mem>>) src(%dma_wait3A_185 : memref<10000x32xf32, #tpu.memory_space<vmem_shared>>) dst(%arg14 : memref<128x32xf32, #tpu.memory_space<vmem>>)
      %add3A_186 = arith.constant 5 : i32
      %add3A_187 = arith.addi %add3A_179, %add3A_186 : i32
      %lt3A_188 = arith.constant 160 : i32
      %lt3A_189 = arith.cmpi slt, %add3A_187, %lt3A_188 : i32
      %convert_element_type3A_190 = arith.extui %lt3A_189 : i1 to i32
      %cond3A_191 = arith.constant 0 : i32
      %cond3A_192 = arith.cmpi ne, %convert_element_type3A_190, %cond3A_191 : i32
      scf.if %cond3A_192 {
        %add3A_244 = arith.constant 5 : i32
        %add3A_245 = arith.addi %add3A_179, %add3A_244 : i32
        %dma_start3A_246 = arith.constant 0 : i32
        %dma_start3A_247 = tpu.memref_slice %arg6[%add3A_245, %dma_start3A_246] : memref<160x128xi32, #tpu.memory_space<vmem>> -> memref<1x128xi32, #tpu.memory_space<vmem>>
        %dma_start3A_248 = tpu.memref_squeeze %dma_start3A_247 : memref<1x128xi32, #tpu.memory_space<vmem>> -> memref<128xi32, #tpu.memory_space<vmem>>
        %dma_start3A_249 = arith.constant 0 : i32
        %dma_start3A_250 = arith.constant 0 : i32
        %dma_start3A_251 = tpu.memref_slice %arg19[%dma_start3A_249, %dma_start3A_250] : memref<10000x32xf32, #tpu.memory_space<vmem_shared>> -> memref<10000x32xf32, #tpu.memory_space<vmem_shared>>
        tpu.enqueue_indirect_dma source(%dma_start3A_251 : memref<10000x32xf32, #tpu.memory_space<vmem_shared>>) target(%arg9 : memref<128x32xf32, #tpu.memory_space<vmem>>) offsets(%dma_start3A_248 : memref<128xi32, #tpu.memory_space<vmem>>) semaphore(%arg20 : memref<!tpu.dma_semaphore, #tpu.memory_space<semaphore_mem>>)
      } else {
      }
      %mul3A_193 = arith.constant 10 : i32
      %mul3A_194 = arith.muli %scan3A_77, %mul3A_193 : i32
      %add3A_195 = arith.constant 7 : i32
      %add3A_196 = arith.addi %mul3A_194, %add3A_195 : i32
      %dma_wait3A_197 = arith.constant 0 : i32
      %dma_wait3A_198 = tpu.memref_slice %arg6[%add3A_196, %dma_wait3A_197] : memref<160x128xi32, #tpu.memory_space<vmem>> -> memref<1x128xi32, #tpu.memory_space<vmem>>
      %dma_wait3A_199 = tpu.memref_squeeze %dma_wait3A_198 : memref<1x128xi32, #tpu.memory_space<vmem>> -> memref<128xi32, #tpu.memory_space<vmem>>
      %dma_wait3A_200 = arith.constant 0 : i32
      %dma_wait3A_201 = arith.constant 0 : i32
      %dma_wait3A_202 = tpu.memref_slice %arg19[%dma_wait3A_200, %dma_wait3A_201] : memref<10000x32xf32, #tpu.memory_space<vmem_shared>> -> memref<10000x32xf32, #tpu.memory_space<vmem_shared>>
      tpu.wait_indirect_dma semaphore(%arg20 : memref<!tpu.dma_semaphore, #tpu.memory_space<semaphore_mem>>) src(%dma_wait3A_202 : memref<10000x32xf32, #tpu.memory_space<vmem_shared>>) dst(%arg15 : memref<128x32xf32, #tpu.memory_space<vmem>>)
      %add3A_203 = arith.constant 5 : i32
      %add3A_204 = arith.addi %add3A_196, %add3A_203 : i32
      %lt3A_205 = arith.constant 160 : i32
      %lt3A_206 = arith.cmpi slt, %add3A_204, %lt3A_205 : i32
      %convert_element_type3A_207 = arith.extui %lt3A_206 : i1 to i32
      %cond3A_208 = arith.constant 0 : i32
      %cond3A_209 = arith.cmpi ne, %convert_element_type3A_207, %cond3A_208 : i32
      scf.if %cond3A_209 {
        %add3A_244 = arith.constant 5 : i32
        %add3A_245 = arith.addi %add3A_196, %add3A_244 : i32
        %dma_start3A_246 = arith.constant 0 : i32
        %dma_start3A_247 = tpu.memref_slice %arg6[%add3A_245, %dma_start3A_246] : memref<160x128xi32, #tpu.memory_space<vmem>> -> memref<1x128xi32, #tpu.memory_space<vmem>>
        %dma_start3A_248 = tpu.memref_squeeze %dma_start3A_247 : memref<1x128xi32, #tpu.memory_space<vmem>> -> memref<128xi32, #tpu.memory_space<vmem>>
        %dma_start3A_249 = arith.constant 0 : i32
        %dma_start3A_250 = arith.constant 0 : i32
        %dma_start3A_251 = tpu.memref_slice %arg19[%dma_start3A_249, %dma_start3A_250] : memref<10000x32xf32, #tpu.memory_space<vmem_shared>> -> memref<10000x32xf32, #tpu.memory_space<vmem_shared>>
        tpu.enqueue_indirect_dma source(%dma_start3A_251 : memref<10000x32xf32, #tpu.memory_space<vmem_shared>>) target(%arg10 : memref<128x32xf32, #tpu.memory_space<vmem>>) offsets(%dma_start3A_248 : memref<128xi32, #tpu.memory_space<vmem>>) semaphore(%arg20 : memref<!tpu.dma_semaphore, #tpu.memory_space<semaphore_mem>>)
      } else {
      }
      %mul3A_210 = arith.constant 10 : i32
      %mul3A_211 = arith.muli %scan3A_77, %mul3A_210 : i32
      %add3A_212 = arith.constant 8 : i32
      %add3A_213 = arith.addi %mul3A_211, %add3A_212 : i32
      %dma_wait3A_214 = arith.constant 0 : i32
      %dma_wait3A_215 = tpu.memref_slice %arg6[%add3A_213, %dma_wait3A_214] : memref<160x128xi32, #tpu.memory_space<vmem>> -> memref<1x128xi32, #tpu.memory_space<vmem>>
      %dma_wait3A_216 = tpu.memref_squeeze %dma_wait3A_215 : memref<1x128xi32, #tpu.memory_space<vmem>> -> memref<128xi32, #tpu.memory_space<vmem>>
      %dma_wait3A_217 = arith.constant 0 : i32
      %dma_wait3A_218 = arith.constant 0 : i32
      %dma_wait3A_219 = tpu.memref_slice %arg19[%dma_wait3A_217, %dma_wait3A_218] : memref<10000x32xf32, #tpu.memory_space<vmem_shared>> -> memref<10000x32xf32, #tpu.memory_space<vmem_shared>>
      tpu.wait_indirect_dma semaphore(%arg20 : memref<!tpu.dma_semaphore, #tpu.memory_space<semaphore_mem>>) src(%dma_wait3A_219 : memref<10000x32xf32, #tpu.memory_space<vmem_shared>>) dst(%arg16 : memref<128x32xf32, #tpu.memory_space<vmem>>)
      %add3A_220 = arith.constant 5 : i32
      %add3A_221 = arith.addi %add3A_213, %add3A_220 : i32
      %lt3A_222 = arith.constant 160 : i32
      %lt3A_223 = arith.cmpi slt, %add3A_221, %lt3A_222 : i32
      %convert_element_type3A_224 = arith.extui %lt3A_223 : i1 to i32
      %cond3A_225 = arith.constant 0 : i32
      %cond3A_226 = arith.cmpi ne, %convert_element_type3A_224, %cond3A_225 : i32
      scf.if %cond3A_226 {
        %add3A_244 = arith.constant 5 : i32
        %add3A_245 = arith.addi %add3A_213, %add3A_244 : i32
        %dma_start3A_246 = arith.constant 0 : i32
        %dma_start3A_247 = tpu.memref_slice %arg6[%add3A_245, %dma_start3A_246] : memref<160x128xi32, #tpu.memory_space<vmem>> -> memref<1x128xi32, #tpu.memory_space<vmem>>
        %dma_start3A_248 = tpu.memref_squeeze %dma_start3A_247 : memref<1x128xi32, #tpu.memory_space<vmem>> -> memref<128xi32, #tpu.memory_space<vmem>>
        %dma_start3A_249 = arith.constant 0 : i32
        %dma_start3A_250 = arith.constant 0 : i32
        %dma_start3A_251 = tpu.memref_slice %arg19[%dma_start3A_249, %dma_start3A_250] : memref<10000x32xf32, #tpu.memory_space<vmem_shared>> -> memref<10000x32xf32, #tpu.memory_space<vmem_shared>>
        tpu.enqueue_indirect_dma source(%dma_start3A_251 : memref<10000x32xf32, #tpu.memory_space<vmem_shared>>) target(%arg11 : memref<128x32xf32, #tpu.memory_space<vmem>>) offsets(%dma_start3A_248 : memref<128xi32, #tpu.memory_space<vmem>>) semaphore(%arg20 : memref<!tpu.dma_semaphore, #tpu.memory_space<semaphore_mem>>)
      } else {
      }
      %mul3A_227 = arith.constant 10 : i32
      %mul3A_228 = arith.muli %scan3A_77, %mul3A_227 : i32
      %add3A_229 = arith.constant 9 : i32
      %add3A_230 = arith.addi %mul3A_228, %add3A_229 : i32
      %dma_wait3A_231 = arith.constant 0 : i32
      %dma_wait3A_232 = tpu.memref_slice %arg6[%add3A_230, %dma_wait3A_231] : memref<160x128xi32, #tpu.memory_space<vmem>> -> memref<1x128xi32, #tpu.memory_space<vmem>>
      %dma_wait3A_233 = tpu.memref_squeeze %dma_wait3A_232 : memref<1x128xi32, #tpu.memory_space<vmem>> -> memref<128xi32, #tpu.memory_space<vmem>>
      %dma_wait3A_234 = arith.constant 0 : i32
      %dma_wait3A_235 = arith.constant 0 : i32
      %dma_wait3A_236 = tpu.memref_slice %arg19[%dma_wait3A_234, %dma_wait3A_235] : memref<10000x32xf32, #tpu.memory_space<vmem_shared>> -> memref<10000x32xf32, #tpu.memory_space<vmem_shared>>
      tpu.wait_indirect_dma semaphore(%arg20 : memref<!tpu.dma_semaphore, #tpu.memory_space<semaphore_mem>>) src(%dma_wait3A_236 : memref<10000x32xf32, #tpu.memory_space<vmem_shared>>) dst(%arg17 : memref<128x32xf32, #tpu.memory_space<vmem>>)
      %add3A_237 = arith.constant 5 : i32
      %add3A_238 = arith.addi %add3A_230, %add3A_237 : i32
      %lt3A_239 = arith.constant 160 : i32
      %lt3A_240 = arith.cmpi slt, %add3A_238, %lt3A_239 : i32
      %convert_element_type3A_241 = arith.extui %lt3A_240 : i1 to i32
      %cond3A_242 = arith.constant 0 : i32
      %cond3A_243 = arith.cmpi ne, %convert_element_type3A_241, %cond3A_242 : i32
      scf.if %cond3A_243 {
        %add3A_244 = arith.constant 5 : i32
        %add3A_245 = arith.addi %add3A_230, %add3A_244 : i32
        %dma_start3A_246 = arith.constant 0 : i32
        %dma_start3A_247 = tpu.memref_slice %arg6[%add3A_245, %dma_start3A_246] : memref<160x128xi32, #tpu.memory_space<vmem>> -> memref<1x128xi32, #tpu.memory_space<vmem>>
        %dma_start3A_248 = tpu.memref_squeeze %dma_start3A_247 : memref<1x128xi32, #tpu.memory_space<vmem>> -> memref<128xi32, #tpu.memory_space<vmem>>
        %dma_start3A_249 = arith.constant 0 : i32
        %dma_start3A_250 = arith.constant 0 : i32
        %dma_start3A_251 = tpu.memref_slice %arg19[%dma_start3A_249, %dma_start3A_250] : memref<10000x32xf32, #tpu.memory_space<vmem_shared>> -> memref<10000x32xf32, #tpu.memory_space<vmem_shared>>
        tpu.enqueue_indirect_dma source(%dma_start3A_251 : memref<10000x32xf32, #tpu.memory_space<vmem_shared>>) target(%arg12 : memref<128x32xf32, #tpu.memory_space<vmem>>) offsets(%dma_start3A_248 : memref<128xi32, #tpu.memory_space<vmem>>) semaphore(%arg20 : memref<!tpu.dma_semaphore, #tpu.memory_space<semaphore_mem>>)
      } else {
      }
    }
    %scan3A_65 = arith.constant 16 : i32
    %barrier3A_66 = arith.constant 0 : index
    tpu.barrier barrier_id(%barrier3A_66)
    %add3A_67 = arith.constant 0 : i32
    %add3A_68 = arith.addi %mul3A_8, %add3A_67 : i32
    "tpu.region"() ({
      %run_scoped3A = tpu.sem_alloc : memref<!tpu.dma_semaphore, #tpu.memory_space<semaphore_mem>>
      %dma_start3A_77 = tpu.memref_slice %arg5[%add3A_68, %mul3A_0] : memref<10240x128xf32, #tpu.memory_space<hbm>> -> memref<128x32xf32, #tpu.memory_space<hbm>>
      %dma_start3A_78 = arith.constant 0 : i32
      %dma_start3A_79 = tpu.memref_slice %arg18[%add3A_68, %dma_start3A_78] : memref<10240x32xf32, #tpu.memory_space<vmem_shared>> -> memref<128x32xf32, #tpu.memory_space<vmem_shared>>
      tpu.enqueue_dma source(%dma_start3A_79 : memref<128x32xf32, #tpu.memory_space<vmem_shared>>) target(%dma_start3A_77 : memref<128x32xf32, #tpu.memory_space<hbm>>) target_semaphore(%run_scoped3A : memref<!tpu.dma_semaphore, #tpu.memory_space<semaphore_mem>>)
      %dma_wait3A = tpu.memref_slice %arg5[%add3A_68, %mul3A_0] : memref<10240x128xf32, #tpu.memory_space<hbm>> -> memref<128x32xf32, #tpu.memory_space<hbm>>
      %dma_wait3A_80 = arith.constant 0 : i32
      %dma_wait3A_81 = tpu.memref_slice %arg18[%add3A_68, %dma_wait3A_80] : memref<10240x32xf32, #tpu.memory_space<vmem_shared>> -> memref<128x32xf32, #tpu.memory_space<vmem_shared>>
      tpu.wait_dma2 semaphore(%run_scoped3A : memref<!tpu.dma_semaphore, #tpu.memory_space<semaphore_mem>>) src(%dma_wait3A_81 : memref<128x32xf32, #tpu.memory_space<vmem_shared>>) dst(%dma_wait3A : memref<128x32xf32, #tpu.memory_space<hbm>>)
      tpu.yield
    }) : () -> ()
    %add3A_69 = arith.constant 128 : i32
    %add3A_70 = arith.addi %mul3A_8, %add3A_69 : i32
    "tpu.region"() ({
      %run_scoped3A = tpu.sem_alloc : memref<!tpu.dma_semaphore, #tpu.memory_space<semaphore_mem>>
      %dma_start3A_77 = tpu.memref_slice %arg5[%add3A_70, %mul3A_0] : memref<10240x128xf32, #tpu.memory_space<hbm>> -> memref<128x32xf32, #tpu.memory_space<hbm>>
      %dma_start3A_78 = arith.constant 0 : i32
      %dma_start3A_79 = tpu.memref_slice %arg18[%add3A_70, %dma_start3A_78] : memref<10240x32xf32, #tpu.memory_space<vmem_shared>> -> memref<128x32xf32, #tpu.memory_space<vmem_shared>>
      tpu.enqueue_dma source(%dma_start3A_79 : memref<128x32xf32, #tpu.memory_space<vmem_shared>>) target(%dma_start3A_77 : memref<128x32xf32, #tpu.memory_space<hbm>>) target_semaphore(%run_scoped3A : memref<!tpu.dma_semaphore, #tpu.memory_space<semaphore_mem>>)
      %dma_wait3A = tpu.memref_slice %arg5[%add3A_70, %mul3A_0] : memref<10240x128xf32, #tpu.memory_space<hbm>> -> memref<128x32xf32, #tpu.memory_space<hbm>>
      %dma_wait3A_80 = arith.constant 0 : i32
      %dma_wait3A_81 = tpu.memref_slice %arg18[%add3A_70, %dma_wait3A_80] : memref<10240x32xf32, #tpu.memory_space<vmem_shared>> -> memref<128x32xf32, #tpu.memory_space<vmem_shared>>
      tpu.wait_dma2 semaphore(%run_scoped3A : memref<!tpu.dma_semaphore, #tpu.memory_space<semaphore_mem>>) src(%dma_wait3A_81 : memref<128x32xf32, #tpu.memory_space<vmem_shared>>) dst(%dma_wait3A : memref<128x32xf32, #tpu.memory_space<hbm>>)
      tpu.yield
    }) : () -> ()
    %add3A_71 = arith.constant 256 : i32
    %add3A_72 = arith.addi %mul3A_8, %add3A_71 : i32
    "tpu.region"() ({
      %run_scoped3A = tpu.sem_alloc : memref<!tpu.dma_semaphore, #tpu.memory_space<semaphore_mem>>
      %dma_start3A_77 = tpu.memref_slice %arg5[%add3A_72, %mul3A_0] : memref<10240x128xf32, #tpu.memory_space<hbm>> -> memref<128x32xf32, #tpu.memory_space<hbm>>
      %dma_start3A_78 = arith.constant 0 : i32
      %dma_start3A_79 = tpu.memref_slice %arg18[%add3A_72, %dma_start3A_78] : memref<10240x32xf32, #tpu.memory_space<vmem_shared>> -> memref<128x32xf32, #tpu.memory_space<vmem_shared>>
      tpu.enqueue_dma source(%dma_start3A_79 : memref<128x32xf32, #tpu.memory_space<vmem_shared>>) target(%dma_start3A_77 : memref<128x32xf32, #tpu.memory_space<hbm>>) target_semaphore(%run_scoped3A : memref<!tpu.dma_semaphore, #tpu.memory_space<semaphore_mem>>)
      %dma_wait3A = tpu.memref_slice %arg5[%add3A_72, %mul3A_0] : memref<10240x128xf32, #tpu.memory_space<hbm>> -> memref<128x32xf32, #tpu.memory_space<hbm>>
      %dma_wait3A_80 = arith.constant 0 : i32
      %dma_wait3A_81 = tpu.memref_slice %arg18[%add3A_72, %dma_wait3A_80] : memref<10240x32xf32, #tpu.memory_space<vmem_shared>> -> memref<128x32xf32, #tpu.memory_space<vmem_shared>>
      tpu.wait_dma2 semaphore(%run_scoped3A : memref<!tpu.dma_semaphore, #tpu.memory_space<semaphore_mem>>) src(%dma_wait3A_81 : memref<128x32xf32, #tpu.memory_space<vmem_shared>>) dst(%dma_wait3A : memref<128x32xf32, #tpu.memory_space<hbm>>)
      tpu.yield
    }) : () -> ()
    %add3A_73 = arith.constant 384 : i32
    %add3A_74 = arith.addi %mul3A_8, %add3A_73 : i32
    "tpu.region"() ({
      %run_scoped3A = tpu.sem_alloc : memref<!tpu.dma_semaphore, #tpu.memory_space<semaphore_mem>>
      %dma_start3A_77 = tpu.memref_slice %arg5[%add3A_74, %mul3A_0] : memref<10240x128xf32, #tpu.memory_space<hbm>> -> memref<128x32xf32, #tpu.memory_space<hbm>>
      %dma_start3A_78 = arith.constant 0 : i32
      %dma_start3A_79 = tpu.memref_slice %arg18[%add3A_74, %dma_start3A_78] : memref<10240x32xf32, #tpu.memory_space<vmem_shared>> -> memref<128x32xf32, #tpu.memory_space<vmem_shared>>
      tpu.enqueue_dma source(%dma_start3A_79 : memref<128x32xf32, #tpu.memory_space<vmem_shared>>) target(%dma_start3A_77 : memref<128x32xf32, #tpu.memory_space<hbm>>) target_semaphore(%run_scoped3A : memref<!tpu.dma_semaphore, #tpu.memory_space<semaphore_mem>>)
      %dma_wait3A = tpu.memref_slice %arg5[%add3A_74, %mul3A_0] : memref<10240x128xf32, #tpu.memory_space<hbm>> -> memref<128x32xf32, #tpu.memory_space<hbm>>
      %dma_wait3A_80 = arith.constant 0 : i32
      %dma_wait3A_81 = tpu.memref_slice %arg18[%add3A_74, %dma_wait3A_80] : memref<10240x32xf32, #tpu.memory_space<vmem_shared>> -> memref<128x32xf32, #tpu.memory_space<vmem_shared>>
      tpu.wait_dma2 semaphore(%run_scoped3A : memref<!tpu.dma_semaphore, #tpu.memory_space<semaphore_mem>>) src(%dma_wait3A_81 : memref<128x32xf32, #tpu.memory_space<vmem_shared>>) dst(%dma_wait3A : memref<128x32xf32, #tpu.memory_space<hbm>>)
      tpu.yield
    }) : () -> ()
    %add3A_75 = arith.constant 512 : i32
    %add3A_76 = arith.addi %mul3A_8, %add3A_75 : i32
    "tpu.region"() ({
      %run_scoped3A = tpu.sem_alloc : memref<!tpu.dma_semaphore, #tpu.memory_space<semaphore_mem>>
      %dma_start3A_77 = tpu.memref_slice %arg5[%add3A_76, %mul3A_0] : memref<10240x128xf32, #tpu.memory_space<hbm>> -> memref<128x32xf32, #tpu.memory_space<hbm>>
      %dma_start3A_78 = arith.constant 0 : i32
      %dma_start3A_79 = tpu.memref_slice %arg18[%add3A_76, %dma_start3A_78] : memref<10240x32xf32, #tpu.memory_space<vmem_shared>> -> memref<128x32xf32, #tpu.memory_space<vmem_shared>>
      tpu.enqueue_dma source(%dma_start3A_79 : memref<128x32xf32, #tpu.memory_space<vmem_shared>>) target(%dma_start3A_77 : memref<128x32xf32, #tpu.memory_space<hbm>>) target_semaphore(%run_scoped3A : memref<!tpu.dma_semaphore, #tpu.memory_space<semaphore_mem>>)
      %dma_wait3A = tpu.memref_slice %arg5[%add3A_76, %mul3A_0] : memref<10240x128xf32, #tpu.memory_space<hbm>> -> memref<128x32xf32, #tpu.memory_space<hbm>>
      %dma_wait3A_80 = arith.constant 0 : i32
      %dma_wait3A_81 = tpu.memref_slice %arg18[%add3A_76, %dma_wait3A_80] : memref<10240x32xf32, #tpu.memory_space<vmem_shared>> -> memref<128x32xf32, #tpu.memory_space<vmem_shared>>
      tpu.wait_dma2 semaphore(%run_scoped3A : memref<!tpu.dma_semaphore, #tpu.memory_space<semaphore_mem>>) src(%dma_wait3A_81 : memref<128x32xf32, #tpu.memory_space<vmem_shared>>) dst(%dma_wait3A : memref<128x32xf32, #tpu.memory_space<hbm>>)
      tpu.yield
    }) : () -> ()
    return
  }
}

#map = affine_map<(d0, d1) -> (0, 0)>
module attributes {stable_mosaic.version = 14 : i64} {
  func.func @k(%arg0: i32, %arg1: i32, %arg2: memref<2560x128xi32, #tpu.memory_space<hbm>>, %arg3: memref<10240x128xf32, #tpu.memory_space<hbm>>, %arg4: memref<80x128xi32, #tpu.memory_space<vmem>>, %arg5: memref<128x16xf32, #tpu.memory_space<vmem>>, %arg6: memref<128x16xf32, #tpu.memory_space<vmem>>, %arg7: memref<10240x16xf32, #tpu.memory_space<vmem_shared>>) attributes {dimension_semantics = [#tpu.dimension_semantics<core_parallel>, #tpu.dimension_semantics<subcore_parallel>], iteration_bounds = array<i64: 2, 16>, scalar_prefetch = 0 : i64, scratch_operands = 4 : i64, tpu.core_type = #tpu.core_type<sc_vector_subcore>, window_params = [{transform_indices = #map}, {transform_indices = #map}]} {
    %mul3A = arith.constant 2 : i32
    %mul3A_0 = arith.muli %arg1, %mul3A : i32
    %add3A = arith.addi %mul3A_0, %arg0 : i32
    %broadcast_in_dim3A = arith.constant 0.000000e+00 : f32
    %broadcast_in_dim3A_1 = vector.broadcast %broadcast_in_dim3A : f32 to vector<16xf32>
    %broadcast_in_dim3A_2 = arith.constant 1.000000e+00 : f32
    %broadcast_in_dim3A_3 = vector.broadcast %broadcast_in_dim3A_2 : f32 to vector<16xf32>
    %scan3A = arith.constant 0 : i32
    %scan3A_4 = arith.constant 0 : i32
    %scan3A_5 = arith.constant 128 : i32
    %scan3A_6 = arith.addi %scan3A_4, %scan3A_5 : i32
    %scan3A_7 = arith.constant 1 : i32
    scf.for %scan3A_50 = %scan3A_4 to %scan3A_6 step %scan3A_7  : i32 {
      %swap3A = arith.index_cast %scan3A_50 : i32 to index
      %swap3A_51 = arith.constant 0 : index
      %swap3A_52 = tpu.vector_load %arg6[%swap3A, %swap3A_51] {strides = array<i32>} : memref<128x16xf32, #tpu.memory_space<vmem>>, vector<1x16xf32>,
      %swap3A_53 = vector.shape_cast %swap3A_52 : vector<1x16xf32> to vector<16xf32>
      %swap3A_54 = vector.shape_cast %broadcast_in_dim3A_1 : vector<16xf32> to vector<1x16xf32>
      tpu.vector_store %arg6[%swap3A, %swap3A_51], %swap3A_54 {strides = array<i32>} : memref<128x16xf32, #tpu.memory_space<vmem>>, vector<1x16xf32>,
      %swap3A_55 = arith.index_cast %scan3A_50 : i32 to index
      %swap3A_56 = arith.constant 0 : index
      %swap3A_57 = tpu.vector_load %arg5[%swap3A_55, %swap3A_56] {strides = array<i32>} : memref<128x16xf32, #tpu.memory_space<vmem>>, vector<1x16xf32>,
      %swap3A_58 = vector.shape_cast %swap3A_57 : vector<1x16xf32> to vector<16xf32>
      %swap3A_59 = vector.shape_cast %broadcast_in_dim3A_3 : vector<16xf32> to vector<1x16xf32>
      tpu.vector_store %arg5[%swap3A_55, %swap3A_56], %swap3A_59 {strides = array<i32>} : memref<128x16xf32, #tpu.memory_space<vmem>>, vector<1x16xf32>,
    }
    %scan3A_8 = arith.constant 128 : i32
    %mul3A_9 = arith.constant 640 : i32
    %mul3A_10 = arith.muli %arg1, %mul3A_9 : i32
    %add3A_11 = arith.constant 0 : i32
    %add3A_12 = arith.addi %mul3A_10, %add3A_11 : i32
    "tpu.region"() ({
      %run_scoped3A = tpu.sem_alloc : memref<!tpu.dma_semaphore, #tpu.memory_space<semaphore_mem>>
      %dma_start3A = arith.constant 0 : i32
      %dma_start3A_50 = tpu.memref_slice %arg7[%add3A_12, %dma_start3A] : memref<10240x16xf32, #tpu.memory_space<vmem_shared>> -> memref<128x16xf32, #tpu.memory_space<vmem_shared>>
      %dma_start3A_51 = arith.constant 0 : i32
      %dma_start3A_52 = tpu.memref_slice %arg7[%add3A_12, %dma_start3A_51] : memref<10240x16xf32, #tpu.memory_space<vmem_shared>> -> memref<128x16xf32, #tpu.memory_space<vmem_shared>>
      tpu.enqueue_dma source(%arg6 : memref<128x16xf32, #tpu.memory_space<vmem>>) target(%dma_start3A_52 : memref<128x16xf32, #tpu.memory_space<vmem_shared>>) target_semaphore(%run_scoped3A : memref<!tpu.dma_semaphore, #tpu.memory_space<semaphore_mem>>)
      %dma_wait3A = arith.constant 0 : i32
      %dma_wait3A_53 = tpu.memref_slice %arg7[%add3A_12, %dma_wait3A] : memref<10240x16xf32, #tpu.memory_space<vmem_shared>> -> memref<128x16xf32, #tpu.memory_space<vmem_shared>>
      %dma_wait3A_54 = arith.constant 0 : i32
      %dma_wait3A_55 = tpu.memref_slice %arg7[%add3A_12, %dma_wait3A_54] : memref<10240x16xf32, #tpu.memory_space<vmem_shared>> -> memref<128x16xf32, #tpu.memory_space<vmem_shared>>
      tpu.wait_dma2 semaphore(%run_scoped3A : memref<!tpu.dma_semaphore, #tpu.memory_space<semaphore_mem>>) src(%arg6 : memref<128x16xf32, #tpu.memory_space<vmem>>) dst(%dma_wait3A_55 : memref<128x16xf32, #tpu.memory_space<vmem_shared>>)
      tpu.yield
    }) : () -> ()
    %add3A_13 = arith.constant 128 : i32
    %add3A_14 = arith.addi %mul3A_10, %add3A_13 : i32
    "tpu.region"() ({
      %run_scoped3A = tpu.sem_alloc : memref<!tpu.dma_semaphore, #tpu.memory_space<semaphore_mem>>
      %dma_start3A = arith.constant 0 : i32
      %dma_start3A_50 = tpu.memref_slice %arg7[%add3A_14, %dma_start3A] : memref<10240x16xf32, #tpu.memory_space<vmem_shared>> -> memref<128x16xf32, #tpu.memory_space<vmem_shared>>
      %dma_start3A_51 = arith.constant 0 : i32
      %dma_start3A_52 = tpu.memref_slice %arg7[%add3A_14, %dma_start3A_51] : memref<10240x16xf32, #tpu.memory_space<vmem_shared>> -> memref<128x16xf32, #tpu.memory_space<vmem_shared>>
      tpu.enqueue_dma source(%arg6 : memref<128x16xf32, #tpu.memory_space<vmem>>) target(%dma_start3A_52 : memref<128x16xf32, #tpu.memory_space<vmem_shared>>) target_semaphore(%run_scoped3A : memref<!tpu.dma_semaphore, #tpu.memory_space<semaphore_mem>>)
      %dma_wait3A = arith.constant 0 : i32
      %dma_wait3A_53 = tpu.memref_slice %arg7[%add3A_14, %dma_wait3A] : memref<10240x16xf32, #tpu.memory_space<vmem_shared>> -> memref<128x16xf32, #tpu.memory_space<vmem_shared>>
      %dma_wait3A_54 = arith.constant 0 : i32
      %dma_wait3A_55 = tpu.memref_slice %arg7[%add3A_14, %dma_wait3A_54] : memref<10240x16xf32, #tpu.memory_space<vmem_shared>> -> memref<128x16xf32, #tpu.memory_space<vmem_shared>>
      tpu.wait_dma2 semaphore(%run_scoped3A : memref<!tpu.dma_semaphore, #tpu.memory_space<semaphore_mem>>) src(%arg6 : memref<128x16xf32, #tpu.memory_space<vmem>>) dst(%dma_wait3A_55 : memref<128x16xf32, #tpu.memory_space<vmem_shared>>)
      tpu.yield
    }) : () -> ()
    %add3A_15 = arith.constant 256 : i32
    %add3A_16 = arith.addi %mul3A_10, %add3A_15 : i32
    "tpu.region"() ({
      %run_scoped3A = tpu.sem_alloc : memref<!tpu.dma_semaphore, #tpu.memory_space<semaphore_mem>>
      %dma_start3A = arith.constant 0 : i32
      %dma_start3A_50 = tpu.memref_slice %arg7[%add3A_16, %dma_start3A] : memref<10240x16xf32, #tpu.memory_space<vmem_shared>> -> memref<128x16xf32, #tpu.memory_space<vmem_shared>>
      %dma_start3A_51 = arith.constant 0 : i32
      %dma_start3A_52 = tpu.memref_slice %arg7[%add3A_16, %dma_start3A_51] : memref<10240x16xf32, #tpu.memory_space<vmem_shared>> -> memref<128x16xf32, #tpu.memory_space<vmem_shared>>
      tpu.enqueue_dma source(%arg6 : memref<128x16xf32, #tpu.memory_space<vmem>>) target(%dma_start3A_52 : memref<128x16xf32, #tpu.memory_space<vmem_shared>>) target_semaphore(%run_scoped3A : memref<!tpu.dma_semaphore, #tpu.memory_space<semaphore_mem>>)
      %dma_wait3A = arith.constant 0 : i32
      %dma_wait3A_53 = tpu.memref_slice %arg7[%add3A_16, %dma_wait3A] : memref<10240x16xf32, #tpu.memory_space<vmem_shared>> -> memref<128x16xf32, #tpu.memory_space<vmem_shared>>
      %dma_wait3A_54 = arith.constant 0 : i32
      %dma_wait3A_55 = tpu.memref_slice %arg7[%add3A_16, %dma_wait3A_54] : memref<10240x16xf32, #tpu.memory_space<vmem_shared>> -> memref<128x16xf32, #tpu.memory_space<vmem_shared>>
      tpu.wait_dma2 semaphore(%run_scoped3A : memref<!tpu.dma_semaphore, #tpu.memory_space<semaphore_mem>>) src(%arg6 : memref<128x16xf32, #tpu.memory_space<vmem>>) dst(%dma_wait3A_55 : memref<128x16xf32, #tpu.memory_space<vmem_shared>>)
      tpu.yield
    }) : () -> ()
    %add3A_17 = arith.constant 384 : i32
    %add3A_18 = arith.addi %mul3A_10, %add3A_17 : i32
    "tpu.region"() ({
      %run_scoped3A = tpu.sem_alloc : memref<!tpu.dma_semaphore, #tpu.memory_space<semaphore_mem>>
      %dma_start3A = arith.constant 0 : i32
      %dma_start3A_50 = tpu.memref_slice %arg7[%add3A_18, %dma_start3A] : memref<10240x16xf32, #tpu.memory_space<vmem_shared>> -> memref<128x16xf32, #tpu.memory_space<vmem_shared>>
      %dma_start3A_51 = arith.constant 0 : i32
      %dma_start3A_52 = tpu.memref_slice %arg7[%add3A_18, %dma_start3A_51] : memref<10240x16xf32, #tpu.memory_space<vmem_shared>> -> memref<128x16xf32, #tpu.memory_space<vmem_shared>>
      tpu.enqueue_dma source(%arg6 : memref<128x16xf32, #tpu.memory_space<vmem>>) target(%dma_start3A_52 : memref<128x16xf32, #tpu.memory_space<vmem_shared>>) target_semaphore(%run_scoped3A : memref<!tpu.dma_semaphore, #tpu.memory_space<semaphore_mem>>)
      %dma_wait3A = arith.constant 0 : i32
      %dma_wait3A_53 = tpu.memref_slice %arg7[%add3A_18, %dma_wait3A] : memref<10240x16xf32, #tpu.memory_space<vmem_shared>> -> memref<128x16xf32, #tpu.memory_space<vmem_shared>>
      %dma_wait3A_54 = arith.constant 0 : i32
      %dma_wait3A_55 = tpu.memref_slice %arg7[%add3A_18, %dma_wait3A_54] : memref<10240x16xf32, #tpu.memory_space<vmem_shared>> -> memref<128x16xf32, #tpu.memory_space<vmem_shared>>
      tpu.wait_dma2 semaphore(%run_scoped3A : memref<!tpu.dma_semaphore, #tpu.memory_space<semaphore_mem>>) src(%arg6 : memref<128x16xf32, #tpu.memory_space<vmem>>) dst(%dma_wait3A_55 : memref<128x16xf32, #tpu.memory_space<vmem_shared>>)
      tpu.yield
    }) : () -> ()
    %add3A_19 = arith.constant 512 : i32
    %add3A_20 = arith.addi %mul3A_10, %add3A_19 : i32
    "tpu.region"() ({
      %run_scoped3A = tpu.sem_alloc : memref<!tpu.dma_semaphore, #tpu.memory_space<semaphore_mem>>
      %dma_start3A = arith.constant 0 : i32
      %dma_start3A_50 = tpu.memref_slice %arg7[%add3A_20, %dma_start3A] : memref<10240x16xf32, #tpu.memory_space<vmem_shared>> -> memref<128x16xf32, #tpu.memory_space<vmem_shared>>
      %dma_start3A_51 = arith.constant 0 : i32
      %dma_start3A_52 = tpu.memref_slice %arg7[%add3A_20, %dma_start3A_51] : memref<10240x16xf32, #tpu.memory_space<vmem_shared>> -> memref<128x16xf32, #tpu.memory_space<vmem_shared>>
      tpu.enqueue_dma source(%arg6 : memref<128x16xf32, #tpu.memory_space<vmem>>) target(%dma_start3A_52 : memref<128x16xf32, #tpu.memory_space<vmem_shared>>) target_semaphore(%run_scoped3A : memref<!tpu.dma_semaphore, #tpu.memory_space<semaphore_mem>>)
      %dma_wait3A = arith.constant 0 : i32
      %dma_wait3A_53 = tpu.memref_slice %arg7[%add3A_20, %dma_wait3A] : memref<10240x16xf32, #tpu.memory_space<vmem_shared>> -> memref<128x16xf32, #tpu.memory_space<vmem_shared>>
      %dma_wait3A_54 = arith.constant 0 : i32
      %dma_wait3A_55 = tpu.memref_slice %arg7[%add3A_20, %dma_wait3A_54] : memref<10240x16xf32, #tpu.memory_space<vmem_shared>> -> memref<128x16xf32, #tpu.memory_space<vmem_shared>>
      tpu.wait_dma2 semaphore(%run_scoped3A : memref<!tpu.dma_semaphore, #tpu.memory_space<semaphore_mem>>) src(%arg6 : memref<128x16xf32, #tpu.memory_space<vmem>>) dst(%dma_wait3A_55 : memref<128x16xf32, #tpu.memory_space<vmem_shared>>)
      tpu.yield
    }) : () -> ()
    %mul3A_21 = arith.constant 80 : i32
    %mul3A_22 = arith.muli %add3A, %mul3A_21 : i32
    "tpu.region"() ({
      %run_scoped3A = tpu.sem_alloc : memref<!tpu.dma_semaphore, #tpu.memory_space<semaphore_mem>>
      %dma_start3A = arith.constant 0 : i32
      %dma_start3A_50 = tpu.memref_slice %arg2[%mul3A_22, %dma_start3A] : memref<2560x128xi32, #tpu.memory_space<hbm>> -> memref<80x128xi32, #tpu.memory_space<hbm>>
      %dma_start3A_51 = arith.constant 0 : i32
      %dma_start3A_52 = tpu.memref_slice %arg2[%mul3A_22, %dma_start3A_51] : memref<2560x128xi32, #tpu.memory_space<hbm>> -> memref<80x128xi32, #tpu.memory_space<hbm>>
      tpu.enqueue_dma source(%dma_start3A_52 : memref<80x128xi32, #tpu.memory_space<hbm>>) target(%arg4 : memref<80x128xi32, #tpu.memory_space<vmem>>) target_semaphore(%run_scoped3A : memref<!tpu.dma_semaphore, #tpu.memory_space<semaphore_mem>>)
      %dma_wait3A = arith.constant 0 : i32
      %dma_wait3A_53 = tpu.memref_slice %arg2[%mul3A_22, %dma_wait3A] : memref<2560x128xi32, #tpu.memory_space<hbm>> -> memref<80x128xi32, #tpu.memory_space<hbm>>
      %dma_wait3A_54 = arith.constant 0 : i32
      %dma_wait3A_55 = tpu.memref_slice %arg2[%mul3A_22, %dma_wait3A_54] : memref<2560x128xi32, #tpu.memory_space<hbm>> -> memref<80x128xi32, #tpu.memory_space<hbm>>
      tpu.wait_dma2 semaphore(%run_scoped3A : memref<!tpu.dma_semaphore, #tpu.memory_space<semaphore_mem>>) src(%dma_wait3A_55 : memref<80x128xi32, #tpu.memory_space<hbm>>) dst(%arg4 : memref<80x128xi32, #tpu.memory_space<vmem>>)
      tpu.yield
    }) : () -> ()
    %barrier3A = arith.constant 0 : index
    tpu.barrier barrier_id(%barrier3A)
    %scan3A_23 = arith.constant 0 : i32
    %scan3A_24 = arith.constant 0 : i32
    %scan3A_25 = arith.constant 80 : i32
    %scan3A_26 = arith.addi %scan3A_24, %scan3A_25 : i32
    %scan3A_27 = arith.constant 1 : i32
    scf.for %scan3A_50 = %scan3A_24 to %scan3A_26 step %scan3A_27  : i32 {
      "tpu.region"() ({
        %run_scoped3A = tpu.sem_alloc : memref<!tpu.dma_semaphore, #tpu.memory_space<semaphore_mem>>
        %dma_start3A = arith.constant 0 : i32
        %dma_start3A_51 = tpu.memref_slice %arg4[%scan3A_50, %dma_start3A] : memref<80x128xi32, #tpu.memory_space<vmem>> -> memref<1x128xi32, #tpu.memory_space<vmem>>
        %dma_start3A_52 = tpu.memref_squeeze %dma_start3A_51 : memref<1x128xi32, #tpu.memory_space<vmem>> -> memref<128xi32, #tpu.memory_space<vmem>>
        %dma_start3A_53 = arith.constant 0 : i32
        %dma_start3A_54 = arith.constant 0 : i32
        %dma_start3A_55 = tpu.memref_slice %arg7[%dma_start3A_53, %dma_start3A_54] : memref<10240x16xf32, #tpu.memory_space<vmem_shared>> -> memref<10240x16xf32, #tpu.memory_space<vmem_shared>>
        tpu.enqueue_indirect_dma source(%arg5 : memref<128x16xf32, #tpu.memory_space<vmem>>) target(%dma_start3A_55 : memref<10240x16xf32, #tpu.memory_space<vmem_shared>>) offsets(%dma_start3A_52 : memref<128xi32, #tpu.memory_space<vmem>>) semaphore(%run_scoped3A : memref<!tpu.dma_semaphore, #tpu.memory_space<semaphore_mem>>) {add = true}
        %dma_wait3A = arith.constant 0 : i32
        %dma_wait3A_56 = tpu.memref_slice %arg4[%scan3A_50, %dma_wait3A] : memref<80x128xi32, #tpu.memory_space<vmem>> -> memref<1x128xi32, #tpu.memory_space<vmem>>
        %dma_wait3A_57 = tpu.memref_squeeze %dma_wait3A_56 : memref<1x128xi32, #tpu.memory_space<vmem>> -> memref<128xi32, #tpu.memory_space<vmem>>
        %dma_wait3A_58 = arith.constant 0 : i32
        %dma_wait3A_59 = arith.constant 0 : i32
        %dma_wait3A_60 = tpu.memref_slice %arg7[%dma_wait3A_58, %dma_wait3A_59] : memref<10240x16xf32, #tpu.memory_space<vmem_shared>> -> memref<10240x16xf32, #tpu.memory_space<vmem_shared>>
        tpu.wait_indirect_dma semaphore(%run_scoped3A : memref<!tpu.dma_semaphore, #tpu.memory_space<semaphore_mem>>) src(%arg5 : memref<128x16xf32, #tpu.memory_space<vmem>>) dst(%dma_wait3A_60 : memref<10240x16xf32, #tpu.memory_space<vmem_shared>>)
        tpu.yield
      }) : () -> ()
    }
    %scan3A_28 = arith.constant 80 : i32
    %barrier3A_29 = arith.constant 0 : index
    tpu.barrier barrier_id(%barrier3A_29)
    %add3A_30 = arith.constant 0 : i32
    %add3A_31 = arith.addi %mul3A_10, %add3A_30 : i32
    %mul3A_32 = arith.constant 16 : i32
    %mul3A_33 = arith.muli %arg0, %mul3A_32 : i32
    "tpu.region"() ({
      %run_scoped3A = tpu.sem_alloc : memref<!tpu.dma_semaphore, #tpu.memory_space<semaphore_mem>>
      %dma_start3A = tpu.memref_slice %arg3[%add3A_31, %mul3A_33] : memref<10240x128xf32, #tpu.memory_space<hbm>> -> memref<128x16xf32, #tpu.memory_space<hbm>>
      %dma_start3A_50 = arith.constant 0 : i32
      %dma_start3A_51 = tpu.memref_slice %arg7[%add3A_31, %dma_start3A_50] : memref<10240x16xf32, #tpu.memory_space<vmem_shared>> -> memref<128x16xf32, #tpu.memory_space<vmem_shared>>
      tpu.enqueue_dma source(%dma_start3A_51 : memref<128x16xf32, #tpu.memory_space<vmem_shared>>) target(%dma_start3A : memref<128x16xf32, #tpu.memory_space<hbm>>) target_semaphore(%run_scoped3A : memref<!tpu.dma_semaphore, #tpu.memory_space<semaphore_mem>>)
      %dma_wait3A = tpu.memref_slice %arg3[%add3A_31, %mul3A_33] : memref<10240x128xf32, #tpu.memory_space<hbm>> -> memref<128x16xf32, #tpu.memory_space<hbm>>
      %dma_wait3A_52 = arith.constant 0 : i32
      %dma_wait3A_53 = tpu.memref_slice %arg7[%add3A_31, %dma_wait3A_52] : memref<10240x16xf32, #tpu.memory_space<vmem_shared>> -> memref<128x16xf32, #tpu.memory_space<vmem_shared>>
      tpu.wait_dma2 semaphore(%run_scoped3A : memref<!tpu.dma_semaphore, #tpu.memory_space<semaphore_mem>>) src(%dma_wait3A_53 : memref<128x16xf32, #tpu.memory_space<vmem_shared>>) dst(%dma_wait3A : memref<128x16xf32, #tpu.memory_space<hbm>>)
      tpu.yield
    }) : () -> ()
    %add3A_34 = arith.constant 128 : i32
    %add3A_35 = arith.addi %mul3A_10, %add3A_34 : i32
    %mul3A_36 = arith.constant 16 : i32
    %mul3A_37 = arith.muli %arg0, %mul3A_36 : i32
    "tpu.region"() ({
      %run_scoped3A = tpu.sem_alloc : memref<!tpu.dma_semaphore, #tpu.memory_space<semaphore_mem>>
      %dma_start3A = tpu.memref_slice %arg3[%add3A_35, %mul3A_37] : memref<10240x128xf32, #tpu.memory_space<hbm>> -> memref<128x16xf32, #tpu.memory_space<hbm>>
      %dma_start3A_50 = arith.constant 0 : i32
      %dma_start3A_51 = tpu.memref_slice %arg7[%add3A_35, %dma_start3A_50] : memref<10240x16xf32, #tpu.memory_space<vmem_shared>> -> memref<128x16xf32, #tpu.memory_space<vmem_shared>>
      tpu.enqueue_dma source(%dma_start3A_51 : memref<128x16xf32, #tpu.memory_space<vmem_shared>>) target(%dma_start3A : memref<128x16xf32, #tpu.memory_space<hbm>>) target_semaphore(%run_scoped3A : memref<!tpu.dma_semaphore, #tpu.memory_space<semaphore_mem>>)
      %dma_wait3A = tpu.memref_slice %arg3[%add3A_35, %mul3A_37] : memref<10240x128xf32, #tpu.memory_space<hbm>> -> memref<128x16xf32, #tpu.memory_space<hbm>>
      %dma_wait3A_52 = arith.constant 0 : i32
      %dma_wait3A_53 = tpu.memref_slice %arg7[%add3A_35, %dma_wait3A_52] : memref<10240x16xf32, #tpu.memory_space<vmem_shared>> -> memref<128x16xf32, #tpu.memory_space<vmem_shared>>
      tpu.wait_dma2 semaphore(%run_scoped3A : memref<!tpu.dma_semaphore, #tpu.memory_space<semaphore_mem>>) src(%dma_wait3A_53 : memref<128x16xf32, #tpu.memory_space<vmem_shared>>) dst(%dma_wait3A : memref<128x16xf32, #tpu.memory_space<hbm>>)
      tpu.yield
    }) : () -> ()
    %add3A_38 = arith.constant 256 : i32
    %add3A_39 = arith.addi %mul3A_10, %add3A_38 : i32
    %mul3A_40 = arith.constant 16 : i32
    %mul3A_41 = arith.muli %arg0, %mul3A_40 : i32
    "tpu.region"() ({
      %run_scoped3A = tpu.sem_alloc : memref<!tpu.dma_semaphore, #tpu.memory_space<semaphore_mem>>
      %dma_start3A = tpu.memref_slice %arg3[%add3A_39, %mul3A_41] : memref<10240x128xf32, #tpu.memory_space<hbm>> -> memref<128x16xf32, #tpu.memory_space<hbm>>
      %dma_start3A_50 = arith.constant 0 : i32
      %dma_start3A_51 = tpu.memref_slice %arg7[%add3A_39, %dma_start3A_50] : memref<10240x16xf32, #tpu.memory_space<vmem_shared>> -> memref<128x16xf32, #tpu.memory_space<vmem_shared>>
      tpu.enqueue_dma source(%dma_start3A_51 : memref<128x16xf32, #tpu.memory_space<vmem_shared>>) target(%dma_start3A : memref<128x16xf32, #tpu.memory_space<hbm>>) target_semaphore(%run_scoped3A : memref<!tpu.dma_semaphore, #tpu.memory_space<semaphore_mem>>)
      %dma_wait3A = tpu.memref_slice %arg3[%add3A_39, %mul3A_41] : memref<10240x128xf32, #tpu.memory_space<hbm>> -> memref<128x16xf32, #tpu.memory_space<hbm>>
      %dma_wait3A_52 = arith.constant 0 : i32
      %dma_wait3A_53 = tpu.memref_slice %arg7[%add3A_39, %dma_wait3A_52] : memref<10240x16xf32, #tpu.memory_space<vmem_shared>> -> memref<128x16xf32, #tpu.memory_space<vmem_shared>>
      tpu.wait_dma2 semaphore(%run_scoped3A : memref<!tpu.dma_semaphore, #tpu.memory_space<semaphore_mem>>) src(%dma_wait3A_53 : memref<128x16xf32, #tpu.memory_space<vmem_shared>>) dst(%dma_wait3A : memref<128x16xf32, #tpu.memory_space<hbm>>)
      tpu.yield
    }) : () -> ()
    %add3A_42 = arith.constant 384 : i32
    %add3A_43 = arith.addi %mul3A_10, %add3A_42 : i32
    %mul3A_44 = arith.constant 16 : i32
    %mul3A_45 = arith.muli %arg0, %mul3A_44 : i32
    "tpu.region"() ({
      %run_scoped3A = tpu.sem_alloc : memref<!tpu.dma_semaphore, #tpu.memory_space<semaphore_mem>>
      %dma_start3A = tpu.memref_slice %arg3[%add3A_43, %mul3A_45] : memref<10240x128xf32, #tpu.memory_space<hbm>> -> memref<128x16xf32, #tpu.memory_space<hbm>>
      %dma_start3A_50 = arith.constant 0 : i32
      %dma_start3A_51 = tpu.memref_slice %arg7[%add3A_43, %dma_start3A_50] : memref<10240x16xf32, #tpu.memory_space<vmem_shared>> -> memref<128x16xf32, #tpu.memory_space<vmem_shared>>
      tpu.enqueue_dma source(%dma_start3A_51 : memref<128x16xf32, #tpu.memory_space<vmem_shared>>) target(%dma_start3A : memref<128x16xf32, #tpu.memory_space<hbm>>) target_semaphore(%run_scoped3A : memref<!tpu.dma_semaphore, #tpu.memory_space<semaphore_mem>>)
      %dma_wait3A = tpu.memref_slice %arg3[%add3A_43, %mul3A_45] : memref<10240x128xf32, #tpu.memory_space<hbm>> -> memref<128x16xf32, #tpu.memory_space<hbm>>
      %dma_wait3A_52 = arith.constant 0 : i32
      %dma_wait3A_53 = tpu.memref_slice %arg7[%add3A_43, %dma_wait3A_52] : memref<10240x16xf32, #tpu.memory_space<vmem_shared>> -> memref<128x16xf32, #tpu.memory_space<vmem_shared>>
      tpu.wait_dma2 semaphore(%run_scoped3A : memref<!tpu.dma_semaphore, #tpu.memory_space<semaphore_mem>>) src(%dma_wait3A_53 : memref<128x16xf32, #tpu.memory_space<vmem_shared>>) dst(%dma_wait3A : memref<128x16xf32, #tpu.memory_space<hbm>>)
      tpu.yield
    }) : () -> ()
    %add3A_46 = arith.constant 512 : i32
    %add3A_47 = arith.addi %mul3A_10, %add3A_46 : i32
    %mul3A_48 = arith.constant 16 : i32
    %mul3A_49 = arith.muli %arg0, %mul3A_48 : i32
    "tpu.region"() ({
      %run_scoped3A = tpu.sem_alloc : memref<!tpu.dma_semaphore, #tpu.memory_space<semaphore_mem>>
      %dma_start3A = tpu.memref_slice %arg3[%add3A_47, %mul3A_49] : memref<10240x128xf32, #tpu.memory_space<hbm>> -> memref<128x16xf32, #tpu.memory_space<hbm>>
      %dma_start3A_50 = arith.constant 0 : i32
      %dma_start3A_51 = tpu.memref_slice %arg7[%add3A_47, %dma_start3A_50] : memref<10240x16xf32, #tpu.memory_space<vmem_shared>> -> memref<128x16xf32, #tpu.memory_space<vmem_shared>>
      tpu.enqueue_dma source(%dma_start3A_51 : memref<128x16xf32, #tpu.memory_space<vmem_shared>>) target(%dma_start3A : memref<128x16xf32, #tpu.memory_space<hbm>>) target_semaphore(%run_scoped3A : memref<!tpu.dma_semaphore, #tpu.memory_space<semaphore_mem>>)
      %dma_wait3A = tpu.memref_slice %arg3[%add3A_47, %mul3A_49] : memref<10240x128xf32, #tpu.memory_space<hbm>> -> memref<128x16xf32, #tpu.memory_space<hbm>>
      %dma_wait3A_52 = arith.constant 0 : i32
      %dma_wait3A_53 = tpu.memref_slice %arg7[%add3A_47, %dma_wait3A_52] : memref<10240x16xf32, #tpu.memory_space<vmem_shared>> -> memref<128x16xf32, #tpu.memory_space<vmem_shared>>
      tpu.wait_dma2 semaphore(%run_scoped3A : memref<!tpu.dma_semaphore, #tpu.memory_space<semaphore_mem>>) src(%dma_wait3A_53 : memref<128x16xf32, #tpu.memory_space<vmem_shared>>) dst(%dma_wait3A : memref<128x16xf32, #tpu.memory_space<hbm>>)
      tpu.yield
    }) : () -> ()
    return
  }
}

#map = affine_map<(d0, d1) -> (0, 0)>
module attributes {stable_mosaic.version = 14 : i64} {
  func.func @k(%arg0: i32, %arg1: i32, %arg2: memref<10000x128xf32, #tpu.memory_space<hbm>>, %arg3: memref<2560x128xi32, #tpu.memory_space<hbm>>, %arg4: memref<2560x128xi32, #tpu.memory_space<hbm>>, %arg5: memref<10240x128xf32, #tpu.memory_space<hbm>>, %arg6: memref<160x128xi32, #tpu.memory_space<vmem>>, %arg7: memref<160x128xi32, #tpu.memory_space<vmem>>, %arg8: memref<128x32xf32, #tpu.memory_space<vmem>>, %arg9: memref<128x32xf32, #tpu.memory_space<vmem>>, %arg10: memref<128x32xf32, #tpu.memory_space<vmem>>, %arg11: memref<128x32xf32, #tpu.memory_space<vmem>>, %arg12: memref<128x32xf32, #tpu.memory_space<vmem>>, %arg13: memref<128x32xf32, #tpu.memory_space<vmem>>, %arg14: memref<128x32xf32, #tpu.memory_space<vmem>>, %arg15: memref<128x32xf32, #tpu.memory_space<vmem>>, %arg16: memref<128x32xf32, #tpu.memory_space<vmem>>, %arg17: memref<128x32xf32, #tpu.memory_space<vmem>>, %arg18: memref<10240x32xf32, #tpu.memory_space<vmem_shared>>, %arg19: memref<10000x32xf32, #tpu.memory_space<vmem_shared>>, %arg20: memref<!tpu.dma_semaphore, #tpu.memory_space<semaphore_mem>>, %arg21: memref<!tpu.dma_semaphore, #tpu.memory_space<semaphore_mem>>) attributes {dimension_semantics = [#tpu.dimension_semantics<core_parallel>, #tpu.dimension_semantics<subcore_parallel>], iteration_bounds = array<i64: 2, 16>, scalar_prefetch = 0 : i64, scratch_operands = 16 : i64, tpu.core_type = #tpu.core_type<sc_vector_subcore>, window_params = [{transform_indices = #map}, {transform_indices = #map}, {transform_indices = #map}, {transform_indices = #map}]} {
    %mul3A = arith.constant 32 : i32
    %mul3A_0 = arith.muli %arg0, %mul3A : i32
    %broadcast_in_dim3A = arith.constant 0.000000e+00 : f32
    %broadcast_in_dim3A_1 = vector.broadcast %broadcast_in_dim3A : f32 to vector<16xf32>
    %scan3A = arith.constant 0 : i32
    %scan3A_2 = arith.constant 0 : i32
    %scan3A_3 = arith.constant 128 : i32
    %scan3A_4 = arith.addi %scan3A_2, %scan3A_3 : i32
    %scan3A_5 = arith.constant 1 : i32
    scf.for %scan3A_77 = %scan3A_2 to %scan3A_4 step %scan3A_5  : i32 {
      %swap3A = arith.index_cast %scan3A_77 : i32 to index
      %swap3A_78 = arith.constant 0 : index
      %swap3A_79 = tpu.vector_load %arg8[%swap3A, %swap3A_78] {strides = array<i32>} : memref<128x32xf32, #tpu.memory_space<vmem>>, vector<1x16xf32>,
      %swap3A_80 = vector.shape_cast %swap3A_79 : vector<1x16xf32> to vector<16xf32>
      %swap3A_81 = vector.shape_cast %broadcast_in_dim3A_1 : vector<16xf32> to vector<1x16xf32>
      tpu.vector_store %arg8[%swap3A, %swap3A_78], %swap3A_81 {strides = array<i32>} : memref<128x32xf32, #tpu.memory_space<vmem>>, vector<1x16xf32>,
      %swap3A_82 = arith.index_cast %scan3A_77 : i32 to index
      %swap3A_83 = arith.constant 16 : index
      %swap3A_84 = tpu.vector_load %arg8[%swap3A_82, %swap3A_83] {strides = array<i32>} : memref<128x32xf32, #tpu.memory_space<vmem>>, vector<1x16xf32>,
      %swap3A_85 = vector.shape_cast %swap3A_84 : vector<1x16xf32> to vector<16xf32>
      %swap3A_86 = vector.shape_cast %broadcast_in_dim3A_1 : vector<16xf32> to vector<1x16xf32>
      tpu.vector_store %arg8[%swap3A_82, %swap3A_83], %swap3A_86 {strides = array<i32>} : memref<128x32xf32, #tpu.memory_space<vmem>>, vector<1x16xf32>,
    }
    %scan3A_6 = arith.constant 128 : i32
    %mul3A_7 = arith.constant 640 : i32
    %mul3A_8 = arith.muli %arg1, %mul3A_7 : i32
    %add3A = arith.constant 0 : i32
    %add3A_9 = arith.addi %mul3A_8, %add3A : i32
    "tpu.region"() ({
      %run_scoped3A = tpu.sem_alloc : memref<!tpu.dma_semaphore, #tpu.memory_space<semaphore_mem>>
      %dma_start3A_77 = arith.constant 0 : i32
      %dma_start3A_78 = tpu.memref_slice %arg18[%add3A_9, %dma_start3A_77] : memref<10240x32xf32, #tpu.memory_space<vmem_shared>> -> memref<128x32xf32, #tpu.memory_space<vmem_shared>>
      %dma_start3A_79 = arith.constant 0 : i32
      %dma_start3A_80 = tpu.memref_slice %arg18[%add3A_9, %dma_start3A_79] : memref<10240x32xf32, #tpu.memory_space<vmem_shared>> -> memref<128x32xf32, #tpu.memory_space<vmem_shared>>
      tpu.enqueue_dma source(%arg8 : memref<128x32xf32, #tpu.memory_space<vmem>>) target(%dma_start3A_80 : memref<128x32xf32, #tpu.memory_space<vmem_shared>>) target_semaphore(%run_scoped3A : memref<!tpu.dma_semaphore, #tpu.memory_space<semaphore_mem>>)
      %dma_wait3A = arith.constant 0 : i32
      %dma_wait3A_81 = tpu.memref_slice %arg18[%add3A_9, %dma_wait3A] : memref<10240x32xf32, #tpu.memory_space<vmem_shared>> -> memref<128x32xf32, #tpu.memory_space<vmem_shared>>
      %dma_wait3A_82 = arith.constant 0 : i32
      %dma_wait3A_83 = tpu.memref_slice %arg18[%add3A_9, %dma_wait3A_82] : memref<10240x32xf32, #tpu.memory_space<vmem_shared>> -> memref<128x32xf32, #tpu.memory_space<vmem_shared>>
      tpu.wait_dma2 semaphore(%run_scoped3A : memref<!tpu.dma_semaphore, #tpu.memory_space<semaphore_mem>>) src(%arg8 : memref<128x32xf32, #tpu.memory_space<vmem>>) dst(%dma_wait3A_83 : memref<128x32xf32, #tpu.memory_space<vmem_shared>>)
      tpu.yield
    }) : () -> ()
    %add3A_10 = arith.constant 128 : i32
    %add3A_11 = arith.addi %mul3A_8, %add3A_10 : i32
    "tpu.region"() ({
      %run_scoped3A = tpu.sem_alloc : memref<!tpu.dma_semaphore, #tpu.memory_space<semaphore_mem>>
      %dma_start3A_77 = arith.constant 0 : i32
      %dma_start3A_78 = tpu.memref_slice %arg18[%add3A_11, %dma_start3A_77] : memref<10240x32xf32, #tpu.memory_space<vmem_shared>> -> memref<128x32xf32, #tpu.memory_space<vmem_shared>>
      %dma_start3A_79 = arith.constant 0 : i32
      %dma_start3A_80 = tpu.memref_slice %arg18[%add3A_11, %dma_start3A_79] : memref<10240x32xf32, #tpu.memory_space<vmem_shared>> -> memref<128x32xf32, #tpu.memory_space<vmem_shared>>
      tpu.enqueue_dma source(%arg8 : memref<128x32xf32, #tpu.memory_space<vmem>>) target(%dma_start3A_80 : memref<128x32xf32, #tpu.memory_space<vmem_shared>>) target_semaphore(%run_scoped3A : memref<!tpu.dma_semaphore, #tpu.memory_space<semaphore_mem>>)
      %dma_wait3A = arith.constant 0 : i32
      %dma_wait3A_81 = tpu.memref_slice %arg18[%add3A_11, %dma_wait3A] : memref<10240x32xf32, #tpu.memory_space<vmem_shared>> -> memref<128x32xf32, #tpu.memory_space<vmem_shared>>
      %dma_wait3A_82 = arith.constant 0 : i32
      %dma_wait3A_83 = tpu.memref_slice %arg18[%add3A_11, %dma_wait3A_82] : memref<10240x32xf32, #tpu.memory_space<vmem_shared>> -> memref<128x32xf32, #tpu.memory_space<vmem_shared>>
      tpu.wait_dma2 semaphore(%run_scoped3A : memref<!tpu.dma_semaphore, #tpu.memory_space<semaphore_mem>>) src(%arg8 : memref<128x32xf32, #tpu.memory_space<vmem>>) dst(%dma_wait3A_83 : memref<128x32xf32, #tpu.memory_space<vmem_shared>>)
      tpu.yield
    }) : () -> ()
    %add3A_12 = arith.constant 256 : i32
    %add3A_13 = arith.addi %mul3A_8, %add3A_12 : i32
    "tpu.region"() ({
      %run_scoped3A = tpu.sem_alloc : memref<!tpu.dma_semaphore, #tpu.memory_space<semaphore_mem>>
      %dma_start3A_77 = arith.constant 0 : i32
      %dma_start3A_78 = tpu.memref_slice %arg18[%add3A_13, %dma_start3A_77] : memref<10240x32xf32, #tpu.memory_space<vmem_shared>> -> memref<128x32xf32, #tpu.memory_space<vmem_shared>>
      %dma_start3A_79 = arith.constant 0 : i32
      %dma_start3A_80 = tpu.memref_slice %arg18[%add3A_13, %dma_start3A_79] : memref<10240x32xf32, #tpu.memory_space<vmem_shared>> -> memref<128x32xf32, #tpu.memory_space<vmem_shared>>
      tpu.enqueue_dma source(%arg8 : memref<128x32xf32, #tpu.memory_space<vmem>>) target(%dma_start3A_80 : memref<128x32xf32, #tpu.memory_space<vmem_shared>>) target_semaphore(%run_scoped3A : memref<!tpu.dma_semaphore, #tpu.memory_space<semaphore_mem>>)
      %dma_wait3A = arith.constant 0 : i32
      %dma_wait3A_81 = tpu.memref_slice %arg18[%add3A_13, %dma_wait3A] : memref<10240x32xf32, #tpu.memory_space<vmem_shared>> -> memref<128x32xf32, #tpu.memory_space<vmem_shared>>
      %dma_wait3A_82 = arith.constant 0 : i32
      %dma_wait3A_83 = tpu.memref_slice %arg18[%add3A_13, %dma_wait3A_82] : memref<10240x32xf32, #tpu.memory_space<vmem_shared>> -> memref<128x32xf32, #tpu.memory_space<vmem_shared>>
      tpu.wait_dma2 semaphore(%run_scoped3A : memref<!tpu.dma_semaphore, #tpu.memory_space<semaphore_mem>>) src(%arg8 : memref<128x32xf32, #tpu.memory_space<vmem>>) dst(%dma_wait3A_83 : memref<128x32xf32, #tpu.memory_space<vmem_shared>>)
      tpu.yield
    }) : () -> ()
    %add3A_14 = arith.constant 384 : i32
    %add3A_15 = arith.addi %mul3A_8, %add3A_14 : i32
    "tpu.region"() ({
      %run_scoped3A = tpu.sem_alloc : memref<!tpu.dma_semaphore, #tpu.memory_space<semaphore_mem>>
      %dma_start3A_77 = arith.constant 0 : i32
      %dma_start3A_78 = tpu.memref_slice %arg18[%add3A_15, %dma_start3A_77] : memref<10240x32xf32, #tpu.memory_space<vmem_shared>> -> memref<128x32xf32, #tpu.memory_space<vmem_shared>>
      %dma_start3A_79 = arith.constant 0 : i32
      %dma_start3A_80 = tpu.memref_slice %arg18[%add3A_15, %dma_start3A_79] : memref<10240x32xf32, #tpu.memory_space<vmem_shared>> -> memref<128x32xf32, #tpu.memory_space<vmem_shared>>
      tpu.enqueue_dma source(%arg8 : memref<128x32xf32, #tpu.memory_space<vmem>>) target(%dma_start3A_80 : memref<128x32xf32, #tpu.memory_space<vmem_shared>>) target_semaphore(%run_scoped3A : memref<!tpu.dma_semaphore, #tpu.memory_space<semaphore_mem>>)
      %dma_wait3A = arith.constant 0 : i32
      %dma_wait3A_81 = tpu.memref_slice %arg18[%add3A_15, %dma_wait3A] : memref<10240x32xf32, #tpu.memory_space<vmem_shared>> -> memref<128x32xf32, #tpu.memory_space<vmem_shared>>
      %dma_wait3A_82 = arith.constant 0 : i32
      %dma_wait3A_83 = tpu.memref_slice %arg18[%add3A_15, %dma_wait3A_82] : memref<10240x32xf32, #tpu.memory_space<vmem_shared>> -> memref<128x32xf32, #tpu.memory_space<vmem_shared>>
      tpu.wait_dma2 semaphore(%run_scoped3A : memref<!tpu.dma_semaphore, #tpu.memory_space<semaphore_mem>>) src(%arg8 : memref<128x32xf32, #tpu.memory_space<vmem>>) dst(%dma_wait3A_83 : memref<128x32xf32, #tpu.memory_space<vmem_shared>>)
      tpu.yield
    }) : () -> ()
    %add3A_16 = arith.constant 512 : i32
    %add3A_17 = arith.addi %mul3A_8, %add3A_16 : i32
    "tpu.region"() ({
      %run_scoped3A = tpu.sem_alloc : memref<!tpu.dma_semaphore, #tpu.memory_space<semaphore_mem>>
      %dma_start3A_77 = arith.constant 0 : i32
      %dma_start3A_78 = tpu.memref_slice %arg18[%add3A_17, %dma_start3A_77] : memref<10240x32xf32, #tpu.memory_space<vmem_shared>> -> memref<128x32xf32, #tpu.memory_space<vmem_shared>>
      %dma_start3A_79 = arith.constant 0 : i32
      %dma_start3A_80 = tpu.memref_slice %arg18[%add3A_17, %dma_start3A_79] : memref<10240x32xf32, #tpu.memory_space<vmem_shared>> -> memref<128x32xf32, #tpu.memory_space<vmem_shared>>
      tpu.enqueue_dma source(%arg8 : memref<128x32xf32, #tpu.memory_space<vmem>>) target(%dma_start3A_80 : memref<128x32xf32, #tpu.memory_space<vmem_shared>>) target_semaphore(%run_scoped3A : memref<!tpu.dma_semaphore, #tpu.memory_space<semaphore_mem>>)
      %dma_wait3A = arith.constant 0 : i32
      %dma_wait3A_81 = tpu.memref_slice %arg18[%add3A_17, %dma_wait3A] : memref<10240x32xf32, #tpu.memory_space<vmem_shared>> -> memref<128x32xf32, #tpu.memory_space<vmem_shared>>
      %dma_wait3A_82 = arith.constant 0 : i32
      %dma_wait3A_83 = tpu.memref_slice %arg18[%add3A_17, %dma_wait3A_82] : memref<10240x32xf32, #tpu.memory_space<vmem_shared>> -> memref<128x32xf32, #tpu.memory_space<vmem_shared>>
      tpu.wait_dma2 semaphore(%run_scoped3A : memref<!tpu.dma_semaphore, #tpu.memory_space<semaphore_mem>>) src(%arg8 : memref<128x32xf32, #tpu.memory_space<vmem>>) dst(%dma_wait3A_83 : memref<128x32xf32, #tpu.memory_space<vmem_shared>>)
      tpu.yield
    }) : () -> ()
    %mul3A_18 = arith.constant 625 : i32
    %mul3A_19 = arith.muli %arg1, %mul3A_18 : i32
    %mul3A_20 = arith.constant 625 : i32
    %mul3A_21 = arith.muli %arg1, %mul3A_20 : i32
    "tpu.region"() ({
      %run_scoped3A = tpu.sem_alloc : memref<!tpu.dma_semaphore, #tpu.memory_space<semaphore_mem>>
      %dma_start3A_77 = arith.constant 0 : i32
      %dma_start3A_78 = tpu.memref_slice %arg19[%mul3A_21, %dma_start3A_77] : memref<10000x32xf32, #tpu.memory_space<vmem_shared>> -> memref<625x32xf32, #tpu.memory_space<vmem_shared>>
      %dma_start3A_79 = tpu.memref_slice %arg2[%mul3A_19, %mul3A_0] : memref<10000x128xf32, #tpu.memory_space<hbm>> -> memref<625x32xf32, #tpu.memory_space<hbm>>
      tpu.enqueue_dma source(%dma_start3A_79 : memref<625x32xf32, #tpu.memory_space<hbm>>) target(%dma_start3A_78 : memref<625x32xf32, #tpu.memory_space<vmem_shared>>) target_semaphore(%run_scoped3A : memref<!tpu.dma_semaphore, #tpu.memory_space<semaphore_mem>>)
      %dma_wait3A = arith.constant 0 : i32
      %dma_wait3A_80 = tpu.memref_slice %arg19[%mul3A_21, %dma_wait3A] : memref<10000x32xf32, #tpu.memory_space<vmem_shared>> -> memref<625x32xf32, #tpu.memory_space<vmem_shared>>
      %dma_wait3A_81 = tpu.memref_slice %arg2[%mul3A_19, %mul3A_0] : memref<10000x128xf32, #tpu.memory_space<hbm>> -> memref<625x32xf32, #tpu.memory_space<hbm>>
      tpu.wait_dma2 semaphore(%run_scoped3A : memref<!tpu.dma_semaphore, #tpu.memory_space<semaphore_mem>>) src(%dma_wait3A_81 : memref<625x32xf32, #tpu.memory_space<hbm>>) dst(%dma_wait3A_80 : memref<625x32xf32, #tpu.memory_space<vmem_shared>>)
      tpu.yield
    }) : () -> ()
    %mul3A_22 = arith.constant 160 : i32
    %mul3A_23 = arith.muli %arg1, %mul3A_22 : i32
    "tpu.region"() ({
      %run_scoped3A = tpu.sem_alloc : memref<!tpu.dma_semaphore, #tpu.memory_space<semaphore_mem>>
      %dma_start3A_77 = arith.constant 0 : i32
      %dma_start3A_78 = tpu.memref_slice %arg3[%mul3A_23, %dma_start3A_77] : memref<2560x128xi32, #tpu.memory_space<hbm>> -> memref<160x128xi32, #tpu.memory_space<hbm>>
      %dma_start3A_79 = arith.constant 0 : i32
      %dma_start3A_80 = tpu.memref_slice %arg3[%mul3A_23, %dma_start3A_79] : memref<2560x128xi32, #tpu.memory_space<hbm>> -> memref<160x128xi32, #tpu.memory_space<hbm>>
      tpu.enqueue_dma source(%dma_start3A_80 : memref<160x128xi32, #tpu.memory_space<hbm>>) target(%arg6 : memref<160x128xi32, #tpu.memory_space<vmem>>) target_semaphore(%run_scoped3A : memref<!tpu.dma_semaphore, #tpu.memory_space<semaphore_mem>>)
      %dma_wait3A = arith.constant 0 : i32
      %dma_wait3A_81 = tpu.memref_slice %arg3[%mul3A_23, %dma_wait3A] : memref<2560x128xi32, #tpu.memory_space<hbm>> -> memref<160x128xi32, #tpu.memory_space<hbm>>
      %dma_wait3A_82 = arith.constant 0 : i32
      %dma_wait3A_83 = tpu.memref_slice %arg3[%mul3A_23, %dma_wait3A_82] : memref<2560x128xi32, #tpu.memory_space<hbm>> -> memref<160x128xi32, #tpu.memory_space<hbm>>
      tpu.wait_dma2 semaphore(%run_scoped3A : memref<!tpu.dma_semaphore, #tpu.memory_space<semaphore_mem>>) src(%dma_wait3A_83 : memref<160x128xi32, #tpu.memory_space<hbm>>) dst(%arg6 : memref<160x128xi32, #tpu.memory_space<vmem>>)
      tpu.yield
    }) : () -> ()
    %mul3A_24 = arith.constant 160 : i32
    %mul3A_25 = arith.muli %arg1, %mul3A_24 : i32
    "tpu.region"() ({
      %run_scoped3A = tpu.sem_alloc : memref<!tpu.dma_semaphore, #tpu.memory_space<semaphore_mem>>
      %dma_start3A_77 = arith.constant 0 : i32
      %dma_start3A_78 = tpu.memref_slice %arg4[%mul3A_25, %dma_start3A_77] : memref<2560x128xi32, #tpu.memory_space<hbm>> -> memref<160x128xi32, #tpu.memory_space<hbm>>
      %dma_start3A_79 = arith.constant 0 : i32
      %dma_start3A_80 = tpu.memref_slice %arg4[%mul3A_25, %dma_start3A_79] : memref<2560x128xi32, #tpu.memory_space<hbm>> -> memref<160x128xi32, #tpu.memory_space<hbm>>
      tpu.enqueue_dma source(%dma_start3A_80 : memref<160x128xi32, #tpu.memory_space<hbm>>) target(%arg7 : memref<160x128xi32, #tpu.memory_space<vmem>>) target_semaphore(%run_scoped3A : memref<!tpu.dma_semaphore, #tpu.memory_space<semaphore_mem>>)
      %dma_wait3A = arith.constant 0 : i32
      %dma_wait3A_81 = tpu.memref_slice %arg4[%mul3A_25, %dma_wait3A] : memref<2560x128xi32, #tpu.memory_space<hbm>> -> memref<160x128xi32, #tpu.memory_space<hbm>>
      %dma_wait3A_82 = arith.constant 0 : i32
      %dma_wait3A_83 = tpu.memref_slice %arg4[%mul3A_25, %dma_wait3A_82] : memref<2560x128xi32, #tpu.memory_space<hbm>> -> memref<160x128xi32, #tpu.memory_space<hbm>>
      tpu.wait_dma2 semaphore(%run_scoped3A : memref<!tpu.dma_semaphore, #tpu.memory_space<semaphore_mem>>) src(%dma_wait3A_83 : memref<160x128xi32, #tpu.memory_space<hbm>>) dst(%arg7 : memref<160x128xi32, #tpu.memory_space<vmem>>)
      tpu.yield
    }) : () -> ()
    %barrier3A = arith.constant 0 : index
    tpu.barrier barrier_id(%barrier3A)
    %dma_start3A = arith.constant 0 : i32
    %dma_start3A_26 = arith.constant 0 : i32
    %dma_start3A_27 = tpu.memref_slice %arg6[%dma_start3A, %dma_start3A_26] : memref<160x128xi32, #tpu.memory_space<vmem>> -> memref<1x128xi32, #tpu.memory_space<vmem>>
    %dma_start3A_28 = tpu.memref_squeeze %dma_start3A_27 : memref<1x128xi32, #tpu.memory_space<vmem>> -> memref<128xi32, #tpu.memory_space<vmem>>
    %dma_start3A_29 = arith.constant 0 : i32
    %dma_start3A_30 = arith.constant 0 : i32
    %dma_start3A_31 = tpu.memref_slice %arg19[%dma_start3A_29, %dma_start3A_30] : memref<10000x32xf32, #tpu.memory_space<vmem_shared>> -> memref<10000x32xf32, #tpu.memory_space<vmem_shared>>
    tpu.enqueue_indirect_dma source(%dma_start3A_31 : memref<10000x32xf32, #tpu.memory_space<vmem_shared>>) target(%arg8 : memref<128x32xf32, #tpu.memory_space<vmem>>) offsets(%dma_start3A_28 : memref<128xi32, #tpu.memory_space<vmem>>) semaphore(%arg20 : memref<!tpu.dma_semaphore, #tpu.memory_space<semaphore_mem>>)
    %dma_start3A_32 = arith.constant 1 : i32
    %dma_start3A_33 = arith.constant 0 : i32
    %dma_start3A_34 = tpu.memref_slice %arg6[%dma_start3A_32, %dma_start3A_33] : memref<160x128xi32, #tpu.memory_space<vmem>> -> memref<1x128xi32, #tpu.memory_space<vmem>>
    %dma_start3A_35 = tpu.memref_squeeze %dma_start3A_34 : memref<1x128xi32, #tpu.memory_space<vmem>> -> memref<128xi32, #tpu.memory_space<vmem>>
    %dma_start3A_36 = arith.constant 0 : i32
    %dma_start3A_37 = arith.constant 0 : i32
    %dma_start3A_38 = tpu.memref_slice %arg19[%dma_start3A_36, %dma_start3A_37] : memref<10000x32xf32, #tpu.memory_space<vmem_shared>> -> memref<10000x32xf32, #tpu.memory_space<vmem_shared>>
    tpu.enqueue_indirect_dma source(%dma_start3A_38 : memref<10000x32xf32, #tpu.memory_space<vmem_shared>>) target(%arg9 : memref<128x32xf32, #tpu.memory_space<vmem>>) offsets(%dma_start3A_35 : memref<128xi32, #tpu.memory_space<vmem>>) semaphore(%arg20 : memref<!tpu.dma_semaphore, #tpu.memory_space<semaphore_mem>>)
    %dma_start3A_39 = arith.constant 2 : i32
    %dma_start3A_40 = arith.constant 0 : i32
    %dma_start3A_41 = tpu.memref_slice %arg6[%dma_start3A_39, %dma_start3A_40] : memref<160x128xi32, #tpu.memory_space<vmem>> -> memref<1x128xi32, #tpu.memory_space<vmem>>
    %dma_start3A_42 = tpu.memref_squeeze %dma_start3A_41 : memref<1x128xi32, #tpu.memory_space<vmem>> -> memref<128xi32, #tpu.memory_space<vmem>>
    %dma_start3A_43 = arith.constant 0 : i32
    %dma_start3A_44 = arith.constant 0 : i32
    %dma_start3A_45 = tpu.memref_slice %arg19[%dma_start3A_43, %dma_start3A_44] : memref<10000x32xf32, #tpu.memory_space<vmem_shared>> -> memref<10000x32xf32, #tpu.memory_space<vmem_shared>>
    tpu.enqueue_indirect_dma source(%dma_start3A_45 : memref<10000x32xf32, #tpu.memory_space<vmem_shared>>) target(%arg10 : memref<128x32xf32, #tpu.memory_space<vmem>>) offsets(%dma_start3A_42 : memref<128xi32, #tpu.memory_space<vmem>>) semaphore(%arg20 : memref<!tpu.dma_semaphore, #tpu.memory_space<semaphore_mem>>)
    %dma_start3A_46 = arith.constant 3 : i32
    %dma_start3A_47 = arith.constant 0 : i32
    %dma_start3A_48 = tpu.memref_slice %arg6[%dma_start3A_46, %dma_start3A_47] : memref<160x128xi32, #tpu.memory_space<vmem>> -> memref<1x128xi32, #tpu.memory_space<vmem>>
    %dma_start3A_49 = tpu.memref_squeeze %dma_start3A_48 : memref<1x128xi32, #tpu.memory_space<vmem>> -> memref<128xi32, #tpu.memory_space<vmem>>
    %dma_start3A_50 = arith.constant 0 : i32
    %dma_start3A_51 = arith.constant 0 : i32
    %dma_start3A_52 = tpu.memref_slice %arg19[%dma_start3A_50, %dma_start3A_51] : memref<10000x32xf32, #tpu.memory_space<vmem_shared>> -> memref<10000x32xf32, #tpu.memory_space<vmem_shared>>
    tpu.enqueue_indirect_dma source(%dma_start3A_52 : memref<10000x32xf32, #tpu.memory_space<vmem_shared>>) target(%arg11 : memref<128x32xf32, #tpu.memory_space<vmem>>) offsets(%dma_start3A_49 : memref<128xi32, #tpu.memory_space<vmem>>) semaphore(%arg20 : memref<!tpu.dma_semaphore, #tpu.memory_space<semaphore_mem>>)
    %dma_start3A_53 = arith.constant 4 : i32
    %dma_start3A_54 = arith.constant 0 : i32
    %dma_start3A_55 = tpu.memref_slice %arg6[%dma_start3A_53, %dma_start3A_54] : memref<160x128xi32, #tpu.memory_space<vmem>> -> memref<1x128xi32, #tpu.memory_space<vmem>>
    %dma_start3A_56 = tpu.memref_squeeze %dma_start3A_55 : memref<1x128xi32, #tpu.memory_space<vmem>> -> memref<128xi32, #tpu.memory_space<vmem>>
    %dma_start3A_57 = arith.constant 0 : i32
    %dma_start3A_58 = arith.constant 0 : i32
    %dma_start3A_59 = tpu.memref_slice %arg19[%dma_start3A_57, %dma_start3A_58] : memref<10000x32xf32, #tpu.memory_space<vmem_shared>> -> memref<10000x32xf32, #tpu.memory_space<vmem_shared>>
    tpu.enqueue_indirect_dma source(%dma_start3A_59 : memref<10000x32xf32, #tpu.memory_space<vmem_shared>>) target(%arg12 : memref<128x32xf32, #tpu.memory_space<vmem>>) offsets(%dma_start3A_56 : memref<128xi32, #tpu.memory_space<vmem>>) semaphore(%arg20 : memref<!tpu.dma_semaphore, #tpu.memory_space<semaphore_mem>>)
    %scan3A_60 = arith.constant 0 : i32
    %scan3A_61 = arith.constant 0 : i32
    %scan3A_62 = arith.constant 16 : i32
    %scan3A_63 = arith.addi %scan3A_61, %scan3A_62 : i32
    %scan3A_64 = arith.constant 1 : i32
    scf.for %scan3A_77 = %scan3A_61 to %scan3A_63 step %scan3A_64  : i32 {
      %mul3A_78 = arith.constant 10 : i32
      %mul3A_79 = arith.muli %scan3A_77, %mul3A_78 : i32
      %add3A_80 = arith.constant 0 : i32
      %add3A_81 = arith.addi %mul3A_79, %add3A_80 : i32
      %dma_wait3A = arith.constant 0 : i32
      %dma_wait3A_82 = tpu.memref_slice %arg6[%add3A_81, %dma_wait3A] : memref<160x128xi32, #tpu.memory_space<vmem>> -> memref<1x128xi32, #tpu.memory_space<vmem>>
      %dma_wait3A_83 = tpu.memref_squeeze %dma_wait3A_82 : memref<1x128xi32, #tpu.memory_space<vmem>> -> memref<128xi32, #tpu.memory_space<vmem>>
      %dma_wait3A_84 = arith.constant 0 : i32
      %dma_wait3A_85 = arith.constant 0 : i32
      %dma_wait3A_86 = tpu.memref_slice %arg19[%dma_wait3A_84, %dma_wait3A_85] : memref<10000x32xf32, #tpu.memory_space<vmem_shared>> -> memref<10000x32xf32, #tpu.memory_space<vmem_shared>>
      tpu.wait_indirect_dma semaphore(%arg20 : memref<!tpu.dma_semaphore, #tpu.memory_space<semaphore_mem>>) src(%dma_wait3A_86 : memref<10000x32xf32, #tpu.memory_space<vmem_shared>>) dst(%arg8 : memref<128x32xf32, #tpu.memory_space<vmem>>)
      %add3A_87 = arith.constant 5 : i32
      %add3A_88 = arith.addi %add3A_81, %add3A_87 : i32
      %lt3A = arith.constant 160 : i32
      %lt3A_89 = arith.cmpi slt, %add3A_88, %lt3A : i32
      %convert_element_type3A = arith.extui %lt3A_89 : i1 to i32
      %cond3A = arith.constant 0 : i32
      %cond3A_90 = arith.cmpi ne, %convert_element_type3A, %cond3A : i32
      scf.if %cond3A_90 {
        %add3A_244 = arith.constant 5 : i32
        %add3A_245 = arith.addi %add3A_81, %add3A_244 : i32
        %dma_start3A_246 = arith.constant 0 : i32
        %dma_start3A_247 = tpu.memref_slice %arg6[%add3A_245, %dma_start3A_246] : memref<160x128xi32, #tpu.memory_space<vmem>> -> memref<1x128xi32, #tpu.memory_space<vmem>>
        %dma_start3A_248 = tpu.memref_squeeze %dma_start3A_247 : memref<1x128xi32, #tpu.memory_space<vmem>> -> memref<128xi32, #tpu.memory_space<vmem>>
        %dma_start3A_249 = arith.constant 0 : i32
        %dma_start3A_250 = arith.constant 0 : i32
        %dma_start3A_251 = tpu.memref_slice %arg19[%dma_start3A_249, %dma_start3A_250] : memref<10000x32xf32, #tpu.memory_space<vmem_shared>> -> memref<10000x32xf32, #tpu.memory_space<vmem_shared>>
        tpu.enqueue_indirect_dma source(%dma_start3A_251 : memref<10000x32xf32, #tpu.memory_space<vmem_shared>>) target(%arg13 : memref<128x32xf32, #tpu.memory_space<vmem>>) offsets(%dma_start3A_248 : memref<128xi32, #tpu.memory_space<vmem>>) semaphore(%arg20 : memref<!tpu.dma_semaphore, #tpu.memory_space<semaphore_mem>>)
      } else {
      }
      %mul3A_91 = arith.constant 10 : i32
      %mul3A_92 = arith.muli %scan3A_77, %mul3A_91 : i32
      %add3A_93 = arith.constant 1 : i32
      %add3A_94 = arith.addi %mul3A_92, %add3A_93 : i32
      %dma_wait3A_95 = arith.constant 0 : i32
      %dma_wait3A_96 = tpu.memref_slice %arg6[%add3A_94, %dma_wait3A_95] : memref<160x128xi32, #tpu.memory_space<vmem>> -> memref<1x128xi32, #tpu.memory_space<vmem>>
      %dma_wait3A_97 = tpu.memref_squeeze %dma_wait3A_96 : memref<1x128xi32, #tpu.memory_space<vmem>> -> memref<128xi32, #tpu.memory_space<vmem>>
      %dma_wait3A_98 = arith.constant 0 : i32
      %dma_wait3A_99 = arith.constant 0 : i32
      %dma_wait3A_100 = tpu.memref_slice %arg19[%dma_wait3A_98, %dma_wait3A_99] : memref<10000x32xf32, #tpu.memory_space<vmem_shared>> -> memref<10000x32xf32, #tpu.memory_space<vmem_shared>>
      tpu.wait_indirect_dma semaphore(%arg20 : memref<!tpu.dma_semaphore, #tpu.memory_space<semaphore_mem>>) src(%dma_wait3A_100 : memref<10000x32xf32, #tpu.memory_space<vmem_shared>>) dst(%arg9 : memref<128x32xf32, #tpu.memory_space<vmem>>)
      %add3A_101 = arith.constant 5 : i32
      %add3A_102 = arith.addi %add3A_94, %add3A_101 : i32
      %lt3A_103 = arith.constant 160 : i32
      %lt3A_104 = arith.cmpi slt, %add3A_102, %lt3A_103 : i32
      %convert_element_type3A_105 = arith.extui %lt3A_104 : i1 to i32
      %cond3A_106 = arith.constant 0 : i32
      %cond3A_107 = arith.cmpi ne, %convert_element_type3A_105, %cond3A_106 : i32
      scf.if %cond3A_107 {
        %add3A_244 = arith.constant 5 : i32
        %add3A_245 = arith.addi %add3A_94, %add3A_244 : i32
        %dma_start3A_246 = arith.constant 0 : i32
        %dma_start3A_247 = tpu.memref_slice %arg6[%add3A_245, %dma_start3A_246] : memref<160x128xi32, #tpu.memory_space<vmem>> -> memref<1x128xi32, #tpu.memory_space<vmem>>
        %dma_start3A_248 = tpu.memref_squeeze %dma_start3A_247 : memref<1x128xi32, #tpu.memory_space<vmem>> -> memref<128xi32, #tpu.memory_space<vmem>>
        %dma_start3A_249 = arith.constant 0 : i32
        %dma_start3A_250 = arith.constant 0 : i32
        %dma_start3A_251 = tpu.memref_slice %arg19[%dma_start3A_249, %dma_start3A_250] : memref<10000x32xf32, #tpu.memory_space<vmem_shared>> -> memref<10000x32xf32, #tpu.memory_space<vmem_shared>>
        tpu.enqueue_indirect_dma source(%dma_start3A_251 : memref<10000x32xf32, #tpu.memory_space<vmem_shared>>) target(%arg14 : memref<128x32xf32, #tpu.memory_space<vmem>>) offsets(%dma_start3A_248 : memref<128xi32, #tpu.memory_space<vmem>>) semaphore(%arg20 : memref<!tpu.dma_semaphore, #tpu.memory_space<semaphore_mem>>)
      } else {
      }
      %mul3A_108 = arith.constant 10 : i32
      %mul3A_109 = arith.muli %scan3A_77, %mul3A_108 : i32
      %add3A_110 = arith.constant 2 : i32
      %add3A_111 = arith.addi %mul3A_109, %add3A_110 : i32
      %dma_wait3A_112 = arith.constant 0 : i32
      %dma_wait3A_113 = tpu.memref_slice %arg6[%add3A_111, %dma_wait3A_112] : memref<160x128xi32, #tpu.memory_space<vmem>> -> memref<1x128xi32, #tpu.memory_space<vmem>>
      %dma_wait3A_114 = tpu.memref_squeeze %dma_wait3A_113 : memref<1x128xi32, #tpu.memory_space<vmem>> -> memref<128xi32, #tpu.memory_space<vmem>>
      %dma_wait3A_115 = arith.constant 0 : i32
      %dma_wait3A_116 = arith.constant 0 : i32
      %dma_wait3A_117 = tpu.memref_slice %arg19[%dma_wait3A_115, %dma_wait3A_116] : memref<10000x32xf32, #tpu.memory_space<vmem_shared>> -> memref<10000x32xf32, #tpu.memory_space<vmem_shared>>
      tpu.wait_indirect_dma semaphore(%arg20 : memref<!tpu.dma_semaphore, #tpu.memory_space<semaphore_mem>>) src(%dma_wait3A_117 : memref<10000x32xf32, #tpu.memory_space<vmem_shared>>) dst(%arg10 : memref<128x32xf32, #tpu.memory_space<vmem>>)
      %add3A_118 = arith.constant 5 : i32
      %add3A_119 = arith.addi %add3A_111, %add3A_118 : i32
      %lt3A_120 = arith.constant 160 : i32
      %lt3A_121 = arith.cmpi slt, %add3A_119, %lt3A_120 : i32
      %convert_element_type3A_122 = arith.extui %lt3A_121 : i1 to i32
      %cond3A_123 = arith.constant 0 : i32
      %cond3A_124 = arith.cmpi ne, %convert_element_type3A_122, %cond3A_123 : i32
      scf.if %cond3A_124 {
        %add3A_244 = arith.constant 5 : i32
        %add3A_245 = arith.addi %add3A_111, %add3A_244 : i32
        %dma_start3A_246 = arith.constant 0 : i32
        %dma_start3A_247 = tpu.memref_slice %arg6[%add3A_245, %dma_start3A_246] : memref<160x128xi32, #tpu.memory_space<vmem>> -> memref<1x128xi32, #tpu.memory_space<vmem>>
        %dma_start3A_248 = tpu.memref_squeeze %dma_start3A_247 : memref<1x128xi32, #tpu.memory_space<vmem>> -> memref<128xi32, #tpu.memory_space<vmem>>
        %dma_start3A_249 = arith.constant 0 : i32
        %dma_start3A_250 = arith.constant 0 : i32
        %dma_start3A_251 = tpu.memref_slice %arg19[%dma_start3A_249, %dma_start3A_250] : memref<10000x32xf32, #tpu.memory_space<vmem_shared>> -> memref<10000x32xf32, #tpu.memory_space<vmem_shared>>
        tpu.enqueue_indirect_dma source(%dma_start3A_251 : memref<10000x32xf32, #tpu.memory_space<vmem_shared>>) target(%arg15 : memref<128x32xf32, #tpu.memory_space<vmem>>) offsets(%dma_start3A_248 : memref<128xi32, #tpu.memory_space<vmem>>) semaphore(%arg20 : memref<!tpu.dma_semaphore, #tpu.memory_space<semaphore_mem>>)
      } else {
      }
      %mul3A_125 = arith.constant 10 : i32
      %mul3A_126 = arith.muli %scan3A_77, %mul3A_125 : i32
      %add3A_127 = arith.constant 3 : i32
      %add3A_128 = arith.addi %mul3A_126, %add3A_127 : i32
      %dma_wait3A_129 = arith.constant 0 : i32
      %dma_wait3A_130 = tpu.memref_slice %arg6[%add3A_128, %dma_wait3A_129] : memref<160x128xi32, #tpu.memory_space<vmem>> -> memref<1x128xi32, #tpu.memory_space<vmem>>
      %dma_wait3A_131 = tpu.memref_squeeze %dma_wait3A_130 : memref<1x128xi32, #tpu.memory_space<vmem>> -> memref<128xi32, #tpu.memory_space<vmem>>
      %dma_wait3A_132 = arith.constant 0 : i32
      %dma_wait3A_133 = arith.constant 0 : i32
      %dma_wait3A_134 = tpu.memref_slice %arg19[%dma_wait3A_132, %dma_wait3A_133] : memref<10000x32xf32, #tpu.memory_space<vmem_shared>> -> memref<10000x32xf32, #tpu.memory_space<vmem_shared>>
      tpu.wait_indirect_dma semaphore(%arg20 : memref<!tpu.dma_semaphore, #tpu.memory_space<semaphore_mem>>) src(%dma_wait3A_134 : memref<10000x32xf32, #tpu.memory_space<vmem_shared>>) dst(%arg11 : memref<128x32xf32, #tpu.memory_space<vmem>>)
      %add3A_135 = arith.constant 5 : i32
      %add3A_136 = arith.addi %add3A_128, %add3A_135 : i32
      %lt3A_137 = arith.constant 160 : i32
      %lt3A_138 = arith.cmpi slt, %add3A_136, %lt3A_137 : i32
      %convert_element_type3A_139 = arith.extui %lt3A_138 : i1 to i32
      %cond3A_140 = arith.constant 0 : i32
      %cond3A_141 = arith.cmpi ne, %convert_element_type3A_139, %cond3A_140 : i32
      scf.if %cond3A_141 {
        %add3A_244 = arith.constant 5 : i32
        %add3A_245 = arith.addi %add3A_128, %add3A_244 : i32
        %dma_start3A_246 = arith.constant 0 : i32
        %dma_start3A_247 = tpu.memref_slice %arg6[%add3A_245, %dma_start3A_246] : memref<160x128xi32, #tpu.memory_space<vmem>> -> memref<1x128xi32, #tpu.memory_space<vmem>>
        %dma_start3A_248 = tpu.memref_squeeze %dma_start3A_247 : memref<1x128xi32, #tpu.memory_space<vmem>> -> memref<128xi32, #tpu.memory_space<vmem>>
        %dma_start3A_249 = arith.constant 0 : i32
        %dma_start3A_250 = arith.constant 0 : i32
        %dma_start3A_251 = tpu.memref_slice %arg19[%dma_start3A_249, %dma_start3A_250] : memref<10000x32xf32, #tpu.memory_space<vmem_shared>> -> memref<10000x32xf32, #tpu.memory_space<vmem_shared>>
        tpu.enqueue_indirect_dma source(%dma_start3A_251 : memref<10000x32xf32, #tpu.memory_space<vmem_shared>>) target(%arg16 : memref<128x32xf32, #tpu.memory_space<vmem>>) offsets(%dma_start3A_248 : memref<128xi32, #tpu.memory_space<vmem>>) semaphore(%arg20 : memref<!tpu.dma_semaphore, #tpu.memory_space<semaphore_mem>>)
      } else {
      }
      %mul3A_142 = arith.constant 10 : i32
      %mul3A_143 = arith.muli %scan3A_77, %mul3A_142 : i32
      %add3A_144 = arith.constant 4 : i32
      %add3A_145 = arith.addi %mul3A_143, %add3A_144 : i32
      %dma_wait3A_146 = arith.constant 0 : i32
      %dma_wait3A_147 = tpu.memref_slice %arg6[%add3A_145, %dma_wait3A_146] : memref<160x128xi32, #tpu.memory_space<vmem>> -> memref<1x128xi32, #tpu.memory_space<vmem>>
      %dma_wait3A_148 = tpu.memref_squeeze %dma_wait3A_147 : memref<1x128xi32, #tpu.memory_space<vmem>> -> memref<128xi32, #tpu.memory_space<vmem>>
      %dma_wait3A_149 = arith.constant 0 : i32
      %dma_wait3A_150 = arith.constant 0 : i32
      %dma_wait3A_151 = tpu.memref_slice %arg19[%dma_wait3A_149, %dma_wait3A_150] : memref<10000x32xf32, #tpu.memory_space<vmem_shared>> -> memref<10000x32xf32, #tpu.memory_space<vmem_shared>>
      tpu.wait_indirect_dma semaphore(%arg20 : memref<!tpu.dma_semaphore, #tpu.memory_space<semaphore_mem>>) src(%dma_wait3A_151 : memref<10000x32xf32, #tpu.memory_space<vmem_shared>>) dst(%arg12 : memref<128x32xf32, #tpu.memory_space<vmem>>)
      %add3A_152 = arith.constant 5 : i32
      %add3A_153 = arith.addi %add3A_145, %add3A_152 : i32
      %lt3A_154 = arith.constant 160 : i32
      %lt3A_155 = arith.cmpi slt, %add3A_153, %lt3A_154 : i32
      %convert_element_type3A_156 = arith.extui %lt3A_155 : i1 to i32
      %cond3A_157 = arith.constant 0 : i32
      %cond3A_158 = arith.cmpi ne, %convert_element_type3A_156, %cond3A_157 : i32
      scf.if %cond3A_158 {
        %add3A_244 = arith.constant 5 : i32
        %add3A_245 = arith.addi %add3A_145, %add3A_244 : i32
        %dma_start3A_246 = arith.constant 0 : i32
        %dma_start3A_247 = tpu.memref_slice %arg6[%add3A_245, %dma_start3A_246] : memref<160x128xi32, #tpu.memory_space<vmem>> -> memref<1x128xi32, #tpu.memory_space<vmem>>
        %dma_start3A_248 = tpu.memref_squeeze %dma_start3A_247 : memref<1x128xi32, #tpu.memory_space<vmem>> -> memref<128xi32, #tpu.memory_space<vmem>>
        %dma_start3A_249 = arith.constant 0 : i32
        %dma_start3A_250 = arith.constant 0 : i32
        %dma_start3A_251 = tpu.memref_slice %arg19[%dma_start3A_249, %dma_start3A_250] : memref<10000x32xf32, #tpu.memory_space<vmem_shared>> -> memref<10000x32xf32, #tpu.memory_space<vmem_shared>>
        tpu.enqueue_indirect_dma source(%dma_start3A_251 : memref<10000x32xf32, #tpu.memory_space<vmem_shared>>) target(%arg17 : memref<128x32xf32, #tpu.memory_space<vmem>>) offsets(%dma_start3A_248 : memref<128xi32, #tpu.memory_space<vmem>>) semaphore(%arg20 : memref<!tpu.dma_semaphore, #tpu.memory_space<semaphore_mem>>)
      } else {
      }
      %mul3A_159 = arith.constant 10 : i32
      %mul3A_160 = arith.muli %scan3A_77, %mul3A_159 : i32
      %add3A_161 = arith.constant 5 : i32
      %add3A_162 = arith.addi %mul3A_160, %add3A_161 : i32
      %dma_wait3A_163 = arith.constant 0 : i32
      %dma_wait3A_164 = tpu.memref_slice %arg6[%add3A_162, %dma_wait3A_163] : memref<160x128xi32, #tpu.memory_space<vmem>> -> memref<1x128xi32, #tpu.memory_space<vmem>>
      %dma_wait3A_165 = tpu.memref_squeeze %dma_wait3A_164 : memref<1x128xi32, #tpu.memory_space<vmem>> -> memref<128xi32, #tpu.memory_space<vmem>>
      %dma_wait3A_166 = arith.constant 0 : i32
      %dma_wait3A_167 = arith.constant 0 : i32
      %dma_wait3A_168 = tpu.memref_slice %arg19[%dma_wait3A_166, %dma_wait3A_167] : memref<10000x32xf32, #tpu.memory_space<vmem_shared>> -> memref<10000x32xf32, #tpu.memory_space<vmem_shared>>
      tpu.wait_indirect_dma semaphore(%arg20 : memref<!tpu.dma_semaphore, #tpu.memory_space<semaphore_mem>>) src(%dma_wait3A_168 : memref<10000x32xf32, #tpu.memory_space<vmem_shared>>) dst(%arg13 : memref<128x32xf32, #tpu.memory_space<vmem>>)
      %add3A_169 = arith.constant 5 : i32
      %add3A_170 = arith.addi %add3A_162, %add3A_169 : i32
      %lt3A_171 = arith.constant 160 : i32
      %lt3A_172 = arith.cmpi slt, %add3A_170, %lt3A_171 : i32
      %convert_element_type3A_173 = arith.extui %lt3A_172 : i1 to i32
      %cond3A_174 = arith.constant 0 : i32
      %cond3A_175 = arith.cmpi ne, %convert_element_type3A_173, %cond3A_174 : i32
      scf.if %cond3A_175 {
        %add3A_244 = arith.constant 5 : i32
        %add3A_245 = arith.addi %add3A_162, %add3A_244 : i32
        %dma_start3A_246 = arith.constant 0 : i32
        %dma_start3A_247 = tpu.memref_slice %arg6[%add3A_245, %dma_start3A_246] : memref<160x128xi32, #tpu.memory_space<vmem>> -> memref<1x128xi32, #tpu.memory_space<vmem>>
        %dma_start3A_248 = tpu.memref_squeeze %dma_start3A_247 : memref<1x128xi32, #tpu.memory_space<vmem>> -> memref<128xi32, #tpu.memory_space<vmem>>
        %dma_start3A_249 = arith.constant 0 : i32
        %dma_start3A_250 = arith.constant 0 : i32
        %dma_start3A_251 = tpu.memref_slice %arg19[%dma_start3A_249, %dma_start3A_250] : memref<10000x32xf32, #tpu.memory_space<vmem_shared>> -> memref<10000x32xf32, #tpu.memory_space<vmem_shared>>
        tpu.enqueue_indirect_dma source(%dma_start3A_251 : memref<10000x32xf32, #tpu.memory_space<vmem_shared>>) target(%arg8 : memref<128x32xf32, #tpu.memory_space<vmem>>) offsets(%dma_start3A_248 : memref<128xi32, #tpu.memory_space<vmem>>) semaphore(%arg20 : memref<!tpu.dma_semaphore, #tpu.memory_space<semaphore_mem>>)
      } else {
      }
      %mul3A_176 = arith.constant 10 : i32
      %mul3A_177 = arith.muli %scan3A_77, %mul3A_176 : i32
      %add3A_178 = arith.constant 6 : i32
      %add3A_179 = arith.addi %mul3A_177, %add3A_178 : i32
      %dma_wait3A_180 = arith.constant 0 : i32
      %dma_wait3A_181 = tpu.memref_slice %arg6[%add3A_179, %dma_wait3A_180] : memref<160x128xi32, #tpu.memory_space<vmem>> -> memref<1x128xi32, #tpu.memory_space<vmem>>
      %dma_wait3A_182 = tpu.memref_squeeze %dma_wait3A_181 : memref<1x128xi32, #tpu.memory_space<vmem>> -> memref<128xi32, #tpu.memory_space<vmem>>
      %dma_wait3A_183 = arith.constant 0 : i32
      %dma_wait3A_184 = arith.constant 0 : i32
      %dma_wait3A_185 = tpu.memref_slice %arg19[%dma_wait3A_183, %dma_wait3A_184] : memref<10000x32xf32, #tpu.memory_space<vmem_shared>> -> memref<10000x32xf32, #tpu.memory_space<vmem_shared>>
      tpu.wait_indirect_dma semaphore(%arg20 : memref<!tpu.dma_semaphore, #tpu.memory_space<semaphore_mem>>) src(%dma_wait3A_185 : memref<10000x32xf32, #tpu.memory_space<vmem_shared>>) dst(%arg14 : memref<128x32xf32, #tpu.memory_space<vmem>>)
      %add3A_186 = arith.constant 5 : i32
      %add3A_187 = arith.addi %add3A_179, %add3A_186 : i32
      %lt3A_188 = arith.constant 160 : i32
      %lt3A_189 = arith.cmpi slt, %add3A_187, %lt3A_188 : i32
      %convert_element_type3A_190 = arith.extui %lt3A_189 : i1 to i32
      %cond3A_191 = arith.constant 0 : i32
      %cond3A_192 = arith.cmpi ne, %convert_element_type3A_190, %cond3A_191 : i32
      scf.if %cond3A_192 {
        %add3A_244 = arith.constant 5 : i32
        %add3A_245 = arith.addi %add3A_179, %add3A_244 : i32
        %dma_start3A_246 = arith.constant 0 : i32
        %dma_start3A_247 = tpu.memref_slice %arg6[%add3A_245, %dma_start3A_246] : memref<160x128xi32, #tpu.memory_space<vmem>> -> memref<1x128xi32, #tpu.memory_space<vmem>>
        %dma_start3A_248 = tpu.memref_squeeze %dma_start3A_247 : memref<1x128xi32, #tpu.memory_space<vmem>> -> memref<128xi32, #tpu.memory_space<vmem>>
        %dma_start3A_249 = arith.constant 0 : i32
        %dma_start3A_250 = arith.constant 0 : i32
        %dma_start3A_251 = tpu.memref_slice %arg19[%dma_start3A_249, %dma_start3A_250] : memref<10000x32xf32, #tpu.memory_space<vmem_shared>> -> memref<10000x32xf32, #tpu.memory_space<vmem_shared>>
        tpu.enqueue_indirect_dma source(%dma_start3A_251 : memref<10000x32xf32, #tpu.memory_space<vmem_shared>>) target(%arg9 : memref<128x32xf32, #tpu.memory_space<vmem>>) offsets(%dma_start3A_248 : memref<128xi32, #tpu.memory_space<vmem>>) semaphore(%arg20 : memref<!tpu.dma_semaphore, #tpu.memory_space<semaphore_mem>>)
      } else {
      }
      %mul3A_193 = arith.constant 10 : i32
      %mul3A_194 = arith.muli %scan3A_77, %mul3A_193 : i32
      %add3A_195 = arith.constant 7 : i32
      %add3A_196 = arith.addi %mul3A_194, %add3A_195 : i32
      %dma_wait3A_197 = arith.constant 0 : i32
      %dma_wait3A_198 = tpu.memref_slice %arg6[%add3A_196, %dma_wait3A_197] : memref<160x128xi32, #tpu.memory_space<vmem>> -> memref<1x128xi32, #tpu.memory_space<vmem>>
      %dma_wait3A_199 = tpu.memref_squeeze %dma_wait3A_198 : memref<1x128xi32, #tpu.memory_space<vmem>> -> memref<128xi32, #tpu.memory_space<vmem>>
      %dma_wait3A_200 = arith.constant 0 : i32
      %dma_wait3A_201 = arith.constant 0 : i32
      %dma_wait3A_202 = tpu.memref_slice %arg19[%dma_wait3A_200, %dma_wait3A_201] : memref<10000x32xf32, #tpu.memory_space<vmem_shared>> -> memref<10000x32xf32, #tpu.memory_space<vmem_shared>>
      tpu.wait_indirect_dma semaphore(%arg20 : memref<!tpu.dma_semaphore, #tpu.memory_space<semaphore_mem>>) src(%dma_wait3A_202 : memref<10000x32xf32, #tpu.memory_space<vmem_shared>>) dst(%arg15 : memref<128x32xf32, #tpu.memory_space<vmem>>)
      %add3A_203 = arith.constant 5 : i32
      %add3A_204 = arith.addi %add3A_196, %add3A_203 : i32
      %lt3A_205 = arith.constant 160 : i32
      %lt3A_206 = arith.cmpi slt, %add3A_204, %lt3A_205 : i32
      %convert_element_type3A_207 = arith.extui %lt3A_206 : i1 to i32
      %cond3A_208 = arith.constant 0 : i32
      %cond3A_209 = arith.cmpi ne, %convert_element_type3A_207, %cond3A_208 : i32
      scf.if %cond3A_209 {
        %add3A_244 = arith.constant 5 : i32
        %add3A_245 = arith.addi %add3A_196, %add3A_244 : i32
        %dma_start3A_246 = arith.constant 0 : i32
        %dma_start3A_247 = tpu.memref_slice %arg6[%add3A_245, %dma_start3A_246] : memref<160x128xi32, #tpu.memory_space<vmem>> -> memref<1x128xi32, #tpu.memory_space<vmem>>
        %dma_start3A_248 = tpu.memref_squeeze %dma_start3A_247 : memref<1x128xi32, #tpu.memory_space<vmem>> -> memref<128xi32, #tpu.memory_space<vmem>>
        %dma_start3A_249 = arith.constant 0 : i32
        %dma_start3A_250 = arith.constant 0 : i32
        %dma_start3A_251 = tpu.memref_slice %arg19[%dma_start3A_249, %dma_start3A_250] : memref<10000x32xf32, #tpu.memory_space<vmem_shared>> -> memref<10000x32xf32, #tpu.memory_space<vmem_shared>>
        tpu.enqueue_indirect_dma source(%dma_start3A_251 : memref<10000x32xf32, #tpu.memory_space<vmem_shared>>) target(%arg10 : memref<128x32xf32, #tpu.memory_space<vmem>>) offsets(%dma_start3A_248 : memref<128xi32, #tpu.memory_space<vmem>>) semaphore(%arg20 : memref<!tpu.dma_semaphore, #tpu.memory_space<semaphore_mem>>)
      } else {
      }
      %mul3A_210 = arith.constant 10 : i32
      %mul3A_211 = arith.muli %scan3A_77, %mul3A_210 : i32
      %add3A_212 = arith.constant 8 : i32
      %add3A_213 = arith.addi %mul3A_211, %add3A_212 : i32
      %dma_wait3A_214 = arith.constant 0 : i32
      %dma_wait3A_215 = tpu.memref_slice %arg6[%add3A_213, %dma_wait3A_214] : memref<160x128xi32, #tpu.memory_space<vmem>> -> memref<1x128xi32, #tpu.memory_space<vmem>>
      %dma_wait3A_216 = tpu.memref_squeeze %dma_wait3A_215 : memref<1x128xi32, #tpu.memory_space<vmem>> -> memref<128xi32, #tpu.memory_space<vmem>>
      %dma_wait3A_217 = arith.constant 0 : i32
      %dma_wait3A_218 = arith.constant 0 : i32
      %dma_wait3A_219 = tpu.memref_slice %arg19[%dma_wait3A_217, %dma_wait3A_218] : memref<10000x32xf32, #tpu.memory_space<vmem_shared>> -> memref<10000x32xf32, #tpu.memory_space<vmem_shared>>
      tpu.wait_indirect_dma semaphore(%arg20 : memref<!tpu.dma_semaphore, #tpu.memory_space<semaphore_mem>>) src(%dma_wait3A_219 : memref<10000x32xf32, #tpu.memory_space<vmem_shared>>) dst(%arg16 : memref<128x32xf32, #tpu.memory_space<vmem>>)
      %add3A_220 = arith.constant 5 : i32
      %add3A_221 = arith.addi %add3A_213, %add3A_220 : i32
      %lt3A_222 = arith.constant 160 : i32
      %lt3A_223 = arith.cmpi slt, %add3A_221, %lt3A_222 : i32
      %convert_element_type3A_224 = arith.extui %lt3A_223 : i1 to i32
      %cond3A_225 = arith.constant 0 : i32
      %cond3A_226 = arith.cmpi ne, %convert_element_type3A_224, %cond3A_225 : i32
      scf.if %cond3A_226 {
        %add3A_244 = arith.constant 5 : i32
        %add3A_245 = arith.addi %add3A_213, %add3A_244 : i32
        %dma_start3A_246 = arith.constant 0 : i32
        %dma_start3A_247 = tpu.memref_slice %arg6[%add3A_245, %dma_start3A_246] : memref<160x128xi32, #tpu.memory_space<vmem>> -> memref<1x128xi32, #tpu.memory_space<vmem>>
        %dma_start3A_248 = tpu.memref_squeeze %dma_start3A_247 : memref<1x128xi32, #tpu.memory_space<vmem>> -> memref<128xi32, #tpu.memory_space<vmem>>
        %dma_start3A_249 = arith.constant 0 : i32
        %dma_start3A_250 = arith.constant 0 : i32
        %dma_start3A_251 = tpu.memref_slice %arg19[%dma_start3A_249, %dma_start3A_250] : memref<10000x32xf32, #tpu.memory_space<vmem_shared>> -> memref<10000x32xf32, #tpu.memory_space<vmem_shared>>
        tpu.enqueue_indirect_dma source(%dma_start3A_251 : memref<10000x32xf32, #tpu.memory_space<vmem_shared>>) target(%arg11 : memref<128x32xf32, #tpu.memory_space<vmem>>) offsets(%dma_start3A_248 : memref<128xi32, #tpu.memory_space<vmem>>) semaphore(%arg20 : memref<!tpu.dma_semaphore, #tpu.memory_space<semaphore_mem>>)
      } else {
      }
      %mul3A_227 = arith.constant 10 : i32
      %mul3A_228 = arith.muli %scan3A_77, %mul3A_227 : i32
      %add3A_229 = arith.constant 9 : i32
      %add3A_230 = arith.addi %mul3A_228, %add3A_229 : i32
      %dma_wait3A_231 = arith.constant 0 : i32
      %dma_wait3A_232 = tpu.memref_slice %arg6[%add3A_230, %dma_wait3A_231] : memref<160x128xi32, #tpu.memory_space<vmem>> -> memref<1x128xi32, #tpu.memory_space<vmem>>
      %dma_wait3A_233 = tpu.memref_squeeze %dma_wait3A_232 : memref<1x128xi32, #tpu.memory_space<vmem>> -> memref<128xi32, #tpu.memory_space<vmem>>
      %dma_wait3A_234 = arith.constant 0 : i32
      %dma_wait3A_235 = arith.constant 0 : i32
      %dma_wait3A_236 = tpu.memref_slice %arg19[%dma_wait3A_234, %dma_wait3A_235] : memref<10000x32xf32, #tpu.memory_space<vmem_shared>> -> memref<10000x32xf32, #tpu.memory_space<vmem_shared>>
      tpu.wait_indirect_dma semaphore(%arg20 : memref<!tpu.dma_semaphore, #tpu.memory_space<semaphore_mem>>) src(%dma_wait3A_236 : memref<10000x32xf32, #tpu.memory_space<vmem_shared>>) dst(%arg17 : memref<128x32xf32, #tpu.memory_space<vmem>>)
      %add3A_237 = arith.constant 5 : i32
      %add3A_238 = arith.addi %add3A_230, %add3A_237 : i32
      %lt3A_239 = arith.constant 160 : i32
      %lt3A_240 = arith.cmpi slt, %add3A_238, %lt3A_239 : i32
      %convert_element_type3A_241 = arith.extui %lt3A_240 : i1 to i32
      %cond3A_242 = arith.constant 0 : i32
      %cond3A_243 = arith.cmpi ne, %convert_element_type3A_241, %cond3A_242 : i32
      scf.if %cond3A_243 {
        %add3A_244 = arith.constant 5 : i32
        %add3A_245 = arith.addi %add3A_230, %add3A_244 : i32
        %dma_start3A_246 = arith.constant 0 : i32
        %dma_start3A_247 = tpu.memref_slice %arg6[%add3A_245, %dma_start3A_246] : memref<160x128xi32, #tpu.memory_space<vmem>> -> memref<1x128xi32, #tpu.memory_space<vmem>>
        %dma_start3A_248 = tpu.memref_squeeze %dma_start3A_247 : memref<1x128xi32, #tpu.memory_space<vmem>> -> memref<128xi32, #tpu.memory_space<vmem>>
        %dma_start3A_249 = arith.constant 0 : i32
        %dma_start3A_250 = arith.constant 0 : i32
        %dma_start3A_251 = tpu.memref_slice %arg19[%dma_start3A_249, %dma_start3A_250] : memref<10000x32xf32, #tpu.memory_space<vmem_shared>> -> memref<10000x32xf32, #tpu.memory_space<vmem_shared>>
        tpu.enqueue_indirect_dma source(%dma_start3A_251 : memref<10000x32xf32, #tpu.memory_space<vmem_shared>>) target(%arg12 : memref<128x32xf32, #tpu.memory_space<vmem>>) offsets(%dma_start3A_248 : memref<128xi32, #tpu.memory_space<vmem>>) semaphore(%arg20 : memref<!tpu.dma_semaphore, #tpu.memory_space<semaphore_mem>>)
      } else {
      }
    }
    %scan3A_65 = arith.constant 16 : i32
    %barrier3A_66 = arith.constant 0 : index
    tpu.barrier barrier_id(%barrier3A_66)
    %add3A_67 = arith.constant 0 : i32
    %add3A_68 = arith.addi %mul3A_8, %add3A_67 : i32
    "tpu.region"() ({
      %run_scoped3A = tpu.sem_alloc : memref<!tpu.dma_semaphore, #tpu.memory_space<semaphore_mem>>
      %dma_start3A_77 = tpu.memref_slice %arg5[%add3A_68, %mul3A_0] : memref<10240x128xf32, #tpu.memory_space<hbm>> -> memref<128x32xf32, #tpu.memory_space<hbm>>
      %dma_start3A_78 = arith.constant 0 : i32
      %dma_start3A_79 = tpu.memref_slice %arg18[%add3A_68, %dma_start3A_78] : memref<10240x32xf32, #tpu.memory_space<vmem_shared>> -> memref<128x32xf32, #tpu.memory_space<vmem_shared>>
      tpu.enqueue_dma source(%dma_start3A_79 : memref<128x32xf32, #tpu.memory_space<vmem_shared>>) target(%dma_start3A_77 : memref<128x32xf32, #tpu.memory_space<hbm>>) target_semaphore(%run_scoped3A : memref<!tpu.dma_semaphore, #tpu.memory_space<semaphore_mem>>)
      %dma_wait3A = tpu.memref_slice %arg5[%add3A_68, %mul3A_0] : memref<10240x128xf32, #tpu.memory_space<hbm>> -> memref<128x32xf32, #tpu.memory_space<hbm>>
      %dma_wait3A_80 = arith.constant 0 : i32
      %dma_wait3A_81 = tpu.memref_slice %arg18[%add3A_68, %dma_wait3A_80] : memref<10240x32xf32, #tpu.memory_space<vmem_shared>> -> memref<128x32xf32, #tpu.memory_space<vmem_shared>>
      tpu.wait_dma2 semaphore(%run_scoped3A : memref<!tpu.dma_semaphore, #tpu.memory_space<semaphore_mem>>) src(%dma_wait3A_81 : memref<128x32xf32, #tpu.memory_space<vmem_shared>>) dst(%dma_wait3A : memref<128x32xf32, #tpu.memory_space<hbm>>)
      tpu.yield
    }) : () -> ()
    %add3A_69 = arith.constant 128 : i32
    %add3A_70 = arith.addi %mul3A_8, %add3A_69 : i32
    "tpu.region"() ({
      %run_scoped3A = tpu.sem_alloc : memref<!tpu.dma_semaphore, #tpu.memory_space<semaphore_mem>>
      %dma_start3A_77 = tpu.memref_slice %arg5[%add3A_70, %mul3A_0] : memref<10240x128xf32, #tpu.memory_space<hbm>> -> memref<128x32xf32, #tpu.memory_space<hbm>>
      %dma_start3A_78 = arith.constant 0 : i32
      %dma_start3A_79 = tpu.memref_slice %arg18[%add3A_70, %dma_start3A_78] : memref<10240x32xf32, #tpu.memory_space<vmem_shared>> -> memref<128x32xf32, #tpu.memory_space<vmem_shared>>
      tpu.enqueue_dma source(%dma_start3A_79 : memref<128x32xf32, #tpu.memory_space<vmem_shared>>) target(%dma_start3A_77 : memref<128x32xf32, #tpu.memory_space<hbm>>) target_semaphore(%run_scoped3A : memref<!tpu.dma_semaphore, #tpu.memory_space<semaphore_mem>>)
      %dma_wait3A = tpu.memref_slice %arg5[%add3A_70, %mul3A_0] : memref<10240x128xf32, #tpu.memory_space<hbm>> -> memref<128x32xf32, #tpu.memory_space<hbm>>
      %dma_wait3A_80 = arith.constant 0 : i32
      %dma_wait3A_81 = tpu.memref_slice %arg18[%add3A_70, %dma_wait3A_80] : memref<10240x32xf32, #tpu.memory_space<vmem_shared>> -> memref<128x32xf32, #tpu.memory_space<vmem_shared>>
      tpu.wait_dma2 semaphore(%run_scoped3A : memref<!tpu.dma_semaphore, #tpu.memory_space<semaphore_mem>>) src(%dma_wait3A_81 : memref<128x32xf32, #tpu.memory_space<vmem_shared>>) dst(%dma_wait3A : memref<128x32xf32, #tpu.memory_space<hbm>>)
      tpu.yield
    }) : () -> ()
    %add3A_71 = arith.constant 256 : i32
    %add3A_72 = arith.addi %mul3A_8, %add3A_71 : i32
    "tpu.region"() ({
      %run_scoped3A = tpu.sem_alloc : memref<!tpu.dma_semaphore, #tpu.memory_space<semaphore_mem>>
      %dma_start3A_77 = tpu.memref_slice %arg5[%add3A_72, %mul3A_0] : memref<10240x128xf32, #tpu.memory_space<hbm>> -> memref<128x32xf32, #tpu.memory_space<hbm>>
      %dma_start3A_78 = arith.constant 0 : i32
      %dma_start3A_79 = tpu.memref_slice %arg18[%add3A_72, %dma_start3A_78] : memref<10240x32xf32, #tpu.memory_space<vmem_shared>> -> memref<128x32xf32, #tpu.memory_space<vmem_shared>>
      tpu.enqueue_dma source(%dma_start3A_79 : memref<128x32xf32, #tpu.memory_space<vmem_shared>>) target(%dma_start3A_77 : memref<128x32xf32, #tpu.memory_space<hbm>>) target_semaphore(%run_scoped3A : memref<!tpu.dma_semaphore, #tpu.memory_space<semaphore_mem>>)
      %dma_wait3A = tpu.memref_slice %arg5[%add3A_72, %mul3A_0] : memref<10240x128xf32, #tpu.memory_space<hbm>> -> memref<128x32xf32, #tpu.memory_space<hbm>>
      %dma_wait3A_80 = arith.constant 0 : i32
      %dma_wait3A_81 = tpu.memref_slice %arg18[%add3A_72, %dma_wait3A_80] : memref<10240x32xf32, #tpu.memory_space<vmem_shared>> -> memref<128x32xf32, #tpu.memory_space<vmem_shared>>
      tpu.wait_dma2 semaphore(%run_scoped3A : memref<!tpu.dma_semaphore, #tpu.memory_space<semaphore_mem>>) src(%dma_wait3A_81 : memref<128x32xf32, #tpu.memory_space<vmem_shared>>) dst(%dma_wait3A : memref<128x32xf32, #tpu.memory_space<hbm>>)
      tpu.yield
    }) : () -> ()
    %add3A_73 = arith.constant 384 : i32
    %add3A_74 = arith.addi %mul3A_8, %add3A_73 : i32
    "tpu.region"() ({
      %run_scoped3A = tpu.sem_alloc : memref<!tpu.dma_semaphore, #tpu.memory_space<semaphore_mem>>
      %dma_start3A_77 = tpu.memref_slice %arg5[%add3A_74, %mul3A_0] : memref<10240x128xf32, #tpu.memory_space<hbm>> -> memref<128x32xf32, #tpu.memory_space<hbm>>
      %dma_start3A_78 = arith.constant 0 : i32
      %dma_start3A_79 = tpu.memref_slice %arg18[%add3A_74, %dma_start3A_78] : memref<10240x32xf32, #tpu.memory_space<vmem_shared>> -> memref<128x32xf32, #tpu.memory_space<vmem_shared>>
      tpu.enqueue_dma source(%dma_start3A_79 : memref<128x32xf32, #tpu.memory_space<vmem_shared>>) target(%dma_start3A_77 : memref<128x32xf32, #tpu.memory_space<hbm>>) target_semaphore(%run_scoped3A : memref<!tpu.dma_semaphore, #tpu.memory_space<semaphore_mem>>)
      %dma_wait3A = tpu.memref_slice %arg5[%add3A_74, %mul3A_0] : memref<10240x128xf32, #tpu.memory_space<hbm>> -> memref<128x32xf32, #tpu.memory_space<hbm>>
      %dma_wait3A_80 = arith.constant 0 : i32
      %dma_wait3A_81 = tpu.memref_slice %arg18[%add3A_74, %dma_wait3A_80] : memref<10240x32xf32, #tpu.memory_space<vmem_shared>> -> memref<128x32xf32, #tpu.memory_space<vmem_shared>>
      tpu.wait_dma2 semaphore(%run_scoped3A : memref<!tpu.dma_semaphore, #tpu.memory_space<semaphore_mem>>) src(%dma_wait3A_81 : memref<128x32xf32, #tpu.memory_space<vmem_shared>>) dst(%dma_wait3A : memref<128x32xf32, #tpu.memory_space<hbm>>)
      tpu.yield
    }) : () -> ()
    %add3A_75 = arith.constant 512 : i32
    %add3A_76 = arith.addi %mul3A_8, %add3A_75 : i32
    "tpu.region"() ({
      %run_scoped3A = tpu.sem_alloc : memref<!tpu.dma_semaphore, #tpu.memory_space<semaphore_mem>>
      %dma_start3A_77 = tpu.memref_slice %arg5[%add3A_76, %mul3A_0] : memref<10240x128xf32, #tpu.memory_space<hbm>> -> memref<128x32xf32, #tpu.memory_space<hbm>>
      %dma_start3A_78 = arith.constant 0 : i32
      %dma_start3A_79 = tpu.memref_slice %arg18[%add3A_76, %dma_start3A_78] : memref<10240x32xf32, #tpu.memory_space<vmem_shared>> -> memref<128x32xf32, #tpu.memory_space<vmem_shared>>
      tpu.enqueue_dma source(%dma_start3A_79 : memref<128x32xf32, #tpu.memory_space<vmem_shared>>) target(%dma_start3A_77 : memref<128x32xf32, #tpu.memory_space<hbm>>) target_semaphore(%run_scoped3A : memref<!tpu.dma_semaphore, #tpu.memory_space<semaphore_mem>>)
      %dma_wait3A = tpu.memref_slice %arg5[%add3A_76, %mul3A_0] : memref<10240x128xf32, #tpu.memory_space<hbm>> -> memref<128x32xf32, #tpu.memory_space<hbm>>
      %dma_wait3A_80 = arith.constant 0 : i32
      %dma_wait3A_81 = tpu.memref_slice %arg18[%add3A_76, %dma_wait3A_80] : memref<10240x32xf32, #tpu.memory_space<vmem_shared>> -> memref<128x32xf32, #tpu.memory_space<vmem_shared>>
      tpu.wait_dma2 semaphore(%run_scoped3A : memref<!tpu.dma_semaphore, #tpu.memory_space<semaphore_mem>>) src(%dma_wait3A_81 : memref<128x32xf32, #tpu.memory_space<vmem_shared>>) dst(%dma_wait3A : memref<128x32xf32, #tpu.memory_space<hbm>>)
      tpu.yield
    }) : () -> ()
    return
  }
}

#map = affine_map<(d0, d1) -> (0, 0)>
module attributes {stable_mosaic.version = 14 : i64} {
  func.func @k(%arg0: i32, %arg1: i32, %arg2: memref<10000x128xf32, #tpu.memory_space<hbm>>, %arg3: memref<2560x128xi32, #tpu.memory_space<hbm>>, %arg4: memref<2560x128xi32, #tpu.memory_space<hbm>>, %arg5: memref<10240x128xf32, #tpu.memory_space<hbm>>, %arg6: memref<160x128xi32, #tpu.memory_space<vmem>>, %arg7: memref<160x128xi32, #tpu.memory_space<vmem>>, %arg8: memref<128x32xf32, #tpu.memory_space<vmem>>, %arg9: memref<128x32xf32, #tpu.memory_space<vmem>>, %arg10: memref<128x32xf32, #tpu.memory_space<vmem>>, %arg11: memref<128x32xf32, #tpu.memory_space<vmem>>, %arg12: memref<128x32xf32, #tpu.memory_space<vmem>>, %arg13: memref<128x32xf32, #tpu.memory_space<vmem>>, %arg14: memref<128x32xf32, #tpu.memory_space<vmem>>, %arg15: memref<128x32xf32, #tpu.memory_space<vmem>>, %arg16: memref<128x32xf32, #tpu.memory_space<vmem>>, %arg17: memref<128x32xf32, #tpu.memory_space<vmem>>, %arg18: memref<10240x32xf32, #tpu.memory_space<vmem_shared>>, %arg19: memref<10000x32xf32, #tpu.memory_space<vmem_shared>>, %arg20: memref<!tpu.dma_semaphore, #tpu.memory_space<semaphore_mem>>, %arg21: memref<!tpu.dma_semaphore, #tpu.memory_space<semaphore_mem>>) attributes {dimension_semantics = [#tpu.dimension_semantics<core_parallel>, #tpu.dimension_semantics<subcore_parallel>], iteration_bounds = array<i64: 2, 16>, scalar_prefetch = 0 : i64, scratch_operands = 16 : i64, tpu.core_type = #tpu.core_type<sc_vector_subcore>, window_params = [{transform_indices = #map}, {transform_indices = #map}, {transform_indices = #map}, {transform_indices = #map}]} {
    %mul3A = arith.constant 32 : i32
    %mul3A_0 = arith.muli %arg0, %mul3A : i32
    %broadcast_in_dim3A = arith.constant 0.000000e+00 : f32
    %broadcast_in_dim3A_1 = vector.broadcast %broadcast_in_dim3A : f32 to vector<16xf32>
    %scan3A = arith.constant 0 : i32
    %scan3A_2 = arith.constant 0 : i32
    %scan3A_3 = arith.constant 128 : i32
    %scan3A_4 = arith.addi %scan3A_2, %scan3A_3 : i32
    %scan3A_5 = arith.constant 1 : i32
    scf.for %scan3A_77 = %scan3A_2 to %scan3A_4 step %scan3A_5  : i32 {
      %swap3A = arith.index_cast %scan3A_77 : i32 to index
      %swap3A_78 = arith.constant 0 : index
      %swap3A_79 = tpu.vector_load %arg8[%swap3A, %swap3A_78] {strides = array<i32>} : memref<128x32xf32, #tpu.memory_space<vmem>>, vector<1x16xf32>,
      %swap3A_80 = vector.shape_cast %swap3A_79 : vector<1x16xf32> to vector<16xf32>
      %swap3A_81 = vector.shape_cast %broadcast_in_dim3A_1 : vector<16xf32> to vector<1x16xf32>
      tpu.vector_store %arg8[%swap3A, %swap3A_78], %swap3A_81 {strides = array<i32>} : memref<128x32xf32, #tpu.memory_space<vmem>>, vector<1x16xf32>,
      %swap3A_82 = arith.index_cast %scan3A_77 : i32 to index
      %swap3A_83 = arith.constant 16 : index
      %swap3A_84 = tpu.vector_load %arg8[%swap3A_82, %swap3A_83] {strides = array<i32>} : memref<128x32xf32, #tpu.memory_space<vmem>>, vector<1x16xf32>,
      %swap3A_85 = vector.shape_cast %swap3A_84 : vector<1x16xf32> to vector<16xf32>
      %swap3A_86 = vector.shape_cast %broadcast_in_dim3A_1 : vector<16xf32> to vector<1x16xf32>
      tpu.vector_store %arg8[%swap3A_82, %swap3A_83], %swap3A_86 {strides = array<i32>} : memref<128x32xf32, #tpu.memory_space<vmem>>, vector<1x16xf32>,
    }
    %scan3A_6 = arith.constant 128 : i32
    %mul3A_7 = arith.constant 640 : i32
    %mul3A_8 = arith.muli %arg1, %mul3A_7 : i32
    %add3A = arith.constant 0 : i32
    %add3A_9 = arith.addi %mul3A_8, %add3A : i32
    "tpu.region"() ({
      %run_scoped3A = tpu.sem_alloc : memref<!tpu.dma_semaphore, #tpu.memory_space<semaphore_mem>>
      %dma_start3A_77 = arith.constant 0 : i32
      %dma_start3A_78 = tpu.memref_slice %arg18[%add3A_9, %dma_start3A_77] : memref<10240x32xf32, #tpu.memory_space<vmem_shared>> -> memref<128x32xf32, #tpu.memory_space<vmem_shared>>
      %dma_start3A_79 = arith.constant 0 : i32
      %dma_start3A_80 = tpu.memref_slice %arg18[%add3A_9, %dma_start3A_79] : memref<10240x32xf32, #tpu.memory_space<vmem_shared>> -> memref<128x32xf32, #tpu.memory_space<vmem_shared>>
      tpu.enqueue_dma source(%arg8 : memref<128x32xf32, #tpu.memory_space<vmem>>) target(%dma_start3A_80 : memref<128x32xf32, #tpu.memory_space<vmem_shared>>) target_semaphore(%run_scoped3A : memref<!tpu.dma_semaphore, #tpu.memory_space<semaphore_mem>>)
      %dma_wait3A = arith.constant 0 : i32
      %dma_wait3A_81 = tpu.memref_slice %arg18[%add3A_9, %dma_wait3A] : memref<10240x32xf32, #tpu.memory_space<vmem_shared>> -> memref<128x32xf32, #tpu.memory_space<vmem_shared>>
      %dma_wait3A_82 = arith.constant 0 : i32
      %dma_wait3A_83 = tpu.memref_slice %arg18[%add3A_9, %dma_wait3A_82] : memref<10240x32xf32, #tpu.memory_space<vmem_shared>> -> memref<128x32xf32, #tpu.memory_space<vmem_shared>>
      tpu.wait_dma2 semaphore(%run_scoped3A : memref<!tpu.dma_semaphore, #tpu.memory_space<semaphore_mem>>) src(%arg8 : memref<128x32xf32, #tpu.memory_space<vmem>>) dst(%dma_wait3A_83 : memref<128x32xf32, #tpu.memory_space<vmem_shared>>)
      tpu.yield
    }) : () -> ()
    %add3A_10 = arith.constant 128 : i32
    %add3A_11 = arith.addi %mul3A_8, %add3A_10 : i32
    "tpu.region"() ({
      %run_scoped3A = tpu.sem_alloc : memref<!tpu.dma_semaphore, #tpu.memory_space<semaphore_mem>>
      %dma_start3A_77 = arith.constant 0 : i32
      %dma_start3A_78 = tpu.memref_slice %arg18[%add3A_11, %dma_start3A_77] : memref<10240x32xf32, #tpu.memory_space<vmem_shared>> -> memref<128x32xf32, #tpu.memory_space<vmem_shared>>
      %dma_start3A_79 = arith.constant 0 : i32
      %dma_start3A_80 = tpu.memref_slice %arg18[%add3A_11, %dma_start3A_79] : memref<10240x32xf32, #tpu.memory_space<vmem_shared>> -> memref<128x32xf32, #tpu.memory_space<vmem_shared>>
      tpu.enqueue_dma source(%arg8 : memref<128x32xf32, #tpu.memory_space<vmem>>) target(%dma_start3A_80 : memref<128x32xf32, #tpu.memory_space<vmem_shared>>) target_semaphore(%run_scoped3A : memref<!tpu.dma_semaphore, #tpu.memory_space<semaphore_mem>>)
      %dma_wait3A = arith.constant 0 : i32
      %dma_wait3A_81 = tpu.memref_slice %arg18[%add3A_11, %dma_wait3A] : memref<10240x32xf32, #tpu.memory_space<vmem_shared>> -> memref<128x32xf32, #tpu.memory_space<vmem_shared>>
      %dma_wait3A_82 = arith.constant 0 : i32
      %dma_wait3A_83 = tpu.memref_slice %arg18[%add3A_11, %dma_wait3A_82] : memref<10240x32xf32, #tpu.memory_space<vmem_shared>> -> memref<128x32xf32, #tpu.memory_space<vmem_shared>>
      tpu.wait_dma2 semaphore(%run_scoped3A : memref<!tpu.dma_semaphore, #tpu.memory_space<semaphore_mem>>) src(%arg8 : memref<128x32xf32, #tpu.memory_space<vmem>>) dst(%dma_wait3A_83 : memref<128x32xf32, #tpu.memory_space<vmem_shared>>)
      tpu.yield
    }) : () -> ()
    %add3A_12 = arith.constant 256 : i32
    %add3A_13 = arith.addi %mul3A_8, %add3A_12 : i32
    "tpu.region"() ({
      %run_scoped3A = tpu.sem_alloc : memref<!tpu.dma_semaphore, #tpu.memory_space<semaphore_mem>>
      %dma_start3A_77 = arith.constant 0 : i32
      %dma_start3A_78 = tpu.memref_slice %arg18[%add3A_13, %dma_start3A_77] : memref<10240x32xf32, #tpu.memory_space<vmem_shared>> -> memref<128x32xf32, #tpu.memory_space<vmem_shared>>
      %dma_start3A_79 = arith.constant 0 : i32
      %dma_start3A_80 = tpu.memref_slice %arg18[%add3A_13, %dma_start3A_79] : memref<10240x32xf32, #tpu.memory_space<vmem_shared>> -> memref<128x32xf32, #tpu.memory_space<vmem_shared>>
      tpu.enqueue_dma source(%arg8 : memref<128x32xf32, #tpu.memory_space<vmem>>) target(%dma_start3A_80 : memref<128x32xf32, #tpu.memory_space<vmem_shared>>) target_semaphore(%run_scoped3A : memref<!tpu.dma_semaphore, #tpu.memory_space<semaphore_mem>>)
      %dma_wait3A = arith.constant 0 : i32
      %dma_wait3A_81 = tpu.memref_slice %arg18[%add3A_13, %dma_wait3A] : memref<10240x32xf32, #tpu.memory_space<vmem_shared>> -> memref<128x32xf32, #tpu.memory_space<vmem_shared>>
      %dma_wait3A_82 = arith.constant 0 : i32
      %dma_wait3A_83 = tpu.memref_slice %arg18[%add3A_13, %dma_wait3A_82] : memref<10240x32xf32, #tpu.memory_space<vmem_shared>> -> memref<128x32xf32, #tpu.memory_space<vmem_shared>>
      tpu.wait_dma2 semaphore(%run_scoped3A : memref<!tpu.dma_semaphore, #tpu.memory_space<semaphore_mem>>) src(%arg8 : memref<128x32xf32, #tpu.memory_space<vmem>>) dst(%dma_wait3A_83 : memref<128x32xf32, #tpu.memory_space<vmem_shared>>)
      tpu.yield
    }) : () -> ()
    %add3A_14 = arith.constant 384 : i32
    %add3A_15 = arith.addi %mul3A_8, %add3A_14 : i32
    "tpu.region"() ({
      %run_scoped3A = tpu.sem_alloc : memref<!tpu.dma_semaphore, #tpu.memory_space<semaphore_mem>>
      %dma_start3A_77 = arith.constant 0 : i32
      %dma_start3A_78 = tpu.memref_slice %arg18[%add3A_15, %dma_start3A_77] : memref<10240x32xf32, #tpu.memory_space<vmem_shared>> -> memref<128x32xf32, #tpu.memory_space<vmem_shared>>
      %dma_start3A_79 = arith.constant 0 : i32
      %dma_start3A_80 = tpu.memref_slice %arg18[%add3A_15, %dma_start3A_79] : memref<10240x32xf32, #tpu.memory_space<vmem_shared>> -> memref<128x32xf32, #tpu.memory_space<vmem_shared>>
      tpu.enqueue_dma source(%arg8 : memref<128x32xf32, #tpu.memory_space<vmem>>) target(%dma_start3A_80 : memref<128x32xf32, #tpu.memory_space<vmem_shared>>) target_semaphore(%run_scoped3A : memref<!tpu.dma_semaphore, #tpu.memory_space<semaphore_mem>>)
      %dma_wait3A = arith.constant 0 : i32
      %dma_wait3A_81 = tpu.memref_slice %arg18[%add3A_15, %dma_wait3A] : memref<10240x32xf32, #tpu.memory_space<vmem_shared>> -> memref<128x32xf32, #tpu.memory_space<vmem_shared>>
      %dma_wait3A_82 = arith.constant 0 : i32
      %dma_wait3A_83 = tpu.memref_slice %arg18[%add3A_15, %dma_wait3A_82] : memref<10240x32xf32, #tpu.memory_space<vmem_shared>> -> memref<128x32xf32, #tpu.memory_space<vmem_shared>>
      tpu.wait_dma2 semaphore(%run_scoped3A : memref<!tpu.dma_semaphore, #tpu.memory_space<semaphore_mem>>) src(%arg8 : memref<128x32xf32, #tpu.memory_space<vmem>>) dst(%dma_wait3A_83 : memref<128x32xf32, #tpu.memory_space<vmem_shared>>)
      tpu.yield
    }) : () -> ()
    %add3A_16 = arith.constant 512 : i32
    %add3A_17 = arith.addi %mul3A_8, %add3A_16 : i32
    "tpu.region"() ({
      %run_scoped3A = tpu.sem_alloc : memref<!tpu.dma_semaphore, #tpu.memory_space<semaphore_mem>>
      %dma_start3A_77 = arith.constant 0 : i32
      %dma_start3A_78 = tpu.memref_slice %arg18[%add3A_17, %dma_start3A_77] : memref<10240x32xf32, #tpu.memory_space<vmem_shared>> -> memref<128x32xf32, #tpu.memory_space<vmem_shared>>
      %dma_start3A_79 = arith.constant 0 : i32
      %dma_start3A_80 = tpu.memref_slice %arg18[%add3A_17, %dma_start3A_79] : memref<10240x32xf32, #tpu.memory_space<vmem_shared>> -> memref<128x32xf32, #tpu.memory_space<vmem_shared>>
      tpu.enqueue_dma source(%arg8 : memref<128x32xf32, #tpu.memory_space<vmem>>) target(%dma_start3A_80 : memref<128x32xf32, #tpu.memory_space<vmem_shared>>) target_semaphore(%run_scoped3A : memref<!tpu.dma_semaphore, #tpu.memory_space<semaphore_mem>>)
      %dma_wait3A = arith.constant 0 : i32
      %dma_wait3A_81 = tpu.memref_slice %arg18[%add3A_17, %dma_wait3A] : memref<10240x32xf32, #tpu.memory_space<vmem_shared>> -> memref<128x32xf32, #tpu.memory_space<vmem_shared>>
      %dma_wait3A_82 = arith.constant 0 : i32
      %dma_wait3A_83 = tpu.memref_slice %arg18[%add3A_17, %dma_wait3A_82] : memref<10240x32xf32, #tpu.memory_space<vmem_shared>> -> memref<128x32xf32, #tpu.memory_space<vmem_shared>>
      tpu.wait_dma2 semaphore(%run_scoped3A : memref<!tpu.dma_semaphore, #tpu.memory_space<semaphore_mem>>) src(%arg8 : memref<128x32xf32, #tpu.memory_space<vmem>>) dst(%dma_wait3A_83 : memref<128x32xf32, #tpu.memory_space<vmem_shared>>)
      tpu.yield
    }) : () -> ()
    %mul3A_18 = arith.constant 625 : i32
    %mul3A_19 = arith.muli %arg1, %mul3A_18 : i32
    %mul3A_20 = arith.constant 625 : i32
    %mul3A_21 = arith.muli %arg1, %mul3A_20 : i32
    "tpu.region"() ({
      %run_scoped3A = tpu.sem_alloc : memref<!tpu.dma_semaphore, #tpu.memory_space<semaphore_mem>>
      %dma_start3A_77 = arith.constant 0 : i32
      %dma_start3A_78 = tpu.memref_slice %arg19[%mul3A_21, %dma_start3A_77] : memref<10000x32xf32, #tpu.memory_space<vmem_shared>> -> memref<625x32xf32, #tpu.memory_space<vmem_shared>>
      %dma_start3A_79 = tpu.memref_slice %arg2[%mul3A_19, %mul3A_0] : memref<10000x128xf32, #tpu.memory_space<hbm>> -> memref<625x32xf32, #tpu.memory_space<hbm>>
      tpu.enqueue_dma source(%dma_start3A_79 : memref<625x32xf32, #tpu.memory_space<hbm>>) target(%dma_start3A_78 : memref<625x32xf32, #tpu.memory_space<vmem_shared>>) target_semaphore(%run_scoped3A : memref<!tpu.dma_semaphore, #tpu.memory_space<semaphore_mem>>)
      %dma_wait3A = arith.constant 0 : i32
      %dma_wait3A_80 = tpu.memref_slice %arg19[%mul3A_21, %dma_wait3A] : memref<10000x32xf32, #tpu.memory_space<vmem_shared>> -> memref<625x32xf32, #tpu.memory_space<vmem_shared>>
      %dma_wait3A_81 = tpu.memref_slice %arg2[%mul3A_19, %mul3A_0] : memref<10000x128xf32, #tpu.memory_space<hbm>> -> memref<625x32xf32, #tpu.memory_space<hbm>>
      tpu.wait_dma2 semaphore(%run_scoped3A : memref<!tpu.dma_semaphore, #tpu.memory_space<semaphore_mem>>) src(%dma_wait3A_81 : memref<625x32xf32, #tpu.memory_space<hbm>>) dst(%dma_wait3A_80 : memref<625x32xf32, #tpu.memory_space<vmem_shared>>)
      tpu.yield
    }) : () -> ()
    %mul3A_22 = arith.constant 160 : i32
    %mul3A_23 = arith.muli %arg1, %mul3A_22 : i32
    "tpu.region"() ({
      %run_scoped3A = tpu.sem_alloc : memref<!tpu.dma_semaphore, #tpu.memory_space<semaphore_mem>>
      %dma_start3A_77 = arith.constant 0 : i32
      %dma_start3A_78 = tpu.memref_slice %arg3[%mul3A_23, %dma_start3A_77] : memref<2560x128xi32, #tpu.memory_space<hbm>> -> memref<160x128xi32, #tpu.memory_space<hbm>>
      %dma_start3A_79 = arith.constant 0 : i32
      %dma_start3A_80 = tpu.memref_slice %arg3[%mul3A_23, %dma_start3A_79] : memref<2560x128xi32, #tpu.memory_space<hbm>> -> memref<160x128xi32, #tpu.memory_space<hbm>>
      tpu.enqueue_dma source(%dma_start3A_80 : memref<160x128xi32, #tpu.memory_space<hbm>>) target(%arg6 : memref<160x128xi32, #tpu.memory_space<vmem>>) target_semaphore(%run_scoped3A : memref<!tpu.dma_semaphore, #tpu.memory_space<semaphore_mem>>)
      %dma_wait3A = arith.constant 0 : i32
      %dma_wait3A_81 = tpu.memref_slice %arg3[%mul3A_23, %dma_wait3A] : memref<2560x128xi32, #tpu.memory_space<hbm>> -> memref<160x128xi32, #tpu.memory_space<hbm>>
      %dma_wait3A_82 = arith.constant 0 : i32
      %dma_wait3A_83 = tpu.memref_slice %arg3[%mul3A_23, %dma_wait3A_82] : memref<2560x128xi32, #tpu.memory_space<hbm>> -> memref<160x128xi32, #tpu.memory_space<hbm>>
      tpu.wait_dma2 semaphore(%run_scoped3A : memref<!tpu.dma_semaphore, #tpu.memory_space<semaphore_mem>>) src(%dma_wait3A_83 : memref<160x128xi32, #tpu.memory_space<hbm>>) dst(%arg6 : memref<160x128xi32, #tpu.memory_space<vmem>>)
      tpu.yield
    }) : () -> ()
    %mul3A_24 = arith.constant 160 : i32
    %mul3A_25 = arith.muli %arg1, %mul3A_24 : i32
    "tpu.region"() ({
      %run_scoped3A = tpu.sem_alloc : memref<!tpu.dma_semaphore, #tpu.memory_space<semaphore_mem>>
      %dma_start3A_77 = arith.constant 0 : i32
      %dma_start3A_78 = tpu.memref_slice %arg4[%mul3A_25, %dma_start3A_77] : memref<2560x128xi32, #tpu.memory_space<hbm>> -> memref<160x128xi32, #tpu.memory_space<hbm>>
      %dma_start3A_79 = arith.constant 0 : i32
      %dma_start3A_80 = tpu.memref_slice %arg4[%mul3A_25, %dma_start3A_79] : memref<2560x128xi32, #tpu.memory_space<hbm>> -> memref<160x128xi32, #tpu.memory_space<hbm>>
      tpu.enqueue_dma source(%dma_start3A_80 : memref<160x128xi32, #tpu.memory_space<hbm>>) target(%arg7 : memref<160x128xi32, #tpu.memory_space<vmem>>) target_semaphore(%run_scoped3A : memref<!tpu.dma_semaphore, #tpu.memory_space<semaphore_mem>>)
      %dma_wait3A = arith.constant 0 : i32
      %dma_wait3A_81 = tpu.memref_slice %arg4[%mul3A_25, %dma_wait3A] : memref<2560x128xi32, #tpu.memory_space<hbm>> -> memref<160x128xi32, #tpu.memory_space<hbm>>
      %dma_wait3A_82 = arith.constant 0 : i32
      %dma_wait3A_83 = tpu.memref_slice %arg4[%mul3A_25, %dma_wait3A_82] : memref<2560x128xi32, #tpu.memory_space<hbm>> -> memref<160x128xi32, #tpu.memory_space<hbm>>
      tpu.wait_dma2 semaphore(%run_scoped3A : memref<!tpu.dma_semaphore, #tpu.memory_space<semaphore_mem>>) src(%dma_wait3A_83 : memref<160x128xi32, #tpu.memory_space<hbm>>) dst(%arg7 : memref<160x128xi32, #tpu.memory_space<vmem>>)
      tpu.yield
    }) : () -> ()
    %barrier3A = arith.constant 0 : index
    tpu.barrier barrier_id(%barrier3A)
    %dma_start3A = arith.constant 0 : i32
    %dma_start3A_26 = arith.constant 0 : i32
    %dma_start3A_27 = tpu.memref_slice %arg6[%dma_start3A, %dma_start3A_26] : memref<160x128xi32, #tpu.memory_space<vmem>> -> memref<1x128xi32, #tpu.memory_space<vmem>>
    %dma_start3A_28 = tpu.memref_squeeze %dma_start3A_27 : memref<1x128xi32, #tpu.memory_space<vmem>> -> memref<128xi32, #tpu.memory_space<vmem>>
    %dma_start3A_29 = arith.constant 0 : i32
    %dma_start3A_30 = arith.constant 0 : i32
    %dma_start3A_31 = tpu.memref_slice %arg19[%dma_start3A_29, %dma_start3A_30] : memref<10000x32xf32, #tpu.memory_space<vmem_shared>> -> memref<10000x32xf32, #tpu.memory_space<vmem_shared>>
    tpu.enqueue_indirect_dma source(%dma_start3A_31 : memref<10000x32xf32, #tpu.memory_space<vmem_shared>>) target(%arg8 : memref<128x32xf32, #tpu.memory_space<vmem>>) offsets(%dma_start3A_28 : memref<128xi32, #tpu.memory_space<vmem>>) semaphore(%arg20 : memref<!tpu.dma_semaphore, #tpu.memory_space<semaphore_mem>>)
    %dma_start3A_32 = arith.constant 1 : i32
    %dma_start3A_33 = arith.constant 0 : i32
    %dma_start3A_34 = tpu.memref_slice %arg6[%dma_start3A_32, %dma_start3A_33] : memref<160x128xi32, #tpu.memory_space<vmem>> -> memref<1x128xi32, #tpu.memory_space<vmem>>
    %dma_start3A_35 = tpu.memref_squeeze %dma_start3A_34 : memref<1x128xi32, #tpu.memory_space<vmem>> -> memref<128xi32, #tpu.memory_space<vmem>>
    %dma_start3A_36 = arith.constant 0 : i32
    %dma_start3A_37 = arith.constant 0 : i32
    %dma_start3A_38 = tpu.memref_slice %arg19[%dma_start3A_36, %dma_start3A_37] : memref<10000x32xf32, #tpu.memory_space<vmem_shared>> -> memref<10000x32xf32, #tpu.memory_space<vmem_shared>>
    tpu.enqueue_indirect_dma source(%dma_start3A_38 : memref<10000x32xf32, #tpu.memory_space<vmem_shared>>) target(%arg9 : memref<128x32xf32, #tpu.memory_space<vmem>>) offsets(%dma_start3A_35 : memref<128xi32, #tpu.memory_space<vmem>>) semaphore(%arg20 : memref<!tpu.dma_semaphore, #tpu.memory_space<semaphore_mem>>)
    %dma_start3A_39 = arith.constant 2 : i32
    %dma_start3A_40 = arith.constant 0 : i32
    %dma_start3A_41 = tpu.memref_slice %arg6[%dma_start3A_39, %dma_start3A_40] : memref<160x128xi32, #tpu.memory_space<vmem>> -> memref<1x128xi32, #tpu.memory_space<vmem>>
    %dma_start3A_42 = tpu.memref_squeeze %dma_start3A_41 : memref<1x128xi32, #tpu.memory_space<vmem>> -> memref<128xi32, #tpu.memory_space<vmem>>
    %dma_start3A_43 = arith.constant 0 : i32
    %dma_start3A_44 = arith.constant 0 : i32
    %dma_start3A_45 = tpu.memref_slice %arg19[%dma_start3A_43, %dma_start3A_44] : memref<10000x32xf32, #tpu.memory_space<vmem_shared>> -> memref<10000x32xf32, #tpu.memory_space<vmem_shared>>
    tpu.enqueue_indirect_dma source(%dma_start3A_45 : memref<10000x32xf32, #tpu.memory_space<vmem_shared>>) target(%arg10 : memref<128x32xf32, #tpu.memory_space<vmem>>) offsets(%dma_start3A_42 : memref<128xi32, #tpu.memory_space<vmem>>) semaphore(%arg20 : memref<!tpu.dma_semaphore, #tpu.memory_space<semaphore_mem>>)
    %dma_start3A_46 = arith.constant 3 : i32
    %dma_start3A_47 = arith.constant 0 : i32
    %dma_start3A_48 = tpu.memref_slice %arg6[%dma_start3A_46, %dma_start3A_47] : memref<160x128xi32, #tpu.memory_space<vmem>> -> memref<1x128xi32, #tpu.memory_space<vmem>>
    %dma_start3A_49 = tpu.memref_squeeze %dma_start3A_48 : memref<1x128xi32, #tpu.memory_space<vmem>> -> memref<128xi32, #tpu.memory_space<vmem>>
    %dma_start3A_50 = arith.constant 0 : i32
    %dma_start3A_51 = arith.constant 0 : i32
    %dma_start3A_52 = tpu.memref_slice %arg19[%dma_start3A_50, %dma_start3A_51] : memref<10000x32xf32, #tpu.memory_space<vmem_shared>> -> memref<10000x32xf32, #tpu.memory_space<vmem_shared>>
    tpu.enqueue_indirect_dma source(%dma_start3A_52 : memref<10000x32xf32, #tpu.memory_space<vmem_shared>>) target(%arg11 : memref<128x32xf32, #tpu.memory_space<vmem>>) offsets(%dma_start3A_49 : memref<128xi32, #tpu.memory_space<vmem>>) semaphore(%arg20 : memref<!tpu.dma_semaphore, #tpu.memory_space<semaphore_mem>>)
    %dma_start3A_53 = arith.constant 4 : i32
    %dma_start3A_54 = arith.constant 0 : i32
    %dma_start3A_55 = tpu.memref_slice %arg6[%dma_start3A_53, %dma_start3A_54] : memref<160x128xi32, #tpu.memory_space<vmem>> -> memref<1x128xi32, #tpu.memory_space<vmem>>
    %dma_start3A_56 = tpu.memref_squeeze %dma_start3A_55 : memref<1x128xi32, #tpu.memory_space<vmem>> -> memref<128xi32, #tpu.memory_space<vmem>>
    %dma_start3A_57 = arith.constant 0 : i32
    %dma_start3A_58 = arith.constant 0 : i32
    %dma_start3A_59 = tpu.memref_slice %arg19[%dma_start3A_57, %dma_start3A_58] : memref<10000x32xf32, #tpu.memory_space<vmem_shared>> -> memref<10000x32xf32, #tpu.memory_space<vmem_shared>>
    tpu.enqueue_indirect_dma source(%dma_start3A_59 : memref<10000x32xf32, #tpu.memory_space<vmem_shared>>) target(%arg12 : memref<128x32xf32, #tpu.memory_space<vmem>>) offsets(%dma_start3A_56 : memref<128xi32, #tpu.memory_space<vmem>>) semaphore(%arg20 : memref<!tpu.dma_semaphore, #tpu.memory_space<semaphore_mem>>)
    %scan3A_60 = arith.constant 0 : i32
    %scan3A_61 = arith.constant 0 : i32
    %scan3A_62 = arith.constant 16 : i32
    %scan3A_63 = arith.addi %scan3A_61, %scan3A_62 : i32
    %scan3A_64 = arith.constant 1 : i32
    scf.for %scan3A_77 = %scan3A_61 to %scan3A_63 step %scan3A_64  : i32 {
      %mul3A_78 = arith.constant 10 : i32
      %mul3A_79 = arith.muli %scan3A_77, %mul3A_78 : i32
      %add3A_80 = arith.constant 0 : i32
      %add3A_81 = arith.addi %mul3A_79, %add3A_80 : i32
      %dma_wait3A = arith.constant 0 : i32
      %dma_wait3A_82 = tpu.memref_slice %arg6[%add3A_81, %dma_wait3A] : memref<160x128xi32, #tpu.memory_space<vmem>> -> memref<1x128xi32, #tpu.memory_space<vmem>>
      %dma_wait3A_83 = tpu.memref_squeeze %dma_wait3A_82 : memref<1x128xi32, #tpu.memory_space<vmem>> -> memref<128xi32, #tpu.memory_space<vmem>>
      %dma_wait3A_84 = arith.constant 0 : i32
      %dma_wait3A_85 = arith.constant 0 : i32
      %dma_wait3A_86 = tpu.memref_slice %arg19[%dma_wait3A_84, %dma_wait3A_85] : memref<10000x32xf32, #tpu.memory_space<vmem_shared>> -> memref<10000x32xf32, #tpu.memory_space<vmem_shared>>
      tpu.wait_indirect_dma semaphore(%arg20 : memref<!tpu.dma_semaphore, #tpu.memory_space<semaphore_mem>>) src(%dma_wait3A_86 : memref<10000x32xf32, #tpu.memory_space<vmem_shared>>) dst(%arg8 : memref<128x32xf32, #tpu.memory_space<vmem>>)
      %add3A_87 = arith.constant 5 : i32
      %add3A_88 = arith.addi %add3A_81, %add3A_87 : i32
      %lt3A = arith.constant 160 : i32
      %lt3A_89 = arith.cmpi slt, %add3A_88, %lt3A : i32
      %convert_element_type3A = arith.extui %lt3A_89 : i1 to i32
      %cond3A = arith.constant 0 : i32
      %cond3A_90 = arith.cmpi ne, %convert_element_type3A, %cond3A : i32
      scf.if %cond3A_90 {
        %add3A_244 = arith.constant 5 : i32
        %add3A_245 = arith.addi %add3A_81, %add3A_244 : i32
        %dma_start3A_246 = arith.constant 0 : i32
        %dma_start3A_247 = tpu.memref_slice %arg6[%add3A_245, %dma_start3A_246] : memref<160x128xi32, #tpu.memory_space<vmem>> -> memref<1x128xi32, #tpu.memory_space<vmem>>
        %dma_start3A_248 = tpu.memref_squeeze %dma_start3A_247 : memref<1x128xi32, #tpu.memory_space<vmem>> -> memref<128xi32, #tpu.memory_space<vmem>>
        %dma_start3A_249 = arith.constant 0 : i32
        %dma_start3A_250 = arith.constant 0 : i32
        %dma_start3A_251 = tpu.memref_slice %arg19[%dma_start3A_249, %dma_start3A_250] : memref<10000x32xf32, #tpu.memory_space<vmem_shared>> -> memref<10000x32xf32, #tpu.memory_space<vmem_shared>>
        tpu.enqueue_indirect_dma source(%dma_start3A_251 : memref<10000x32xf32, #tpu.memory_space<vmem_shared>>) target(%arg13 : memref<128x32xf32, #tpu.memory_space<vmem>>) offsets(%dma_start3A_248 : memref<128xi32, #tpu.memory_space<vmem>>) semaphore(%arg20 : memref<!tpu.dma_semaphore, #tpu.memory_space<semaphore_mem>>)
      } else {
      }
      %mul3A_91 = arith.constant 10 : i32
      %mul3A_92 = arith.muli %scan3A_77, %mul3A_91 : i32
      %add3A_93 = arith.constant 1 : i32
      %add3A_94 = arith.addi %mul3A_92, %add3A_93 : i32
      %dma_wait3A_95 = arith.constant 0 : i32
      %dma_wait3A_96 = tpu.memref_slice %arg6[%add3A_94, %dma_wait3A_95] : memref<160x128xi32, #tpu.memory_space<vmem>> -> memref<1x128xi32, #tpu.memory_space<vmem>>
      %dma_wait3A_97 = tpu.memref_squeeze %dma_wait3A_96 : memref<1x128xi32, #tpu.memory_space<vmem>> -> memref<128xi32, #tpu.memory_space<vmem>>
      %dma_wait3A_98 = arith.constant 0 : i32
      %dma_wait3A_99 = arith.constant 0 : i32
      %dma_wait3A_100 = tpu.memref_slice %arg19[%dma_wait3A_98, %dma_wait3A_99] : memref<10000x32xf32, #tpu.memory_space<vmem_shared>> -> memref<10000x32xf32, #tpu.memory_space<vmem_shared>>
      tpu.wait_indirect_dma semaphore(%arg20 : memref<!tpu.dma_semaphore, #tpu.memory_space<semaphore_mem>>) src(%dma_wait3A_100 : memref<10000x32xf32, #tpu.memory_space<vmem_shared>>) dst(%arg9 : memref<128x32xf32, #tpu.memory_space<vmem>>)
      %add3A_101 = arith.constant 5 : i32
      %add3A_102 = arith.addi %add3A_94, %add3A_101 : i32
      %lt3A_103 = arith.constant 160 : i32
      %lt3A_104 = arith.cmpi slt, %add3A_102, %lt3A_103 : i32
      %convert_element_type3A_105 = arith.extui %lt3A_104 : i1 to i32
      %cond3A_106 = arith.constant 0 : i32
      %cond3A_107 = arith.cmpi ne, %convert_element_type3A_105, %cond3A_106 : i32
      scf.if %cond3A_107 {
        %add3A_244 = arith.constant 5 : i32
        %add3A_245 = arith.addi %add3A_94, %add3A_244 : i32
        %dma_start3A_246 = arith.constant 0 : i32
        %dma_start3A_247 = tpu.memref_slice %arg6[%add3A_245, %dma_start3A_246] : memref<160x128xi32, #tpu.memory_space<vmem>> -> memref<1x128xi32, #tpu.memory_space<vmem>>
        %dma_start3A_248 = tpu.memref_squeeze %dma_start3A_247 : memref<1x128xi32, #tpu.memory_space<vmem>> -> memref<128xi32, #tpu.memory_space<vmem>>
        %dma_start3A_249 = arith.constant 0 : i32
        %dma_start3A_250 = arith.constant 0 : i32
        %dma_start3A_251 = tpu.memref_slice %arg19[%dma_start3A_249, %dma_start3A_250] : memref<10000x32xf32, #tpu.memory_space<vmem_shared>> -> memref<10000x32xf32, #tpu.memory_space<vmem_shared>>
        tpu.enqueue_indirect_dma source(%dma_start3A_251 : memref<10000x32xf32, #tpu.memory_space<vmem_shared>>) target(%arg14 : memref<128x32xf32, #tpu.memory_space<vmem>>) offsets(%dma_start3A_248 : memref<128xi32, #tpu.memory_space<vmem>>) semaphore(%arg20 : memref<!tpu.dma_semaphore, #tpu.memory_space<semaphore_mem>>)
      } else {
      }
      %mul3A_108 = arith.constant 10 : i32
      %mul3A_109 = arith.muli %scan3A_77, %mul3A_108 : i32
      %add3A_110 = arith.constant 2 : i32
      %add3A_111 = arith.addi %mul3A_109, %add3A_110 : i32
      %dma_wait3A_112 = arith.constant 0 : i32
      %dma_wait3A_113 = tpu.memref_slice %arg6[%add3A_111, %dma_wait3A_112] : memref<160x128xi32, #tpu.memory_space<vmem>> -> memref<1x128xi32, #tpu.memory_space<vmem>>
      %dma_wait3A_114 = tpu.memref_squeeze %dma_wait3A_113 : memref<1x128xi32, #tpu.memory_space<vmem>> -> memref<128xi32, #tpu.memory_space<vmem>>
      %dma_wait3A_115 = arith.constant 0 : i32
      %dma_wait3A_116 = arith.constant 0 : i32
      %dma_wait3A_117 = tpu.memref_slice %arg19[%dma_wait3A_115, %dma_wait3A_116] : memref<10000x32xf32, #tpu.memory_space<vmem_shared>> -> memref<10000x32xf32, #tpu.memory_space<vmem_shared>>
      tpu.wait_indirect_dma semaphore(%arg20 : memref<!tpu.dma_semaphore, #tpu.memory_space<semaphore_mem>>) src(%dma_wait3A_117 : memref<10000x32xf32, #tpu.memory_space<vmem_shared>>) dst(%arg10 : memref<128x32xf32, #tpu.memory_space<vmem>>)
      %add3A_118 = arith.constant 5 : i32
      %add3A_119 = arith.addi %add3A_111, %add3A_118 : i32
      %lt3A_120 = arith.constant 160 : i32
      %lt3A_121 = arith.cmpi slt, %add3A_119, %lt3A_120 : i32
      %convert_element_type3A_122 = arith.extui %lt3A_121 : i1 to i32
      %cond3A_123 = arith.constant 0 : i32
      %cond3A_124 = arith.cmpi ne, %convert_element_type3A_122, %cond3A_123 : i32
      scf.if %cond3A_124 {
        %add3A_244 = arith.constant 5 : i32
        %add3A_245 = arith.addi %add3A_111, %add3A_244 : i32
        %dma_start3A_246 = arith.constant 0 : i32
        %dma_start3A_247 = tpu.memref_slice %arg6[%add3A_245, %dma_start3A_246] : memref<160x128xi32, #tpu.memory_space<vmem>> -> memref<1x128xi32, #tpu.memory_space<vmem>>
        %dma_start3A_248 = tpu.memref_squeeze %dma_start3A_247 : memref<1x128xi32, #tpu.memory_space<vmem>> -> memref<128xi32, #tpu.memory_space<vmem>>
        %dma_start3A_249 = arith.constant 0 : i32
        %dma_start3A_250 = arith.constant 0 : i32
        %dma_start3A_251 = tpu.memref_slice %arg19[%dma_start3A_249, %dma_start3A_250] : memref<10000x32xf32, #tpu.memory_space<vmem_shared>> -> memref<10000x32xf32, #tpu.memory_space<vmem_shared>>
        tpu.enqueue_indirect_dma source(%dma_start3A_251 : memref<10000x32xf32, #tpu.memory_space<vmem_shared>>) target(%arg15 : memref<128x32xf32, #tpu.memory_space<vmem>>) offsets(%dma_start3A_248 : memref<128xi32, #tpu.memory_space<vmem>>) semaphore(%arg20 : memref<!tpu.dma_semaphore, #tpu.memory_space<semaphore_mem>>)
      } else {
      }
      %mul3A_125 = arith.constant 10 : i32
      %mul3A_126 = arith.muli %scan3A_77, %mul3A_125 : i32
      %add3A_127 = arith.constant 3 : i32
      %add3A_128 = arith.addi %mul3A_126, %add3A_127 : i32
      %dma_wait3A_129 = arith.constant 0 : i32
      %dma_wait3A_130 = tpu.memref_slice %arg6[%add3A_128, %dma_wait3A_129] : memref<160x128xi32, #tpu.memory_space<vmem>> -> memref<1x128xi32, #tpu.memory_space<vmem>>
      %dma_wait3A_131 = tpu.memref_squeeze %dma_wait3A_130 : memref<1x128xi32, #tpu.memory_space<vmem>> -> memref<128xi32, #tpu.memory_space<vmem>>
      %dma_wait3A_132 = arith.constant 0 : i32
      %dma_wait3A_133 = arith.constant 0 : i32
      %dma_wait3A_134 = tpu.memref_slice %arg19[%dma_wait3A_132, %dma_wait3A_133] : memref<10000x32xf32, #tpu.memory_space<vmem_shared>> -> memref<10000x32xf32, #tpu.memory_space<vmem_shared>>
      tpu.wait_indirect_dma semaphore(%arg20 : memref<!tpu.dma_semaphore, #tpu.memory_space<semaphore_mem>>) src(%dma_wait3A_134 : memref<10000x32xf32, #tpu.memory_space<vmem_shared>>) dst(%arg11 : memref<128x32xf32, #tpu.memory_space<vmem>>)
      %add3A_135 = arith.constant 5 : i32
      %add3A_136 = arith.addi %add3A_128, %add3A_135 : i32
      %lt3A_137 = arith.constant 160 : i32
      %lt3A_138 = arith.cmpi slt, %add3A_136, %lt3A_137 : i32
      %convert_element_type3A_139 = arith.extui %lt3A_138 : i1 to i32
      %cond3A_140 = arith.constant 0 : i32
      %cond3A_141 = arith.cmpi ne, %convert_element_type3A_139, %cond3A_140 : i32
      scf.if %cond3A_141 {
        %add3A_244 = arith.constant 5 : i32
        %add3A_245 = arith.addi %add3A_128, %add3A_244 : i32
        %dma_start3A_246 = arith.constant 0 : i32
        %dma_start3A_247 = tpu.memref_slice %arg6[%add3A_245, %dma_start3A_246] : memref<160x128xi32, #tpu.memory_space<vmem>> -> memref<1x128xi32, #tpu.memory_space<vmem>>
        %dma_start3A_248 = tpu.memref_squeeze %dma_start3A_247 : memref<1x128xi32, #tpu.memory_space<vmem>> -> memref<128xi32, #tpu.memory_space<vmem>>
        %dma_start3A_249 = arith.constant 0 : i32
        %dma_start3A_250 = arith.constant 0 : i32
        %dma_start3A_251 = tpu.memref_slice %arg19[%dma_start3A_249, %dma_start3A_250] : memref<10000x32xf32, #tpu.memory_space<vmem_shared>> -> memref<10000x32xf32, #tpu.memory_space<vmem_shared>>
        tpu.enqueue_indirect_dma source(%dma_start3A_251 : memref<10000x32xf32, #tpu.memory_space<vmem_shared>>) target(%arg16 : memref<128x32xf32, #tpu.memory_space<vmem>>) offsets(%dma_start3A_248 : memref<128xi32, #tpu.memory_space<vmem>>) semaphore(%arg20 : memref<!tpu.dma_semaphore, #tpu.memory_space<semaphore_mem>>)
      } else {
      }
      %mul3A_142 = arith.constant 10 : i32
      %mul3A_143 = arith.muli %scan3A_77, %mul3A_142 : i32
      %add3A_144 = arith.constant 4 : i32
      %add3A_145 = arith.addi %mul3A_143, %add3A_144 : i32
      %dma_wait3A_146 = arith.constant 0 : i32
      %dma_wait3A_147 = tpu.memref_slice %arg6[%add3A_145, %dma_wait3A_146] : memref<160x128xi32, #tpu.memory_space<vmem>> -> memref<1x128xi32, #tpu.memory_space<vmem>>
      %dma_wait3A_148 = tpu.memref_squeeze %dma_wait3A_147 : memref<1x128xi32, #tpu.memory_space<vmem>> -> memref<128xi32, #tpu.memory_space<vmem>>
      %dma_wait3A_149 = arith.constant 0 : i32
      %dma_wait3A_150 = arith.constant 0 : i32
      %dma_wait3A_151 = tpu.memref_slice %arg19[%dma_wait3A_149, %dma_wait3A_150] : memref<10000x32xf32, #tpu.memory_space<vmem_shared>> -> memref<10000x32xf32, #tpu.memory_space<vmem_shared>>
      tpu.wait_indirect_dma semaphore(%arg20 : memref<!tpu.dma_semaphore, #tpu.memory_space<semaphore_mem>>) src(%dma_wait3A_151 : memref<10000x32xf32, #tpu.memory_space<vmem_shared>>) dst(%arg12 : memref<128x32xf32, #tpu.memory_space<vmem>>)
      %add3A_152 = arith.constant 5 : i32
      %add3A_153 = arith.addi %add3A_145, %add3A_152 : i32
      %lt3A_154 = arith.constant 160 : i32
      %lt3A_155 = arith.cmpi slt, %add3A_153, %lt3A_154 : i32
      %convert_element_type3A_156 = arith.extui %lt3A_155 : i1 to i32
      %cond3A_157 = arith.constant 0 : i32
      %cond3A_158 = arith.cmpi ne, %convert_element_type3A_156, %cond3A_157 : i32
      scf.if %cond3A_158 {
        %add3A_244 = arith.constant 5 : i32
        %add3A_245 = arith.addi %add3A_145, %add3A_244 : i32
        %dma_start3A_246 = arith.constant 0 : i32
        %dma_start3A_247 = tpu.memref_slice %arg6[%add3A_245, %dma_start3A_246] : memref<160x128xi32, #tpu.memory_space<vmem>> -> memref<1x128xi32, #tpu.memory_space<vmem>>
        %dma_start3A_248 = tpu.memref_squeeze %dma_start3A_247 : memref<1x128xi32, #tpu.memory_space<vmem>> -> memref<128xi32, #tpu.memory_space<vmem>>
        %dma_start3A_249 = arith.constant 0 : i32
        %dma_start3A_250 = arith.constant 0 : i32
        %dma_start3A_251 = tpu.memref_slice %arg19[%dma_start3A_249, %dma_start3A_250] : memref<10000x32xf32, #tpu.memory_space<vmem_shared>> -> memref<10000x32xf32, #tpu.memory_space<vmem_shared>>
        tpu.enqueue_indirect_dma source(%dma_start3A_251 : memref<10000x32xf32, #tpu.memory_space<vmem_shared>>) target(%arg17 : memref<128x32xf32, #tpu.memory_space<vmem>>) offsets(%dma_start3A_248 : memref<128xi32, #tpu.memory_space<vmem>>) semaphore(%arg20 : memref<!tpu.dma_semaphore, #tpu.memory_space<semaphore_mem>>)
      } else {
      }
      %mul3A_159 = arith.constant 10 : i32
      %mul3A_160 = arith.muli %scan3A_77, %mul3A_159 : i32
      %add3A_161 = arith.constant 5 : i32
      %add3A_162 = arith.addi %mul3A_160, %add3A_161 : i32
      %dma_wait3A_163 = arith.constant 0 : i32
      %dma_wait3A_164 = tpu.memref_slice %arg6[%add3A_162, %dma_wait3A_163] : memref<160x128xi32, #tpu.memory_space<vmem>> -> memref<1x128xi32, #tpu.memory_space<vmem>>
      %dma_wait3A_165 = tpu.memref_squeeze %dma_wait3A_164 : memref<1x128xi32, #tpu.memory_space<vmem>> -> memref<128xi32, #tpu.memory_space<vmem>>
      %dma_wait3A_166 = arith.constant 0 : i32
      %dma_wait3A_167 = arith.constant 0 : i32
      %dma_wait3A_168 = tpu.memref_slice %arg19[%dma_wait3A_166, %dma_wait3A_167] : memref<10000x32xf32, #tpu.memory_space<vmem_shared>> -> memref<10000x32xf32, #tpu.memory_space<vmem_shared>>
      tpu.wait_indirect_dma semaphore(%arg20 : memref<!tpu.dma_semaphore, #tpu.memory_space<semaphore_mem>>) src(%dma_wait3A_168 : memref<10000x32xf32, #tpu.memory_space<vmem_shared>>) dst(%arg13 : memref<128x32xf32, #tpu.memory_space<vmem>>)
      %add3A_169 = arith.constant 5 : i32
      %add3A_170 = arith.addi %add3A_162, %add3A_169 : i32
      %lt3A_171 = arith.constant 160 : i32
      %lt3A_172 = arith.cmpi slt, %add3A_170, %lt3A_171 : i32
      %convert_element_type3A_173 = arith.extui %lt3A_172 : i1 to i32
      %cond3A_174 = arith.constant 0 : i32
      %cond3A_175 = arith.cmpi ne, %convert_element_type3A_173, %cond3A_174 : i32
      scf.if %cond3A_175 {
        %add3A_244 = arith.constant 5 : i32
        %add3A_245 = arith.addi %add3A_162, %add3A_244 : i32
        %dma_start3A_246 = arith.constant 0 : i32
        %dma_start3A_247 = tpu.memref_slice %arg6[%add3A_245, %dma_start3A_246] : memref<160x128xi32, #tpu.memory_space<vmem>> -> memref<1x128xi32, #tpu.memory_space<vmem>>
        %dma_start3A_248 = tpu.memref_squeeze %dma_start3A_247 : memref<1x128xi32, #tpu.memory_space<vmem>> -> memref<128xi32, #tpu.memory_space<vmem>>
        %dma_start3A_249 = arith.constant 0 : i32
        %dma_start3A_250 = arith.constant 0 : i32
        %dma_start3A_251 = tpu.memref_slice %arg19[%dma_start3A_249, %dma_start3A_250] : memref<10000x32xf32, #tpu.memory_space<vmem_shared>> -> memref<10000x32xf32, #tpu.memory_space<vmem_shared>>
        tpu.enqueue_indirect_dma source(%dma_start3A_251 : memref<10000x32xf32, #tpu.memory_space<vmem_shared>>) target(%arg8 : memref<128x32xf32, #tpu.memory_space<vmem>>) offsets(%dma_start3A_248 : memref<128xi32, #tpu.memory_space<vmem>>) semaphore(%arg20 : memref<!tpu.dma_semaphore, #tpu.memory_space<semaphore_mem>>)
      } else {
      }
      %mul3A_176 = arith.constant 10 : i32
      %mul3A_177 = arith.muli %scan3A_77, %mul3A_176 : i32
      %add3A_178 = arith.constant 6 : i32
      %add3A_179 = arith.addi %mul3A_177, %add3A_178 : i32
      %dma_wait3A_180 = arith.constant 0 : i32
      %dma_wait3A_181 = tpu.memref_slice %arg6[%add3A_179, %dma_wait3A_180] : memref<160x128xi32, #tpu.memory_space<vmem>> -> memref<1x128xi32, #tpu.memory_space<vmem>>
      %dma_wait3A_182 = tpu.memref_squeeze %dma_wait3A_181 : memref<1x128xi32, #tpu.memory_space<vmem>> -> memref<128xi32, #tpu.memory_space<vmem>>
      %dma_wait3A_183 = arith.constant 0 : i32
      %dma_wait3A_184 = arith.constant 0 : i32
      %dma_wait3A_185 = tpu.memref_slice %arg19[%dma_wait3A_183, %dma_wait3A_184] : memref<10000x32xf32, #tpu.memory_space<vmem_shared>> -> memref<10000x32xf32, #tpu.memory_space<vmem_shared>>
      tpu.wait_indirect_dma semaphore(%arg20 : memref<!tpu.dma_semaphore, #tpu.memory_space<semaphore_mem>>) src(%dma_wait3A_185 : memref<10000x32xf32, #tpu.memory_space<vmem_shared>>) dst(%arg14 : memref<128x32xf32, #tpu.memory_space<vmem>>)
      %add3A_186 = arith.constant 5 : i32
      %add3A_187 = arith.addi %add3A_179, %add3A_186 : i32
      %lt3A_188 = arith.constant 160 : i32
      %lt3A_189 = arith.cmpi slt, %add3A_187, %lt3A_188 : i32
      %convert_element_type3A_190 = arith.extui %lt3A_189 : i1 to i32
      %cond3A_191 = arith.constant 0 : i32
      %cond3A_192 = arith.cmpi ne, %convert_element_type3A_190, %cond3A_191 : i32
      scf.if %cond3A_192 {
        %add3A_244 = arith.constant 5 : i32
        %add3A_245 = arith.addi %add3A_179, %add3A_244 : i32
        %dma_start3A_246 = arith.constant 0 : i32
        %dma_start3A_247 = tpu.memref_slice %arg6[%add3A_245, %dma_start3A_246] : memref<160x128xi32, #tpu.memory_space<vmem>> -> memref<1x128xi32, #tpu.memory_space<vmem>>
        %dma_start3A_248 = tpu.memref_squeeze %dma_start3A_247 : memref<1x128xi32, #tpu.memory_space<vmem>> -> memref<128xi32, #tpu.memory_space<vmem>>
        %dma_start3A_249 = arith.constant 0 : i32
        %dma_start3A_250 = arith.constant 0 : i32
        %dma_start3A_251 = tpu.memref_slice %arg19[%dma_start3A_249, %dma_start3A_250] : memref<10000x32xf32, #tpu.memory_space<vmem_shared>> -> memref<10000x32xf32, #tpu.memory_space<vmem_shared>>
        tpu.enqueue_indirect_dma source(%dma_start3A_251 : memref<10000x32xf32, #tpu.memory_space<vmem_shared>>) target(%arg9 : memref<128x32xf32, #tpu.memory_space<vmem>>) offsets(%dma_start3A_248 : memref<128xi32, #tpu.memory_space<vmem>>) semaphore(%arg20 : memref<!tpu.dma_semaphore, #tpu.memory_space<semaphore_mem>>)
      } else {
      }
      %mul3A_193 = arith.constant 10 : i32
      %mul3A_194 = arith.muli %scan3A_77, %mul3A_193 : i32
      %add3A_195 = arith.constant 7 : i32
      %add3A_196 = arith.addi %mul3A_194, %add3A_195 : i32
      %dma_wait3A_197 = arith.constant 0 : i32
      %dma_wait3A_198 = tpu.memref_slice %arg6[%add3A_196, %dma_wait3A_197] : memref<160x128xi32, #tpu.memory_space<vmem>> -> memref<1x128xi32, #tpu.memory_space<vmem>>
      %dma_wait3A_199 = tpu.memref_squeeze %dma_wait3A_198 : memref<1x128xi32, #tpu.memory_space<vmem>> -> memref<128xi32, #tpu.memory_space<vmem>>
      %dma_wait3A_200 = arith.constant 0 : i32
      %dma_wait3A_201 = arith.constant 0 : i32
      %dma_wait3A_202 = tpu.memref_slice %arg19[%dma_wait3A_200, %dma_wait3A_201] : memref<10000x32xf32, #tpu.memory_space<vmem_shared>> -> memref<10000x32xf32, #tpu.memory_space<vmem_shared>>
      tpu.wait_indirect_dma semaphore(%arg20 : memref<!tpu.dma_semaphore, #tpu.memory_space<semaphore_mem>>) src(%dma_wait3A_202 : memref<10000x32xf32, #tpu.memory_space<vmem_shared>>) dst(%arg15 : memref<128x32xf32, #tpu.memory_space<vmem>>)
      %add3A_203 = arith.constant 5 : i32
      %add3A_204 = arith.addi %add3A_196, %add3A_203 : i32
      %lt3A_205 = arith.constant 160 : i32
      %lt3A_206 = arith.cmpi slt, %add3A_204, %lt3A_205 : i32
      %convert_element_type3A_207 = arith.extui %lt3A_206 : i1 to i32
      %cond3A_208 = arith.constant 0 : i32
      %cond3A_209 = arith.cmpi ne, %convert_element_type3A_207, %cond3A_208 : i32
      scf.if %cond3A_209 {
        %add3A_244 = arith.constant 5 : i32
        %add3A_245 = arith.addi %add3A_196, %add3A_244 : i32
        %dma_start3A_246 = arith.constant 0 : i32
        %dma_start3A_247 = tpu.memref_slice %arg6[%add3A_245, %dma_start3A_246] : memref<160x128xi32, #tpu.memory_space<vmem>> -> memref<1x128xi32, #tpu.memory_space<vmem>>
        %dma_start3A_248 = tpu.memref_squeeze %dma_start3A_247 : memref<1x128xi32, #tpu.memory_space<vmem>> -> memref<128xi32, #tpu.memory_space<vmem>>
        %dma_start3A_249 = arith.constant 0 : i32
        %dma_start3A_250 = arith.constant 0 : i32
        %dma_start3A_251 = tpu.memref_slice %arg19[%dma_start3A_249, %dma_start3A_250] : memref<10000x32xf32, #tpu.memory_space<vmem_shared>> -> memref<10000x32xf32, #tpu.memory_space<vmem_shared>>
        tpu.enqueue_indirect_dma source(%dma_start3A_251 : memref<10000x32xf32, #tpu.memory_space<vmem_shared>>) target(%arg10 : memref<128x32xf32, #tpu.memory_space<vmem>>) offsets(%dma_start3A_248 : memref<128xi32, #tpu.memory_space<vmem>>) semaphore(%arg20 : memref<!tpu.dma_semaphore, #tpu.memory_space<semaphore_mem>>)
      } else {
      }
      %mul3A_210 = arith.constant 10 : i32
      %mul3A_211 = arith.muli %scan3A_77, %mul3A_210 : i32
      %add3A_212 = arith.constant 8 : i32
      %add3A_213 = arith.addi %mul3A_211, %add3A_212 : i32
      %dma_wait3A_214 = arith.constant 0 : i32
      %dma_wait3A_215 = tpu.memref_slice %arg6[%add3A_213, %dma_wait3A_214] : memref<160x128xi32, #tpu.memory_space<vmem>> -> memref<1x128xi32, #tpu.memory_space<vmem>>
      %dma_wait3A_216 = tpu.memref_squeeze %dma_wait3A_215 : memref<1x128xi32, #tpu.memory_space<vmem>> -> memref<128xi32, #tpu.memory_space<vmem>>
      %dma_wait3A_217 = arith.constant 0 : i32
      %dma_wait3A_218 = arith.constant 0 : i32
      %dma_wait3A_219 = tpu.memref_slice %arg19[%dma_wait3A_217, %dma_wait3A_218] : memref<10000x32xf32, #tpu.memory_space<vmem_shared>> -> memref<10000x32xf32, #tpu.memory_space<vmem_shared>>
      tpu.wait_indirect_dma semaphore(%arg20 : memref<!tpu.dma_semaphore, #tpu.memory_space<semaphore_mem>>) src(%dma_wait3A_219 : memref<10000x32xf32, #tpu.memory_space<vmem_shared>>) dst(%arg16 : memref<128x32xf32, #tpu.memory_space<vmem>>)
      %add3A_220 = arith.constant 5 : i32
      %add3A_221 = arith.addi %add3A_213, %add3A_220 : i32
      %lt3A_222 = arith.constant 160 : i32
      %lt3A_223 = arith.cmpi slt, %add3A_221, %lt3A_222 : i32
      %convert_element_type3A_224 = arith.extui %lt3A_223 : i1 to i32
      %cond3A_225 = arith.constant 0 : i32
      %cond3A_226 = arith.cmpi ne, %convert_element_type3A_224, %cond3A_225 : i32
      scf.if %cond3A_226 {
        %add3A_244 = arith.constant 5 : i32
        %add3A_245 = arith.addi %add3A_213, %add3A_244 : i32
        %dma_start3A_246 = arith.constant 0 : i32
        %dma_start3A_247 = tpu.memref_slice %arg6[%add3A_245, %dma_start3A_246] : memref<160x128xi32, #tpu.memory_space<vmem>> -> memref<1x128xi32, #tpu.memory_space<vmem>>
        %dma_start3A_248 = tpu.memref_squeeze %dma_start3A_247 : memref<1x128xi32, #tpu.memory_space<vmem>> -> memref<128xi32, #tpu.memory_space<vmem>>
        %dma_start3A_249 = arith.constant 0 : i32
        %dma_start3A_250 = arith.constant 0 : i32
        %dma_start3A_251 = tpu.memref_slice %arg19[%dma_start3A_249, %dma_start3A_250] : memref<10000x32xf32, #tpu.memory_space<vmem_shared>> -> memref<10000x32xf32, #tpu.memory_space<vmem_shared>>
        tpu.enqueue_indirect_dma source(%dma_start3A_251 : memref<10000x32xf32, #tpu.memory_space<vmem_shared>>) target(%arg11 : memref<128x32xf32, #tpu.memory_space<vmem>>) offsets(%dma_start3A_248 : memref<128xi32, #tpu.memory_space<vmem>>) semaphore(%arg20 : memref<!tpu.dma_semaphore, #tpu.memory_space<semaphore_mem>>)
      } else {
      }
      %mul3A_227 = arith.constant 10 : i32
      %mul3A_228 = arith.muli %scan3A_77, %mul3A_227 : i32
      %add3A_229 = arith.constant 9 : i32
      %add3A_230 = arith.addi %mul3A_228, %add3A_229 : i32
      %dma_wait3A_231 = arith.constant 0 : i32
      %dma_wait3A_232 = tpu.memref_slice %arg6[%add3A_230, %dma_wait3A_231] : memref<160x128xi32, #tpu.memory_space<vmem>> -> memref<1x128xi32, #tpu.memory_space<vmem>>
      %dma_wait3A_233 = tpu.memref_squeeze %dma_wait3A_232 : memref<1x128xi32, #tpu.memory_space<vmem>> -> memref<128xi32, #tpu.memory_space<vmem>>
      %dma_wait3A_234 = arith.constant 0 : i32
      %dma_wait3A_235 = arith.constant 0 : i32
      %dma_wait3A_236 = tpu.memref_slice %arg19[%dma_wait3A_234, %dma_wait3A_235] : memref<10000x32xf32, #tpu.memory_space<vmem_shared>> -> memref<10000x32xf32, #tpu.memory_space<vmem_shared>>
      tpu.wait_indirect_dma semaphore(%arg20 : memref<!tpu.dma_semaphore, #tpu.memory_space<semaphore_mem>>) src(%dma_wait3A_236 : memref<10000x32xf32, #tpu.memory_space<vmem_shared>>) dst(%arg17 : memref<128x32xf32, #tpu.memory_space<vmem>>)
      %add3A_237 = arith.constant 5 : i32
      %add3A_238 = arith.addi %add3A_230, %add3A_237 : i32
      %lt3A_239 = arith.constant 160 : i32
      %lt3A_240 = arith.cmpi slt, %add3A_238, %lt3A_239 : i32
      %convert_element_type3A_241 = arith.extui %lt3A_240 : i1 to i32
      %cond3A_242 = arith.constant 0 : i32
      %cond3A_243 = arith.cmpi ne, %convert_element_type3A_241, %cond3A_242 : i32
      scf.if %cond3A_243 {
        %add3A_244 = arith.constant 5 : i32
        %add3A_245 = arith.addi %add3A_230, %add3A_244 : i32
        %dma_start3A_246 = arith.constant 0 : i32
        %dma_start3A_247 = tpu.memref_slice %arg6[%add3A_245, %dma_start3A_246] : memref<160x128xi32, #tpu.memory_space<vmem>> -> memref<1x128xi32, #tpu.memory_space<vmem>>
        %dma_start3A_248 = tpu.memref_squeeze %dma_start3A_247 : memref<1x128xi32, #tpu.memory_space<vmem>> -> memref<128xi32, #tpu.memory_space<vmem>>
        %dma_start3A_249 = arith.constant 0 : i32
        %dma_start3A_250 = arith.constant 0 : i32
        %dma_start3A_251 = tpu.memref_slice %arg19[%dma_start3A_249, %dma_start3A_250] : memref<10000x32xf32, #tpu.memory_space<vmem_shared>> -> memref<10000x32xf32, #tpu.memory_space<vmem_shared>>
        tpu.enqueue_indirect_dma source(%dma_start3A_251 : memref<10000x32xf32, #tpu.memory_space<vmem_shared>>) target(%arg12 : memref<128x32xf32, #tpu.memory_space<vmem>>) offsets(%dma_start3A_248 : memref<128xi32, #tpu.memory_space<vmem>>) semaphore(%arg20 : memref<!tpu.dma_semaphore, #tpu.memory_space<semaphore_mem>>)
      } else {
      }
    }
    %scan3A_65 = arith.constant 16 : i32
    %barrier3A_66 = arith.constant 0 : index
    tpu.barrier barrier_id(%barrier3A_66)
    %add3A_67 = arith.constant 0 : i32
    %add3A_68 = arith.addi %mul3A_8, %add3A_67 : i32
    "tpu.region"() ({
      %run_scoped3A = tpu.sem_alloc : memref<!tpu.dma_semaphore, #tpu.memory_space<semaphore_mem>>
      %dma_start3A_77 = tpu.memref_slice %arg5[%add3A_68, %mul3A_0] : memref<10240x128xf32, #tpu.memory_space<hbm>> -> memref<128x32xf32, #tpu.memory_space<hbm>>
      %dma_start3A_78 = arith.constant 0 : i32
      %dma_start3A_79 = tpu.memref_slice %arg18[%add3A_68, %dma_start3A_78] : memref<10240x32xf32, #tpu.memory_space<vmem_shared>> -> memref<128x32xf32, #tpu.memory_space<vmem_shared>>
      tpu.enqueue_dma source(%dma_start3A_79 : memref<128x32xf32, #tpu.memory_space<vmem_shared>>) target(%dma_start3A_77 : memref<128x32xf32, #tpu.memory_space<hbm>>) target_semaphore(%run_scoped3A : memref<!tpu.dma_semaphore, #tpu.memory_space<semaphore_mem>>)
      %dma_wait3A = tpu.memref_slice %arg5[%add3A_68, %mul3A_0] : memref<10240x128xf32, #tpu.memory_space<hbm>> -> memref<128x32xf32, #tpu.memory_space<hbm>>
      %dma_wait3A_80 = arith.constant 0 : i32
      %dma_wait3A_81 = tpu.memref_slice %arg18[%add3A_68, %dma_wait3A_80] : memref<10240x32xf32, #tpu.memory_space<vmem_shared>> -> memref<128x32xf32, #tpu.memory_space<vmem_shared>>
      tpu.wait_dma2 semaphore(%run_scoped3A : memref<!tpu.dma_semaphore, #tpu.memory_space<semaphore_mem>>) src(%dma_wait3A_81 : memref<128x32xf32, #tpu.memory_space<vmem_shared>>) dst(%dma_wait3A : memref<128x32xf32, #tpu.memory_space<hbm>>)
      tpu.yield
    }) : () -> ()
    %add3A_69 = arith.constant 128 : i32
    %add3A_70 = arith.addi %mul3A_8, %add3A_69 : i32
    "tpu.region"() ({
      %run_scoped3A = tpu.sem_alloc : memref<!tpu.dma_semaphore, #tpu.memory_space<semaphore_mem>>
      %dma_start3A_77 = tpu.memref_slice %arg5[%add3A_70, %mul3A_0] : memref<10240x128xf32, #tpu.memory_space<hbm>> -> memref<128x32xf32, #tpu.memory_space<hbm>>
      %dma_start3A_78 = arith.constant 0 : i32
      %dma_start3A_79 = tpu.memref_slice %arg18[%add3A_70, %dma_start3A_78] : memref<10240x32xf32, #tpu.memory_space<vmem_shared>> -> memref<128x32xf32, #tpu.memory_space<vmem_shared>>
      tpu.enqueue_dma source(%dma_start3A_79 : memref<128x32xf32, #tpu.memory_space<vmem_shared>>) target(%dma_start3A_77 : memref<128x32xf32, #tpu.memory_space<hbm>>) target_semaphore(%run_scoped3A : memref<!tpu.dma_semaphore, #tpu.memory_space<semaphore_mem>>)
      %dma_wait3A = tpu.memref_slice %arg5[%add3A_70, %mul3A_0] : memref<10240x128xf32, #tpu.memory_space<hbm>> -> memref<128x32xf32, #tpu.memory_space<hbm>>
      %dma_wait3A_80 = arith.constant 0 : i32
      %dma_wait3A_81 = tpu.memref_slice %arg18[%add3A_70, %dma_wait3A_80] : memref<10240x32xf32, #tpu.memory_space<vmem_shared>> -> memref<128x32xf32, #tpu.memory_space<vmem_shared>>
      tpu.wait_dma2 semaphore(%run_scoped3A : memref<!tpu.dma_semaphore, #tpu.memory_space<semaphore_mem>>) src(%dma_wait3A_81 : memref<128x32xf32, #tpu.memory_space<vmem_shared>>) dst(%dma_wait3A : memref<128x32xf32, #tpu.memory_space<hbm>>)
      tpu.yield
    }) : () -> ()
    %add3A_71 = arith.constant 256 : i32
    %add3A_72 = arith.addi %mul3A_8, %add3A_71 : i32
    "tpu.region"() ({
      %run_scoped3A = tpu.sem_alloc : memref<!tpu.dma_semaphore, #tpu.memory_space<semaphore_mem>>
      %dma_start3A_77 = tpu.memref_slice %arg5[%add3A_72, %mul3A_0] : memref<10240x128xf32, #tpu.memory_space<hbm>> -> memref<128x32xf32, #tpu.memory_space<hbm>>
      %dma_start3A_78 = arith.constant 0 : i32
      %dma_start3A_79 = tpu.memref_slice %arg18[%add3A_72, %dma_start3A_78] : memref<10240x32xf32, #tpu.memory_space<vmem_shared>> -> memref<128x32xf32, #tpu.memory_space<vmem_shared>>
      tpu.enqueue_dma source(%dma_start3A_79 : memref<128x32xf32, #tpu.memory_space<vmem_shared>>) target(%dma_start3A_77 : memref<128x32xf32, #tpu.memory_space<hbm>>) target_semaphore(%run_scoped3A : memref<!tpu.dma_semaphore, #tpu.memory_space<semaphore_mem>>)
      %dma_wait3A = tpu.memref_slice %arg5[%add3A_72, %mul3A_0] : memref<10240x128xf32, #tpu.memory_space<hbm>> -> memref<128x32xf32, #tpu.memory_space<hbm>>
      %dma_wait3A_80 = arith.constant 0 : i32
      %dma_wait3A_81 = tpu.memref_slice %arg18[%add3A_72, %dma_wait3A_80] : memref<10240x32xf32, #tpu.memory_space<vmem_shared>> -> memref<128x32xf32, #tpu.memory_space<vmem_shared>>
      tpu.wait_dma2 semaphore(%run_scoped3A : memref<!tpu.dma_semaphore, #tpu.memory_space<semaphore_mem>>) src(%dma_wait3A_81 : memref<128x32xf32, #tpu.memory_space<vmem_shared>>) dst(%dma_wait3A : memref<128x32xf32, #tpu.memory_space<hbm>>)
      tpu.yield
    }) : () -> ()
    %add3A_73 = arith.constant 384 : i32
    %add3A_74 = arith.addi %mul3A_8, %add3A_73 : i32
    "tpu.region"() ({
      %run_scoped3A = tpu.sem_alloc : memref<!tpu.dma_semaphore, #tpu.memory_space<semaphore_mem>>
      %dma_start3A_77 = tpu.memref_slice %arg5[%add3A_74, %mul3A_0] : memref<10240x128xf32, #tpu.memory_space<hbm>> -> memref<128x32xf32, #tpu.memory_space<hbm>>
      %dma_start3A_78 = arith.constant 0 : i32
      %dma_start3A_79 = tpu.memref_slice %arg18[%add3A_74, %dma_start3A_78] : memref<10240x32xf32, #tpu.memory_space<vmem_shared>> -> memref<128x32xf32, #tpu.memory_space<vmem_shared>>
      tpu.enqueue_dma source(%dma_start3A_79 : memref<128x32xf32, #tpu.memory_space<vmem_shared>>) target(%dma_start3A_77 : memref<128x32xf32, #tpu.memory_space<hbm>>) target_semaphore(%run_scoped3A : memref<!tpu.dma_semaphore, #tpu.memory_space<semaphore_mem>>)
      %dma_wait3A = tpu.memref_slice %arg5[%add3A_74, %mul3A_0] : memref<10240x128xf32, #tpu.memory_space<hbm>> -> memref<128x32xf32, #tpu.memory_space<hbm>>
      %dma_wait3A_80 = arith.constant 0 : i32
      %dma_wait3A_81 = tpu.memref_slice %arg18[%add3A_74, %dma_wait3A_80] : memref<10240x32xf32, #tpu.memory_space<vmem_shared>> -> memref<128x32xf32, #tpu.memory_space<vmem_shared>>
      tpu.wait_dma2 semaphore(%run_scoped3A : memref<!tpu.dma_semaphore, #tpu.memory_space<semaphore_mem>>) src(%dma_wait3A_81 : memref<128x32xf32, #tpu.memory_space<vmem_shared>>) dst(%dma_wait3A : memref<128x32xf32, #tpu.memory_space<hbm>>)
      tpu.yield
    }) : () -> ()
    %add3A_75 = arith.constant 512 : i32
    %add3A_76 = arith.addi %mul3A_8, %add3A_75 : i32
    "tpu.region"() ({
      %run_scoped3A = tpu.sem_alloc : memref<!tpu.dma_semaphore, #tpu.memory_space<semaphore_mem>>
      %dma_start3A_77 = tpu.memref_slice %arg5[%add3A_76, %mul3A_0] : memref<10240x128xf32, #tpu.memory_space<hbm>> -> memref<128x32xf32, #tpu.memory_space<hbm>>
      %dma_start3A_78 = arith.constant 0 : i32
      %dma_start3A_79 = tpu.memref_slice %arg18[%add3A_76, %dma_start3A_78] : memref<10240x32xf32, #tpu.memory_space<vmem_shared>> -> memref<128x32xf32, #tpu.memory_space<vmem_shared>>
      tpu.enqueue_dma source(%dma_start3A_79 : memref<128x32xf32, #tpu.memory_space<vmem_shared>>) target(%dma_start3A_77 : memref<128x32xf32, #tpu.memory_space<hbm>>) target_semaphore(%run_scoped3A : memref<!tpu.dma_semaphore, #tpu.memory_space<semaphore_mem>>)
      %dma_wait3A = tpu.memref_slice %arg5[%add3A_76, %mul3A_0] : memref<10240x128xf32, #tpu.memory_space<hbm>> -> memref<128x32xf32, #tpu.memory_space<hbm>>
      %dma_wait3A_80 = arith.constant 0 : i32
      %dma_wait3A_81 = tpu.memref_slice %arg18[%add3A_76, %dma_wait3A_80] : memref<10240x32xf32, #tpu.memory_space<vmem_shared>> -> memref<128x32xf32, #tpu.memory_space<vmem_shared>>
      tpu.wait_dma2 semaphore(%run_scoped3A : memref<!tpu.dma_semaphore, #tpu.memory_space<semaphore_mem>>) src(%dma_wait3A_81 : memref<128x32xf32, #tpu.memory_space<vmem_shared>>) dst(%dma_wait3A : memref<128x32xf32, #tpu.memory_space<hbm>>)
      tpu.yield
    }) : () -> ()
    return
  }
}

module attributes {stable_mosaic.version = 14 : i64} {
  func.func @body(%arg0: i32, %arg1: memref<1000x128xf32, #tpu.memory_space<vmem>>, %arg2: memref<128x128xf32, #tpu.memory_space<vmem>>, %arg3: memref<1000x128xf32, #tpu.memory_space<vmem>>, %arg4: memref<1000x1xf32, #tpu.memory_space<vmem>>, %arg5: memref<1000x128xf32, #tpu.memory_space<vmem>>, %arg6: memref<1000x128xf32, #tpu.memory_space<vmem>>) attributes {dimension_semantics = [#tpu.dimension_semantics<arbitrary>], iteration_bounds = array<i64: 10>, scalar_prefetch = 0 : i64, scratch_operands = 0 : i64, tpu.core_type = #tpu.core_type<tc>, window_params = [{transform_indices = @transform_0, window_bounds = array<i64: 1000, 128>}, {pipeline_mode = #tpu.pipeline_mode<synchronous>, transform_indices = @transform_1, window_bounds = array<i64: 128, 128>}, {transform_indices = @transform_2, window_bounds = array<i64: 1000, 128>}, {transform_indices = @transform_3, window_bounds = array<i64: 1000, 1>}, {transform_indices = @transform_4, window_bounds = array<i64: 1000, 128>}, {transform_indices = @transform_5, window_bounds = array<i64: 1000, 128>}]} {
    %get3A = arith.constant 0 : index
    %get3A_0 = arith.constant 0 : index
    %get3A_1 = vector.load %arg3[%get3A, %get3A_0] : memref<1000x128xf32, #tpu.memory_space<vmem>>, vector<1000x1xf32>
    %get3A_2 = arith.constant 0 : index
    %get3A_3 = arith.constant 16 : index
    %get3A_4 = vector.load %arg3[%get3A_2, %get3A_3] : memref<1000x128xf32, #tpu.memory_space<vmem>>, vector<1000x1xf32>
    %add3A = arith.addf %get3A_1, %get3A_4 : vector<1000x1xf32>
    %add3A_5 = arith.constant 1.000000e+00 : f32
    %add3A_6 = vector.broadcast %add3A_5 : f32 to vector<1000x1xf32>
    %add3A_7 = arith.addf %add3A, %add3A_6 : vector<1000x1xf32>
    %rsqrt3A = math.rsqrt %add3A_7 : vector<1000x1xf32>
    %swap3A = arith.constant 0 : index
    %swap3A_8 = arith.constant 0 : index
    %swap3A_9 = vector.load %arg4[%swap3A, %swap3A_8] : memref<1000x1xf32, #tpu.memory_space<vmem>>, vector<1000x1xf32>
    tpu.vector_store %arg4[%swap3A, %swap3A_8], %rsqrt3A {strides = array<i32>} : memref<1000x1xf32, #tpu.memory_space<vmem>>, vector<1000x1xf32>,
    %get3A_10 = arith.constant 0 : index
    %get3A_11 = arith.constant 0 : index
    %get3A_12 = vector.load %arg1[%get3A_10, %get3A_11] : memref<1000x128xf32, #tpu.memory_space<vmem>>, vector<1000x128xf32>
    %get3A_13 = arith.constant 0 : index
    %get3A_14 = arith.constant 0 : index
    %get3A_15 = vector.load %arg2[%get3A_13, %get3A_14] : memref<128x128xf32, #tpu.memory_space<vmem>>, vector<128x128xf32>
    %dot_general3A = arith.constant dense<0.000000e+00> : vector<1000x128xf32>
    %dot_general3A_16 = tpu.matmul %get3A_12, %get3A_15, %dot_general3A {dimension_numbers = #tpu.dot_dimension_numbers<[1], [0], [0], [1], [0, 0, 1, 1], [], []>, transpose_lhs_hint = false} : vector<1000x128xf32>, vector<128x128xf32>, vector<1000x128xf32> -> vector<1000x128xf32>
    %mul3A = vector.broadcast %rsqrt3A : vector<1000x1xf32> to vector<1000x128xf32>
    %mul3A_17 = arith.mulf %dot_general3A_16, %mul3A : vector<1000x128xf32>
    %swap3A_18 = arith.constant 0 : index
    %swap3A_19 = arith.constant 0 : index
    %swap3A_20 = vector.load %arg5[%swap3A_18, %swap3A_19] : memref<1000x128xf32, #tpu.memory_space<vmem>>, vector<1000x128xf32>
    tpu.vector_store %arg5[%swap3A_18, %swap3A_19], %mul3A_17 {strides = array<i32>} : memref<1000x128xf32, #tpu.memory_space<vmem>>, vector<1000x128xf32>,
    %slice3A = vector.extract_strided_slice %mul3A_17 {offsets = [0, 64], sizes = [1000, 64], strides = [1, 1]} : vector<1000x128xf32> to vector<1000x64xf32>
    %slice3A_21 = vector.extract_strided_slice %mul3A_17 {offsets = [0, 0], sizes = [1000, 64], strides = [1, 1]} : vector<1000x128xf32> to vector<1000x64xf32>
    %concatenate3A = tpu.concatenate %slice3A, %slice3A_21 in 1 : vector<1000x64xf32>, vector<1000x64xf32> -> vector<1000x128xf32>
    %swap3A_22 = arith.constant 0 : index
    %swap3A_23 = arith.constant 0 : index
    %swap3A_24 = vector.load %arg6[%swap3A_22, %swap3A_23] : memref<1000x128xf32, #tpu.memory_space<vmem>>, vector<1000x128xf32>
    tpu.vector_store %arg6[%swap3A_22, %swap3A_23], %concatenate3A {strides = array<i32>} : memref<1000x128xf32, #tpu.memory_space<vmem>>, vector<1000x128xf32>,
    return
  }
  func.func @transform_0(%arg0: i32) -> (i32, i32) {
    %c0_i32 = arith.constant 0 : i32
    %c0_i32_0 = arith.constant 0 : i32
    return %arg0, %c0_i32 : i32, i32
  }
  func.func @transform_1(%arg0: i32) -> (i32, i32) {
    %c0_i32 = arith.constant 0 : i32
    %c0_i32_0 = arith.constant 0 : i32
    %c0_i32_1 = arith.constant 0 : i32
    return %c0_i32, %c0_i32_0 : i32, i32
  }
  func.func @transform_2(%arg0: i32) -> (i32, i32) {
    %c0_i32 = arith.constant 0 : i32
    %c0_i32_0 = arith.constant 0 : i32
    return %arg0, %c0_i32 : i32, i32
  }
  func.func @transform_3(%arg0: i32) -> (i32, i32) {
    %c0_i32 = arith.constant 0 : i32
    %c0_i32_0 = arith.constant 0 : i32
    return %arg0, %c0_i32 : i32, i32
  }
  func.func @transform_4(%arg0: i32) -> (i32, i32) {
    %c0_i32 = arith.constant 0 : i32
    %c0_i32_0 = arith.constant 0 : i32
    return %arg0, %c0_i32 : i32, i32
  }
  func.func @transform_5(%arg0: i32) -> (i32, i32) {
    %c0_i32 = arith.constant 0 : i32
    %c0_i32_0 = arith.constant 0 : i32
    return %arg0, %c0_i32 : i32, i32
  }
}

module attributes {stable_mosaic.version = 14 : i64} {
  func.func @body(%arg0: i32, %arg1: memref<1000x128xf32, #tpu.memory_space<vmem>>, %arg2: memref<1000x128xf32, #tpu.memory_space<vmem>>, %arg3: memref<1000x128xf32, #tpu.memory_space<vmem>>, %arg4: memref<1000x128xf32, #tpu.memory_space<vmem>>, %arg5: memref<1x128xf32, #tpu.memory_space<vmem>>, %arg6: memref<1000x1xf32, #tpu.memory_space<vmem>>, %arg7: memref<128x64xf32, #tpu.memory_space<vmem>>, %arg8: memref<1000x128xf32, #tpu.memory_space<vmem>>) attributes {dimension_semantics = [#tpu.dimension_semantics<arbitrary>], iteration_bounds = array<i64: 10>, scalar_prefetch = 0 : i64, scratch_operands = 0 : i64, tpu.core_type = #tpu.core_type<tc>, window_params = [{transform_indices = @transform_0, window_bounds = array<i64: 1000, 128>}, {transform_indices = @transform_1, window_bounds = array<i64: 1000, 128>}, {transform_indices = @transform_2, window_bounds = array<i64: 1000, 128>}, {transform_indices = @transform_3, window_bounds = array<i64: 1000, 128>}, {pipeline_mode = #tpu.pipeline_mode<synchronous>, transform_indices = @transform_4, window_bounds = array<i64: 1, 128>}, {transform_indices = @transform_5, window_bounds = array<i64: 1000, 1>}, {pipeline_mode = #tpu.pipeline_mode<synchronous>, transform_indices = @transform_6, window_bounds = array<i64: 128, 64>}, {transform_indices = @transform_7, window_bounds = array<i64: 1000, 128>}]} {
    %get3A = arith.constant 0 : index
    %get3A_0 = arith.constant 0 : index
    %get3A_1 = vector.load %arg1[%get3A, %get3A_0] : memref<1000x128xf32, #tpu.memory_space<vmem>>, vector<1000x64xf32>
    %get3A_2 = arith.constant 0 : index
    %get3A_3 = arith.constant 0 : index
    %get3A_4 = vector.load %arg3[%get3A_2, %get3A_3] : memref<1000x128xf32, #tpu.memory_space<vmem>>, vector<1000x64xf32>
    %add3A = arith.addf %get3A_1, %get3A_4 : vector<1000x64xf32>
    %get3A_5 = arith.constant 0 : index
    %get3A_6 = arith.constant 0 : index
    %get3A_7 = vector.load %arg2[%get3A_5, %get3A_6] : memref<1000x128xf32, #tpu.memory_space<vmem>>, vector<1000x64xf32>
    %get3A_8 = arith.constant 0 : index
    %get3A_9 = arith.constant 0 : index
    %get3A_10 = vector.load %arg4[%get3A_8, %get3A_9] : memref<1000x128xf32, #tpu.memory_space<vmem>>, vector<1000x64xf32>
    %add3A_11 = arith.addf %get3A_7, %get3A_10 : vector<1000x64xf32>
    %concatenate3A = tpu.concatenate %add3A, %add3A_11 in 1 : vector<1000x64xf32>, vector<1000x64xf32> -> vector<1000x128xf32>
    %get3A_12 = arith.constant 0 : index
    %get3A_13 = arith.constant 0 : index
    %get3A_14 = vector.load %arg6[%get3A_12, %get3A_13] : memref<1000x1xf32, #tpu.memory_space<vmem>>, vector<1000x1xf32>
    %mul3A = vector.broadcast %get3A_14 : vector<1000x1xf32> to vector<1000x128xf32>
    %mul3A_15 = arith.mulf %concatenate3A, %mul3A : vector<1000x128xf32>
    %get3A_16 = arith.constant 0 : index
    %get3A_17 = arith.constant 0 : index
    %get3A_18 = vector.load %arg5[%get3A_16, %get3A_17] : memref<1x128xf32, #tpu.memory_space<vmem>>, vector<1x128xf32>
    %add3A_19 = vector.broadcast %get3A_18 : vector<1x128xf32> to vector<1000x128xf32>
    %add3A_20 = arith.addf %mul3A_15, %add3A_19 : vector<1000x128xf32>
    %max3A = arith.constant 0.000000e+00 : f32
    %max3A_21 = vector.broadcast %max3A : f32 to vector<1000x128xf32>
    %max3A_22 = arith.maximumf %add3A_20, %max3A_21 : vector<1000x128xf32>
    %get3A_23 = arith.constant 0 : index
    %get3A_24 = arith.constant 0 : index
    %get3A_25 = vector.load %arg7[%get3A_23, %get3A_24] : memref<128x64xf32, #tpu.memory_space<vmem>>, vector<128x64xf32>
    %dot_general3A = arith.constant dense<0.000000e+00> : vector<1000x64xf32>
    %dot_general3A_26 = tpu.matmul %max3A_22, %get3A_25, %dot_general3A {dimension_numbers = #tpu.dot_dimension_numbers<[1], [0], [0], [1], [0, 0, 1, 1], [], []>, transpose_lhs_hint = false} : vector<1000x128xf32>, vector<128x64xf32>, vector<1000x64xf32> -> vector<1000x64xf32>
    %get3A_27 = arith.constant 0 : index
    %get3A_28 = arith.constant 0 : index
    %get3A_29 = vector.load %arg6[%get3A_27, %get3A_28] : memref<1000x1xf32, #tpu.memory_space<vmem>>, vector<1000x1xf32>
    %mul3A_30 = vector.broadcast %get3A_29 : vector<1000x1xf32> to vector<1000x64xf32>
    %mul3A_31 = arith.mulf %dot_general3A_26, %mul3A_30 : vector<1000x64xf32>
    %concatenate3A_32 = tpu.concatenate %mul3A_31, %mul3A_31 in 1 : vector<1000x64xf32>, vector<1000x64xf32> -> vector<1000x128xf32>
    %swap3A = arith.constant 0 : index
    %swap3A_33 = arith.constant 0 : index
    %swap3A_34 = vector.load %arg8[%swap3A, %swap3A_33] : memref<1000x128xf32, #tpu.memory_space<vmem>>, vector<1000x128xf32>
    tpu.vector_store %arg8[%swap3A, %swap3A_33], %concatenate3A_32 {strides = array<i32>} : memref<1000x128xf32, #tpu.memory_space<vmem>>, vector<1000x128xf32>,
    return
  }
  func.func @transform_0(%arg0: i32) -> (i32, i32) {
    %c0_i32 = arith.constant 0 : i32
    %c0_i32_0 = arith.constant 0 : i32
    return %arg0, %c0_i32 : i32, i32
  }
  func.func @transform_1(%arg0: i32) -> (i32, i32) {
    %c0_i32 = arith.constant 0 : i32
    %c0_i32_0 = arith.constant 0 : i32
    return %arg0, %c0_i32 : i32, i32
  }
  func.func @transform_2(%arg0: i32) -> (i32, i32) {
    %c0_i32 = arith.constant 0 : i32
    %c0_i32_0 = arith.constant 0 : i32
    return %arg0, %c0_i32 : i32, i32
  }
  func.func @transform_3(%arg0: i32) -> (i32, i32) {
    %c0_i32 = arith.constant 0 : i32
    %c0_i32_0 = arith.constant 0 : i32
    return %arg0, %c0_i32 : i32, i32
  }
  func.func @transform_4(%arg0: i32) -> (i32, i32) {
    %c0_i32 = arith.constant 0 : i32
    %c0_i32_0 = arith.constant 0 : i32
    %c0_i32_1 = arith.constant 0 : i32
    return %c0_i32, %c0_i32_0 : i32, i32
  }
  func.func @transform_5(%arg0: i32) -> (i32, i32) {
    %c0_i32 = arith.constant 0 : i32
    %c0_i32_0 = arith.constant 0 : i32
    return %arg0, %c0_i32 : i32, i32
  }
  func.func @transform_6(%arg0: i32) -> (i32, i32) {
    %c0_i32 = arith.constant 0 : i32
    %c0_i32_0 = arith.constant 0 : i32
    %c0_i32_1 = arith.constant 0 : i32
    return %c0_i32, %c0_i32_0 : i32, i32
  }
  func.func @transform_7(%arg0: i32) -> (i32, i32) {
    %c0_i32 = arith.constant 0 : i32
    %c0_i32_0 = arith.constant 0 : i32
    return %arg0, %c0_i32 : i32, i32
  }
}

module attributes {stable_mosaic.version = 14 : i64} {
  func.func @body(%arg0: i32, %arg1: memref<1000x128xf32, #tpu.memory_space<vmem>>, %arg2: memref<1000x128xf32, #tpu.memory_space<vmem>>, %arg3: memref<1x64xf32, #tpu.memory_space<vmem>>, %arg4: memref<1000x1xf32, #tpu.memory_space<vmem>>, %arg5: memref<64x64xf32, #tpu.memory_space<vmem>>, %arg6: memref<1000x128xf32, #tpu.memory_space<vmem>>) attributes {dimension_semantics = [#tpu.dimension_semantics<arbitrary>], iteration_bounds = array<i64: 10>, scalar_prefetch = 0 : i64, scratch_operands = 0 : i64, tpu.core_type = #tpu.core_type<tc>, window_params = [{transform_indices = @transform_0, window_bounds = array<i64: 1000, 128>}, {transform_indices = @transform_1, window_bounds = array<i64: 1000, 128>}, {pipeline_mode = #tpu.pipeline_mode<synchronous>, transform_indices = @transform_2, window_bounds = array<i64: 1, 64>}, {transform_indices = @transform_3, window_bounds = array<i64: 1000, 1>}, {pipeline_mode = #tpu.pipeline_mode<synchronous>, transform_indices = @transform_4, window_bounds = array<i64: 64, 64>}, {transform_indices = @transform_5, window_bounds = array<i64: 1000, 128>}]} {
    %get3A = arith.constant 0 : index
    %get3A_0 = arith.constant 0 : index
    %get3A_1 = vector.load %arg1[%get3A, %get3A_0] : memref<1000x128xf32, #tpu.memory_space<vmem>>, vector<1000x64xf32>
    %get3A_2 = arith.constant 0 : index
    %get3A_3 = arith.constant 0 : index
    %get3A_4 = vector.load %arg2[%get3A_2, %get3A_3] : memref<1000x128xf32, #tpu.memory_space<vmem>>, vector<1000x64xf32>
    %add3A = arith.addf %get3A_1, %get3A_4 : vector<1000x64xf32>
    %get3A_5 = arith.constant 0 : index
    %get3A_6 = arith.constant 0 : index
    %get3A_7 = vector.load %arg4[%get3A_5, %get3A_6] : memref<1000x1xf32, #tpu.memory_space<vmem>>, vector<1000x1xf32>
    %mul3A = vector.broadcast %get3A_7 : vector<1000x1xf32> to vector<1000x64xf32>
    %mul3A_8 = arith.mulf %add3A, %mul3A : vector<1000x64xf32>
    %get3A_9 = arith.constant 0 : index
    %get3A_10 = arith.constant 0 : index
    %get3A_11 = vector.load %arg3[%get3A_9, %get3A_10] : memref<1x64xf32, #tpu.memory_space<vmem>>, vector<1x64xf32>
    %add3A_12 = vector.broadcast %get3A_11 : vector<1x64xf32> to vector<1000x64xf32>
    %add3A_13 = arith.addf %mul3A_8, %add3A_12 : vector<1000x64xf32>
    %max3A = arith.constant 0.000000e+00 : f32
    %max3A_14 = vector.broadcast %max3A : f32 to vector<1000x64xf32>
    %max3A_15 = arith.maximumf %add3A_13, %max3A_14 : vector<1000x64xf32>
    %get3A_16 = arith.constant 0 : index
    %get3A_17 = arith.constant 0 : index
    %get3A_18 = vector.load %arg5[%get3A_16, %get3A_17] : memref<64x64xf32, #tpu.memory_space<vmem>>, vector<64x64xf32>
    %dot_general3A = arith.constant dense<0.000000e+00> : vector<1000x64xf32>
    %dot_general3A_19 = tpu.matmul %max3A_15, %get3A_18, %dot_general3A {dimension_numbers = #tpu.dot_dimension_numbers<[1], [0], [0], [1], [0, 0, 1, 1], [], []>, transpose_lhs_hint = false} : vector<1000x64xf32>, vector<64x64xf32>, vector<1000x64xf32> -> vector<1000x64xf32>
    %get3A_20 = arith.constant 0 : index
    %get3A_21 = arith.constant 0 : index
    %get3A_22 = vector.load %arg4[%get3A_20, %get3A_21] : memref<1000x1xf32, #tpu.memory_space<vmem>>, vector<1000x1xf32>
    %mul3A_23 = vector.broadcast %get3A_22 : vector<1000x1xf32> to vector<1000x64xf32>
    %mul3A_24 = arith.mulf %dot_general3A_19, %mul3A_23 : vector<1000x64xf32>
    %concatenate3A = tpu.concatenate %mul3A_24, %mul3A_24 in 1 : vector<1000x64xf32>, vector<1000x64xf32> -> vector<1000x128xf32>
    %swap3A = arith.constant 0 : index
    %swap3A_25 = arith.constant 0 : index
    %swap3A_26 = vector.load %arg6[%swap3A, %swap3A_25] : memref<1000x128xf32, #tpu.memory_space<vmem>>, vector<1000x128xf32>
    tpu.vector_store %arg6[%swap3A, %swap3A_25], %concatenate3A {strides = array<i32>} : memref<1000x128xf32, #tpu.memory_space<vmem>>, vector<1000x128xf32>,
    return
  }
  func.func @transform_0(%arg0: i32) -> (i32, i32) {
    %c0_i32 = arith.constant 0 : i32
    %c0_i32_0 = arith.constant 0 : i32
    return %arg0, %c0_i32 : i32, i32
  }
  func.func @transform_1(%arg0: i32) -> (i32, i32) {
    %c0_i32 = arith.constant 0 : i32
    %c0_i32_0 = arith.constant 0 : i32
    return %arg0, %c0_i32 : i32, i32
  }
  func.func @transform_2(%arg0: i32) -> (i32, i32) {
    %c0_i32 = arith.constant 0 : i32
    %c0_i32_0 = arith.constant 0 : i32
    %c0_i32_1 = arith.constant 0 : i32
    return %c0_i32, %c0_i32_0 : i32, i32
  }
  func.func @transform_3(%arg0: i32) -> (i32, i32) {
    %c0_i32 = arith.constant 0 : i32
    %c0_i32_0 = arith.constant 0 : i32
    return %arg0, %c0_i32 : i32, i32
  }
  func.func @transform_4(%arg0: i32) -> (i32, i32) {
    %c0_i32 = arith.constant 0 : i32
    %c0_i32_0 = arith.constant 0 : i32
    %c0_i32_1 = arith.constant 0 : i32
    return %c0_i32, %c0_i32_0 : i32, i32
  }
  func.func @transform_5(%arg0: i32) -> (i32, i32) {
    %c0_i32 = arith.constant 0 : i32
    %c0_i32_0 = arith.constant 0 : i32
    return %arg0, %c0_i32 : i32, i32
  }
}

module attributes {stable_mosaic.version = 14 : i64} {
  func.func @body(%arg0: i32, %arg1: memref<1000x128xf32, #tpu.memory_space<vmem>>, %arg2: memref<1000x128xf32, #tpu.memory_space<vmem>>, %arg3: memref<1x64xf32, #tpu.memory_space<vmem>>, %arg4: memref<1000x1xf32, #tpu.memory_space<vmem>>, %arg5: memref<1000x64xf32, #tpu.memory_space<vmem>>) attributes {dimension_semantics = [#tpu.dimension_semantics<arbitrary>], iteration_bounds = array<i64: 10>, scalar_prefetch = 0 : i64, scratch_operands = 0 : i64, tpu.core_type = #tpu.core_type<tc>, window_params = [{transform_indices = @transform_0, window_bounds = array<i64: 1000, 128>}, {transform_indices = @transform_1, window_bounds = array<i64: 1000, 128>}, {pipeline_mode = #tpu.pipeline_mode<synchronous>, transform_indices = @transform_2, window_bounds = array<i64: 1, 64>}, {transform_indices = @transform_3, window_bounds = array<i64: 1000, 1>}, {transform_indices = @transform_4, window_bounds = array<i64: 1000, 64>}]} {
    %get3A = arith.constant 0 : index
    %get3A_0 = arith.constant 0 : index
    %get3A_1 = vector.load %arg1[%get3A, %get3A_0] : memref<1000x128xf32, #tpu.memory_space<vmem>>, vector<1000x64xf32>
    %get3A_2 = arith.constant 0 : index
    %get3A_3 = arith.constant 0 : index
    %get3A_4 = vector.load %arg2[%get3A_2, %get3A_3] : memref<1000x128xf32, #tpu.memory_space<vmem>>, vector<1000x64xf32>
    %add3A = arith.addf %get3A_1, %get3A_4 : vector<1000x64xf32>
    %get3A_5 = arith.constant 0 : index
    %get3A_6 = arith.constant 0 : index
    %get3A_7 = vector.load %arg4[%get3A_5, %get3A_6] : memref<1000x1xf32, #tpu.memory_space<vmem>>, vector<1000x1xf32>
    %mul3A = vector.broadcast %get3A_7 : vector<1000x1xf32> to vector<1000x64xf32>
    %mul3A_8 = arith.mulf %add3A, %mul3A : vector<1000x64xf32>
    %get3A_9 = arith.constant 0 : index
    %get3A_10 = arith.constant 0 : index
    %get3A_11 = vector.load %arg3[%get3A_9, %get3A_10] : memref<1x64xf32, #tpu.memory_space<vmem>>, vector<1x64xf32>
    %add3A_12 = vector.broadcast %get3A_11 : vector<1x64xf32> to vector<1000x64xf32>
    %add3A_13 = arith.addf %mul3A_8, %add3A_12 : vector<1000x64xf32>
    %swap3A = arith.constant 0 : index
    %swap3A_14 = arith.constant 0 : index
    %swap3A_15 = vector.load %arg5[%swap3A, %swap3A_14] : memref<1000x64xf32, #tpu.memory_space<vmem>>, vector<1000x64xf32>
    tpu.vector_store %arg5[%swap3A, %swap3A_14], %add3A_13 {strides = array<i32>} : memref<1000x64xf32, #tpu.memory_space<vmem>>, vector<1000x64xf32>,
    return
  }
  func.func @transform_0(%arg0: i32) -> (i32, i32) {
    %c0_i32 = arith.constant 0 : i32
    %c0_i32_0 = arith.constant 0 : i32
    return %arg0, %c0_i32 : i32, i32
  }
  func.func @transform_1(%arg0: i32) -> (i32, i32) {
    %c0_i32 = arith.constant 0 : i32
    %c0_i32_0 = arith.constant 0 : i32
    return %arg0, %c0_i32 : i32, i32
  }
  func.func @transform_2(%arg0: i32) -> (i32, i32) {
    %c0_i32 = arith.constant 0 : i32
    %c0_i32_0 = arith.constant 0 : i32
    %c0_i32_1 = arith.constant 0 : i32
    return %c0_i32, %c0_i32_0 : i32, i32
  }
  func.func @transform_3(%arg0: i32) -> (i32, i32) {
    %c0_i32 = arith.constant 0 : i32
    %c0_i32_0 = arith.constant 0 : i32
    return %arg0, %c0_i32 : i32, i32
  }
  func.func @transform_4(%arg0: i32) -> (i32, i32) {
    %c0_i32 = arith.constant 0 : i32
    %c0_i32_0 = arith.constant 0 : i32
    return %arg0, %c0_i32 : i32, i32
  }
}

</mosaic_0001>

<sc_bundles>
// kernel: kernel.11.cloned.1.call-start
scs
__scs_entry_jumppad:
0x0: {  	(pc) =	sbr.rel $0x88, $3  }
0x1: {  	(tag) =	ssettag $0x0;
	lr =	simm.s32 $0x1  }
0x2: {  	[smem:$0x3F99] =	sst lr;
	_ =	strace $0xD0000000  }
0x3: {  	_ = 	snop  }
0x4: {  	_ = 	snop  }
0x5: {  	_ = 	snop  }
0x6: {  	_ = 	snop  }
0x7: {  	_ = 	snop  }
__scs_overlays_trampoline_lowered:
0x8: {  	[smem:$0x3FA8] =	sst s0  }
0x9: {  	[smem:$0x3FA9] =	sst s1  }
0xa: {  	[smem:$0x3FAA] =	sst s2  }
0xb: {  	[smem:$0x3FAB] =	sst s3  }
0xc: {  	[smem:$0x3FAC] =	sst s4  }
0xd: {  	[smem:$0x3FAD] =	sst s5  }
0xe: {  	[smem:$0x3FAE] =	sst s6  }
0xf: {  	[smem:$0x3FAF] =	sst s7  }
0x10: {  	[smem:$0x3FB0] =	sst s8  }
0x11: {  	[smem:$0x3FB1] =	sst s9;
	s0 =	simm.s32 @!p0 $0x0  }
0x12: {  	s1 =	sld [smem:$0x3F97];
	s0 =	simm.s32 @p0 $0x1  }
0x13: {  	[smem:$0x3FB2] =	sst s0;
	s0 =	simm.s32 @!p1 $0x0  }
0x14: {  	s2 =	sld [smem:$0x3F96];
	s0 =	simm.s32 @p1 $0x1  }
0x15: {  	[smem:$0x3FB3] =	sst s0;
	s0 =	simm.s32 @!p2 $0x0  }
0x16: {  	s3 =	sld [smem:$0x3FDB];
	s0 =	simm.s32 @p2 $0x1  }
0x17: {  	s4 =	simm.s32 $0x1BF5;
	[smem:$0x3FB5] =	sst s0  }
0x18: {  	s0 =	sld [smem:$0x3F98];
	_ =	swait.ge [sflag:s4], $0x0  }
0x19: {  	s7 =	sld [smem:$0x3F99]  }
0x1a: {  	s8 =	sadd.s32 $0xFFFFE003, lr  }
0x1b: {  	s9 =	sadd.s32 $0xFFFFFEF7, lr;
	s5 =	simm.s32 $0xFFFFFFFF;
	p2 =	slt.u32 s8, $0xFFFFF086  }
0x1c: {  	p1 =	slt.u32 s9, $0xF7A;
	s5 =	simm.s32 @!p2 $0x0  }
0x1d: {  	s5 =	simm.s32 @p1 $0x1;
	p0 =	seq.s32 s7, s2  }
0x1e: {  	s7 =	smul.u32 @!p0 $0xF7A, s2;
	p2 =	seq.s32 @!p0 s5, $0x0  }
0x1f: {  	s9 =	smul.u32 $0xF7A, s1;
	s8 =	simm.s32 @!p0 $0x1BF5;
	p2 =	por !p2, p0  }
0x20: {  	[sflag:s8] =	ssyncset.s32 @!p0 $0xFFFFF086;
	s6 =	sadd.s32 @!p0 s3, s7;
	s7 =	simm.s32 @!p0 $0x108  }
0x21: {  	s3 =	sadd.s32 s3, s9;
	s6 =	sadd.s32 @!p0 $0x88, s6;
	s7 =	simm.s32 @p2 $0x1082  }
0x22: {  	[simem:s7], [sflag:s8] =	dma.local @!p0 [hbm:s6], $0xF7A  }
0x23: {  	s9 =	sor.u32 $0xD0000000, s2;
	s6 =	simm.s32 $0x108;
	_ =	swait.ge @!p0 [sflag:s8], $0x0  }
0x24: {  	s3 =	sadd.s32 $0x88, s3;
	s6 =	simm.s32 @!p1 $0x1082;
	[sflag:s4] =	ssyncset.s32 $0xFFFFF086  }
0x25: {  	[simem:s6], [sflag:s4] =	dma.local [hbm:s3], $0xF7A  }
0x26: {  	[smem:$0x3F99] =	sst s1;
	(tag) =	ssettag s2;
	_ =	strace s9  }
0x27: {  	s1 =	sld [smem:$0x3FA9]  }
0x28: {  	s2 =	sld [smem:$0x3FAA]  }
0x29: {  	s4 =	sld [smem:$0x3FAC]  }
0x2a: {  	p0 =	seq.s32 s5, $0x0;
	s5 =	sld [smem:$0x3FAD]  }
0x2b: {  	s6 =	sld [smem:$0x3FAE]  }
0x2c: {  	s7 =	sld [smem:$0x3FAF]  }
0x2d: {  	s3 =	simm.s32 $0x108;
	s8 =	sld [smem:$0x3FB0]  }
0x2e: {  	s3 =	simm.s32 @!p0 $0x1082;
	s9 =	sld [smem:$0x3FB1]  }
0x2f: {  	lr =	sadd.s32 s0, s3;
	s0 =	sld [smem:$0x3FA8]  }
0x30: {  	s3 =	sld [smem:$0x3FAB]  }
0x31: {  	[smem:$0x3FB4] =	sst s10  }
0x32: {  	s10 =	sld [smem:$0x3FB2];
	_ =	sdelay $0x3  }
0x33: {  	p0 =	seq.s32 s10, $0x1;
	s10 =	sld [smem:$0x3FB4];
	_ =	sdelay $0x3  }
0x34: {  	[smem:$0x3FB4] =	sst s10  }
0x35: {  	s10 =	sld [smem:$0x3FB3];
	_ =	sdelay $0x3  }
0x36: {  	p1 =	seq.s32 s10, $0x1;
	s10 =	sld [smem:$0x3FB4];
	_ =	sdelay $0x3  }
0x37: {  	[smem:$0x3FB4] =	sst s10  }
0x38: {  	s10 =	sld [smem:$0x3FB5]  }
0x39: {  	_ = 	snop;
	(pc) =	sbr.ind lr, $3  }
0x3a: {  	_ = 	snop  }
0x3b: {  	_ = 	snop  }
0x3c: {  	p2 =	seq.s32 s10, $0x1;
	s10 =	sld [smem:$0x3FB4]  }
0x3d: {  	_ =	shalt  }
0x3e: {  	_ =	shalt  }
0x3f: {  	_ =	shalt  }
0x40: {  	_ =	shalt  }
0x41: {  	_ =	shalt  }
0x42: {  	_ =	shalt  }
0x43: {  	_ =	shalt  }
0x44: {  	_ =	shalt  }
0x45: {  	_ =	shalt  }
0x46: {  	_ =	shalt  }
0x47: {  	_ =	shalt  }
0x48: {  	_ =	shalt  }
0x49: {  	_ =	shalt  }
0x4a: {  	_ =	shalt  }
0x4b: {  	_ =	shalt  }
0x4c: {  	_ =	shalt  }
0x4d: {  	_ =	shalt  }
0x4e: {  	_ =	shalt  }
0x4f: {  	_ =	shalt  }
0x50: {  	_ =	shalt  }
0x51: {  	_ =	shalt  }
0x52: {  	_ =	shalt  }
0x53: {  	_ =	shalt  }
0x54: {  	_ =	shalt  }
0x55: {  	_ =	shalt  }
0x56: {  	_ =	shalt  }
0x57: {  	_ =	shalt  }
0x58: {  	_ =	shalt  }
0x59: {  	_ =	shalt  }
0x5a: {  	_ =	shalt  }
0x5b: {  	_ =	shalt  }
0x5c: {  	_ =	shalt  }
0x5d: {  	_ =	shalt  }
0x5e: {  	_ =	shalt  }
0x5f: {  	_ =	shalt  }
0x60: {  	_ =	shalt  }
0x61: {  	_ =	shalt  }
0x62: {  	_ =	shalt  }
0x63: {  	_ =	shalt  }
0x64: {  	_ =	shalt  }
0x65: {  	_ =	shalt  }
0x66: {  	_ =	shalt  }
0x67: {  	_ =	shalt  }
0x68: {  	_ =	shalt  }
0x69: {  	_ =	shalt  }
0x6a: {  	_ =	shalt  }
0x6b: {  	_ =	shalt  }
0x6c: {  	_ =	shalt  }
0x6d: {  	_ =	shalt  }
0x6e: {  	_ =	shalt  }
0x6f: {  	_ =	shalt  }
0x70: {  	_ =	shalt  }
0x71: {  	_ =	shalt  }
0x72: {  	_ =	shalt  }
0x73: {  	_ =	shalt  }
0x74: {  	_ =	shalt  }
0x75: {  	_ =	shalt  }
0x76: {  	_ =	shalt  }
0x77: {  	_ =	shalt  }
0x78: {  	_ =	shalt  }
0x79: {  	_ =	shalt  }
0x7a: {  	_ =	shalt  }
0x7b: {  	_ =	shalt  }
0x7c: {  	_ =	shalt  }
0x7d: {  	_ =	shalt  }
0x7e: {  	_ =	shalt  }
0x7f: {  	_ =	shalt  }
0x80: {  	_ =	shalt  }
0x81: {  	_ =	shalt  }
0x82: {  	_ =	shalt  }
0x83: {  	_ =	shalt  }
0x84: {  	_ =	shalt  }
0x85: {  	_ =	shalt  }
0x86: {  	_ =	shalt  }
0x87: {  	_ =	shalt  }
.Lfunc_end0:
.L_simem_size_0:
called_computation_lowered:
.L_overlay_start_0:
0x88: {  	s2 =	sld [smem:$0x3FD9]  }
0x89: {  	s3 =	sld [smem:$0x3FFE];
	_ =	sdelay $0x1  }
0x8a: {  	s1 =	srdreg.scid  }
0x8b: {  	s0 =	sand.u32 $0x1, s1  }
0x8c: {  	s17 =	sshll.u32 s0, $0xA;
	s2 =	sadd.s32 s3, s2  }
0x8d: {  	s2 =	sadd.s32 s2, s17  }
0x8e: {  	[smem:$0x3FC0] =	sst s2  }
0x8f: {  	_ = 	snop  }
0x90: {  	s2 =	sld [smem:$0x3FD0];
	(tm) =	ssettm $0x1  }
0x91: {  	s18 =	sld [smem:$0x3FFB];
	_ =	sdelay $0x3  }
0x92: {  	_ =	strace s18  }
0x93: {  	s3 =	sld [smem:$0x3FFC];
	_ =	sdelay $0x3  }
0x94: {  	_ =	strace s3  }
0x95: {  	s3 =	sld [smem:$0x3FFD];
	_ =	sdelay $0x3  }
0x96: {  	_ =	strace s3  }
0x97: {  	_ =	strace $0x8FFFFFFF  }
0x98: {  	s19 =	sld [smem:$0x3FDB];
	_ =	sdelay $0x1  }
0x99: {  	s4 =	simm.s32 $_scs_section_size  }
0x9a: {  	s5 =	simm.s32 $_size__tile_overlayer_lowered;
	s6 =	simm.s32 $_tile_overlayer_lowered  }
0x9b: {  	s22 =	simm.s32 $0x1BFF;
	s21 =	sshll.u32 s6, $0x1;
	s3 =	sadd.s32 s4, s19  }
0x9c: {  	s7 =	simm.s32 $0x0;
	s20 =	sshll.u32 s5, $0x1;
	s5 =	sadd.s32 s21, s3  }
0x9d: {  	[timem:s7], [sflag:s22] =	dma.local [hbm:s5], s20  }
0x9e: {  	_ =	swait.ge [sflag:s22], s20  }
0x9f: {  	s4 =	ssub.s32 $0x0, s20;
	[sflag:s22] =	ssyncset.done $0x0  }
0xa0: {  	[sflag:s22] =	ssyncadd.s32 s4;
	_ =	sdelay $0x1  }
0xa1: {  	s23 =	simm.s32 $0x1B8B  }
0xa2: {  	_ =	swait.ge [sflag:s23], $0x1  }
0xa3: {  	[sflag:s23] =	ssyncset.done $0x0  }
0xa4: {  	s25 =	simm.s32 $0x1B8E;
	s24 =	sld [smem:$0x3FFE];
	[sflag:s23] =	ssyncadd.s32 $0xFFFFFFFF  }
0xa5: {  	s26 =	simm.s32 $execute0_lowered;
	[smem:$0x3FD2] =	sst s25  }
0xa6: {  	s5 =	sshll.u32 s26, $0x1;
	_ =	strace $0x80000046;
	[dreg:$0x1] =	wrdreg $0xFFFFFFFF  }
0xa7: {  	s28 =	simm.s32 $_size_execute0_lowered;
	s3 =	sadd.s32 s3, s5;
	[dreg:$0x0] =	wrdreg $0x0  }
0xa8: {  	s5 =	sshll.u32 s28, $0x1;
	[dreg:$0x2] =	wrdreg s3  }
0xa9: {  	[dreg:$0x3] =	wrdreg s5  }
0xaa: {  	[dreg:$0x4] =	wrdreg $0xC0  }
0xab: {  	_ =	task [dreg:s7], $0x5FFFF  }
0xac: {  	[dreg:$0x1] =	wrdreg $0xFFFFFFFF  }
0xad: {  	[dreg:$0x0] =	wrdreg $0x60  }
0xae: {  	[dreg:$0x2] =	wrdreg s2  }
0xaf: {  	[dreg:$0x3] =	wrdreg s24  }
0xb0: {  	[dreg:$0x4] =	wrdreg $0x38000  }
0xb1: {  	[dreg:$0x5] =	wrdreg $0x9  }
0xb2: {  	_ =	task.clear_ibuf [dreg:s7], $0x6FFFF;
	_ =	strace $0x90000046  }
0xb3: {  	s29 =	simm.s32 $0x9;
	_ =	strace $0x80000048  }
0xb4: {  	_ =	swait.ge [sflag:s29], $0x1  }
0xb5: {  	[sflag:s29] =	ssyncadd.s32 $0xFFFFFFFF  }
0xb6: {  	_ =	strace $0x90000048  }
0xb7: {  	_ =	sfence  }
0xb8: {  	s30 =	sld [smem:$0x0];
	_ =	sdelay $0x2  }
0xb9: {  	s31 =	sshll.u32 s1, $0xD;
	s1 =	sshrl.u32 s1, $0x2  }
0xba: {  	s3 =	sand.u32 $0x4000, s31;
	s1 =	sadd.s32 s1, s30  }
0xbb: {  	s0 =	sor.u32 s3, s0;
	s1 =	sshll.u32 s1, $0x11  }
0xbc: {  	s0 =	sor.u32 s1, s0  }
0xbd: {  	s0 =	sadd.s32 $0x8F2B, s0  }
0xbe: {  	[sflag:s0] =	ssyncadd.remote.s32 $0x1  }
0xbf: {  	_ =	sfence.sel $0xFFFF  }
0xc0: {  	[dreg:$0x0] =	wrdreg $0xFFFFFFFF;
	(pc) =	sbr.abs _section_cstart, $3  }
0xc1: {  	[dreg:$0x1] =	wrdreg $0xFFFFFFFF  }
0xc2: {  	_ =	task.clear_ibuf [dreg:s7], $0x2FFFF;
	_ =	strace $0x9FFFFFFF  }
0xc3: {  	(tm) =	ssettm $0x7FFFFFFF  }
tec
execute0_lowered:
.L_overlay_start_1:
0x0: {  	(tag) =	ssettag $0x1  }
0x1: {  	s9 =	rddreg [dreg:$0x0]  }
0x2: {  	s4 =	rddreg [dreg:$0x1]  }
0x3: {  	s2 =	rddreg [dreg:$0x2]  }
0x4: {  	s0 =	rddreg [dreg:$0x3];
	s5 =	srdreg.scid  }
0x5: {  	s3 =	simm.s32 $0x0;
	s1 =	stileid.u32;
	s20 =	simm.s32 $0x10  }
0x6: {  	s8 =	sand.u32 $0x1, s5;
	[smem:$0x7FF] =	sst s3;
	s7 =	smul.u32 $0x280, s1  }
0x7: {  	s10 =	smul.u32 $0xA000, s1;
	s14 =	sadd.s32 $0x3C00, s4;
	s21 =	sshll.u32 s1, $0x1  }
0x8: {  	s18 =	smul.u32 $0x14000, s1;
	s5 =	ssub.s32 $0x2, s8;
	_ =	strace $0x80000047  }
0x9: {  	s11 =	sor.u32 s8, s21;
	s19 =	sshll.u32 s8, $0x4;
	s21 =	simm.s32 $0x2  }
0xa: {  	s6 =	sshrl.u32 s5, $0x1;
	s22 =	sshrl.u32 s10, $0x2;
	s23 =	sadd.s32 $0x80, s7  }
0xb: {  	s12 =	sadd.s32 $0x100, s7;
	s13 =	sadd.s32 $0x180, s7;
	s17 =	sadd.s32 $0x200, s7  }
0xc: {  	s11 =	smul.u32 $0x500, s11;
	s28 =	sor.u32 s19, s18;
	s18 =	simm.s32 $0x80  }
0xd: {  	s15 =	ssub.s32 s5, s6;
	s4 =	sadd.s32 s22, s2;
	s24 =	sshll.u32 s23, $0x4  }
0xe: {  	s25 =	sshll.u32 s12, $0x4;
	s16 =	sshll.u32 s13, $0x4;
	s26 =	sshll.u32 s17, $0x4  }
0xf: {  	s10 =	sshll.u32 s23, $0x7;
	s29 =	sshrl.u32 s28, $0x3;
	s12 =	sshll.u32 s12, $0x7  }
0x10: {  	s13 =	sshll.u32 s13, $0x7;
	s31 =	sshll.u32 s17, $0x7;
	s17 =	simm.s32 $0x1  }
0x11: {  	s5 =	sadd.s32 s24, s2;
	s6 =	sadd.s32 s25, s2;
	s7 =	sadd.s32 s16, s2  }
0x12: {  	s8 =	sadd.s32 s26, s2;
	s10 =	sor.u32 s19, s10;
	s9 =	sadd.s32 s9, s11  }
0x13: {  	s12 =	sor.u32 s19, s12;
	s13 =	sor.u32 s19, s13;
	s16 =	sor.u32 s19, s31  }
0x14: {  	s15 =	smax.u32 s15, $0x1;
	s19 =	simm.s32 $0x2800;
	s30 =	sshrl.u32 s10, $0x3  }
0x15: {  	s10 =	sadd.s32 s14, s29;
	s12 =	sshrl.u32 s12, $0x3;
	s13 =	sshrl.u32 s13, $0x3  }
0x16: {  	s16 =	sshrl.u32 s16, $0x3;
	s11 =	sadd.s32 s14, s30;
	s12 =	sadd.s32 s14, s12  }
0x17: {  	v0 =	vimm.f32 $0.0e+00;
	v1 =	vimm.f32 $1.000000000e+00;
	s13 =	sadd.s32 s14, s13;
	s14 =	sadd.s32 s14, s16;
	s16 =	simm.s32 $0x3000  }
.LBB2_1:
0x18: {  	s22 =	simm.s32 $0x40;
	s23 =	simm.s32 $0x0  }
.LBB2_2:
0x19: {  	p0 =	sne.s32 s22, $0x1FC0;
	[tilespmem:s23+$0x3000] =	vst v0;
	s24 =	smov.u32 s22;
	s22 =	sadd.s32 $0x40, s22  }
.Ltmp0:
0x1a: {  	[tilespmem:s23+$0x2800] =	vst v1;
	(pc) =	sbr.rel @p0 .LBB2_2-.Ltmp0, $2  }
0x1b: {  	_ =	sdelay $0x2  }
0x1c: {  	s23 =	sshra.s32 s24, $0x2  }
0x1d: {  	[tilespmem:s23+$0x3000] =	vst v0  }
0x1e: {  	[tilespmem:s23+$0x2800] =	vst v1  }
0x1f: {  	[spmem:s4] =	stream.linear.scatter [tilespmem:s16], [sflag:$0x1], $0x800, $0x38;
	[tilespmem:$0x6000] =	vst v63  }
0x20: {  	_ =	swait.ge [sflag:s17], $0x800  }
0x21: {  	[sflag:s17] =	ssyncset.done $0x0  }
0x22: {  	[sflag:s17] =	ssyncadd.s32 $0xFFFFF800  }
0x23: {  	[spmem:s5] =	stream.linear.scatter [tilespmem:s16], [sflag:$0x1], $0x800, $0x38;
	[tilespmem:$0x6000] =	vst v63  }
0x24: {  	_ =	swait.ge [sflag:s17], $0x800  }
0x25: {  	[sflag:s17] =	ssyncset.done $0x0  }
0x26: {  	[sflag:s17] =	ssyncadd.s32 $0xFFFFF800  }
0x27: {  	[spmem:s6] =	stream.linear.scatter [tilespmem:s16], [sflag:$0x1], $0x800, $0x38;
	[tilespmem:$0x6000] =	vst v63  }
0x28: {  	_ =	swait.ge [sflag:s17], $0x800  }
0x29: {  	[sflag:s17] =	ssyncset.done $0x0  }
0x2a: {  	[sflag:s17] =	ssyncadd.s32 $0xFFFFF800  }
0x2b: {  	[spmem:s7] =	stream.linear.scatter [tilespmem:s16], [sflag:$0x1], $0x800, $0x38;
	[tilespmem:$0x6000] =	vst v63  }
0x2c: {  	_ =	swait.ge [sflag:s17], $0x800  }
0x2d: {  	[sflag:s17] =	ssyncset.done $0x0  }
0x2e: {  	[sflag:s17] =	ssyncadd.s32 $0xFFFFF800  }
0x2f: {  	[spmem:s8] =	stream.linear.scatter [tilespmem:s16], [sflag:$0x1], $0x800, $0x38;
	[tilespmem:$0x6000] =	vst v63  }
0x30: {  	_ =	swait.ge [sflag:s17], $0x800  }
0x31: {  	[sflag:s17] =	ssyncset.done $0x0  }
0x32: {  	s22 =	simm.s32 $0x0;
	[sflag:s17] =	ssyncadd.s32 $0xFFFFF800  }
0x33: {  	[tilespmem:s22], [sflag:$0x1] =	stream.linear.gather [hbm4b:s9+s22], $0x2800, $0x38;
	[tilespmem:$0x6000] =	vst v63  }
0x34: {  	_ =	swait.ge [sflag:s17], $0x2800  }
0x35: {  	[sflag:s17] =	ssyncset.done $0x0  }
0x36: {  	[sflag:s17] =	ssyncadd.s32 $0xFFFFD800  }
0x37: {  	s31 =	simm.s32 $0x0;
	[bflag:$0x0] =	sbarrier.arrive $0xFFFF  }
0x38: {  	[spmem:s2] =	stream.indirect.scatter.add.f32 [tilespmem:s19], [sflag:$0x1], $0x10, s31, s18, $0xb8;
	[tilespmem:$0x6000] =	vst v63  }
0x39: {  	_ =	swait.ge [sflag:s17], $0x800  }
0x3a: {  	s22 =	simm.s32 $0x200;
	[sflag:s17] =	ssyncset.done $0x0  }
.LBB2_4:
0x3b: {  	s23 =	sshra.s32 s22, $0x2;
	[sflag:s17] =	ssyncadd.s32 $0xFFFFF800;
	p0 =	sne.s32 s22, $0x9E00  }
0x3c: {  	[spmem:s2] =	stream.indirect.scatter.add.f32 [tilespmem:s19], [sflag:$0x1], $0x10, s23, s18, $0xb8;
	[tilespmem:$0x6000] =	vst v63  }
.Ltmp1:
0x3d: {  	_ = 	snop;
	(pc) =	sbr.rel @p0 .LBB2_4-.Ltmp1, $4  }
0x3e: {  	_ = 	snop  }
0x3f: {  	s22 =	sadd.s32 $0x200, s22  }
0x40: {  	_ =	swait.ge [sflag:s17], $0x800  }
0x41: {  	[sflag:s17] =	ssyncset.done $0x0  }
0x42: {  	[sflag:s17] =	ssyncadd.s32 $0xFFFFF800;
	s22 =	sshll.u32 s1, $0x6  }
0x43: {  	s23 =	sshrl.u32 s4, $0x3;
	[bflag:$0x0] =	sbarrier.arrive $0xFFFF;
	s22 =	sor.u32 $0x1C01, s22  }
0x44: {  	[hbm:s10@s20], [sflag:s22] =	dma.strided [spmem:s23@s21], $0x100, s17, $0x2   }
0x45: {  	_ =	swait.ge [sflag:s17], $0x100  }
0x46: {  	[sflag:s17] =	ssyncset.done $0x0  }
0x47: {  	s28 =	sshrl.u32 s5, $0x3;
	[sflag:s17] =	ssyncadd.s32 $0xFFFFFF00  }
0x48: {  	[hbm:s11@s20], [sflag:s22] =	dma.strided [spmem:s28@s21], $0x100, s17, $0x2   }
0x49: {  	_ =	swait.ge [sflag:s17], $0x100  }
0x4a: {  	[sflag:s17] =	ssyncset.done $0x0  }
0x4b: {  	s29 =	sshrl.u32 s6, $0x3;
	[sflag:s17] =	ssyncadd.s32 $0xFFFFFF00  }
0x4c: {  	[hbm:s12@s20], [sflag:s22] =	dma.strided [spmem:s29@s21], $0x100, s17, $0x2   }
0x4d: {  	_ =	swait.ge [sflag:s17], $0x100  }
0x4e: {  	[sflag:s17] =	ssyncset.done $0x0  }
0x4f: {  	s30 =	sshrl.u32 s7, $0x3;
	[sflag:s17] =	ssyncadd.s32 $0xFFFFFF00  }
0x50: {  	[hbm:s13@s20], [sflag:s22] =	dma.strided [spmem:s30@s21], $0x100, s17, $0x2   }
0x51: {  	s3 =	sadd.s32 $0x1, s3;
	_ =	swait.ge [sflag:s17], $0x100  }
0x52: {  	p0 =	sne.s32 s3, s15;
	[sflag:s17] =	ssyncset.done $0x0  }
.Ltmp2:
0x53: {  	s31 =	sshrl.u32 s8, $0x3;
	[sflag:s17] =	ssyncadd.s32 $0xFFFFFF00;
	(pc) =	sbr.rel @p0 .LBB2_1-.Ltmp2, $4  }
0x54: {  	[hbm:s14@s20], [sflag:s22] =	dma.strided [spmem:s31@s21], $0x100, s17, $0x2   }
0x55: {  	_ =	swait.ge [sflag:s17], $0x100  }
0x56: {  	[sflag:s17] =	ssyncset.done $0x0  }
0x57: {  	[sflag:s17] =	ssyncadd.s32 $0xFFFFFF00  }
0x58: {  	_ =	sfence.sel $0x180000  }
0x59: {  	[bflag:$0x0] =	sbarrier.arrive $0xFFFF  }
0x5a: {  	p0 =	sne.s32 s1, $0x0;
	_ =	strace $0x90000047  }
0x5b: {  	s0 =	sadd.s32 @!p0 $0x100000, s0;
	[bflag:$0x2] =	sbarrier.arrive $0xFFFF  }
0x5c: {  	[sflag:s0] =	ssyncadd.tile.s32 @!p0 $0x1;
	_ =	shalt  }
.Lfunc_end2:
_tile_overlayer_lowered:
.L_overlay_start_2:
0x5d: {  	(tag) =	ssettag $0x2  }
0x5e: {  	s0 =	rddreg [dreg:$0x0];
	s2 =	stileid.u32  }
0x5f: {  	s1 =	rddreg [dreg:$0x1];
	p0 =	sne.s32 s2, $0x0  }
0x60: {  	s3 =	rddreg [dreg:$0x2];
	[bflag:$0x3] =	sbarrier.arrive $0xFFFF;
	s2 =	simm.s32 @!p0 $0x1C01  }
0x61: {  	[timem:s3], [sflag:s2] =	dma.local @!p0 [hbm:s0], s1  }
0x62: {  	s0 =	simm.s32 @!p0 $0x1  }
0x63: {  	_ =	swait.ge @!p0 [sflag:s0], s1  }
0x64: {  	s1 =	ssub.s32 @!p0 $0x0, s1;
	[sflag:s0] =	ssyncset.done @!p0 $0x0  }
0x65: {  	[sflag:s0] =	ssyncadd.s32 @!p0 s1  }
0x66: {  	[bflag:$0x3] =	sbarrier.arrive $0xFFFF  }
0x67: {  	_ =	shalt  }

// kernel: kernel.14.cloned.1.call-start
scs
__scs_entry_jumppad:
0x0: {  	(pc) =	sbr.rel $0x88, $3  }
0x1: {  	(tag) =	ssettag $0x0;
	lr =	simm.s32 $0x1  }
0x2: {  	[smem:$0x3F99] =	sst lr;
	_ =	strace $0xD0000000  }
0x3: {  	_ = 	snop  }
0x4: {  	_ = 	snop  }
0x5: {  	_ = 	snop  }
0x6: {  	_ = 	snop  }
0x7: {  	_ = 	snop  }
__scs_overlays_trampoline_lowered:
0x8: {  	[smem:$0x3FA8] =	sst s0  }
0x9: {  	[smem:$0x3FA9] =	sst s1  }
0xa: {  	[smem:$0x3FAA] =	sst s2  }
0xb: {  	[smem:$0x3FAB] =	sst s3  }
0xc: {  	[smem:$0x3FAC] =	sst s4  }
0xd: {  	[smem:$0x3FAD] =	sst s5  }
0xe: {  	[smem:$0x3FAE] =	sst s6  }
0xf: {  	[smem:$0x3FAF] =	sst s7  }
0x10: {  	[smem:$0x3FB0] =	sst s8  }
0x11: {  	[smem:$0x3FB1] =	sst s9;
	s0 =	simm.s32 @!p0 $0x0  }
0x12: {  	s1 =	sld [smem:$0x3F97];
	s0 =	simm.s32 @p0 $0x1  }
0x13: {  	[smem:$0x3FB2] =	sst s0;
	s0 =	simm.s32 @!p1 $0x0  }
0x14: {  	s2 =	sld [smem:$0x3F96];
	s0 =	simm.s32 @p1 $0x1  }
0x15: {  	[smem:$0x3FB3] =	sst s0;
	s0 =	simm.s32 @!p2 $0x0  }
0x16: {  	s3 =	sld [smem:$0x3FDB];
	s0 =	simm.s32 @p2 $0x1  }
0x17: {  	s4 =	simm.s32 $0x1BF5;
	[smem:$0x3FB5] =	sst s0  }
0x18: {  	s0 =	sld [smem:$0x3F98];
	_ =	swait.ge [sflag:s4], $0x0  }
0x19: {  	s7 =	sld [smem:$0x3F99]  }
0x1a: {  	s8 =	sadd.s32 $0xFFFFE003, lr  }
0x1b: {  	s9 =	sadd.s32 $0xFFFFFEF7, lr;
	s5 =	simm.s32 $0xFFFFFFFF;
	p2 =	slt.u32 s8, $0xFFFFF086  }
0x1c: {  	p1 =	slt.u32 s9, $0xF7A;
	s5 =	simm.s32 @!p2 $0x0  }
0x1d: {  	s5 =	simm.s32 @p1 $0x1;
	p0 =	seq.s32 s7, s2  }
0x1e: {  	s7 =	smul.u32 @!p0 $0xF7A, s2;
	p2 =	seq.s32 @!p0 s5, $0x0  }
0x1f: {  	s9 =	smul.u32 $0xF7A, s1;
	s8 =	simm.s32 @!p0 $0x1BF5;
	p2 =	por !p2, p0  }
0x20: {  	[sflag:s8] =	ssyncset.s32 @!p0 $0xFFFFF086;
	s6 =	sadd.s32 @!p0 s3, s7;
	s7 =	simm.s32 @!p0 $0x108  }
0x21: {  	s3 =	sadd.s32 s3, s9;
	s6 =	sadd.s32 @!p0 $0x88, s6;
	s7 =	simm.s32 @p2 $0x1082  }
0x22: {  	[simem:s7], [sflag:s8] =	dma.local @!p0 [hbm:s6], $0xF7A  }
0x23: {  	s9 =	sor.u32 $0xD0000000, s2;
	s6 =	simm.s32 $0x108;
	_ =	swait.ge @!p0 [sflag:s8], $0x0  }
0x24: {  	s3 =	sadd.s32 $0x88, s3;
	s6 =	simm.s32 @!p1 $0x1082;
	[sflag:s4] =	ssyncset.s32 $0xFFFFF086  }
0x25: {  	[simem:s6], [sflag:s4] =	dma.local [hbm:s3], $0xF7A  }
0x26: {  	[smem:$0x3F99] =	sst s1;
	(tag) =	ssettag s2;
	_ =	strace s9  }
0x27: {  	s1 =	sld [smem:$0x3FA9]  }
0x28: {  	s2 =	sld [smem:$0x3FAA]  }
0x29: {  	s4 =	sld [smem:$0x3FAC]  }
0x2a: {  	p0 =	seq.s32 s5, $0x0;
	s5 =	sld [smem:$0x3FAD]  }
0x2b: {  	s6 =	sld [smem:$0x3FAE]  }
0x2c: {  	s7 =	sld [smem:$0x3FAF]  }
0x2d: {  	s3 =	simm.s32 $0x108;
	s8 =	sld [smem:$0x3FB0]  }
0x2e: {  	s3 =	simm.s32 @!p0 $0x1082;
	s9 =	sld [smem:$0x3FB1]  }
0x2f: {  	lr =	sadd.s32 s0, s3;
	s0 =	sld [smem:$0x3FA8]  }
0x30: {  	s3 =	sld [smem:$0x3FAB]  }
0x31: {  	[smem:$0x3FB4] =	sst s10  }
0x32: {  	s10 =	sld [smem:$0x3FB2];
	_ =	sdelay $0x3  }
0x33: {  	p0 =	seq.s32 s10, $0x1;
	s10 =	sld [smem:$0x3FB4];
	_ =	sdelay $0x3  }
0x34: {  	[smem:$0x3FB4] =	sst s10  }
0x35: {  	s10 =	sld [smem:$0x3FB3];
	_ =	sdelay $0x3  }
0x36: {  	p1 =	seq.s32 s10, $0x1;
	s10 =	sld [smem:$0x3FB4];
	_ =	sdelay $0x3  }
0x37: {  	[smem:$0x3FB4] =	sst s10  }
0x38: {  	s10 =	sld [smem:$0x3FB5]  }
0x39: {  	_ = 	snop;
	(pc) =	sbr.ind lr, $3  }
0x3a: {  	_ = 	snop  }
0x3b: {  	_ = 	snop  }
0x3c: {  	p2 =	seq.s32 s10, $0x1;
	s10 =	sld [smem:$0x3FB4]  }
0x3d: {  	_ =	shalt  }
0x3e: {  	_ =	shalt  }
0x3f: {  	_ =	shalt  }
0x40: {  	_ =	shalt  }
0x41: {  	_ =	shalt  }
0x42: {  	_ =	shalt  }
0x43: {  	_ =	shalt  }
0x44: {  	_ =	shalt  }
0x45: {  	_ =	shalt  }
0x46: {  	_ =	shalt  }
0x47: {  	_ =	shalt  }
0x48: {  	_ =	shalt  }
0x49: {  	_ =	shalt  }
0x4a: {  	_ =	shalt  }
0x4b: {  	_ =	shalt  }
0x4c: {  	_ =	shalt  }
0x4d: {  	_ =	shalt  }
0x4e: {  	_ =	shalt  }
0x4f: {  	_ =	shalt  }
0x50: {  	_ =	shalt  }
0x51: {  	_ =	shalt  }
0x52: {  	_ =	shalt  }
0x53: {  	_ =	shalt  }
0x54: {  	_ =	shalt  }
0x55: {  	_ =	shalt  }
0x56: {  	_ =	shalt  }
0x57: {  	_ =	shalt  }
0x58: {  	_ =	shalt  }
0x59: {  	_ =	shalt  }
0x5a: {  	_ =	shalt  }
0x5b: {  	_ =	shalt  }
0x5c: {  	_ =	shalt  }
0x5d: {  	_ =	shalt  }
0x5e: {  	_ =	shalt  }
0x5f: {  	_ =	shalt  }
0x60: {  	_ =	shalt  }
0x61: {  	_ =	shalt  }
0x62: {  	_ =	shalt  }
0x63: {  	_ =	shalt  }
0x64: {  	_ =	shalt  }
0x65: {  	_ =	shalt  }
0x66: {  	_ =	shalt  }
0x67: {  	_ =	shalt  }
0x68: {  	_ =	shalt  }
0x69: {  	_ =	shalt  }
0x6a: {  	_ =	shalt  }
0x6b: {  	_ =	shalt  }
0x6c: {  	_ =	shalt  }
0x6d: {  	_ =	shalt  }
0x6e: {  	_ =	shalt  }
0x6f: {  	_ =	shalt  }
0x70: {  	_ =	shalt  }
0x71: {  	_ =	shalt  }
0x72: {  	_ =	shalt  }
0x73: {  	_ =	shalt  }
0x74: {  	_ =	shalt  }
0x75: {  	_ =	shalt  }
0x76: {  	_ =	shalt  }
0x77: {  	_ =	shalt  }
0x78: {  	_ =	shalt  }
0x79: {  	_ =	shalt  }
0x7a: {  	_ =	shalt  }
0x7b: {  	_ =	shalt  }
0x7c: {  	_ =	shalt  }
0x7d: {  	_ =	shalt  }
0x7e: {  	_ =	shalt  }
0x7f: {  	_ =	shalt  }
0x80: {  	_ =	shalt  }
0x81: {  	_ =	shalt  }
0x82: {  	_ =	shalt  }
0x83: {  	_ =	shalt  }
0x84: {  	_ =	shalt  }
0x85: {  	_ =	shalt  }
0x86: {  	_ =	shalt  }
0x87: {  	_ =	shalt  }
.Lfunc_end0:
.L_simem_size_0:
called_computation.1_lowered:
.L_overlay_start_0:
0x88: {  	s2 =	sld [smem:$0x3FD9]  }
0x89: {  	s3 =	sld [smem:$0x3FFE];
	_ =	sdelay $0x1  }
0x8a: {  	s1 =	srdreg.scid  }
0x8b: {  	s0 =	sand.u32 $0x1, s1  }
0x8c: {  	s17 =	sshll.u32 s0, $0xA;
	s2 =	sadd.s32 s3, s2  }
0x8d: {  	s2 =	sadd.s32 s2, s17  }
0x8e: {  	[smem:$0x3FC0] =	sst s2  }
0x8f: {  	_ = 	snop  }
0x90: {  	s18 =	sld [smem:$0x3FD0];
	(tm) =	ssettm $0x1  }
0x91: {  	s19 =	sld [smem:$0x3FFB];
	_ =	sdelay $0x3  }
0x92: {  	_ =	strace s19  }
0x93: {  	s2 =	sld [smem:$0x3FFC];
	_ =	sdelay $0x3  }
0x94: {  	_ =	strace s2  }
0x95: {  	s2 =	sld [smem:$0x3FFD];
	_ =	sdelay $0x3  }
0x96: {  	_ =	strace s2  }
0x97: {  	_ =	strace $0x8FFFFFFF  }
0x98: {  	s20 =	sld [smem:$0x3FDB];
	_ =	sdelay $0x1  }
0x99: {  	s4 =	simm.s32 $_scs_section_size  }
0x9a: {  	s5 =	simm.s32 $_size__tile_overlayer_lowered;
	s6 =	simm.s32 $_tile_overlayer_lowered  }
0x9b: {  	s7 =	simm.s32 $0x1BFF;
	s21 =	sshll.u32 s6, $0x1;
	s4 =	sadd.s32 s4, s20  }
0x9c: {  	s22 =	simm.s32 $0x0;
	s5 =	sshll.u32 s5, $0x1;
	s6 =	sadd.s32 s21, s4  }
0x9d: {  	[timem:s22], [sflag:s7] =	dma.local [hbm:s6], s5  }
0x9e: {  	_ =	swait.ge [sflag:s7], s5  }
0x9f: {  	s5 =	ssub.s32 $0x0, s5;
	[sflag:s7] =	ssyncset.done $0x0  }
0xa0: {  	[sflag:s7] =	ssyncadd.s32 s5;
	_ =	sdelay $0x1  }
0xa1: {  	s23 =	simm.s32 $0x1B8B  }
0xa2: {  	_ =	swait.ge [sflag:s23], $0x1  }
0xa3: {  	[sflag:s23] =	ssyncset.done $0x0  }
0xa4: {  	[sflag:s23] =	ssyncadd.s32 $0xFFFFFFFF  }
0xa5: {  	s5 =	sld [smem:$0x0]  }
0xa6: {  	s6 =	sand.u32 $0xFFFFFFFE, s1  }
0xa7: {  	p0 =	sne.s32 s1, s6  }
0xa8: {  	s6 =	sshll.u32 @p0 s6, $0xE  }
0xa9: {  	s6 =	sadd.s32 @p0 $0x11B8D, s6;
	s7 =	sshll.u32 @p0 s5, $0x11  }
0xaa: {  	s6 =	sor.u32 @p0 s7, s6  }
0xab: {  	[sflag:s6] =	ssyncadd.remote.s32 @p0 $0x1;
	_ =	sdelay $0x1  }
0xac: {  	s6 =	simm.s32 @p0 $0x1B8D  }
0xad: {  	_ =	swait.eq @p0 [sflag:s6], $0x1  }
0xae: {  	[sflag:s6] =	ssyncadd.s32 @p0 $0xFFFFFFFF  }
0xaf: {  	s7 =	sshll.u32 @!p0 s1, $0xE  }
0xb0: {  	s7 =	sor.u32 @!p0 $0x4000, s7;
	s6 =	simm.s32 @!p0 $0x1B8D  }
0xb1: {  	s5 =	sshll.u32 @!p0 s5, $0x11;
	s7 =	sadd.s32 @!p0 $0x11B8D, s7;
	_ =	swait.eq @!p0 [sflag:s6], $0x1  }
0xb2: {  	s5 =	sor.u32 @!p0 s5, s7;
	[sflag:s6] =	ssyncadd.s32 @!p0 $0xFFFFFFFF  }
0xb3: {  	s25 =	simm.s32 $0x1B8E;
	s24 =	sld [smem:$0x3FFE];
	[sflag:s5] =	ssyncadd.remote.s32 @!p0 $0x1  }
0xb4: {  	s26 =	simm.s32 $execute0_lowered;
	[smem:$0x3FD2] =	sst s25  }
0xb5: {  	s6 =	sshll.u32 s26, $0x1;
	_ =	strace $0x8000004C;
	[dreg:$0x1] =	wrdreg $0xFFFFFFFF  }
0xb6: {  	s28 =	simm.s32 $_size_execute0_lowered;
	s4 =	sadd.s32 s4, s6;
	[dreg:$0x0] =	wrdreg $0x0  }
0xb7: {  	s6 =	sshll.u32 s28, $0x1;
	[dreg:$0x2] =	wrdreg s4  }
0xb8: {  	[dreg:$0x3] =	wrdreg s6  }
0xb9: {  	[dreg:$0x4] =	wrdreg $0xC0  }
0xba: {  	_ =	task [dreg:s22], $0x5FFFF  }
0xbb: {  	[dreg:$0x1] =	wrdreg $0xFFFFFFFF  }
0xbc: {  	[dreg:$0x0] =	wrdreg $0x60  }
0xbd: {  	[dreg:$0x2] =	wrdreg s24  }
0xbe: {  	[dreg:$0x3] =	wrdreg s18  }
0xbf: {  	[dreg:$0x4] =	wrdreg $0x140000  }
0xc0: {  	[dreg:$0x5] =	wrdreg $0x190000  }
0xc1: {  	[dreg:$0x6] =	wrdreg $0x9  }
0xc2: {  	_ =	task.clear_ibuf [dreg:s22], $0x7FFFF;
	_ =	strace $0x9000004C  }
0xc3: {  	s29 =	simm.s32 $0x9;
	_ =	strace $0x8000004E  }
0xc4: {  	_ =	swait.ge [sflag:s29], $0x1  }
0xc5: {  	[sflag:s29] =	ssyncadd.s32 $0xFFFFFFFF  }
0xc6: {  	_ =	strace $0x9000004E  }
0xc7: {  	_ =	sfence  }
0xc8: {  	s30 =	sld [smem:$0x0];
	_ =	sdelay $0x2  }
0xc9: {  	s31 =	sshll.u32 s1, $0xD;
	s1 =	sshrl.u32 s1, $0x2  }
0xca: {  	s4 =	sand.u32 $0x4000, s31;
	s1 =	sadd.s32 s1, s30  }
0xcb: {  	s0 =	sor.u32 s4, s0;
	s1 =	sshll.u32 s1, $0x11  }
0xcc: {  	s0 =	sor.u32 s1, s0  }
0xcd: {  	s0 =	sadd.s32 $0x8F2B, s0  }
0xce: {  	[sflag:s0] =	ssyncadd.remote.s32 $0x1  }
0xcf: {  	_ =	sfence.sel $0xFFFF  }
0xd0: {  	[dreg:$0x0] =	wrdreg $0xFFFFFFFF;
	(pc) =	sbr.abs _section_cstart, $3  }
0xd1: {  	[dreg:$0x1] =	wrdreg $0xFFFFFFFF  }
0xd2: {  	_ =	task.clear_ibuf [dreg:s22], $0x2FFFF;
	_ =	strace $0x9FFFFFFF  }
0xd3: {  	(tm) =	ssettm $0x7FFFFFFF  }
tec
execute0_lowered:
.L_overlay_start_1:
0x0: {  	(tag) =	ssettag $0x1  }
0x1: {  	s0 =	rddreg [dreg:$0x0]  }
0x2: {  	s1 =	rddreg [dreg:$0x1]  }
0x3: {  	s8 =	rddreg [dreg:$0x2];
	s3 =	srdreg.scid  }
0x4: {  	s6 =	stileid.u32;
	s2 =	rddreg [dreg:$0x3]  }
0x5: {  	s29 =	simm.s32 $0xC000;
	s31 =	simm.s32 $0xD000;
	s9 =	smul.u32 $0x13880, s6  }
0x6: {  	s28 =	simm.s32 $0x10000;
	s30 =	simm.s32 $0x11000;
	s11 =	smul.u32 $0xA00, s6  }
0x7: {  	s4 =	sand.u32 $0x1, s3;
	s3 =	simm.s32 $0x0;
	s12 =	smul.u32 $0x14000, s6  }
0x8: {  	s10 =	sshll.u32 s4, $0x5;
	[smem:$0x7FF] =	sst s3;
	s4 =	ssub.s32 $0x2, s4  }
0x9: {  	s5 =	sor.u32 s10, s9;
	_ =	strace $0x8000004D;
	s14 =	sadd.s32 s11, s0  }
0xa: {  	s26 =	sshrl.u32 s4, $0x1;
	s15 =	sadd.s32 $0x4000, s12;
	s16 =	sadd.s32 $0x8000, s12  }
0xb: {  	s18 =	sadd.s32 $0xC000, s12;
	s19 =	sadd.s32 $0x10000, s12;
	s9 =	sshrl.u32 s9, $0x2  }
0xc: {  	s1 =	sadd.s32 s1, s11;
	s5 =	sshrl.u32 s5, $0x3;
	s17 =	ssub.s32 s4, s26  }
0xd: {  	s6 =	sshrl.u32 s15, $0x2;
	s7 =	sshrl.u32 s16, $0x2;
	s20 =	sshrl.u32 s19, $0x2  }
0xe: {  	s9 =	sadd.s32 s9, s2;
	s21 =	sor.u32 s10, s15;
	[dreg:$0x7] =	wrdreg s1  }
0xf: {  	s24 =	sor.u32 s10, s16;
	s25 =	sor.u32 s10, s18;
	s13 =	sadd.s32 s5, s0  }
0x10: {  	s0 =	sadd.s32 $0x84E00, s0;
	s5 =	sshrl.u32 s12, $0x2;
	s12 =	sor.u32 s10, s12  }
0x11: {  	s23 =	sshrl.u32 s21, $0x3;
	s11 =	sshrl.u32 s25, $0x3;
	s10 =	sor.u32 s10, s19  }
0x12: {  	s17 =	smax.u32 s17, $0x1;
	s19 =	simm.s32 $0x2;
	s21 =	simm.s32 $0x1  }
0x13: {  	s25 =	simm.s32 $0x80;
	s4 =	sadd.s32 s5, s8;
	s5 =	sadd.s32 s6, s8  }
0x14: {  	s6 =	sadd.s32 s7, s8;
	s7 =	sshrl.u32 s18, $0x2;
	s13 =	sadd.s32 $0x35C00, s13  }
0x15: {  	s12 =	sshrl.u32 s12, $0x3;
	s1 =	sadd.s32 s0, s23;
	s15 =	sadd.s32 s0, s11  }
0x16: {  	s26 =	sshrl.u32 s10, $0x3;
	s18 =	simm.s32 $0xA000;
	s23 =	simm.s32 $0x10  }
0x17: {  	s7 =	sadd.s32 s7, s8;
	s8 =	sadd.s32 s20, s8;
	[dreg:$0x5] =	wrdreg s13  }
0x18: {  	s20 =	sadd.s32 $0x2BC00, s14;
	s22 =	sadd.s32 s0, s12;
	[dreg:$0x9] =	wrdreg s1  }
0x19: {  	s1 =	sshrl.u32 s24, $0x3;
	s16 =	sadd.s32 s0, s26;
	[dreg:$0x6] =	wrdreg s20  }
0x1a: {  	s26 =	simm.s32 $0xB000;
	s24 =	simm.s32 $0xF000;
	[dreg:$0x8] =	wrdreg s22  }
0x1b: {  	s14 =	sadd.s32 s0, s1;
	s20 =	sshrl.u32 s9, $0x3;
	s22 =	simm.s32 $0x4  }
0x1c: {  	v0 =	vimm.f32 $0.0e+00;
	s0 =	simm.s32 $0xE000;
	s1 =	simm.s32 $0x12000;
	s9 =	simm.s32 $0x13000  }
.LBB2_1:
0x1d: {  	s10 =	simm.s32 $0x80;
	s11 =	simm.s32 $0x0  }
.LBB2_2:
0x1e: {  	p0 =	sne.s32 s10, $0x3F80;
	[tilespmem:s11+$0xA000] =	vst v0;
	s12 =	smov.u32 s10;
	s10 =	sadd.s32 $0x80, s10  }
.Ltmp0:
0x1f: {  	[tilespmem:s11+$0xA010] =	vst v0;
	(pc) =	sbr.rel @p0 .LBB2_2-.Ltmp0, $2  }
0x20: {  	_ =	sdelay $0x2  }
0x21: {  	s11 =	sshra.s32 s12, $0x2  }
0x22: {  	[tilespmem:s11+$0xA000] =	vst v0  }
0x23: {  	[tilespmem:s11+$0xA010] =	vst v0  }
0x24: {  	[spmem:s4] =	stream.linear.scatter [tilespmem:s18], [sflag:$0x2], $0x1000, $0x38;
	[tilespmem:$0x1DE20] =	vst v63  }
0x25: {  	_ =	swait.ge [sflag:s19], $0x1000  }
0x26: {  	[sflag:s19] =	ssyncset.done $0x0  }
0x27: {  	[sflag:s19] =	ssyncadd.s32 $0xFFFFF000  }
0x28: {  	[spmem:s5] =	stream.linear.scatter [tilespmem:s18], [sflag:$0x2], $0x1000, $0x38;
	[tilespmem:$0x1DE20] =	vst v63  }
0x29: {  	_ =	swait.ge [sflag:s19], $0x1000  }
0x2a: {  	[sflag:s19] =	ssyncset.done $0x0  }
0x2b: {  	[sflag:s19] =	ssyncadd.s32 $0xFFFFF000  }
0x2c: {  	[spmem:s6] =	stream.linear.scatter [tilespmem:s18], [sflag:$0x2], $0x1000, $0x38;
	[tilespmem:$0x1DE20] =	vst v63  }
0x2d: {  	_ =	swait.ge [sflag:s19], $0x1000  }
0x2e: {  	[sflag:s19] =	ssyncset.done $0x0  }
0x2f: {  	[sflag:s19] =	ssyncadd.s32 $0xFFFFF000  }
0x30: {  	[spmem:s7] =	stream.linear.scatter [tilespmem:s18], [sflag:$0x2], $0x1000, $0x38;
	[tilespmem:$0x1DE20] =	vst v63  }
0x31: {  	_ =	swait.ge [sflag:s19], $0x1000  }
0x32: {  	[sflag:s19] =	ssyncset.done $0x0  }
0x33: {  	[sflag:s19] =	ssyncadd.s32 $0xFFFFF000  }
0x34: {  	[spmem:s8] =	stream.linear.scatter [tilespmem:s18], [sflag:$0x2], $0x1000, $0x38;
	[tilespmem:$0x1DE20] =	vst v63  }
0x35: {  	s10 =	stileid.u32;
	_ =	swait.ge [sflag:s19], $0x1000  }
0x36: {  	s10 =	sshll.u32 s10, $0x6;
	[sflag:s19] =	ssyncset.done $0x0  }
0x37: {  	s10 =	sor.u32 $0x1C02, s10;
	s13 =	rddreg [dreg:$0x5];
	[sflag:s19] =	ssyncadd.s32 $0xFFFFF000  }
0x38: {  	[spmem:s20@s22], [sflag:s10] =	dma.strided [hbm:s13@s23], $0x9C4, s21, $0x4   }
0x39: {  	_ =	swait.ge [sflag:s19], $0x9C4  }
0x3a: {  	[sflag:s19] =	ssyncset.done $0x0  }
0x3b: {  	s11 =	simm.s32 $0x0;
	s12 =	rddreg [dreg:$0x6];
	[sflag:s19] =	ssyncadd.s32 $0xFFFFF63C  }
0x3c: {  	[tilespmem:s11], [sflag:$0x2] =	stream.linear.gather [hbm4b:s12+s11], $0x5000, $0x38;
	[tilespmem:$0x1DE20] =	vst v63  }
0x3d: {  	_ =	swait.ge [sflag:s19], $0x5000  }
0x3e: {  	[sflag:s19] =	ssyncset.done $0x0  }
0x3f: {  	s13 =	simm.s32 $0x5000;
	s12 =	rddreg [dreg:$0x7];
	[sflag:s19] =	ssyncadd.s32 $0xFFFFB000  }
0x40: {  	[tilespmem:s13], [sflag:$0x2] =	stream.linear.gather [hbm4b:s12+s11], $0x5000, $0x38;
	[tilespmem:$0x1DE20] =	vst v63  }
0x41: {  	_ =	swait.ge [sflag:s19], $0x5000  }
0x42: {  	[sflag:s19] =	ssyncset.done $0x0  }
0x43: {  	[sflag:s19] =	ssyncadd.s32 $0xFFFFB000  }
0x44: {  	[bflag:$0x0] =	sbarrier.arrive $0xFFFF  }
0x45: {  	[tilespmem:s18], [sflag:$0x1] =	stream.indirect.gather [spmem:s2], $0x20, s11, s25, $0xb8;
	[tilespmem:$0x1DE20] =	vst v63  }
0x46: {  	_ = 	snop  }
0x47: {  	[tilespmem:s26], [sflag:$0x1] =	stream.indirect.gather [spmem:s2], $0x20, s25, s25, $0xb8;
	[tilespmem:$0x1DE20] =	vst v63  }
0x48: {  	s12 =	simm.s32 $0x100  }
0x49: {  	[tilespmem:s29], [sflag:$0x1] =	stream.indirect.gather [spmem:s2], $0x20, s12, s25, $0xb8;
	[tilespmem:$0x1DE20] =	vst v63  }
0x4a: {  	s13 =	simm.s32 $0x180  }
0x4b: {  	[tilespmem:s31], [sflag:$0x1] =	stream.indirect.gather [spmem:s2], $0x20, s13, s25, $0xb8;
	[tilespmem:$0x1DE20] =	vst v63  }
0x4c: {  	s12 =	simm.s32 $0x200  }
0x4d: {  	[tilespmem:s0], [sflag:$0x1] =	stream.indirect.gather [spmem:s2], $0x20, s12, s25, $0xb8;
	[tilespmem:$0x1DE20] =	vst v63  }
0x4e: {  	_ =	swait.ge [sflag:s21], $0x1000  }
0x4f: {  	[sflag:s21] =	ssyncset.done $0x0  }
0x50: {  	s13 =	simm.s32 $0x280;
	[sflag:s21] =	ssyncadd.s32 $0xFFFFF000  }
0x51: {  	[tilespmem:s24], [sflag:$0x1] =	stream.indirect.gather [spmem:s2], $0x20, s13, s25, $0xb8;
	[tilespmem:$0x1DE20] =	vst v63  }
0x52: {  	_ =	swait.ge [sflag:s21], $0x1000  }
0x53: {  	[sflag:s21] =	ssyncset.done $0x0  }
0x54: {  	s12 =	simm.s32 $0x300;
	[sflag:s21] =	ssyncadd.s32 $0xFFFFF000  }
0x55: {  	[tilespmem:s28], [sflag:$0x1] =	stream.indirect.gather [spmem:s2], $0x20, s12, s25, $0xb8;
	[tilespmem:$0x1DE20] =	vst v63  }
0x56: {  	_ =	swait.ge [sflag:s21], $0x1000  }
0x57: {  	[sflag:s21] =	ssyncset.done $0x0  }
0x58: {  	s13 =	simm.s32 $0x380;
	[sflag:s21] =	ssyncadd.s32 $0xFFFFF000  }
0x59: {  	[tilespmem:s30], [sflag:$0x1] =	stream.indirect.gather [spmem:s2], $0x20, s13, s25, $0xb8;
	[tilespmem:$0x1DE20] =	vst v63  }
0x5a: {  	_ =	swait.ge [sflag:s21], $0x1000  }
0x5b: {  	[sflag:s21] =	ssyncset.done $0x0  }
0x5c: {  	s12 =	simm.s32 $0x400;
	[sflag:s21] =	ssyncadd.s32 $0xFFFFF000  }
0x5d: {  	[tilespmem:s1], [sflag:$0x1] =	stream.indirect.gather [spmem:s2], $0x20, s12, s25, $0xb8;
	[tilespmem:$0x1DE20] =	vst v63  }
0x5e: {  	_ =	swait.ge [sflag:s21], $0x1000  }
0x5f: {  	[sflag:s21] =	ssyncset.done $0x0  }
0x60: {  	s13 =	simm.s32 $0x480;
	[sflag:s21] =	ssyncadd.s32 $0xFFFFF000  }
0x61: {  	[tilespmem:s9], [sflag:$0x1] =	stream.indirect.gather [spmem:s2], $0x20, s13, s25, $0xb8;
	[tilespmem:$0x1DE20] =	vst v63  }
0x62: {  	_ =	swait.ge [sflag:s21], $0x1000  }
0x63: {  	[sflag:s21] =	ssyncset.done $0x0  }
0x64: {  	s12 =	simm.s32 $0x500;
	[sflag:s21] =	ssyncadd.s32 $0xFFFFF000  }
0x65: {  	[tilespmem:s18], [sflag:$0x1] =	stream.indirect.gather [spmem:s2], $0x20, s12, s25, $0xb8;
	[tilespmem:$0x1DE20] =	vst v63  }
0x66: {  	_ =	swait.ge [sflag:s21], $0x1000  }
0x67: {  	[sflag:s21] =	ssyncset.done $0x0  }
0x68: {  	s13 =	simm.s32 $0x580;
	[sflag:s21] =	ssyncadd.s32 $0xFFFFF000  }
0x69: {  	[tilespmem:s26], [sflag:$0x1] =	stream.indirect.gather [spmem:s2], $0x20, s13, s25, $0xb8;
	[tilespmem:$0x1DE20] =	vst v63  }
0x6a: {  	_ =	swait.ge [sflag:s21], $0x1000  }
0x6b: {  	[sflag:s21] =	ssyncset.done $0x0  }
0x6c: {  	s12 =	simm.s32 $0x600;
	[sflag:s21] =	ssyncadd.s32 $0xFFFFF000  }
0x6d: {  	[tilespmem:s29], [sflag:$0x1] =	stream.indirect.gather [spmem:s2], $0x20, s12, s25, $0xb8;
	[tilespmem:$0x1DE20] =	vst v63  }
0x6e: {  	_ =	swait.ge [sflag:s21], $0x1000  }
0x6f: {  	[sflag:s21] =	ssyncset.done $0x0  }
0x70: {  	s13 =	simm.s32 $0x680;
	[sflag:s21] =	ssyncadd.s32 $0xFFFFF000  }
0x71: {  	[tilespmem:s31], [sflag:$0x1] =	stream.indirect.gather [spmem:s2], $0x20, s13, s25, $0xb8;
	[tilespmem:$0x1DE20] =	vst v63  }
0x72: {  	_ =	swait.ge [sflag:s21], $0x1000  }
0x73: {  	[sflag:s21] =	ssyncset.done $0x0  }
0x74: {  	s11 =	simm.s32 $0x1400;
	s12 =	simm.s32 $0x700;
	[sflag:s21] =	ssyncadd.s32 $0xFFFFF000  }
.LBB2_4:
0x75: {  	[tilespmem:s0], [sflag:$0x1] =	stream.indirect.gather [spmem:s2], $0x20, s12, s25, $0xb8;
	[tilespmem:$0x1DE20] =	vst v63  }
0x76: {  	s12 =	smov.u32 s11  }
0x77: {  	p0 =	sne.s32 s11, $0x11800;
	s11 =	sadd.s32 $0x1400, s11;
	_ =	swait.ge [sflag:s21], $0x1000  }
0x78: {  	s12 =	sshra.s32 s12, $0x2;
	[sflag:s21] =	ssyncset.done $0x0  }
0x79: {  	s13 =	sadd.s32 $0x280, s12;
	[sflag:s21] =	ssyncadd.s32 $0xFFFFF000  }
0x7a: {  	[tilespmem:s24], [sflag:$0x1] =	stream.indirect.gather [spmem:s2], $0x20, s13, s25, $0xb8;
	[tilespmem:$0x1DE20] =	vst v63  }
0x7b: {  	_ =	swait.ge [sflag:s21], $0x1000  }
0x7c: {  	[sflag:s21] =	ssyncset.done $0x0  }
0x7d: {  	s13 =	sadd.s32 $0x300, s12;
	[sflag:s21] =	ssyncadd.s32 $0xFFFFF000  }
0x7e: {  	[tilespmem:s28], [sflag:$0x1] =	stream.indirect.gather [spmem:s2], $0x20, s13, s25, $0xb8;
	[tilespmem:$0x1DE20] =	vst v63  }
0x7f: {  	_ =	swait.ge [sflag:s21], $0x1000  }
0x80: {  	[sflag:s21] =	ssyncset.done $0x0  }
0x81: {  	s13 =	sadd.s32 $0x380, s12;
	[sflag:s21] =	ssyncadd.s32 $0xFFFFF000  }
0x82: {  	[tilespmem:s30], [sflag:$0x1] =	stream.indirect.gather [spmem:s2], $0x20, s13, s25, $0xb8;
	[tilespmem:$0x1DE20] =	vst v63  }
0x83: {  	_ =	swait.ge [sflag:s21], $0x1000  }
0x84: {  	[sflag:s21] =	ssyncset.done $0x0  }
0x85: {  	s13 =	sadd.s32 $0x400, s12;
	[sflag:s21] =	ssyncadd.s32 $0xFFFFF000  }
0x86: {  	[tilespmem:s1], [sflag:$0x1] =	stream.indirect.gather [spmem:s2], $0x20, s13, s25, $0xb8;
	[tilespmem:$0x1DE20] =	vst v63  }
0x87: {  	_ =	swait.ge [sflag:s21], $0x1000  }
0x88: {  	[sflag:s21] =	ssyncset.done $0x0  }
0x89: {  	s13 =	sadd.s32 $0x480, s12;
	[sflag:s21] =	ssyncadd.s32 $0xFFFFF000  }
0x8a: {  	[tilespmem:s9], [sflag:$0x1] =	stream.indirect.gather [spmem:s2], $0x20, s13, s25, $0xb8;
	[tilespmem:$0x1DE20] =	vst v63  }
0x8b: {  	_ =	swait.ge [sflag:s21], $0x1000  }
0x8c: {  	[sflag:s21] =	ssyncset.done $0x0  }
0x8d: {  	s13 =	sadd.s32 $0x500, s12;
	[sflag:s21] =	ssyncadd.s32 $0xFFFFF000  }
0x8e: {  	[tilespmem:s18], [sflag:$0x1] =	stream.indirect.gather [spmem:s2], $0x20, s13, s25, $0xb8;
	[tilespmem:$0x1DE20] =	vst v63  }
0x8f: {  	_ =	swait.ge [sflag:s21], $0x1000  }
0x90: {  	[sflag:s21] =	ssyncset.done $0x0  }
0x91: {  	s13 =	sadd.s32 $0x580, s12;
	[sflag:s21] =	ssyncadd.s32 $0xFFFFF000  }
0x92: {  	[tilespmem:s26], [sflag:$0x1] =	stream.indirect.gather [spmem:s2], $0x20, s13, s25, $0xb8;
	[tilespmem:$0x1DE20] =	vst v63  }
0x93: {  	_ =	swait.ge [sflag:s21], $0x1000  }
0x94: {  	[sflag:s21] =	ssyncset.done $0x0  }
0x95: {  	s13 =	sadd.s32 $0x600, s12;
	[sflag:s21] =	ssyncadd.s32 $0xFFFFF000  }
0x96: {  	[tilespmem:s29], [sflag:$0x1] =	stream.indirect.gather [spmem:s2], $0x20, s13, s25, $0xb8;
	[tilespmem:$0x1DE20] =	vst v63  }
0x97: {  	_ =	swait.ge [sflag:s21], $0x1000  }
0x98: {  	[sflag:s21] =	ssyncset.done $0x0  }
.Ltmp1:
0x99: {  	s13 =	sadd.s32 $0x680, s12;
	[sflag:s21] =	ssyncadd.s32 $0xFFFFF000;
	(pc) =	sbr.rel @p0 .LBB2_4-.Ltmp1, $4  }
0x9a: {  	[tilespmem:s31], [sflag:$0x1] =	stream.indirect.gather [spmem:s2], $0x20, s13, s25, $0xb8;
	[tilespmem:$0x1DE20] =	vst v63  }
0x9b: {  	_ =	swait.ge [sflag:s21], $0x1000  }
0x9c: {  	[sflag:s21] =	ssyncset.done $0x0  }
0x9d: {  	s12 =	sadd.s32 $0x700, s12;
	[sflag:s21] =	ssyncadd.s32 $0xFFFFF000  }
0x9e: {  	[tilespmem:s0], [sflag:$0x1] =	stream.indirect.gather [spmem:s2], $0x20, s12, s25, $0xb8;
	[tilespmem:$0x1DE20] =	vst v63  }
0x9f: {  	_ =	swait.ge [sflag:s21], $0x1000  }
0xa0: {  	[sflag:s21] =	ssyncset.done $0x0  }
0xa1: {  	s11 =	simm.s32 $0x4D80;
	[sflag:s21] =	ssyncadd.s32 $0xFFFFF000  }
0xa2: {  	[tilespmem:s24], [sflag:$0x1] =	stream.indirect.gather [spmem:s2], $0x20, s11, s25, $0xb8;
	[tilespmem:$0x1DE20] =	vst v63  }
0xa3: {  	_ =	swait.ge [sflag:s21], $0x1000  }
0xa4: {  	[sflag:s21] =	ssyncset.done $0x0  }
0xa5: {  	s12 =	simm.s32 $0x4E00;
	[sflag:s21] =	ssyncadd.s32 $0xFFFFF000  }
0xa6: {  	[tilespmem:s28], [sflag:$0x1] =	stream.indirect.gather [spmem:s2], $0x20, s12, s25, $0xb8;
	[tilespmem:$0x1DE20] =	vst v63  }
0xa7: {  	_ =	swait.ge [sflag:s21], $0x1000  }
0xa8: {  	[sflag:s21] =	ssyncset.done $0x0  }
0xa9: {  	s13 =	simm.s32 $0x4E80;
	[sflag:s21] =	ssyncadd.s32 $0xFFFFF000  }
0xaa: {  	[tilespmem:s30], [sflag:$0x1] =	stream.indirect.gather [spmem:s2], $0x20, s13, s25, $0xb8;
	[tilespmem:$0x1DE20] =	vst v63  }
0xab: {  	_ =	swait.ge [sflag:s21], $0x1000  }
0xac: {  	[sflag:s21] =	ssyncset.done $0x0  }
0xad: {  	s12 =	simm.s32 $0x4F00;
	[sflag:s21] =	ssyncadd.s32 $0xFFFFF000  }
0xae: {  	[tilespmem:s1], [sflag:$0x1] =	stream.indirect.gather [spmem:s2], $0x20, s12, s25, $0xb8;
	[tilespmem:$0x1DE20] =	vst v63  }
0xaf: {  	_ =	swait.ge [sflag:s21], $0x1000  }
0xb0: {  	[sflag:s21] =	ssyncset.done $0x0  }
0xb1: {  	s13 =	simm.s32 $0x4F80;
	[sflag:s21] =	ssyncadd.s32 $0xFFFFF000  }
0xb2: {  	[tilespmem:s9], [sflag:$0x1] =	stream.indirect.gather [spmem:s2], $0x20, s13, s25, $0xb8;
	[tilespmem:$0x1DE20] =	vst v63  }
0xb3: {  	_ =	swait.ge [sflag:s21], $0x1000  }
0xb4: {  	[sflag:s21] =	ssyncset.done $0x0  }
0xb5: {  	[sflag:s21] =	ssyncadd.s32 $0xFFFFF000  }
0xb6: {  	_ =	swait.ge [sflag:s21], $0x1000  }
0xb7: {  	[sflag:s21] =	ssyncset.done $0x0  }
0xb8: {  	[sflag:s21] =	ssyncadd.s32 $0xFFFFF000  }
0xb9: {  	_ =	swait.ge [sflag:s21], $0x1000  }
0xba: {  	[sflag:s21] =	ssyncset.done $0x0  }
0xbb: {  	[sflag:s21] =	ssyncadd.s32 $0xFFFFF000  }
0xbc: {  	_ =	swait.ge [sflag:s21], $0x1000  }
0xbd: {  	[sflag:s21] =	ssyncset.done $0x0  }
0xbe: {  	[sflag:s21] =	ssyncadd.s32 $0xFFFFF000  }
0xbf: {  	_ =	swait.ge [sflag:s21], $0x1000  }
0xc0: {  	[sflag:s21] =	ssyncset.done $0x0  }
0xc1: {  	[sflag:s21] =	ssyncadd.s32 $0xFFFFF000  }
0xc2: {  	[bflag:$0x0] =	sbarrier.arrive $0xFFFF  }
0xc3: {  	s12 =	sshrl.u32 s4, $0x3;
	s13 =	rddreg [dreg:$0x8]  }
0xc4: {  	[hbm:s13@s23], [sflag:s10] =	dma.strided [spmem:s12@s22], $0x200, s21, $0x4   }
0xc5: {  	_ =	swait.ge [sflag:s19], $0x200  }
0xc6: {  	[sflag:s19] =	ssyncset.done $0x0  }
0xc7: {  	s12 =	sshrl.u32 s5, $0x3;
	s13 =	rddreg [dreg:$0x9];
	[sflag:s19] =	ssyncadd.s32 $0xFFFFFE00  }
0xc8: {  	[hbm:s13@s23], [sflag:s10] =	dma.strided [spmem:s12@s22], $0x200, s21, $0x4   }
0xc9: {  	_ =	swait.ge [sflag:s19], $0x200  }
0xca: {  	[sflag:s19] =	ssyncset.done $0x0  }
0xcb: {  	s13 =	sshrl.u32 s6, $0x3;
	[sflag:s19] =	ssyncadd.s32 $0xFFFFFE00  }
0xcc: {  	[hbm:s14@s23], [sflag:s10] =	dma.strided [spmem:s13@s22], $0x200, s21, $0x4   }
0xcd: {  	_ =	swait.ge [sflag:s19], $0x200  }
0xce: {  	[sflag:s19] =	ssyncset.done $0x0  }
0xcf: {  	s12 =	sshrl.u32 s7, $0x3;
	[sflag:s19] =	ssyncadd.s32 $0xFFFFFE00  }
0xd0: {  	[hbm:s15@s23], [sflag:s10] =	dma.strided [spmem:s12@s22], $0x200, s21, $0x4   }
0xd1: {  	s3 =	sadd.s32 $0x1, s3;
	_ =	swait.ge [sflag:s19], $0x200  }
0xd2: {  	p0 =	sne.s32 s3, s17;
	[sflag:s19] =	ssyncset.done $0x0  }
.Ltmp2:
0xd3: {  	s13 =	sshrl.u32 s8, $0x3;
	[sflag:s19] =	ssyncadd.s32 $0xFFFFFE00;
	(pc) =	sbr.rel @p0 .LBB2_1-.Ltmp2, $4  }
0xd4: {  	[hbm:s16@s23], [sflag:s10] =	dma.strided [spmem:s13@s22], $0x200, s21, $0x4   }
0xd5: {  	_ =	swait.ge [sflag:s19], $0x200  }
0xd6: {  	[sflag:s19] =	ssyncset.done $0x0  }
0xd7: {  	[sflag:s19] =	ssyncadd.s32 $0xFFFFFE00  }
0xd8: {  	_ =	sfence.sel $0x180000  }
0xd9: {  	[bflag:$0x0] =	sbarrier.arrive $0xFFFF  }
0xda: {  	_ =	strace $0x9000004D  }
0xdb: {  	s0 =	stileid.u32;
	[bflag:$0x2] =	sbarrier.arrive $0xFFFF  }
0xdc: {  	p0 =	sne.s32 s0, $0x0;
	s0 =	rddreg [dreg:$0x4]  }
0xdd: {  	s0 =	sadd.s32 @!p0 $0x100000, s0  }
0xde: {  	[sflag:s0] =	ssyncadd.tile.s32 @!p0 $0x1;
	_ =	shalt  }
.Lfunc_end2:
_tile_overlayer_lowered:
.L_overlay_start_2:
0xdf: {  	(tag) =	ssettag $0x2  }
0xe0: {  	s0 =	rddreg [dreg:$0x0];
	s2 =	stileid.u32  }
0xe1: {  	s1 =	rddreg [dreg:$0x1];
	p0 =	sne.s32 s2, $0x0  }
0xe2: {  	s3 =	rddreg [dreg:$0x2];
	[bflag:$0x3] =	sbarrier.arrive $0xFFFF;
	s2 =	simm.s32 @!p0 $0x1C02  }
0xe3: {  	[timem:s3], [sflag:s2] =	dma.local @!p0 [hbm:s0], s1  }
0xe4: {  	s0 =	simm.s32 @!p0 $0x2  }
0xe5: {  	_ =	swait.ge @!p0 [sflag:s0], s1  }
0xe6: {  	s1 =	ssub.s32 @!p0 $0x0, s1;
	[sflag:s0] =	ssyncset.done @!p0 $0x0  }
0xe7: {  	[sflag:s0] =	ssyncadd.s32 @!p0 s1  }
0xe8: {  	[bflag:$0x3] =	sbarrier.arrive $0xFFFF  }
0xe9: {  	_ =	shalt  }

// kernel: kernel.17.cloned.1.call-start
scs
__scs_entry_jumppad:
0x0: {  	(pc) =	sbr.rel $0x88, $3  }
0x1: {  	(tag) =	ssettag $0x0;
	lr =	simm.s32 $0x1  }
0x2: {  	[smem:$0x3F99] =	sst lr;
	_ =	strace $0xD0000000  }
0x3: {  	_ = 	snop  }
0x4: {  	_ = 	snop  }
0x5: {  	_ = 	snop  }
0x6: {  	_ = 	snop  }
0x7: {  	_ = 	snop  }
__scs_overlays_trampoline_lowered:
0x8: {  	[smem:$0x3FA8] =	sst s0  }
0x9: {  	[smem:$0x3FA9] =	sst s1  }
0xa: {  	[smem:$0x3FAA] =	sst s2  }
0xb: {  	[smem:$0x3FAB] =	sst s3  }
0xc: {  	[smem:$0x3FAC] =	sst s4  }
0xd: {  	[smem:$0x3FAD] =	sst s5  }
0xe: {  	[smem:$0x3FAE] =	sst s6  }
0xf: {  	[smem:$0x3FAF] =	sst s7  }
0x10: {  	[smem:$0x3FB0] =	sst s8  }
0x11: {  	[smem:$0x3FB1] =	sst s9;
	s0 =	simm.s32 @!p0 $0x0  }
0x12: {  	s1 =	sld [smem:$0x3F97];
	s0 =	simm.s32 @p0 $0x1  }
0x13: {  	[smem:$0x3FB2] =	sst s0;
	s0 =	simm.s32 @!p1 $0x0  }
0x14: {  	s2 =	sld [smem:$0x3F96];
	s0 =	simm.s32 @p1 $0x1  }
0x15: {  	[smem:$0x3FB3] =	sst s0;
	s0 =	simm.s32 @!p2 $0x0  }
0x16: {  	s3 =	sld [smem:$0x3FDB];
	s0 =	simm.s32 @p2 $0x1  }
0x17: {  	s4 =	simm.s32 $0x1BF5;
	[smem:$0x3FB5] =	sst s0  }
0x18: {  	s0 =	sld [smem:$0x3F98];
	_ =	swait.ge [sflag:s4], $0x0  }
0x19: {  	s7 =	sld [smem:$0x3F99]  }
0x1a: {  	s8 =	sadd.s32 $0xFFFFE003, lr  }
0x1b: {  	s9 =	sadd.s32 $0xFFFFFEF7, lr;
	s5 =	simm.s32 $0xFFFFFFFF;
	p2 =	slt.u32 s8, $0xFFFFF086  }
0x1c: {  	p1 =	slt.u32 s9, $0xF7A;
	s5 =	simm.s32 @!p2 $0x0  }
0x1d: {  	s5 =	simm.s32 @p1 $0x1;
	p0 =	seq.s32 s7, s2  }
0x1e: {  	s7 =	smul.u32 @!p0 $0xF7A, s2;
	p2 =	seq.s32 @!p0 s5, $0x0  }
0x1f: {  	s9 =	smul.u32 $0xF7A, s1;
	s8 =	simm.s32 @!p0 $0x1BF5;
	p2 =	por !p2, p0  }
0x20: {  	[sflag:s8] =	ssyncset.s32 @!p0 $0xFFFFF086;
	s6 =	sadd.s32 @!p0 s3, s7;
	s7 =	simm.s32 @!p0 $0x108  }
0x21: {  	s3 =	sadd.s32 s3, s9;
	s6 =	sadd.s32 @!p0 $0x88, s6;
	s7 =	simm.s32 @p2 $0x1082  }
0x22: {  	[simem:s7], [sflag:s8] =	dma.local @!p0 [hbm:s6], $0xF7A  }
0x23: {  	s9 =	sor.u32 $0xD0000000, s2;
	s6 =	simm.s32 $0x108;
	_ =	swait.ge @!p0 [sflag:s8], $0x0  }
0x24: {  	s3 =	sadd.s32 $0x88, s3;
	s6 =	simm.s32 @!p1 $0x1082;
	[sflag:s4] =	ssyncset.s32 $0xFFFFF086  }
0x25: {  	[simem:s6], [sflag:s4] =	dma.local [hbm:s3], $0xF7A  }
0x26: {  	[smem:$0x3F99] =	sst s1;
	(tag) =	ssettag s2;
	_ =	strace s9  }
0x27: {  	s1 =	sld [smem:$0x3FA9]  }
0x28: {  	s2 =	sld [smem:$0x3FAA]  }
0x29: {  	s4 =	sld [smem:$0x3FAC]  }
0x2a: {  	p0 =	seq.s32 s5, $0x0;
	s5 =	sld [smem:$0x3FAD]  }
0x2b: {  	s6 =	sld [smem:$0x3FAE]  }
0x2c: {  	s7 =	sld [smem:$0x3FAF]  }
0x2d: {  	s3 =	simm.s32 $0x108;
	s8 =	sld [smem:$0x3FB0]  }
0x2e: {  	s3 =	simm.s32 @!p0 $0x1082;
	s9 =	sld [smem:$0x3FB1]  }
0x2f: {  	lr =	sadd.s32 s0, s3;
	s0 =	sld [smem:$0x3FA8]  }
0x30: {  	s3 =	sld [smem:$0x3FAB]  }
0x31: {  	[smem:$0x3FB4] =	sst s10  }
0x32: {  	s10 =	sld [smem:$0x3FB2];
	_ =	sdelay $0x3  }
0x33: {  	p0 =	seq.s32 s10, $0x1;
	s10 =	sld [smem:$0x3FB4];
	_ =	sdelay $0x3  }
0x34: {  	[smem:$0x3FB4] =	sst s10  }
0x35: {  	s10 =	sld [smem:$0x3FB3];
	_ =	sdelay $0x3  }
0x36: {  	p1 =	seq.s32 s10, $0x1;
	s10 =	sld [smem:$0x3FB4];
	_ =	sdelay $0x3  }
0x37: {  	[smem:$0x3FB4] =	sst s10  }
0x38: {  	s10 =	sld [smem:$0x3FB5]  }
0x39: {  	_ = 	snop;
	(pc) =	sbr.ind lr, $3  }
0x3a: {  	_ = 	snop  }
0x3b: {  	_ = 	snop  }
0x3c: {  	p2 =	seq.s32 s10, $0x1;
	s10 =	sld [smem:$0x3FB4]  }
0x3d: {  	_ =	shalt  }
0x3e: {  	_ =	shalt  }
0x3f: {  	_ =	shalt  }
0x40: {  	_ =	shalt  }
0x41: {  	_ =	shalt  }
0x42: {  	_ =	shalt  }
0x43: {  	_ =	shalt  }
0x44: {  	_ =	shalt  }
0x45: {  	_ =	shalt  }
0x46: {  	_ =	shalt  }
0x47: {  	_ =	shalt  }
0x48: {  	_ =	shalt  }
0x49: {  	_ =	shalt  }
0x4a: {  	_ =	shalt  }
0x4b: {  	_ =	shalt  }
0x4c: {  	_ =	shalt  }
0x4d: {  	_ =	shalt  }
0x4e: {  	_ =	shalt  }
0x4f: {  	_ =	shalt  }
0x50: {  	_ =	shalt  }
0x51: {  	_ =	shalt  }
0x52: {  	_ =	shalt  }
0x53: {  	_ =	shalt  }
0x54: {  	_ =	shalt  }
0x55: {  	_ =	shalt  }
0x56: {  	_ =	shalt  }
0x57: {  	_ =	shalt  }
0x58: {  	_ =	shalt  }
0x59: {  	_ =	shalt  }
0x5a: {  	_ =	shalt  }
0x5b: {  	_ =	shalt  }
0x5c: {  	_ =	shalt  }
0x5d: {  	_ =	shalt  }
0x5e: {  	_ =	shalt  }
0x5f: {  	_ =	shalt  }
0x60: {  	_ =	shalt  }
0x61: {  	_ =	shalt  }
0x62: {  	_ =	shalt  }
0x63: {  	_ =	shalt  }
0x64: {  	_ =	shalt  }
0x65: {  	_ =	shalt  }
0x66: {  	_ =	shalt  }
0x67: {  	_ =	shalt  }
0x68: {  	_ =	shalt  }
0x69: {  	_ =	shalt  }
0x6a: {  	_ =	shalt  }
0x6b: {  	_ =	shalt  }
0x6c: {  	_ =	shalt  }
0x6d: {  	_ =	shalt  }
0x6e: {  	_ =	shalt  }
0x6f: {  	_ =	shalt  }
0x70: {  	_ =	shalt  }
0x71: {  	_ =	shalt  }
0x72: {  	_ =	shalt  }
0x73: {  	_ =	shalt  }
0x74: {  	_ =	shalt  }
0x75: {  	_ =	shalt  }
0x76: {  	_ =	shalt  }
0x77: {  	_ =	shalt  }
0x78: {  	_ =	shalt  }
0x79: {  	_ =	shalt  }
0x7a: {  	_ =	shalt  }
0x7b: {  	_ =	shalt  }
0x7c: {  	_ =	shalt  }
0x7d: {  	_ =	shalt  }
0x7e: {  	_ =	shalt  }
0x7f: {  	_ =	shalt  }
0x80: {  	_ =	shalt  }
0x81: {  	_ =	shalt  }
0x82: {  	_ =	shalt  }
0x83: {  	_ =	shalt  }
0x84: {  	_ =	shalt  }
0x85: {  	_ =	shalt  }
0x86: {  	_ =	shalt  }
0x87: {  	_ =	shalt  }
.Lfunc_end0:
.L_simem_size_0:
called_computation.2_lowered:
.L_overlay_start_0:
0x88: {  	s2 =	sld [smem:$0x3FD9]  }
0x89: {  	s3 =	sld [smem:$0x3FFE];
	_ =	sdelay $0x1  }
0x8a: {  	s1 =	srdreg.scid  }
0x8b: {  	s0 =	sand.u32 $0x1, s1  }
0x8c: {  	s17 =	sshll.u32 s0, $0xA;
	s2 =	sadd.s32 s3, s2  }
0x8d: {  	s2 =	sadd.s32 s2, s17  }
0x8e: {  	[smem:$0x3FC0] =	sst s2  }
0x8f: {  	_ = 	snop  }
0x90: {  	s2 =	sld [smem:$0x3FD0];
	(tm) =	ssettm $0x1  }
0x91: {  	s18 =	sld [smem:$0x3FFB];
	_ =	sdelay $0x3  }
0x92: {  	_ =	strace s18  }
0x93: {  	s3 =	sld [smem:$0x3FFC];
	_ =	sdelay $0x3  }
0x94: {  	_ =	strace s3  }
0x95: {  	s3 =	sld [smem:$0x3FFD];
	_ =	sdelay $0x3  }
0x96: {  	_ =	strace s3  }
0x97: {  	_ =	strace $0x8FFFFFFF  }
0x98: {  	s19 =	sld [smem:$0x3FDB];
	_ =	sdelay $0x1  }
0x99: {  	s4 =	simm.s32 $_scs_section_size  }
0x9a: {  	s5 =	simm.s32 $_size__tile_overlayer_lowered;
	s6 =	simm.s32 $_tile_overlayer_lowered  }
0x9b: {  	s22 =	simm.s32 $0x1BFF;
	s21 =	sshll.u32 s6, $0x1;
	s3 =	sadd.s32 s4, s19  }
0x9c: {  	s7 =	simm.s32 $0x0;
	s20 =	sshll.u32 s5, $0x1;
	s5 =	sadd.s32 s21, s3  }
0x9d: {  	[timem:s7], [sflag:s22] =	dma.local [hbm:s5], s20  }
0x9e: {  	_ =	swait.ge [sflag:s22], s20  }
0x9f: {  	s4 =	ssub.s32 $0x0, s20;
	[sflag:s22] =	ssyncset.done $0x0  }
0xa0: {  	[sflag:s22] =	ssyncadd.s32 s4;
	_ =	sdelay $0x1  }
0xa1: {  	s23 =	simm.s32 $0x1B8B  }
0xa2: {  	_ =	swait.ge [sflag:s23], $0x1  }
0xa3: {  	[sflag:s23] =	ssyncset.done $0x0  }
0xa4: {  	s25 =	simm.s32 $0x1B8E;
	s24 =	sld [smem:$0x3FFE];
	[sflag:s23] =	ssyncadd.s32 $0xFFFFFFFF  }
0xa5: {  	s26 =	simm.s32 $execute0_lowered;
	[smem:$0x3FD2] =	sst s25  }
0xa6: {  	s5 =	sshll.u32 s26, $0x1;
	_ =	strace $0x80000049;
	[dreg:$0x1] =	wrdreg $0xFFFFFFFF  }
0xa7: {  	s28 =	simm.s32 $_size_execute0_lowered;
	s3 =	sadd.s32 s3, s5;
	[dreg:$0x0] =	wrdreg $0x0  }
0xa8: {  	s5 =	sshll.u32 s28, $0x1;
	[dreg:$0x2] =	wrdreg s3  }
0xa9: {  	[dreg:$0x3] =	wrdreg s5  }
0xaa: {  	[dreg:$0x4] =	wrdreg $0xC0  }
0xab: {  	_ =	task [dreg:s7], $0x5FFFF  }
0xac: {  	[dreg:$0x1] =	wrdreg $0xFFFFFFFF  }
0xad: {  	[dreg:$0x0] =	wrdreg $0x60  }
0xae: {  	[dreg:$0x2] =	wrdreg s24  }
0xaf: {  	[dreg:$0x3] =	wrdreg s2  }
0xb0: {  	[dreg:$0x4] =	wrdreg $0x140000  }
0xb1: {  	[dreg:$0x5] =	wrdreg $0x190000  }
0xb2: {  	[dreg:$0x6] =	wrdreg $0xA  }
0xb3: {  	_ =	task.clear_ibuf [dreg:s7], $0x7FFFF;
	_ =	strace $0x90000049  }
0xb4: {  	s29 =	simm.s32 $0xA;
	_ =	strace $0x8000004B  }
0xb5: {  	_ =	swait.ge [sflag:s29], $0x1  }
0xb6: {  	[sflag:s29] =	ssyncadd.s32 $0xFFFFFFFF  }
0xb7: {  	_ =	strace $0x9000004B  }
0xb8: {  	_ =	sfence  }
0xb9: {  	s30 =	sld [smem:$0x0];
	_ =	sdelay $0x2  }
0xba: {  	s31 =	sshll.u32 s1, $0xD;
	s1 =	sshrl.u32 s1, $0x2  }
0xbb: {  	s3 =	sand.u32 $0x4000, s31;
	s1 =	sadd.s32 s1, s30  }
0xbc: {  	s0 =	sor.u32 s3, s0;
	s1 =	sshll.u32 s1, $0x11  }
0xbd: {  	s0 =	sor.u32 s1, s0  }
0xbe: {  	s0 =	sadd.s32 $0x8F2B, s0  }
0xbf: {  	[sflag:s0] =	ssyncadd.remote.s32 $0x1  }
0xc0: {  	_ =	sfence.sel $0xFFFF  }
0xc1: {  	[dreg:$0x0] =	wrdreg $0xFFFFFFFF;
	(pc) =	sbr.abs _section_cstart, $3  }
0xc2: {  	[dreg:$0x1] =	wrdreg $0xFFFFFFFF  }
0xc3: {  	_ =	task.clear_ibuf [dreg:s7], $0x2FFFF;
	_ =	strace $0x9FFFFFFF  }
0xc4: {  	(tm) =	ssettm $0x7FFFFFFF  }
0xc5: {  	_ =	shalt  }
tec
execute0_lowered:
.L_overlay_start_1:
0x0: {  	(tag) =	ssettag $0x1  }
0x1: {  	s0 =	rddreg [dreg:$0x0]  }
0x2: {  	s1 =	rddreg [dreg:$0x1]  }
0x3: {  	s8 =	rddreg [dreg:$0x2];
	s3 =	srdreg.scid  }
0x4: {  	s6 =	stileid.u32;
	s2 =	rddreg [dreg:$0x3]  }
0x5: {  	s29 =	simm.s32 $0xC000;
	s31 =	simm.s32 $0xD000;
	s9 =	smul.u32 $0x13880, s6  }
0x6: {  	s28 =	simm.s32 $0x10000;
	s30 =	simm.s32 $0x11000;
	s11 =	smul.u32 $0xA00, s6  }
0x7: {  	s4 =	sand.u32 $0x1, s3;
	s3 =	simm.s32 $0x0;
	s12 =	smul.u32 $0x14000, s6  }
0x8: {  	s10 =	sshll.u32 s4, $0x5;
	[smem:$0x7FF] =	sst s3;
	s4 =	ssub.s32 $0x2, s4  }
0x9: {  	s5 =	sor.u32 s10, s9;
	_ =	strace $0x8000004A;
	s14 =	sadd.s32 s11, s0  }
0xa: {  	s26 =	sshrl.u32 s4, $0x1;
	s15 =	sadd.s32 $0x4000, s12;
	s16 =	sadd.s32 $0x8000, s12  }
0xb: {  	s18 =	sadd.s32 $0xC000, s12;
	s19 =	sadd.s32 $0x10000, s12;
	s9 =	sshrl.u32 s9, $0x2  }
0xc: {  	s1 =	sadd.s32 s1, s11;
	s5 =	sshrl.u32 s5, $0x3;
	s17 =	ssub.s32 s4, s26  }
0xd: {  	s6 =	sshrl.u32 s15, $0x2;
	s7 =	sshrl.u32 s16, $0x2;
	s20 =	sshrl.u32 s19, $0x2  }
0xe: {  	s9 =	sadd.s32 s9, s2;
	s21 =	sor.u32 s10, s15;
	[dreg:$0x7] =	wrdreg s1  }
0xf: {  	s24 =	sor.u32 s10, s16;
	s25 =	sor.u32 s10, s18;
	s13 =	sadd.s32 s5, s0  }
0x10: {  	s0 =	sadd.s32 $0x5CE00, s0;
	s5 =	sshrl.u32 s12, $0x2;
	s12 =	sor.u32 s10, s12  }
0x11: {  	s23 =	sshrl.u32 s21, $0x3;
	s11 =	sshrl.u32 s25, $0x3;
	s10 =	sor.u32 s10, s19  }
0x12: {  	s17 =	smax.u32 s17, $0x1;
	s19 =	simm.s32 $0x2;
	s21 =	simm.s32 $0x1  }
0x13: {  	s25 =	simm.s32 $0x80;
	s4 =	sadd.s32 s5, s8;
	s5 =	sadd.s32 s6, s8  }
0x14: {  	s6 =	sadd.s32 s7, s8;
	s7 =	sshrl.u32 s18, $0x2;
	s13 =	sadd.s32 $0x3C00, s13  }
0x15: {  	s12 =	sshrl.u32 s12, $0x3;
	s1 =	sadd.s32 s0, s23;
	s15 =	sadd.s32 s0, s11  }
0x16: {  	s26 =	sshrl.u32 s10, $0x3;
	s18 =	simm.s32 $0xA000;
	s23 =	simm.s32 $0x10  }
0x17: {  	s7 =	sadd.s32 s7, s8;
	s8 =	sadd.s32 s20, s8;
	[dreg:$0x5] =	wrdreg s13  }
0x18: {  	s20 =	sadd.s32 $0x2BC00, s14;
	s22 =	sadd.s32 s0, s12;
	[dreg:$0x9] =	wrdreg s1  }
0x19: {  	s1 =	sshrl.u32 s24, $0x3;
	s16 =	sadd.s32 s0, s26;
	[dreg:$0x6] =	wrdreg s20  }
0x1a: {  	s26 =	simm.s32 $0xB000;
	s24 =	simm.s32 $0xF000;
	[dreg:$0x8] =	wrdreg s22  }
0x1b: {  	s14 =	sadd.s32 s0, s1;
	s20 =	sshrl.u32 s9, $0x3;
	s22 =	simm.s32 $0x4  }
0x1c: {  	v0 =	vimm.f32 $0.0e+00;
	s0 =	simm.s32 $0xE000;
	s1 =	simm.s32 $0x12000;
	s9 =	simm.s32 $0x13000  }
.LBB2_1:
0x1d: {  	s10 =	simm.s32 $0x80;
	s11 =	simm.s32 $0x0  }
.LBB2_2:
0x1e: {  	p0 =	sne.s32 s10, $0x3F80;
	[tilespmem:s11+$0xA000] =	vst v0;
	s12 =	smov.u32 s10;
	s10 =	sadd.s32 $0x80, s10  }
.Ltmp0:
0x1f: {  	[tilespmem:s11+$0xA010] =	vst v0;
	(pc) =	sbr.rel @p0 .LBB2_2-.Ltmp0, $2  }
0x20: {  	_ =	sdelay $0x2  }
0x21: {  	s11 =	sshra.s32 s12, $0x2  }
0x22: {  	[tilespmem:s11+$0xA000] =	vst v0  }
0x23: {  	[tilespmem:s11+$0xA010] =	vst v0  }
0x24: {  	[spmem:s4] =	stream.linear.scatter [tilespmem:s18], [sflag:$0x2], $0x1000, $0x38;
	[tilespmem:$0x1DE20] =	vst v63  }
0x25: {  	_ =	swait.ge [sflag:s19], $0x1000  }
0x26: {  	[sflag:s19] =	ssyncset.done $0x0  }
0x27: {  	[sflag:s19] =	ssyncadd.s32 $0xFFFFF000  }
0x28: {  	[spmem:s5] =	stream.linear.scatter [tilespmem:s18], [sflag:$0x2], $0x1000, $0x38;
	[tilespmem:$0x1DE20] =	vst v63  }
0x29: {  	_ =	swait.ge [sflag:s19], $0x1000  }
0x2a: {  	[sflag:s19] =	ssyncset.done $0x0  }
0x2b: {  	[sflag:s19] =	ssyncadd.s32 $0xFFFFF000  }
0x2c: {  	[spmem:s6] =	stream.linear.scatter [tilespmem:s18], [sflag:$0x2], $0x1000, $0x38;
	[tilespmem:$0x1DE20] =	vst v63  }
0x2d: {  	_ =	swait.ge [sflag:s19], $0x1000  }
0x2e: {  	[sflag:s19] =	ssyncset.done $0x0  }
0x2f: {  	[sflag:s19] =	ssyncadd.s32 $0xFFFFF000  }
0x30: {  	[spmem:s7] =	stream.linear.scatter [tilespmem:s18], [sflag:$0x2], $0x1000, $0x38;
	[tilespmem:$0x1DE20] =	vst v63  }
0x31: {  	_ =	swait.ge [sflag:s19], $0x1000  }
0x32: {  	[sflag:s19] =	ssyncset.done $0x0  }
0x33: {  	[sflag:s19] =	ssyncadd.s32 $0xFFFFF000  }
0x34: {  	[spmem:s8] =	stream.linear.scatter [tilespmem:s18], [sflag:$0x2], $0x1000, $0x38;
	[tilespmem:$0x1DE20] =	vst v63  }
0x35: {  	s10 =	stileid.u32;
	_ =	swait.ge [sflag:s19], $0x1000  }
0x36: {  	s10 =	sshll.u32 s10, $0x6;
	[sflag:s19] =	ssyncset.done $0x0  }
0x37: {  	s10 =	sor.u32 $0x1C02, s10;
	s13 =	rddreg [dreg:$0x5];
	[sflag:s19] =	ssyncadd.s32 $0xFFFFF000  }
0x38: {  	[spmem:s20@s22], [sflag:s10] =	dma.strided [hbm:s13@s23], $0x9C4, s21, $0x4   }
0x39: {  	_ =	swait.ge [sflag:s19], $0x9C4  }
0x3a: {  	[sflag:s19] =	ssyncset.done $0x0  }
0x3b: {  	s11 =	simm.s32 $0x0;
	s12 =	rddreg [dreg:$0x6];
	[sflag:s19] =	ssyncadd.s32 $0xFFFFF63C  }
0x3c: {  	[tilespmem:s11], [sflag:$0x2] =	stream.linear.gather [hbm4b:s12+s11], $0x5000, $0x38;
	[tilespmem:$0x1DE20] =	vst v63  }
0x3d: {  	_ =	swait.ge [sflag:s19], $0x5000  }
0x3e: {  	[sflag:s19] =	ssyncset.done $0x0  }
0x3f: {  	s13 =	simm.s32 $0x5000;
	s12 =	rddreg [dreg:$0x7];
	[sflag:s19] =	ssyncadd.s32 $0xFFFFB000  }
0x40: {  	[tilespmem:s13], [sflag:$0x2] =	stream.linear.gather [hbm4b:s12+s11], $0x5000, $0x38;
	[tilespmem:$0x1DE20] =	vst v63  }
0x41: {  	_ =	swait.ge [sflag:s19], $0x5000  }
0x42: {  	[sflag:s19] =	ssyncset.done $0x0  }
0x43: {  	[sflag:s19] =	ssyncadd.s32 $0xFFFFB000  }
0x44: {  	[bflag:$0x0] =	sbarrier.arrive $0xFFFF  }
0x45: {  	[tilespmem:s18], [sflag:$0x1] =	stream.indirect.gather [spmem:s2], $0x20, s11, s25, $0xb8;
	[tilespmem:$0x1DE20] =	vst v63  }
0x46: {  	_ = 	snop  }
0x47: {  	[tilespmem:s26], [sflag:$0x1] =	stream.indirect.gather [spmem:s2], $0x20, s25, s25, $0xb8;
	[tilespmem:$0x1DE20] =	vst v63  }
0x48: {  	s12 =	simm.s32 $0x100  }
0x49: {  	[tilespmem:s29], [sflag:$0x1] =	stream.indirect.gather [spmem:s2], $0x20, s12, s25, $0xb8;
	[tilespmem:$0x1DE20] =	vst v63  }
0x4a: {  	s13 =	simm.s32 $0x180  }
0x4b: {  	[tilespmem:s31], [sflag:$0x1] =	stream.indirect.gather [spmem:s2], $0x20, s13, s25, $0xb8;
	[tilespmem:$0x1DE20] =	vst v63  }
0x4c: {  	s12 =	simm.s32 $0x200  }
0x4d: {  	[tilespmem:s0], [sflag:$0x1] =	stream.indirect.gather [spmem:s2], $0x20, s12, s25, $0xb8;
	[tilespmem:$0x1DE20] =	vst v63  }
0x4e: {  	_ =	swait.ge [sflag:s21], $0x1000  }
0x4f: {  	[sflag:s21] =	ssyncset.done $0x0  }
0x50: {  	s13 =	simm.s32 $0x280;
	[sflag:s21] =	ssyncadd.s32 $0xFFFFF000  }
0x51: {  	[tilespmem:s24], [sflag:$0x1] =	stream.indirect.gather [spmem:s2], $0x20, s13, s25, $0xb8;
	[tilespmem:$0x1DE20] =	vst v63  }
0x52: {  	_ =	swait.ge [sflag:s21], $0x1000  }
0x53: {  	[sflag:s21] =	ssyncset.done $0x0  }
0x54: {  	s12 =	simm.s32 $0x300;
	[sflag:s21] =	ssyncadd.s32 $0xFFFFF000  }
0x55: {  	[tilespmem:s28], [sflag:$0x1] =	stream.indirect.gather [spmem:s2], $0x20, s12, s25, $0xb8;
	[tilespmem:$0x1DE20] =	vst v63  }
0x56: {  	_ =	swait.ge [sflag:s21], $0x1000  }
0x57: {  	[sflag:s21] =	ssyncset.done $0x0  }
0x58: {  	s13 =	simm.s32 $0x380;
	[sflag:s21] =	ssyncadd.s32 $0xFFFFF000  }
0x59: {  	[tilespmem:s30], [sflag:$0x1] =	stream.indirect.gather [spmem:s2], $0x20, s13, s25, $0xb8;
	[tilespmem:$0x1DE20] =	vst v63  }
0x5a: {  	_ =	swait.ge [sflag:s21], $0x1000  }
0x5b: {  	[sflag:s21] =	ssyncset.done $0x0  }
0x5c: {  	s12 =	simm.s32 $0x400;
	[sflag:s21] =	ssyncadd.s32 $0xFFFFF000  }
0x5d: {  	[tilespmem:s1], [sflag:$0x1] =	stream.indirect.gather [spmem:s2], $0x20, s12, s25, $0xb8;
	[tilespmem:$0x1DE20] =	vst v63  }
0x5e: {  	_ =	swait.ge [sflag:s21], $0x1000  }
0x5f: {  	[sflag:s21] =	ssyncset.done $0x0  }
0x60: {  	s13 =	simm.s32 $0x480;
	[sflag:s21] =	ssyncadd.s32 $0xFFFFF000  }
0x61: {  	[tilespmem:s9], [sflag:$0x1] =	stream.indirect.gather [spmem:s2], $0x20, s13, s25, $0xb8;
	[tilespmem:$0x1DE20] =	vst v63  }
0x62: {  	_ =	swait.ge [sflag:s21], $0x1000  }
0x63: {  	[sflag:s21] =	ssyncset.done $0x0  }
0x64: {  	s12 =	simm.s32 $0x500;
	[sflag:s21] =	ssyncadd.s32 $0xFFFFF000  }
0x65: {  	[tilespmem:s18], [sflag:$0x1] =	stream.indirect.gather [spmem:s2], $0x20, s12, s25, $0xb8;
	[tilespmem:$0x1DE20] =	vst v63  }
0x66: {  	_ =	swait.ge [sflag:s21], $0x1000  }
0x67: {  	[sflag:s21] =	ssyncset.done $0x0  }
0x68: {  	s13 =	simm.s32 $0x580;
	[sflag:s21] =	ssyncadd.s32 $0xFFFFF000  }
0x69: {  	[tilespmem:s26], [sflag:$0x1] =	stream.indirect.gather [spmem:s2], $0x20, s13, s25, $0xb8;
	[tilespmem:$0x1DE20] =	vst v63  }
0x6a: {  	_ =	swait.ge [sflag:s21], $0x1000  }
0x6b: {  	[sflag:s21] =	ssyncset.done $0x0  }
0x6c: {  	s12 =	simm.s32 $0x600;
	[sflag:s21] =	ssyncadd.s32 $0xFFFFF000  }
0x6d: {  	[tilespmem:s29], [sflag:$0x1] =	stream.indirect.gather [spmem:s2], $0x20, s12, s25, $0xb8;
	[tilespmem:$0x1DE20] =	vst v63  }
0x6e: {  	_ =	swait.ge [sflag:s21], $0x1000  }
0x6f: {  	[sflag:s21] =	ssyncset.done $0x0  }
0x70: {  	s13 =	simm.s32 $0x680;
	[sflag:s21] =	ssyncadd.s32 $0xFFFFF000  }
0x71: {  	[tilespmem:s31], [sflag:$0x1] =	stream.indirect.gather [spmem:s2], $0x20, s13, s25, $0xb8;
	[tilespmem:$0x1DE20] =	vst v63  }
0x72: {  	_ =	swait.ge [sflag:s21], $0x1000  }
0x73: {  	[sflag:s21] =	ssyncset.done $0x0  }
0x74: {  	s11 =	simm.s32 $0x1400;
	s12 =	simm.s32 $0x700;
	[sflag:s21] =	ssyncadd.s32 $0xFFFFF000  }
.LBB2_4:
0x75: {  	[tilespmem:s0], [sflag:$0x1] =	stream.indirect.gather [spmem:s2], $0x20, s12, s25, $0xb8;
	[tilespmem:$0x1DE20] =	vst v63  }
0x76: {  	s12 =	smov.u32 s11  }
0x77: {  	p0 =	sne.s32 s11, $0x11800;
	s11 =	sadd.s32 $0x1400, s11;
	_ =	swait.ge [sflag:s21], $0x1000  }
0x78: {  	s12 =	sshra.s32 s12, $0x2;
	[sflag:s21] =	ssyncset.done $0x0  }
0x79: {  	s13 =	sadd.s32 $0x280, s12;
	[sflag:s21] =	ssyncadd.s32 $0xFFFFF000  }
0x7a: {  	[tilespmem:s24], [sflag:$0x1] =	stream.indirect.gather [spmem:s2], $0x20, s13, s25, $0xb8;
	[tilespmem:$0x1DE20] =	vst v63  }
0x7b: {  	_ =	swait.ge [sflag:s21], $0x1000  }
0x7c: {  	[sflag:s21] =	ssyncset.done $0x0  }
0x7d: {  	s13 =	sadd.s32 $0x300, s12;
	[sflag:s21] =	ssyncadd.s32 $0xFFFFF000  }
0x7e: {  	[tilespmem:s28], [sflag:$0x1] =	stream.indirect.gather [spmem:s2], $0x20, s13, s25, $0xb8;
	[tilespmem:$0x1DE20] =	vst v63  }
0x7f: {  	_ =	swait.ge [sflag:s21], $0x1000  }
0x80: {  	[sflag:s21] =	ssyncset.done $0x0  }
0x81: {  	s13 =	sadd.s32 $0x380, s12;
	[sflag:s21] =	ssyncadd.s32 $0xFFFFF000  }
0x82: {  	[tilespmem:s30], [sflag:$0x1] =	stream.indirect.gather [spmem:s2], $0x20, s13, s25, $0xb8;
	[tilespmem:$0x1DE20] =	vst v63  }
0x83: {  	_ =	swait.ge [sflag:s21], $0x1000  }
0x84: {  	[sflag:s21] =	ssyncset.done $0x0  }
0x85: {  	s13 =	sadd.s32 $0x400, s12;
	[sflag:s21] =	ssyncadd.s32 $0xFFFFF000  }
0x86: {  	[tilespmem:s1], [sflag:$0x1] =	stream.indirect.gather [spmem:s2], $0x20, s13, s25, $0xb8;
	[tilespmem:$0x1DE20] =	vst v63  }
0x87: {  	_ =	swait.ge [sflag:s21], $0x1000  }
0x88: {  	[sflag:s21] =	ssyncset.done $0x0  }
0x89: {  	s13 =	sadd.s32 $0x480, s12;
	[sflag:s21] =	ssyncadd.s32 $0xFFFFF000  }
0x8a: {  	[tilespmem:s9], [sflag:$0x1] =	stream.indirect.gather [spmem:s2], $0x20, s13, s25, $0xb8;
	[tilespmem:$0x1DE20] =	vst v63  }
0x8b: {  	_ =	swait.ge [sflag:s21], $0x1000  }
0x8c: {  	[sflag:s21] =	ssyncset.done $0x0  }
0x8d: {  	s13 =	sadd.s32 $0x500, s12;
	[sflag:s21] =	ssyncadd.s32 $0xFFFFF000  }
0x8e: {  	[tilespmem:s18], [sflag:$0x1] =	stream.indirect.gather [spmem:s2], $0x20, s13, s25, $0xb8;
	[tilespmem:$0x1DE20] =	vst v63  }
0x8f: {  	_ =	swait.ge [sflag:s21], $0x1000  }
0x90: {  	[sflag:s21] =	ssyncset.done $0x0  }
0x91: {  	s13 =	sadd.s32 $0x580, s12;
	[sflag:s21] =	ssyncadd.s32 $0xFFFFF000  }
0x92: {  	[tilespmem:s26], [sflag:$0x1] =	stream.indirect.gather [spmem:s2], $0x20, s13, s25, $0xb8;
	[tilespmem:$0x1DE20] =	vst v63  }
0x93: {  	_ =	swait.ge [sflag:s21], $0x1000  }
0x94: {  	[sflag:s21] =	ssyncset.done $0x0  }
0x95: {  	s13 =	sadd.s32 $0x600, s12;
	[sflag:s21] =	ssyncadd.s32 $0xFFFFF000  }
0x96: {  	[tilespmem:s29], [sflag:$0x1] =	stream.indirect.gather [spmem:s2], $0x20, s13, s25, $0xb8;
	[tilespmem:$0x1DE20] =	vst v63  }
0x97: {  	_ =	swait.ge [sflag:s21], $0x1000  }
0x98: {  	[sflag:s21] =	ssyncset.done $0x0  }
.Ltmp1:
0x99: {  	s13 =	sadd.s32 $0x680, s12;
	[sflag:s21] =	ssyncadd.s32 $0xFFFFF000;
	(pc) =	sbr.rel @p0 .LBB2_4-.Ltmp1, $4  }
0x9a: {  	[tilespmem:s31], [sflag:$0x1] =	stream.indirect.gather [spmem:s2], $0x20, s13, s25, $0xb8;
	[tilespmem:$0x1DE20] =	vst v63  }
0x9b: {  	_ =	swait.ge [sflag:s21], $0x1000  }
0x9c: {  	[sflag:s21] =	ssyncset.done $0x0  }
0x9d: {  	s12 =	sadd.s32 $0x700, s12;
	[sflag:s21] =	ssyncadd.s32 $0xFFFFF000  }
0x9e: {  	[tilespmem:s0], [sflag:$0x1] =	stream.indirect.gather [spmem:s2], $0x20, s12, s25, $0xb8;
	[tilespmem:$0x1DE20] =	vst v63  }
0x9f: {  	_ =	swait.ge [sflag:s21], $0x1000  }
0xa0: {  	[sflag:s21] =	ssyncset.done $0x0  }
0xa1: {  	s11 =	simm.s32 $0x4D80;
	[sflag:s21] =	ssyncadd.s32 $0xFFFFF000  }
0xa2: {  	[tilespmem:s24], [sflag:$0x1] =	stream.indirect.gather [spmem:s2], $0x20, s11, s25, $0xb8;
	[tilespmem:$0x1DE20] =	vst v63  }
0xa3: {  	_ =	swait.ge [sflag:s21], $0x1000  }
0xa4: {  	[sflag:s21] =	ssyncset.done $0x0  }
0xa5: {  	s12 =	simm.s32 $0x4E00;
	[sflag:s21] =	ssyncadd.s32 $0xFFFFF000  }
0xa6: {  	[tilespmem:s28], [sflag:$0x1] =	stream.indirect.gather [spmem:s2], $0x20, s12, s25, $0xb8;
	[tilespmem:$0x1DE20] =	vst v63  }
0xa7: {  	_ =	swait.ge [sflag:s21], $0x1000  }
0xa8: {  	[sflag:s21] =	ssyncset.done $0x0  }
0xa9: {  	s13 =	simm.s32 $0x4E80;
	[sflag:s21] =	ssyncadd.s32 $0xFFFFF000  }
0xaa: {  	[tilespmem:s30], [sflag:$0x1] =	stream.indirect.gather [spmem:s2], $0x20, s13, s25, $0xb8;
	[tilespmem:$0x1DE20] =	vst v63  }
0xab: {  	_ =	swait.ge [sflag:s21], $0x1000  }
0xac: {  	[sflag:s21] =	ssyncset.done $0x0  }
0xad: {  	s12 =	simm.s32 $0x4F00;
	[sflag:s21] =	ssyncadd.s32 $0xFFFFF000  }
0xae: {  	[tilespmem:s1], [sflag:$0x1] =	stream.indirect.gather [spmem:s2], $0x20, s12, s25, $0xb8;
	[tilespmem:$0x1DE20] =	vst v63  }
0xaf: {  	_ =	swait.ge [sflag:s21], $0x1000  }
0xb0: {  	[sflag:s21] =	ssyncset.done $0x0  }
0xb1: {  	s13 =	simm.s32 $0x4F80;
	[sflag:s21] =	ssyncadd.s32 $0xFFFFF000  }
0xb2: {  	[tilespmem:s9], [sflag:$0x1] =	stream.indirect.gather [spmem:s2], $0x20, s13, s25, $0xb8;
	[tilespmem:$0x1DE20] =	vst v63  }
0xb3: {  	_ =	swait.ge [sflag:s21], $0x1000  }
0xb4: {  	[sflag:s21] =	ssyncset.done $0x0  }
0xb5: {  	[sflag:s21] =	ssyncadd.s32 $0xFFFFF000  }
0xb6: {  	_ =	swait.ge [sflag:s21], $0x1000  }
0xb7: {  	[sflag:s21] =	ssyncset.done $0x0  }
0xb8: {  	[sflag:s21] =	ssyncadd.s32 $0xFFFFF000  }
0xb9: {  	_ =	swait.ge [sflag:s21], $0x1000  }
0xba: {  	[sflag:s21] =	ssyncset.done $0x0  }
0xbb: {  	[sflag:s21] =	ssyncadd.s32 $0xFFFFF000  }
0xbc: {  	_ =	swait.ge [sflag:s21], $0x1000  }
0xbd: {  	[sflag:s21] =	ssyncset.done $0x0  }
0xbe: {  	[sflag:s21] =	ssyncadd.s32 $0xFFFFF000  }
0xbf: {  	_ =	swait.ge [sflag:s21], $0x1000  }
0xc0: {  	[sflag:s21] =	ssyncset.done $0x0  }
0xc1: {  	[sflag:s21] =	ssyncadd.s32 $0xFFFFF000  }
0xc2: {  	[bflag:$0x0] =	sbarrier.arrive $0xFFFF  }
0xc3: {  	s12 =	sshrl.u32 s4, $0x3;
	s13 =	rddreg [dreg:$0x8]  }
0xc4: {  	[hbm:s13@s23], [sflag:s10] =	dma.strided [spmem:s12@s22], $0x200, s21, $0x4   }
0xc5: {  	_ =	swait.ge [sflag:s19], $0x200  }
0xc6: {  	[sflag:s19] =	ssyncset.done $0x0  }
0xc7: {  	s12 =	sshrl.u32 s5, $0x3;
	s13 =	rddreg [dreg:$0x9];
	[sflag:s19] =	ssyncadd.s32 $0xFFFFFE00  }
0xc8: {  	[hbm:s13@s23], [sflag:s10] =	dma.strided [spmem:s12@s22], $0x200, s21, $0x4   }
0xc9: {  	_ =	swait.ge [sflag:s19], $0x200  }
0xca: {  	[sflag:s19] =	ssyncset.done $0x0  }
0xcb: {  	s13 =	sshrl.u32 s6, $0x3;
	[sflag:s19] =	ssyncadd.s32 $0xFFFFFE00  }
0xcc: {  	[hbm:s14@s23], [sflag:s10] =	dma.strided [spmem:s13@s22], $0x200, s21, $0x4   }
0xcd: {  	_ =	swait.ge [sflag:s19], $0x200  }
0xce: {  	[sflag:s19] =	ssyncset.done $0x0  }
0xcf: {  	s12 =	sshrl.u32 s7, $0x3;
	[sflag:s19] =	ssyncadd.s32 $0xFFFFFE00  }
0xd0: {  	[hbm:s15@s23], [sflag:s10] =	dma.strided [spmem:s12@s22], $0x200, s21, $0x4   }
0xd1: {  	s3 =	sadd.s32 $0x1, s3;
	_ =	swait.ge [sflag:s19], $0x200  }
0xd2: {  	p0 =	sne.s32 s3, s17;
	[sflag:s19] =	ssyncset.done $0x0  }
.Ltmp2:
0xd3: {  	s13 =	sshrl.u32 s8, $0x3;
	[sflag:s19] =	ssyncadd.s32 $0xFFFFFE00;
	(pc) =	sbr.rel @p0 .LBB2_1-.Ltmp2, $4  }
0xd4: {  	[hbm:s16@s23], [sflag:s10] =	dma.strided [spmem:s13@s22], $0x200, s21, $0x4   }
0xd5: {  	_ =	swait.ge [sflag:s19], $0x200  }
0xd6: {  	[sflag:s19] =	ssyncset.done $0x0  }
0xd7: {  	[sflag:s19] =	ssyncadd.s32 $0xFFFFFE00  }
0xd8: {  	_ =	sfence.sel $0x180000  }
0xd9: {  	[bflag:$0x0] =	sbarrier.arrive $0xFFFF  }
0xda: {  	_ =	strace $0x9000004A  }
0xdb: {  	s0 =	stileid.u32;
	[bflag:$0x2] =	sbarrier.arrive $0xFFFF  }
0xdc: {  	p0 =	sne.s32 s0, $0x0;
	s0 =	rddreg [dreg:$0x4]  }
0xdd: {  	s0 =	sadd.s32 @!p0 $0x100000, s0  }
0xde: {  	[sflag:s0] =	ssyncadd.tile.s32 @!p0 $0x1;
	_ =	shalt  }
.Lfunc_end2:
_tile_overlayer_lowered:
.L_overlay_start_2:
0xdf: {  	(tag) =	ssettag $0x2  }
0xe0: {  	s0 =	rddreg [dreg:$0x0];
	s2 =	stileid.u32  }
0xe1: {  	s1 =	rddreg [dreg:$0x1];
	p0 =	sne.s32 s2, $0x0  }
0xe2: {  	s3 =	rddreg [dreg:$0x2];
	[bflag:$0x3] =	sbarrier.arrive $0xFFFF;
	s2 =	simm.s32 @!p0 $0x1C02  }
0xe3: {  	[timem:s3], [sflag:s2] =	dma.local @!p0 [hbm:s0], s1  }
0xe4: {  	s0 =	simm.s32 @!p0 $0x2  }
0xe5: {  	_ =	swait.ge @!p0 [sflag:s0], s1  }
0xe6: {  	s1 =	ssub.s32 @!p0 $0x0, s1;
	[sflag:s0] =	ssyncset.done @!p0 $0x0  }
0xe7: {  	[sflag:s0] =	ssyncadd.s32 @!p0 s1  }
0xe8: {  	[bflag:$0x3] =	sbarrier.arrive $0xFFFF  }
0xe9: {  	_ =	shalt  }

// kernel: kernel.20.cloned.1.call-start
scs
__scs_entry_jumppad:
0x0: {  	(pc) =	sbr.rel $0x88, $3  }
0x1: {  	(tag) =	ssettag $0x0;
	lr =	simm.s32 $0x1  }
0x2: {  	[smem:$0x3F99] =	sst lr;
	_ =	strace $0xD0000000  }
0x3: {  	_ = 	snop  }
0x4: {  	_ = 	snop  }
0x5: {  	_ = 	snop  }
0x6: {  	_ = 	snop  }
0x7: {  	_ = 	snop  }
__scs_overlays_trampoline_lowered:
0x8: {  	[smem:$0x3FA8] =	sst s0  }
0x9: {  	[smem:$0x3FA9] =	sst s1  }
0xa: {  	[smem:$0x3FAA] =	sst s2  }
0xb: {  	[smem:$0x3FAB] =	sst s3  }
0xc: {  	[smem:$0x3FAC] =	sst s4  }
0xd: {  	[smem:$0x3FAD] =	sst s5  }
0xe: {  	[smem:$0x3FAE] =	sst s6  }
0xf: {  	[smem:$0x3FAF] =	sst s7  }
0x10: {  	[smem:$0x3FB0] =	sst s8  }
0x11: {  	[smem:$0x3FB1] =	sst s9;
	s0 =	simm.s32 @!p0 $0x0  }
0x12: {  	s1 =	sld [smem:$0x3F97];
	s0 =	simm.s32 @p0 $0x1  }
0x13: {  	[smem:$0x3FB2] =	sst s0;
	s0 =	simm.s32 @!p1 $0x0  }
0x14: {  	s2 =	sld [smem:$0x3F96];
	s0 =	simm.s32 @p1 $0x1  }
0x15: {  	[smem:$0x3FB3] =	sst s0;
	s0 =	simm.s32 @!p2 $0x0  }
0x16: {  	s3 =	sld [smem:$0x3FDB];
	s0 =	simm.s32 @p2 $0x1  }
0x17: {  	s4 =	simm.s32 $0x1BF5;
	[smem:$0x3FB5] =	sst s0  }
0x18: {  	s0 =	sld [smem:$0x3F98];
	_ =	swait.ge [sflag:s4], $0x0  }
0x19: {  	s7 =	sld [smem:$0x3F99]  }
0x1a: {  	s8 =	sadd.s32 $0xFFFFE003, lr  }
0x1b: {  	s9 =	sadd.s32 $0xFFFFFEF7, lr;
	s5 =	simm.s32 $0xFFFFFFFF;
	p2 =	slt.u32 s8, $0xFFFFF086  }
0x1c: {  	p1 =	slt.u32 s9, $0xF7A;
	s5 =	simm.s32 @!p2 $0x0  }
0x1d: {  	s5 =	simm.s32 @p1 $0x1;
	p0 =	seq.s32 s7, s2  }
0x1e: {  	s7 =	smul.u32 @!p0 $0xF7A, s2;
	p2 =	seq.s32 @!p0 s5, $0x0  }
0x1f: {  	s9 =	smul.u32 $0xF7A, s1;
	s8 =	simm.s32 @!p0 $0x1BF5;
	p2 =	por !p2, p0  }
0x20: {  	[sflag:s8] =	ssyncset.s32 @!p0 $0xFFFFF086;
	s6 =	sadd.s32 @!p0 s3, s7;
	s7 =	simm.s32 @!p0 $0x108  }
0x21: {  	s3 =	sadd.s32 s3, s9;
	s6 =	sadd.s32 @!p0 $0x88, s6;
	s7 =	simm.s32 @p2 $0x1082  }
0x22: {  	[simem:s7], [sflag:s8] =	dma.local @!p0 [hbm:s6], $0xF7A  }
0x23: {  	s9 =	sor.u32 $0xD0000000, s2;
	s6 =	simm.s32 $0x108;
	_ =	swait.ge @!p0 [sflag:s8], $0x0  }
0x24: {  	s3 =	sadd.s32 $0x88, s3;
	s6 =	simm.s32 @!p1 $0x1082;
	[sflag:s4] =	ssyncset.s32 $0xFFFFF086  }
0x25: {  	[simem:s6], [sflag:s4] =	dma.local [hbm:s3], $0xF7A  }
0x26: {  	[smem:$0x3F99] =	sst s1;
	(tag) =	ssettag s2;
	_ =	strace s9  }
0x27: {  	s1 =	sld [smem:$0x3FA9]  }
0x28: {  	s2 =	sld [smem:$0x3FAA]  }
0x29: {  	s4 =	sld [smem:$0x3FAC]  }
0x2a: {  	p0 =	seq.s32 s5, $0x0;
	s5 =	sld [smem:$0x3FAD]  }
0x2b: {  	s6 =	sld [smem:$0x3FAE]  }
0x2c: {  	s7 =	sld [smem:$0x3FAF]  }
0x2d: {  	s3 =	simm.s32 $0x108;
	s8 =	sld [smem:$0x3FB0]  }
0x2e: {  	s3 =	simm.s32 @!p0 $0x1082;
	s9 =	sld [smem:$0x3FB1]  }
0x2f: {  	lr =	sadd.s32 s0, s3;
	s0 =	sld [smem:$0x3FA8]  }
0x30: {  	s3 =	sld [smem:$0x3FAB]  }
0x31: {  	[smem:$0x3FB4] =	sst s10  }
0x32: {  	s10 =	sld [smem:$0x3FB2];
	_ =	sdelay $0x3  }
0x33: {  	p0 =	seq.s32 s10, $0x1;
	s10 =	sld [smem:$0x3FB4];
	_ =	sdelay $0x3  }
0x34: {  	[smem:$0x3FB4] =	sst s10  }
0x35: {  	s10 =	sld [smem:$0x3FB3];
	_ =	sdelay $0x3  }
0x36: {  	p1 =	seq.s32 s10, $0x1;
	s10 =	sld [smem:$0x3FB4];
	_ =	sdelay $0x3  }
0x37: {  	[smem:$0x3FB4] =	sst s10  }
0x38: {  	s10 =	sld [smem:$0x3FB5]  }
0x39: {  	_ = 	snop;
	(pc) =	sbr.ind lr, $3  }
0x3a: {  	_ = 	snop  }
0x3b: {  	_ = 	snop  }
0x3c: {  	p2 =	seq.s32 s10, $0x1;
	s10 =	sld [smem:$0x3FB4]  }
0x3d: {  	_ =	shalt  }
0x3e: {  	_ =	shalt  }
0x3f: {  	_ =	shalt  }
0x40: {  	_ =	shalt  }
0x41: {  	_ =	shalt  }
0x42: {  	_ =	shalt  }
0x43: {  	_ =	shalt  }
0x44: {  	_ =	shalt  }
0x45: {  	_ =	shalt  }
0x46: {  	_ =	shalt  }
0x47: {  	_ =	shalt  }
0x48: {  	_ =	shalt  }
0x49: {  	_ =	shalt  }
0x4a: {  	_ =	shalt  }
0x4b: {  	_ =	shalt  }
0x4c: {  	_ =	shalt  }
0x4d: {  	_ =	shalt  }
0x4e: {  	_ =	shalt  }
0x4f: {  	_ =	shalt  }
0x50: {  	_ =	shalt  }
0x51: {  	_ =	shalt  }
0x52: {  	_ =	shalt  }
0x53: {  	_ =	shalt  }
0x54: {  	_ =	shalt  }
0x55: {  	_ =	shalt  }
0x56: {  	_ =	shalt  }
0x57: {  	_ =	shalt  }
0x58: {  	_ =	shalt  }
0x59: {  	_ =	shalt  }
0x5a: {  	_ =	shalt  }
0x5b: {  	_ =	shalt  }
0x5c: {  	_ =	shalt  }
0x5d: {  	_ =	shalt  }
0x5e: {  	_ =	shalt  }
0x5f: {  	_ =	shalt  }
0x60: {  	_ =	shalt  }
0x61: {  	_ =	shalt  }
0x62: {  	_ =	shalt  }
0x63: {  	_ =	shalt  }
0x64: {  	_ =	shalt  }
0x65: {  	_ =	shalt  }
0x66: {  	_ =	shalt  }
0x67: {  	_ =	shalt  }
0x68: {  	_ =	shalt  }
0x69: {  	_ =	shalt  }
0x6a: {  	_ =	shalt  }
0x6b: {  	_ =	shalt  }
0x6c: {  	_ =	shalt  }
0x6d: {  	_ =	shalt  }
0x6e: {  	_ =	shalt  }
0x6f: {  	_ =	shalt  }
0x70: {  	_ =	shalt  }
0x71: {  	_ =	shalt  }
0x72: {  	_ =	shalt  }
0x73: {  	_ =	shalt  }
0x74: {  	_ =	shalt  }
0x75: {  	_ =	shalt  }
0x76: {  	_ =	shalt  }
0x77: {  	_ =	shalt  }
0x78: {  	_ =	shalt  }
0x79: {  	_ =	shalt  }
0x7a: {  	_ =	shalt  }
0x7b: {  	_ =	shalt  }
0x7c: {  	_ =	shalt  }
0x7d: {  	_ =	shalt  }
0x7e: {  	_ =	shalt  }
0x7f: {  	_ =	shalt  }
0x80: {  	_ =	shalt  }
0x81: {  	_ =	shalt  }
0x82: {  	_ =	shalt  }
0x83: {  	_ =	shalt  }
0x84: {  	_ =	shalt  }
0x85: {  	_ =	shalt  }
0x86: {  	_ =	shalt  }
0x87: {  	_ =	shalt  }
.Lfunc_end0:
.L_simem_size_0:
called_computation.3_lowered:
.L_overlay_start_0:
0x88: {  	s2 =	sld [smem:$0x3FD9]  }
0x89: {  	s3 =	sld [smem:$0x3FFE];
	_ =	sdelay $0x1  }
0x8a: {  	s1 =	srdreg.scid  }
0x8b: {  	s0 =	sand.u32 $0x1, s1  }
0x8c: {  	s17 =	sshll.u32 s0, $0xA;
	s2 =	sadd.s32 s3, s2  }
0x8d: {  	s2 =	sadd.s32 s2, s17  }
0x8e: {  	[smem:$0x3FC0] =	sst s2  }
0x8f: {  	_ = 	snop  }
0x90: {  	s2 =	sld [smem:$0x3FD0];
	(tm) =	ssettm $0x1  }
0x91: {  	s18 =	sld [smem:$0x3FFB];
	_ =	sdelay $0x3  }
0x92: {  	_ =	strace s18  }
0x93: {  	s3 =	sld [smem:$0x3FFC];
	_ =	sdelay $0x3  }
0x94: {  	_ =	strace s3  }
0x95: {  	s3 =	sld [smem:$0x3FFD];
	_ =	sdelay $0x3  }
0x96: {  	_ =	strace s3  }
0x97: {  	_ =	strace $0x8FFFFFFF  }
0x98: {  	s19 =	sld [smem:$0x3FDB];
	_ =	sdelay $0x1  }
0x99: {  	s4 =	simm.s32 $_scs_section_size  }
0x9a: {  	s5 =	simm.s32 $_size__tile_overlayer_lowered;
	s6 =	simm.s32 $_tile_overlayer_lowered  }
0x9b: {  	s22 =	simm.s32 $0x1BFF;
	s21 =	sshll.u32 s6, $0x1;
	s3 =	sadd.s32 s4, s19  }
0x9c: {  	s7 =	simm.s32 $0x0;
	s20 =	sshll.u32 s5, $0x1;
	s5 =	sadd.s32 s21, s3  }
0x9d: {  	[timem:s7], [sflag:s22] =	dma.local [hbm:s5], s20  }
0x9e: {  	_ =	swait.ge [sflag:s22], s20  }
0x9f: {  	s4 =	ssub.s32 $0x0, s20;
	[sflag:s22] =	ssyncset.done $0x0  }
0xa0: {  	[sflag:s22] =	ssyncadd.s32 s4;
	_ =	sdelay $0x1  }
0xa1: {  	s23 =	simm.s32 $0x1B8B  }
0xa2: {  	_ =	swait.ge [sflag:s23], $0x1  }
0xa3: {  	[sflag:s23] =	ssyncset.done $0x0  }
0xa4: {  	s25 =	simm.s32 $0x1B8E;
	s24 =	sld [smem:$0x3FFE];
	[sflag:s23] =	ssyncadd.s32 $0xFFFFFFFF  }
0xa5: {  	s26 =	simm.s32 $execute0_lowered;
	[smem:$0x3FD2] =	sst s25  }
0xa6: {  	s5 =	sshll.u32 s26, $0x1;
	_ =	strace $0x8000004F;
	[dreg:$0x1] =	wrdreg $0xFFFFFFFF  }
0xa7: {  	s28 =	simm.s32 $_size_execute0_lowered;
	s3 =	sadd.s32 s3, s5;
	[dreg:$0x0] =	wrdreg $0x0  }
0xa8: {  	s5 =	sshll.u32 s28, $0x1;
	[dreg:$0x2] =	wrdreg s3  }
0xa9: {  	[dreg:$0x3] =	wrdreg s5  }
0xaa: {  	[dreg:$0x4] =	wrdreg $0xC0  }
0xab: {  	_ =	task [dreg:s7], $0x5FFFF  }
0xac: {  	[dreg:$0x1] =	wrdreg $0xFFFFFFFF  }
0xad: {  	[dreg:$0x0] =	wrdreg $0x60  }
0xae: {  	[dreg:$0x2] =	wrdreg s24  }
0xaf: {  	[dreg:$0x3] =	wrdreg s2  }
0xb0: {  	[dreg:$0x4] =	wrdreg $0x140000  }
0xb1: {  	[dreg:$0x5] =	wrdreg $0x190000  }
0xb2: {  	[dreg:$0x6] =	wrdreg $0x9  }
0xb3: {  	_ =	task.clear_ibuf [dreg:s7], $0x7FFFF;
	_ =	strace $0x9000004F  }
0xb4: {  	s29 =	simm.s32 $0x9;
	_ =	strace $0x80000051  }
0xb5: {  	_ =	swait.ge [sflag:s29], $0x1  }
0xb6: {  	[sflag:s29] =	ssyncadd.s32 $0xFFFFFFFF  }
0xb7: {  	_ =	strace $0x90000051  }
0xb8: {  	_ =	sfence  }
0xb9: {  	s30 =	sld [smem:$0x0];
	_ =	sdelay $0x2  }
0xba: {  	s31 =	sshll.u32 s1, $0xD;
	s1 =	sshrl.u32 s1, $0x2  }
0xbb: {  	s3 =	sand.u32 $0x4000, s31;
	s1 =	sadd.s32 s1, s30  }
0xbc: {  	s0 =	sor.u32 s3, s0;
	s1 =	sshll.u32 s1, $0x11  }
0xbd: {  	s0 =	sor.u32 s1, s0  }
0xbe: {  	s0 =	sadd.s32 $0x8F2B, s0  }
0xbf: {  	[sflag:s0] =	ssyncadd.remote.s32 $0x1  }
0xc0: {  	_ =	sfence.sel $0xFFFF  }
0xc1: {  	[dreg:$0x0] =	wrdreg $0xFFFFFFFF;
	(pc) =	sbr.abs _section_cstart, $3  }
0xc2: {  	[dreg:$0x1] =	wrdreg $0xFFFFFFFF  }
0xc3: {  	_ =	task.clear_ibuf [dreg:s7], $0x2FFFF;
	_ =	strace $0x9FFFFFFF  }
0xc4: {  	(tm) =	ssettm $0x7FFFFFFF  }
0xc5: {  	_ =	shalt  }
tec
execute0_lowered:
.L_overlay_start_1:
0x0: {  	(tag) =	ssettag $0x1  }
0x1: {  	s0 =	rddreg [dreg:$0x0]  }
0x2: {  	s1 =	rddreg [dreg:$0x1]  }
0x3: {  	s8 =	rddreg [dreg:$0x2];
	s3 =	srdreg.scid  }
0x4: {  	s6 =	stileid.u32;
	s2 =	rddreg [dreg:$0x3]  }
0x5: {  	s29 =	simm.s32 $0xC000;
	s31 =	simm.s32 $0xD000;
	s9 =	smul.u32 $0x13880, s6  }
0x6: {  	s28 =	simm.s32 $0x10000;
	s30 =	simm.s32 $0x11000;
	s11 =	smul.u32 $0xA00, s6  }
0x7: {  	s4 =	sand.u32 $0x1, s3;
	s3 =	simm.s32 $0x0;
	s12 =	smul.u32 $0x14000, s6  }
0x8: {  	s10 =	sshll.u32 s4, $0x5;
	[smem:$0x7FF] =	sst s3;
	s4 =	ssub.s32 $0x2, s4  }
0x9: {  	s5 =	sor.u32 s10, s9;
	_ =	strace $0x80000050;
	s14 =	sadd.s32 s11, s0  }
0xa: {  	s26 =	sshrl.u32 s4, $0x1;
	s15 =	sadd.s32 $0x4000, s12;
	s16 =	sadd.s32 $0x8000, s12  }
0xb: {  	s18 =	sadd.s32 $0xC000, s12;
	s19 =	sadd.s32 $0x10000, s12;
	s9 =	sshrl.u32 s9, $0x2  }
0xc: {  	s1 =	sadd.s32 s1, s11;
	s5 =	sshrl.u32 s5, $0x3;
	s17 =	ssub.s32 s4, s26  }
0xd: {  	s6 =	sshrl.u32 s15, $0x2;
	s7 =	sshrl.u32 s16, $0x2;
	s20 =	sshrl.u32 s19, $0x2  }
0xe: {  	s9 =	sadd.s32 s9, s2;
	s21 =	sor.u32 s10, s15;
	[dreg:$0x7] =	wrdreg s1  }
0xf: {  	s24 =	sor.u32 s10, s16;
	s25 =	sor.u32 s10, s18;
	s13 =	sadd.s32 s5, s0  }
0x10: {  	s0 =	sadd.s32 $0x35C00, s0;
	s5 =	sshrl.u32 s12, $0x2;
	s12 =	sor.u32 s10, s12  }
0x11: {  	s23 =	sshrl.u32 s21, $0x3;
	s11 =	sshrl.u32 s25, $0x3;
	s10 =	sor.u32 s10, s19  }
0x12: {  	s17 =	smax.u32 s17, $0x1;
	s19 =	simm.s32 $0x2;
	s21 =	simm.s32 $0x1  }
0x13: {  	s25 =	simm.s32 $0x80;
	s4 =	sadd.s32 s5, s8;
	s5 =	sadd.s32 s6, s8  }
0x14: {  	s6 =	sadd.s32 s7, s8;
	s7 =	sshrl.u32 s18, $0x2;
	s13 =	sadd.s32 $0x3C00, s13  }
0x15: {  	s12 =	sshrl.u32 s12, $0x3;
	s1 =	sadd.s32 s0, s23;
	s15 =	sadd.s32 s0, s11  }
0x16: {  	s26 =	sshrl.u32 s10, $0x3;
	s18 =	simm.s32 $0xA000;
	s23 =	simm.s32 $0x10  }
0x17: {  	s7 =	sadd.s32 s7, s8;
	s8 =	sadd.s32 s20, s8;
	[dreg:$0x5] =	wrdreg s13  }
0x18: {  	s20 =	sadd.s32 $0x2BC00, s14;
	s22 =	sadd.s32 s0, s12;
	[dreg:$0x9] =	wrdreg s1  }
0x19: {  	s1 =	sshrl.u32 s24, $0x3;
	s16 =	sadd.s32 s0, s26;
	[dreg:$0x6] =	wrdreg s20  }
0x1a: {  	s26 =	simm.s32 $0xB000;
	s24 =	simm.s32 $0xF000;
	[dreg:$0x8] =	wrdreg s22  }
0x1b: {  	s14 =	sadd.s32 s0, s1;
	s20 =	sshrl.u32 s9, $0x3;
	s22 =	simm.s32 $0x4  }
0x1c: {  	v0 =	vimm.f32 $0.0e+00;
	s0 =	simm.s32 $0xE000;
	s1 =	simm.s32 $0x12000;
	s9 =	simm.s32 $0x13000  }
.LBB2_1:
0x1d: {  	s10 =	simm.s32 $0x80;
	s11 =	simm.s32 $0x0  }
.LBB2_2:
0x1e: {  	p0 =	sne.s32 s10, $0x3F80;
	[tilespmem:s11+$0xA000] =	vst v0;
	s12 =	smov.u32 s10;
	s10 =	sadd.s32 $0x80, s10  }
.Ltmp0:
0x1f: {  	[tilespmem:s11+$0xA010] =	vst v0;
	(pc) =	sbr.rel @p0 .LBB2_2-.Ltmp0, $2  }
0x20: {  	_ =	sdelay $0x2  }
0x21: {  	s11 =	sshra.s32 s12, $0x2  }
0x22: {  	[tilespmem:s11+$0xA000] =	vst v0  }
0x23: {  	[tilespmem:s11+$0xA010] =	vst v0  }
0x24: {  	[spmem:s4] =	stream.linear.scatter [tilespmem:s18], [sflag:$0x2], $0x1000, $0x38;
	[tilespmem:$0x1DE20] =	vst v63  }
0x25: {  	_ =	swait.ge [sflag:s19], $0x1000  }
0x26: {  	[sflag:s19] =	ssyncset.done $0x0  }
0x27: {  	[sflag:s19] =	ssyncadd.s32 $0xFFFFF000  }
0x28: {  	[spmem:s5] =	stream.linear.scatter [tilespmem:s18], [sflag:$0x2], $0x1000, $0x38;
	[tilespmem:$0x1DE20] =	vst v63  }
0x29: {  	_ =	swait.ge [sflag:s19], $0x1000  }
0x2a: {  	[sflag:s19] =	ssyncset.done $0x0  }
0x2b: {  	[sflag:s19] =	ssyncadd.s32 $0xFFFFF000  }
0x2c: {  	[spmem:s6] =	stream.linear.scatter [tilespmem:s18], [sflag:$0x2], $0x1000, $0x38;
	[tilespmem:$0x1DE20] =	vst v63  }
0x2d: {  	_ =	swait.ge [sflag:s19], $0x1000  }
0x2e: {  	[sflag:s19] =	ssyncset.done $0x0  }
0x2f: {  	[sflag:s19] =	ssyncadd.s32 $0xFFFFF000  }
0x30: {  	[spmem:s7] =	stream.linear.scatter [tilespmem:s18], [sflag:$0x2], $0x1000, $0x38;
	[tilespmem:$0x1DE20] =	vst v63  }
0x31: {  	_ =	swait.ge [sflag:s19], $0x1000  }
0x32: {  	[sflag:s19] =	ssyncset.done $0x0  }
0x33: {  	[sflag:s19] =	ssyncadd.s32 $0xFFFFF000  }
0x34: {  	[spmem:s8] =	stream.linear.scatter [tilespmem:s18], [sflag:$0x2], $0x1000, $0x38;
	[tilespmem:$0x1DE20] =	vst v63  }
0x35: {  	s10 =	stileid.u32;
	_ =	swait.ge [sflag:s19], $0x1000  }
0x36: {  	s10 =	sshll.u32 s10, $0x6;
	[sflag:s19] =	ssyncset.done $0x0  }
0x37: {  	s10 =	sor.u32 $0x1C02, s10;
	s13 =	rddreg [dreg:$0x5];
	[sflag:s19] =	ssyncadd.s32 $0xFFFFF000  }
0x38: {  	[spmem:s20@s22], [sflag:s10] =	dma.strided [hbm:s13@s23], $0x9C4, s21, $0x4   }
0x39: {  	_ =	swait.ge [sflag:s19], $0x9C4  }
0x3a: {  	[sflag:s19] =	ssyncset.done $0x0  }
0x3b: {  	s11 =	simm.s32 $0x0;
	s12 =	rddreg [dreg:$0x6];
	[sflag:s19] =	ssyncadd.s32 $0xFFFFF63C  }
0x3c: {  	[tilespmem:s11], [sflag:$0x2] =	stream.linear.gather [hbm4b:s12+s11], $0x5000, $0x38;
	[tilespmem:$0x1DE20] =	vst v63  }
0x3d: {  	_ =	swait.ge [sflag:s19], $0x5000  }
0x3e: {  	[sflag:s19] =	ssyncset.done $0x0  }
0x3f: {  	s13 =	simm.s32 $0x5000;
	s12 =	rddreg [dreg:$0x7];
	[sflag:s19] =	ssyncadd.s32 $0xFFFFB000  }
0x40: {  	[tilespmem:s13], [sflag:$0x2] =	stream.linear.gather [hbm4b:s12+s11], $0x5000, $0x38;
	[tilespmem:$0x1DE20] =	vst v63  }
0x41: {  	_ =	swait.ge [sflag:s19], $0x5000  }
0x42: {  	[sflag:s19] =	ssyncset.done $0x0  }
0x43: {  	[sflag:s19] =	ssyncadd.s32 $0xFFFFB000  }
0x44: {  	[bflag:$0x0] =	sbarrier.arrive $0xFFFF  }
0x45: {  	[tilespmem:s18], [sflag:$0x1] =	stream.indirect.gather [spmem:s2], $0x20, s11, s25, $0xb8;
	[tilespmem:$0x1DE20] =	vst v63  }
0x46: {  	_ = 	snop  }
0x47: {  	[tilespmem:s26], [sflag:$0x1] =	stream.indirect.gather [spmem:s2], $0x20, s25, s25, $0xb8;
	[tilespmem:$0x1DE20] =	vst v63  }
0x48: {  	s12 =	simm.s32 $0x100  }
0x49: {  	[tilespmem:s29], [sflag:$0x1] =	stream.indirect.gather [spmem:s2], $0x20, s12, s25, $0xb8;
	[tilespmem:$0x1DE20] =	vst v63  }
0x4a: {  	s13 =	simm.s32 $0x180  }
0x4b: {  	[tilespmem:s31], [sflag:$0x1] =	stream.indirect.gather [spmem:s2], $0x20, s13, s25, $0xb8;
	[tilespmem:$0x1DE20] =	vst v63  }
0x4c: {  	s12 =	simm.s32 $0x200  }
0x4d: {  	[tilespmem:s0], [sflag:$0x1] =	stream.indirect.gather [spmem:s2], $0x20, s12, s25, $0xb8;
	[tilespmem:$0x1DE20] =	vst v63  }
0x4e: {  	_ =	swait.ge [sflag:s21], $0x1000  }
0x4f: {  	[sflag:s21] =	ssyncset.done $0x0  }
0x50: {  	s13 =	simm.s32 $0x280;
	[sflag:s21] =	ssyncadd.s32 $0xFFFFF000  }
0x51: {  	[tilespmem:s24], [sflag:$0x1] =	stream.indirect.gather [spmem:s2], $0x20, s13, s25, $0xb8;
	[tilespmem:$0x1DE20] =	vst v63  }
0x52: {  	_ =	swait.ge [sflag:s21], $0x1000  }
0x53: {  	[sflag:s21] =	ssyncset.done $0x0  }
0x54: {  	s12 =	simm.s32 $0x300;
	[sflag:s21] =	ssyncadd.s32 $0xFFFFF000  }
0x55: {  	[tilespmem:s28], [sflag:$0x1] =	stream.indirect.gather [spmem:s2], $0x20, s12, s25, $0xb8;
	[tilespmem:$0x1DE20] =	vst v63  }
0x56: {  	_ =	swait.ge [sflag:s21], $0x1000  }
0x57: {  	[sflag:s21] =	ssyncset.done $0x0  }
0x58: {  	s13 =	simm.s32 $0x380;
	[sflag:s21] =	ssyncadd.s32 $0xFFFFF000  }
0x59: {  	[tilespmem:s30], [sflag:$0x1] =	stream.indirect.gather [spmem:s2], $0x20, s13, s25, $0xb8;
	[tilespmem:$0x1DE20] =	vst v63  }
0x5a: {  	_ =	swait.ge [sflag:s21], $0x1000  }
0x5b: {  	[sflag:s21] =	ssyncset.done $0x0  }
0x5c: {  	s12 =	simm.s32 $0x400;
	[sflag:s21] =	ssyncadd.s32 $0xFFFFF000  }
0x5d: {  	[tilespmem:s1], [sflag:$0x1] =	stream.indirect.gather [spmem:s2], $0x20, s12, s25, $0xb8;
	[tilespmem:$0x1DE20] =	vst v63  }
0x5e: {  	_ =	swait.ge [sflag:s21], $0x1000  }
0x5f: {  	[sflag:s21] =	ssyncset.done $0x0  }
0x60: {  	s13 =	simm.s32 $0x480;
	[sflag:s21] =	ssyncadd.s32 $0xFFFFF000  }
0x61: {  	[tilespmem:s9], [sflag:$0x1] =	stream.indirect.gather [spmem:s2], $0x20, s13, s25, $0xb8;
	[tilespmem:$0x1DE20] =	vst v63  }
0x62: {  	_ =	swait.ge [sflag:s21], $0x1000  }
0x63: {  	[sflag:s21] =	ssyncset.done $0x0  }
0x64: {  	s12 =	simm.s32 $0x500;
	[sflag:s21] =	ssyncadd.s32 $0xFFFFF000  }
0x65: {  	[tilespmem:s18], [sflag:$0x1] =	stream.indirect.gather [spmem:s2], $0x20, s12, s25, $0xb8;
	[tilespmem:$0x1DE20] =	vst v63  }
0x66: {  	_ =	swait.ge [sflag:s21], $0x1000  }
0x67: {  	[sflag:s21] =	ssyncset.done $0x0  }
0x68: {  	s13 =	simm.s32 $0x580;
	[sflag:s21] =	ssyncadd.s32 $0xFFFFF000  }
0x69: {  	[tilespmem:s26], [sflag:$0x1] =	stream.indirect.gather [spmem:s2], $0x20, s13, s25, $0xb8;
	[tilespmem:$0x1DE20] =	vst v63  }
0x6a: {  	_ =	swait.ge [sflag:s21], $0x1000  }
0x6b: {  	[sflag:s21] =	ssyncset.done $0x0  }
0x6c: {  	s12 =	simm.s32 $0x600;
	[sflag:s21] =	ssyncadd.s32 $0xFFFFF000  }
0x6d: {  	[tilespmem:s29], [sflag:$0x1] =	stream.indirect.gather [spmem:s2], $0x20, s12, s25, $0xb8;
	[tilespmem:$0x1DE20] =	vst v63  }
0x6e: {  	_ =	swait.ge [sflag:s21], $0x1000  }
0x6f: {  	[sflag:s21] =	ssyncset.done $0x0  }
0x70: {  	s13 =	simm.s32 $0x680;
	[sflag:s21] =	ssyncadd.s32 $0xFFFFF000  }
0x71: {  	[tilespmem:s31], [sflag:$0x1] =	stream.indirect.gather [spmem:s2], $0x20, s13, s25, $0xb8;
	[tilespmem:$0x1DE20] =	vst v63  }
0x72: {  	_ =	swait.ge [sflag:s21], $0x1000  }
0x73: {  	[sflag:s21] =	ssyncset.done $0x0  }
0x74: {  	s11 =	simm.s32 $0x1400;
	s12 =	simm.s32 $0x700;
	[sflag:s21] =	ssyncadd.s32 $0xFFFFF000  }
.LBB2_4:
0x75: {  	[tilespmem:s0], [sflag:$0x1] =	stream.indirect.gather [spmem:s2], $0x20, s12, s25, $0xb8;
	[tilespmem:$0x1DE20] =	vst v63  }
0x76: {  	s12 =	smov.u32 s11  }
0x77: {  	p0 =	sne.s32 s11, $0x11800;
	s11 =	sadd.s32 $0x1400, s11;
	_ =	swait.ge [sflag:s21], $0x1000  }
0x78: {  	s12 =	sshra.s32 s12, $0x2;
	[sflag:s21] =	ssyncset.done $0x0  }
0x79: {  	s13 =	sadd.s32 $0x280, s12;
	[sflag:s21] =	ssyncadd.s32 $0xFFFFF000  }
0x7a: {  	[tilespmem:s24], [sflag:$0x1] =	stream.indirect.gather [spmem:s2], $0x20, s13, s25, $0xb8;
	[tilespmem:$0x1DE20] =	vst v63  }
0x7b: {  	_ =	swait.ge [sflag:s21], $0x1000  }
0x7c: {  	[sflag:s21] =	ssyncset.done $0x0  }
0x7d: {  	s13 =	sadd.s32 $0x300, s12;
	[sflag:s21] =	ssyncadd.s32 $0xFFFFF000  }
0x7e: {  	[tilespmem:s28], [sflag:$0x1] =	stream.indirect.gather [spmem:s2], $0x20, s13, s25, $0xb8;
	[tilespmem:$0x1DE20] =	vst v63  }
0x7f: {  	_ =	swait.ge [sflag:s21], $0x1000  }
0x80: {  	[sflag:s21] =	ssyncset.done $0x0  }
0x81: {  	s13 =	sadd.s32 $0x380, s12;
	[sflag:s21] =	ssyncadd.s32 $0xFFFFF000  }
0x82: {  	[tilespmem:s30], [sflag:$0x1] =	stream.indirect.gather [spmem:s2], $0x20, s13, s25, $0xb8;
	[tilespmem:$0x1DE20] =	vst v63  }
0x83: {  	_ =	swait.ge [sflag:s21], $0x1000  }
0x84: {  	[sflag:s21] =	ssyncset.done $0x0  }
0x85: {  	s13 =	sadd.s32 $0x400, s12;
	[sflag:s21] =	ssyncadd.s32 $0xFFFFF000  }
0x86: {  	[tilespmem:s1], [sflag:$0x1] =	stream.indirect.gather [spmem:s2], $0x20, s13, s25, $0xb8;
	[tilespmem:$0x1DE20] =	vst v63  }
0x87: {  	_ =	swait.ge [sflag:s21], $0x1000  }
0x88: {  	[sflag:s21] =	ssyncset.done $0x0  }
0x89: {  	s13 =	sadd.s32 $0x480, s12;
	[sflag:s21] =	ssyncadd.s32 $0xFFFFF000  }
0x8a: {  	[tilespmem:s9], [sflag:$0x1] =	stream.indirect.gather [spmem:s2], $0x20, s13, s25, $0xb8;
	[tilespmem:$0x1DE20] =	vst v63  }
0x8b: {  	_ =	swait.ge [sflag:s21], $0x1000  }
0x8c: {  	[sflag:s21] =	ssyncset.done $0x0  }
0x8d: {  	s13 =	sadd.s32 $0x500, s12;
	[sflag:s21] =	ssyncadd.s32 $0xFFFFF000  }
0x8e: {  	[tilespmem:s18], [sflag:$0x1] =	stream.indirect.gather [spmem:s2], $0x20, s13, s25, $0xb8;
	[tilespmem:$0x1DE20] =	vst v63  }
0x8f: {  	_ =	swait.ge [sflag:s21], $0x1000  }
0x90: {  	[sflag:s21] =	ssyncset.done $0x0  }
0x91: {  	s13 =	sadd.s32 $0x580, s12;
	[sflag:s21] =	ssyncadd.s32 $0xFFFFF000  }
0x92: {  	[tilespmem:s26], [sflag:$0x1] =	stream.indirect.gather [spmem:s2], $0x20, s13, s25, $0xb8;
	[tilespmem:$0x1DE20] =	vst v63  }
0x93: {  	_ =	swait.ge [sflag:s21], $0x1000  }
0x94: {  	[sflag:s21] =	ssyncset.done $0x0  }
0x95: {  	s13 =	sadd.s32 $0x600, s12;
	[sflag:s21] =	ssyncadd.s32 $0xFFFFF000  }
0x96: {  	[tilespmem:s29], [sflag:$0x1] =	stream.indirect.gather [spmem:s2], $0x20, s13, s25, $0xb8;
	[tilespmem:$0x1DE20] =	vst v63  }
0x97: {  	_ =	swait.ge [sflag:s21], $0x1000  }
0x98: {  	[sflag:s21] =	ssyncset.done $0x0  }
.Ltmp1:
0x99: {  	s13 =	sadd.s32 $0x680, s12;
	[sflag:s21] =	ssyncadd.s32 $0xFFFFF000;
	(pc) =	sbr.rel @p0 .LBB2_4-.Ltmp1, $4  }
0x9a: {  	[tilespmem:s31], [sflag:$0x1] =	stream.indirect.gather [spmem:s2], $0x20, s13, s25, $0xb8;
	[tilespmem:$0x1DE20] =	vst v63  }
0x9b: {  	_ =	swait.ge [sflag:s21], $0x1000  }
0x9c: {  	[sflag:s21] =	ssyncset.done $0x0  }
0x9d: {  	s12 =	sadd.s32 $0x700, s12;
	[sflag:s21] =	ssyncadd.s32 $0xFFFFF000  }
0x9e: {  	[tilespmem:s0], [sflag:$0x1] =	stream.indirect.gather [spmem:s2], $0x20, s12, s25, $0xb8;
	[tilespmem:$0x1DE20] =	vst v63  }
0x9f: {  	_ =	swait.ge [sflag:s21], $0x1000  }
0xa0: {  	[sflag:s21] =	ssyncset.done $0x0  }
0xa1: {  	s11 =	simm.s32 $0x4D80;
	[sflag:s21] =	ssyncadd.s32 $0xFFFFF000  }
0xa2: {  	[tilespmem:s24], [sflag:$0x1] =	stream.indirect.gather [spmem:s2], $0x20, s11, s25, $0xb8;
	[tilespmem:$0x1DE20] =	vst v63  }
0xa3: {  	_ =	swait.ge [sflag:s21], $0x1000  }
0xa4: {  	[sflag:s21] =	ssyncset.done $0x0  }
0xa5: {  	s12 =	simm.s32 $0x4E00;
	[sflag:s21] =	ssyncadd.s32 $0xFFFFF000  }
0xa6: {  	[tilespmem:s28], [sflag:$0x1] =	stream.indirect.gather [spmem:s2], $0x20, s12, s25, $0xb8;
	[tilespmem:$0x1DE20] =	vst v63  }
0xa7: {  	_ =	swait.ge [sflag:s21], $0x1000  }
0xa8: {  	[sflag:s21] =	ssyncset.done $0x0  }
0xa9: {  	s13 =	simm.s32 $0x4E80;
	[sflag:s21] =	ssyncadd.s32 $0xFFFFF000  }
0xaa: {  	[tilespmem:s30], [sflag:$0x1] =	stream.indirect.gather [spmem:s2], $0x20, s13, s25, $0xb8;
	[tilespmem:$0x1DE20] =	vst v63  }
0xab: {  	_ =	swait.ge [sflag:s21], $0x1000  }
0xac: {  	[sflag:s21] =	ssyncset.done $0x0  }
0xad: {  	s12 =	simm.s32 $0x4F00;
	[sflag:s21] =	ssyncadd.s32 $0xFFFFF000  }
0xae: {  	[tilespmem:s1], [sflag:$0x1] =	stream.indirect.gather [spmem:s2], $0x20, s12, s25, $0xb8;
	[tilespmem:$0x1DE20] =	vst v63  }
0xaf: {  	_ =	swait.ge [sflag:s21], $0x1000  }
0xb0: {  	[sflag:s21] =	ssyncset.done $0x0  }
0xb1: {  	s13 =	simm.s32 $0x4F80;
	[sflag:s21] =	ssyncadd.s32 $0xFFFFF000  }
0xb2: {  	[tilespmem:s9], [sflag:$0x1] =	stream.indirect.gather [spmem:s2], $0x20, s13, s25, $0xb8;
	[tilespmem:$0x1DE20] =	vst v63  }
0xb3: {  	_ =	swait.ge [sflag:s21], $0x1000  }
0xb4: {  	[sflag:s21] =	ssyncset.done $0x0  }
0xb5: {  	[sflag:s21] =	ssyncadd.s32 $0xFFFFF000  }
0xb6: {  	_ =	swait.ge [sflag:s21], $0x1000  }
0xb7: {  	[sflag:s21] =	ssyncset.done $0x0  }
0xb8: {  	[sflag:s21] =	ssyncadd.s32 $0xFFFFF000  }
0xb9: {  	_ =	swait.ge [sflag:s21], $0x1000  }
0xba: {  	[sflag:s21] =	ssyncset.done $0x0  }
0xbb: {  	[sflag:s21] =	ssyncadd.s32 $0xFFFFF000  }
0xbc: {  	_ =	swait.ge [sflag:s21], $0x1000  }
0xbd: {  	[sflag:s21] =	ssyncset.done $0x0  }
0xbe: {  	[sflag:s21] =	ssyncadd.s32 $0xFFFFF000  }
0xbf: {  	_ =	swait.ge [sflag:s21], $0x1000  }
0xc0: {  	[sflag:s21] =	ssyncset.done $0x0  }
0xc1: {  	[sflag:s21] =	ssyncadd.s32 $0xFFFFF000  }
0xc2: {  	[bflag:$0x0] =	sbarrier.arrive $0xFFFF  }
0xc3: {  	s12 =	sshrl.u32 s4, $0x3;
	s13 =	rddreg [dreg:$0x8]  }
0xc4: {  	[hbm:s13@s23], [sflag:s10] =	dma.strided [spmem:s12@s22], $0x200, s21, $0x4   }
0xc5: {  	_ =	swait.ge [sflag:s19], $0x200  }
0xc6: {  	[sflag:s19] =	ssyncset.done $0x0  }
0xc7: {  	s12 =	sshrl.u32 s5, $0x3;
	s13 =	rddreg [dreg:$0x9];
	[sflag:s19] =	ssyncadd.s32 $0xFFFFFE00  }
0xc8: {  	[hbm:s13@s23], [sflag:s10] =	dma.strided [spmem:s12@s22], $0x200, s21, $0x4   }
0xc9: {  	_ =	swait.ge [sflag:s19], $0x200  }
0xca: {  	[sflag:s19] =	ssyncset.done $0x0  }
0xcb: {  	s13 =	sshrl.u32 s6, $0x3;
	[sflag:s19] =	ssyncadd.s32 $0xFFFFFE00  }
0xcc: {  	[hbm:s14@s23], [sflag:s10] =	dma.strided [spmem:s13@s22], $0x200, s21, $0x4   }
0xcd: {  	_ =	swait.ge [sflag:s19], $0x200  }
0xce: {  	[sflag:s19] =	ssyncset.done $0x0  }
0xcf: {  	s12 =	sshrl.u32 s7, $0x3;
	[sflag:s19] =	ssyncadd.s32 $0xFFFFFE00  }
0xd0: {  	[hbm:s15@s23], [sflag:s10] =	dma.strided [spmem:s12@s22], $0x200, s21, $0x4   }
0xd1: {  	s3 =	sadd.s32 $0x1, s3;
	_ =	swait.ge [sflag:s19], $0x200  }
0xd2: {  	p0 =	sne.s32 s3, s17;
	[sflag:s19] =	ssyncset.done $0x0  }
.Ltmp2:
0xd3: {  	s13 =	sshrl.u32 s8, $0x3;
	[sflag:s19] =	ssyncadd.s32 $0xFFFFFE00;
	(pc) =	sbr.rel @p0 .LBB2_1-.Ltmp2, $4  }
0xd4: {  	[hbm:s16@s23], [sflag:s10] =	dma.strided [spmem:s13@s22], $0x200, s21, $0x4   }
0xd5: {  	_ =	swait.ge [sflag:s19], $0x200  }
0xd6: {  	[sflag:s19] =	ssyncset.done $0x0  }
0xd7: {  	[sflag:s19] =	ssyncadd.s32 $0xFFFFFE00  }
0xd8: {  	_ =	sfence.sel $0x180000  }
0xd9: {  	[bflag:$0x0] =	sbarrier.arrive $0xFFFF  }
0xda: {  	_ =	strace $0x90000050  }
0xdb: {  	s0 =	stileid.u32;
	[bflag:$0x2] =	sbarrier.arrive $0xFFFF  }
0xdc: {  	p0 =	sne.s32 s0, $0x0;
	s0 =	rddreg [dreg:$0x4]  }
0xdd: {  	s0 =	sadd.s32 @!p0 $0x100000, s0  }
0xde: {  	[sflag:s0] =	ssyncadd.tile.s32 @!p0 $0x1;
	_ =	shalt  }
.Lfunc_end2:
_tile_overlayer_lowered:
.L_overlay_start_2:
0xdf: {  	(tag) =	ssettag $0x2  }
0xe0: {  	s0 =	rddreg [dreg:$0x0];
	s2 =	stileid.u32  }
0xe1: {  	s1 =	rddreg [dreg:$0x1];
	p0 =	sne.s32 s2, $0x0  }
0xe2: {  	s3 =	rddreg [dreg:$0x2];
	[bflag:$0x3] =	sbarrier.arrive $0xFFFF;
	s2 =	simm.s32 @!p0 $0x1C02  }
0xe3: {  	[timem:s3], [sflag:s2] =	dma.local @!p0 [hbm:s0], s1  }
0xe4: {  	s0 =	simm.s32 @!p0 $0x2  }
0xe5: {  	_ =	swait.ge @!p0 [sflag:s0], s1  }
0xe6: {  	s1 =	ssub.s32 @!p0 $0x0, s1;
	[sflag:s0] =	ssyncset.done @!p0 $0x0  }
0xe7: {  	[sflag:s0] =	ssyncadd.s32 @!p0 s1  }
0xe8: {  	[bflag:$0x3] =	sbarrier.arrive $0xFFFF  }
0xe9: {  	_ =	shalt  }

// kernel: kernel.23.cloned.1.call-start
scs
__scs_entry_jumppad:
0x0: {  	(pc) =	sbr.rel $0x88, $3  }
0x1: {  	(tag) =	ssettag $0x0;
	lr =	simm.s32 $0x1  }
0x2: {  	[smem:$0x3F99] =	sst lr;
	_ =	strace $0xD0000000  }
0x3: {  	_ = 	snop  }
0x4: {  	_ = 	snop  }
0x5: {  	_ = 	snop  }
0x6: {  	_ = 	snop  }
0x7: {  	_ = 	snop  }
__scs_overlays_trampoline_lowered:
0x8: {  	[smem:$0x3FA8] =	sst s0  }
0x9: {  	[smem:$0x3FA9] =	sst s1  }
0xa: {  	[smem:$0x3FAA] =	sst s2  }
0xb: {  	[smem:$0x3FAB] =	sst s3  }
0xc: {  	[smem:$0x3FAC] =	sst s4  }
0xd: {  	[smem:$0x3FAD] =	sst s5  }
0xe: {  	[smem:$0x3FAE] =	sst s6  }
0xf: {  	[smem:$0x3FAF] =	sst s7  }
0x10: {  	[smem:$0x3FB0] =	sst s8  }
0x11: {  	[smem:$0x3FB1] =	sst s9;
	s0 =	simm.s32 @!p0 $0x0  }
0x12: {  	s1 =	sld [smem:$0x3F97];
	s0 =	simm.s32 @p0 $0x1  }
0x13: {  	[smem:$0x3FB2] =	sst s0;
	s0 =	simm.s32 @!p1 $0x0  }
0x14: {  	s2 =	sld [smem:$0x3F96];
	s0 =	simm.s32 @p1 $0x1  }
0x15: {  	[smem:$0x3FB3] =	sst s0;
	s0 =	simm.s32 @!p2 $0x0  }
0x16: {  	s3 =	sld [smem:$0x3FDB];
	s0 =	simm.s32 @p2 $0x1  }
0x17: {  	s4 =	simm.s32 $0x1BF5;
	[smem:$0x3FB5] =	sst s0  }
0x18: {  	s0 =	sld [smem:$0x3F98];
	_ =	swait.ge [sflag:s4], $0x0  }
0x19: {  	s7 =	sld [smem:$0x3F99]  }
0x1a: {  	s8 =	sadd.s32 $0xFFFFE003, lr  }
0x1b: {  	s9 =	sadd.s32 $0xFFFFFEF7, lr;
	s5 =	simm.s32 $0xFFFFFFFF;
	p2 =	slt.u32 s8, $0xFFFFF086  }
0x1c: {  	p1 =	slt.u32 s9, $0xF7A;
	s5 =	simm.s32 @!p2 $0x0  }
0x1d: {  	s5 =	simm.s32 @p1 $0x1;
	p0 =	seq.s32 s7, s2  }
0x1e: {  	s7 =	smul.u32 @!p0 $0xF7A, s2;
	p2 =	seq.s32 @!p0 s5, $0x0  }
0x1f: {  	s9 =	smul.u32 $0xF7A, s1;
	s8 =	simm.s32 @!p0 $0x1BF5;
	p2 =	por !p2, p0  }
0x20: {  	[sflag:s8] =	ssyncset.s32 @!p0 $0xFFFFF086;
	s6 =	sadd.s32 @!p0 s3, s7;
	s7 =	simm.s32 @!p0 $0x108  }
0x21: {  	s3 =	sadd.s32 s3, s9;
	s6 =	sadd.s32 @!p0 $0x88, s6;
	s7 =	simm.s32 @p2 $0x1082  }
0x22: {  	[simem:s7], [sflag:s8] =	dma.local @!p0 [hbm:s6], $0xF7A  }
0x23: {  	s9 =	sor.u32 $0xD0000000, s2;
	s6 =	simm.s32 $0x108;
	_ =	swait.ge @!p0 [sflag:s8], $0x0  }
0x24: {  	s3 =	sadd.s32 $0x88, s3;
	s6 =	simm.s32 @!p1 $0x1082;
	[sflag:s4] =	ssyncset.s32 $0xFFFFF086  }
0x25: {  	[simem:s6], [sflag:s4] =	dma.local [hbm:s3], $0xF7A  }
0x26: {  	[smem:$0x3F99] =	sst s1;
	(tag) =	ssettag s2;
	_ =	strace s9  }
0x27: {  	s1 =	sld [smem:$0x3FA9]  }
0x28: {  	s2 =	sld [smem:$0x3FAA]  }
0x29: {  	s4 =	sld [smem:$0x3FAC]  }
0x2a: {  	p0 =	seq.s32 s5, $0x0;
	s5 =	sld [smem:$0x3FAD]  }
0x2b: {  	s6 =	sld [smem:$0x3FAE]  }
0x2c: {  	s7 =	sld [smem:$0x3FAF]  }
0x2d: {  	s3 =	simm.s32 $0x108;
	s8 =	sld [smem:$0x3FB0]  }
0x2e: {  	s3 =	simm.s32 @!p0 $0x1082;
	s9 =	sld [smem:$0x3FB1]  }
0x2f: {  	lr =	sadd.s32 s0, s3;
	s0 =	sld [smem:$0x3FA8]  }
0x30: {  	s3 =	sld [smem:$0x3FAB]  }
0x31: {  	[smem:$0x3FB4] =	sst s10  }
0x32: {  	s10 =	sld [smem:$0x3FB2];
	_ =	sdelay $0x3  }
0x33: {  	p0 =	seq.s32 s10, $0x1;
	s10 =	sld [smem:$0x3FB4];
	_ =	sdelay $0x3  }
0x34: {  	[smem:$0x3FB4] =	sst s10  }
0x35: {  	s10 =	sld [smem:$0x3FB3];
	_ =	sdelay $0x3  }
0x36: {  	p1 =	seq.s32 s10, $0x1;
	s10 =	sld [smem:$0x3FB4];
	_ =	sdelay $0x3  }
0x37: {  	[smem:$0x3FB4] =	sst s10  }
0x38: {  	s10 =	sld [smem:$0x3FB5]  }
0x39: {  	_ = 	snop;
	(pc) =	sbr.ind lr, $3  }
0x3a: {  	_ = 	snop  }
0x3b: {  	_ = 	snop  }
0x3c: {  	p2 =	seq.s32 s10, $0x1;
	s10 =	sld [smem:$0x3FB4]  }
0x3d: {  	_ =	shalt  }
0x3e: {  	_ =	shalt  }
0x3f: {  	_ =	shalt  }
0x40: {  	_ =	shalt  }
0x41: {  	_ =	shalt  }
0x42: {  	_ =	shalt  }
0x43: {  	_ =	shalt  }
0x44: {  	_ =	shalt  }
0x45: {  	_ =	shalt  }
0x46: {  	_ =	shalt  }
0x47: {  	_ =	shalt  }
0x48: {  	_ =	shalt  }
0x49: {  	_ =	shalt  }
0x4a: {  	_ =	shalt  }
0x4b: {  	_ =	shalt  }
0x4c: {  	_ =	shalt  }
0x4d: {  	_ =	shalt  }
0x4e: {  	_ =	shalt  }
0x4f: {  	_ =	shalt  }
0x50: {  	_ =	shalt  }
0x51: {  	_ =	shalt  }
0x52: {  	_ =	shalt  }
0x53: {  	_ =	shalt  }
0x54: {  	_ =	shalt  }
0x55: {  	_ =	shalt  }
0x56: {  	_ =	shalt  }
0x57: {  	_ =	shalt  }
0x58: {  	_ =	shalt  }
0x59: {  	_ =	shalt  }
0x5a: {  	_ =	shalt  }
0x5b: {  	_ =	shalt  }
0x5c: {  	_ =	shalt  }
0x5d: {  	_ =	shalt  }
0x5e: {  	_ =	shalt  }
0x5f: {  	_ =	shalt  }
0x60: {  	_ =	shalt  }
0x61: {  	_ =	shalt  }
0x62: {  	_ =	shalt  }
0x63: {  	_ =	shalt  }
0x64: {  	_ =	shalt  }
0x65: {  	_ =	shalt  }
0x66: {  	_ =	shalt  }
0x67: {  	_ =	shalt  }
0x68: {  	_ =	shalt  }
0x69: {  	_ =	shalt  }
0x6a: {  	_ =	shalt  }
0x6b: {  	_ =	shalt  }
0x6c: {  	_ =	shalt  }
0x6d: {  	_ =	shalt  }
0x6e: {  	_ =	shalt  }
0x6f: {  	_ =	shalt  }
0x70: {  	_ =	shalt  }
0x71: {  	_ =	shalt  }
0x72: {  	_ =	shalt  }
0x73: {  	_ =	shalt  }
0x74: {  	_ =	shalt  }
0x75: {  	_ =	shalt  }
0x76: {  	_ =	shalt  }
0x77: {  	_ =	shalt  }
0x78: {  	_ =	shalt  }
0x79: {  	_ =	shalt  }
0x7a: {  	_ =	shalt  }
0x7b: {  	_ =	shalt  }
0x7c: {  	_ =	shalt  }
0x7d: {  	_ =	shalt  }
0x7e: {  	_ =	shalt  }
0x7f: {  	_ =	shalt  }
0x80: {  	_ =	shalt  }
0x81: {  	_ =	shalt  }
0x82: {  	_ =	shalt  }
0x83: {  	_ =	shalt  }
0x84: {  	_ =	shalt  }
0x85: {  	_ =	shalt  }
0x86: {  	_ =	shalt  }
0x87: {  	_ =	shalt  }
.Lfunc_end0:
.L_simem_size_0:
called_computation.4_lowered:
.L_overlay_start_0:
0x88: {  	s2 =	sld [smem:$0x3FD9]  }
0x89: {  	s3 =	sld [smem:$0x3FFE];
	_ =	sdelay $0x1  }
0x8a: {  	s1 =	srdreg.scid  }
0x8b: {  	s0 =	sand.u32 $0x1, s1  }
0x8c: {  	s17 =	sshll.u32 s0, $0xA;
	s2 =	sadd.s32 s3, s2  }
0x8d: {  	s2 =	sadd.s32 s2, s17  }
0x8e: {  	[smem:$0x3FC0] =	sst s2  }
0x8f: {  	_ = 	snop  }
0x90: {  	s2 =	sld [smem:$0x3FD0];
	(tm) =	ssettm $0x1  }
0x91: {  	s18 =	sld [smem:$0x3FFB];
	_ =	sdelay $0x3  }
0x92: {  	_ =	strace s18  }
0x93: {  	s3 =	sld [smem:$0x3FFC];
	_ =	sdelay $0x3  }
0x94: {  	_ =	strace s3  }
0x95: {  	s3 =	sld [smem:$0x3FFD];
	_ =	sdelay $0x3  }
0x96: {  	_ =	strace s3  }
0x97: {  	_ =	strace $0x8FFFFFFF  }
0x98: {  	s19 =	sld [smem:$0x3FDB];
	_ =	sdelay $0x1  }
0x99: {  	s4 =	simm.s32 $_scs_section_size  }
0x9a: {  	s5 =	simm.s32 $_size__tile_overlayer_lowered;
	s6 =	simm.s32 $_tile_overlayer_lowered  }
0x9b: {  	s22 =	simm.s32 $0x1BFF;
	s21 =	sshll.u32 s6, $0x1;
	s3 =	sadd.s32 s4, s19  }
0x9c: {  	s7 =	simm.s32 $0x0;
	s20 =	sshll.u32 s5, $0x1;
	s5 =	sadd.s32 s21, s3  }
0x9d: {  	[timem:s7], [sflag:s22] =	dma.local [hbm:s5], s20  }
0x9e: {  	_ =	swait.ge [sflag:s22], s20  }
0x9f: {  	s4 =	ssub.s32 $0x0, s20;
	[sflag:s22] =	ssyncset.done $0x0  }
0xa0: {  	[sflag:s22] =	ssyncadd.s32 s4;
	_ =	sdelay $0x1  }
0xa1: {  	s23 =	simm.s32 $0x1B8B  }
0xa2: {  	_ =	swait.ge [sflag:s23], $0x1  }
0xa3: {  	[sflag:s23] =	ssyncset.done $0x0  }
0xa4: {  	s25 =	simm.s32 $0x1B8E;
	s24 =	sld [smem:$0x3FFE];
	[sflag:s23] =	ssyncadd.s32 $0xFFFFFFFF  }
0xa5: {  	s26 =	simm.s32 $execute0_lowered;
	[smem:$0x3FD2] =	sst s25  }
0xa6: {  	s5 =	sshll.u32 s26, $0x1;
	_ =	strace $0x80000052;
	[dreg:$0x1] =	wrdreg $0xFFFFFFFF  }
0xa7: {  	s28 =	simm.s32 $_size_execute0_lowered;
	s3 =	sadd.s32 s3, s5;
	[dreg:$0x0] =	wrdreg $0x0  }
0xa8: {  	s5 =	sshll.u32 s28, $0x1;
	[dreg:$0x2] =	wrdreg s3  }
0xa9: {  	[dreg:$0x3] =	wrdreg s5  }
0xaa: {  	[dreg:$0x4] =	wrdreg $0xC0  }
0xab: {  	_ =	task [dreg:s7], $0x5FFFF  }
0xac: {  	[dreg:$0x1] =	wrdreg $0xFFFFFFFF  }
0xad: {  	[dreg:$0x0] =	wrdreg $0x60  }
0xae: {  	[dreg:$0x2] =	wrdreg s24  }
0xaf: {  	[dreg:$0x3] =	wrdreg s2  }
0xb0: {  	[dreg:$0x4] =	wrdreg $0x140000  }
0xb1: {  	[dreg:$0x5] =	wrdreg $0x190000  }
0xb2: {  	[dreg:$0x6] =	wrdreg $0x9  }
0xb3: {  	_ =	task.clear_ibuf [dreg:s7], $0x7FFFF;
	_ =	strace $0x90000052  }
0xb4: {  	s29 =	simm.s32 $0x9;
	_ =	strace $0x80000054  }
0xb5: {  	_ =	swait.ge [sflag:s29], $0x1  }
0xb6: {  	[sflag:s29] =	ssyncadd.s32 $0xFFFFFFFF  }
0xb7: {  	_ =	strace $0x90000054  }
0xb8: {  	_ =	sfence  }
0xb9: {  	s30 =	sld [smem:$0x0];
	_ =	sdelay $0x2  }
0xba: {  	s31 =	sshll.u32 s1, $0xD;
	s1 =	sshrl.u32 s1, $0x2  }
0xbb: {  	s3 =	sand.u32 $0x4000, s31;
	s1 =	sadd.s32 s1, s30  }
0xbc: {  	s0 =	sor.u32 s3, s0;
	s1 =	sshll.u32 s1, $0x11  }
0xbd: {  	s0 =	sor.u32 s1, s0  }
0xbe: {  	s0 =	sadd.s32 $0x8F2B, s0  }
0xbf: {  	[sflag:s0] =	ssyncadd.remote.s32 $0x1  }
0xc0: {  	_ =	sfence.sel $0xFFFF  }
0xc1: {  	[dreg:$0x0] =	wrdreg $0xFFFFFFFF;
	(pc) =	sbr.abs _section_cstart, $3  }
0xc2: {  	[dreg:$0x1] =	wrdreg $0xFFFFFFFF  }
0xc3: {  	_ =	task.clear_ibuf [dreg:s7], $0x2FFFF;
	_ =	strace $0x9FFFFFFF  }
0xc4: {  	(tm) =	ssettm $0x7FFFFFFF  }
0xc5: {  	_ =	shalt  }
tec
execute0_lowered:
.L_overlay_start_1:
0x0: {  	(tag) =	ssettag $0x1  }
0x1: {  	s0 =	rddreg [dreg:$0x0]  }
0x2: {  	s1 =	rddreg [dreg:$0x1]  }
0x3: {  	s8 =	rddreg [dreg:$0x2];
	s3 =	srdreg.scid  }
0x4: {  	s6 =	stileid.u32;
	s2 =	rddreg [dreg:$0x3]  }
0x5: {  	s29 =	simm.s32 $0xC000;
	s31 =	simm.s32 $0xD000;
	s9 =	smul.u32 $0x13880, s6  }
0x6: {  	s28 =	simm.s32 $0x10000;
	s30 =	simm.s32 $0x11000;
	s11 =	smul.u32 $0xA00, s6  }
0x7: {  	s4 =	sand.u32 $0x1, s3;
	s3 =	simm.s32 $0x0;
	s12 =	smul.u32 $0x14000, s6  }
0x8: {  	s10 =	sshll.u32 s4, $0x5;
	[smem:$0x7FF] =	sst s3;
	s4 =	ssub.s32 $0x2, s4  }
0x9: {  	s5 =	sor.u32 s10, s9;
	_ =	strace $0x80000053;
	s14 =	sadd.s32 s11, s0  }
0xa: {  	s26 =	sshrl.u32 s4, $0x1;
	s15 =	sadd.s32 $0x4000, s12;
	s16 =	sadd.s32 $0x8000, s12  }
0xb: {  	s18 =	sadd.s32 $0xC000, s12;
	s19 =	sadd.s32 $0x10000, s12;
	s9 =	sshrl.u32 s9, $0x2  }
0xc: {  	s1 =	sadd.s32 s1, s11;
	s5 =	sshrl.u32 s5, $0x3;
	s17 =	ssub.s32 s4, s26  }
0xd: {  	s6 =	sshrl.u32 s15, $0x2;
	s7 =	sshrl.u32 s16, $0x2;
	s20 =	sshrl.u32 s19, $0x2  }
0xe: {  	s9 =	sadd.s32 s9, s2;
	s21 =	sor.u32 s10, s15;
	[dreg:$0x7] =	wrdreg s1  }
0xf: {  	s24 =	sor.u32 s10, s16;
	s25 =	sor.u32 s10, s18;
	s13 =	sadd.s32 s5, s0  }
0x10: {  	s0 =	sadd.s32 $0x35C00, s0;
	s5 =	sshrl.u32 s12, $0x2;
	s12 =	sor.u32 s10, s12  }
0x11: {  	s23 =	sshrl.u32 s21, $0x3;
	s11 =	sshrl.u32 s25, $0x3;
	s10 =	sor.u32 s10, s19  }
0x12: {  	s17 =	smax.u32 s17, $0x1;
	s19 =	simm.s32 $0x2;
	s21 =	simm.s32 $0x1  }
0x13: {  	s25 =	simm.s32 $0x80;
	s4 =	sadd.s32 s5, s8;
	s5 =	sadd.s32 s6, s8  }
0x14: {  	s6 =	sadd.s32 s7, s8;
	s7 =	sshrl.u32 s18, $0x2;
	s13 =	sadd.s32 $0x3C00, s13  }
0x15: {  	s12 =	sshrl.u32 s12, $0x3;
	s1 =	sadd.s32 s0, s23;
	s15 =	sadd.s32 s0, s11  }
0x16: {  	s26 =	sshrl.u32 s10, $0x3;
	s18 =	simm.s32 $0xA000;
	s23 =	simm.s32 $0x10  }
0x17: {  	s7 =	sadd.s32 s7, s8;
	s8 =	sadd.s32 s20, s8;
	[dreg:$0x5] =	wrdreg s13  }
0x18: {  	s20 =	sadd.s32 $0x2BC00, s14;
	s22 =	sadd.s32 s0, s12;
	[dreg:$0x9] =	wrdreg s1  }
0x19: {  	s1 =	sshrl.u32 s24, $0x3;
	s16 =	sadd.s32 s0, s26;
	[dreg:$0x6] =	wrdreg s20  }
0x1a: {  	s26 =	simm.s32 $0xB000;
	s24 =	simm.s32 $0xF000;
	[dreg:$0x8] =	wrdreg s22  }
0x1b: {  	s14 =	sadd.s32 s0, s1;
	s20 =	sshrl.u32 s9, $0x3;
	s22 =	simm.s32 $0x4  }
0x1c: {  	v0 =	vimm.f32 $0.0e+00;
	s0 =	simm.s32 $0xE000;
	s1 =	simm.s32 $0x12000;
	s9 =	simm.s32 $0x13000  }
.LBB2_1:
0x1d: {  	s10 =	simm.s32 $0x80;
	s11 =	simm.s32 $0x0  }
.LBB2_2:
0x1e: {  	p0 =	sne.s32 s10, $0x3F80;
	[tilespmem:s11+$0xA000] =	vst v0;
	s12 =	smov.u32 s10;
	s10 =	sadd.s32 $0x80, s10  }
.Ltmp0:
0x1f: {  	[tilespmem:s11+$0xA010] =	vst v0;
	(pc) =	sbr.rel @p0 .LBB2_2-.Ltmp0, $2  }
0x20: {  	_ =	sdelay $0x2  }
0x21: {  	s11 =	sshra.s32 s12, $0x2  }
0x22: {  	[tilespmem:s11+$0xA000] =	vst v0  }
0x23: {  	[tilespmem:s11+$0xA010] =	vst v0  }
0x24: {  	[spmem:s4] =	stream.linear.scatter [tilespmem:s18], [sflag:$0x2], $0x1000, $0x38;
	[tilespmem:$0x1DE20] =	vst v63  }
0x25: {  	_ =	swait.ge [sflag:s19], $0x1000  }
0x26: {  	[sflag:s19] =	ssyncset.done $0x0  }
0x27: {  	[sflag:s19] =	ssyncadd.s32 $0xFFFFF000  }
0x28: {  	[spmem:s5] =	stream.linear.scatter [tilespmem:s18], [sflag:$0x2], $0x1000, $0x38;
	[tilespmem:$0x1DE20] =	vst v63  }
0x29: {  	_ =	swait.ge [sflag:s19], $0x1000  }
0x2a: {  	[sflag:s19] =	ssyncset.done $0x0  }
0x2b: {  	[sflag:s19] =	ssyncadd.s32 $0xFFFFF000  }
0x2c: {  	[spmem:s6] =	stream.linear.scatter [tilespmem:s18], [sflag:$0x2], $0x1000, $0x38;
	[tilespmem:$0x1DE20] =	vst v63  }
0x2d: {  	_ =	swait.ge [sflag:s19], $0x1000  }
0x2e: {  	[sflag:s19] =	ssyncset.done $0x0  }
0x2f: {  	[sflag:s19] =	ssyncadd.s32 $0xFFFFF000  }
0x30: {  	[spmem:s7] =	stream.linear.scatter [tilespmem:s18], [sflag:$0x2], $0x1000, $0x38;
	[tilespmem:$0x1DE20] =	vst v63  }
0x31: {  	_ =	swait.ge [sflag:s19], $0x1000  }
0x32: {  	[sflag:s19] =	ssyncset.done $0x0  }
0x33: {  	[sflag:s19] =	ssyncadd.s32 $0xFFFFF000  }
0x34: {  	[spmem:s8] =	stream.linear.scatter [tilespmem:s18], [sflag:$0x2], $0x1000, $0x38;
	[tilespmem:$0x1DE20] =	vst v63  }
0x35: {  	s10 =	stileid.u32;
	_ =	swait.ge [sflag:s19], $0x1000  }
0x36: {  	s10 =	sshll.u32 s10, $0x6;
	[sflag:s19] =	ssyncset.done $0x0  }
0x37: {  	s10 =	sor.u32 $0x1C02, s10;
	s13 =	rddreg [dreg:$0x5];
	[sflag:s19] =	ssyncadd.s32 $0xFFFFF000  }
0x38: {  	[spmem:s20@s22], [sflag:s10] =	dma.strided [hbm:s13@s23], $0x9C4, s21, $0x4   }
0x39: {  	_ =	swait.ge [sflag:s19], $0x9C4  }
0x3a: {  	[sflag:s19] =	ssyncset.done $0x0  }
0x3b: {  	s11 =	simm.s32 $0x0;
	s12 =	rddreg [dreg:$0x6];
	[sflag:s19] =	ssyncadd.s32 $0xFFFFF63C  }
0x3c: {  	[tilespmem:s11], [sflag:$0x2] =	stream.linear.gather [hbm4b:s12+s11], $0x5000, $0x38;
	[tilespmem:$0x1DE20] =	vst v63  }
0x3d: {  	_ =	swait.ge [sflag:s19], $0x5000  }
0x3e: {  	[sflag:s19] =	ssyncset.done $0x0  }
0x3f: {  	s13 =	simm.s32 $0x5000;
	s12 =	rddreg [dreg:$0x7];
	[sflag:s19] =	ssyncadd.s32 $0xFFFFB000  }
0x40: {  	[tilespmem:s13], [sflag:$0x2] =	stream.linear.gather [hbm4b:s12+s11], $0x5000, $0x38;
	[tilespmem:$0x1DE20] =	vst v63  }
0x41: {  	_ =	swait.ge [sflag:s19], $0x5000  }
0x42: {  	[sflag:s19] =	ssyncset.done $0x0  }
0x43: {  	[sflag:s19] =	ssyncadd.s32 $0xFFFFB000  }
0x44: {  	[bflag:$0x0] =	sbarrier.arrive $0xFFFF  }
0x45: {  	[tilespmem:s18], [sflag:$0x1] =	stream.indirect.gather [spmem:s2], $0x20, s11, s25, $0xb8;
	[tilespmem:$0x1DE20] =	vst v63  }
0x46: {  	_ = 	snop  }
0x47: {  	[tilespmem:s26], [sflag:$0x1] =	stream.indirect.gather [spmem:s2], $0x20, s25, s25, $0xb8;
	[tilespmem:$0x1DE20] =	vst v63  }
0x48: {  	s12 =	simm.s32 $0x100  }
0x49: {  	[tilespmem:s29], [sflag:$0x1] =	stream.indirect.gather [spmem:s2], $0x20, s12, s25, $0xb8;
	[tilespmem:$0x1DE20] =	vst v63  }
0x4a: {  	s13 =	simm.s32 $0x180  }
0x4b: {  	[tilespmem:s31], [sflag:$0x1] =	stream.indirect.gather [spmem:s2], $0x20, s13, s25, $0xb8;
	[tilespmem:$0x1DE20] =	vst v63  }
0x4c: {  	s12 =	simm.s32 $0x200  }
0x4d: {  	[tilespmem:s0], [sflag:$0x1] =	stream.indirect.gather [spmem:s2], $0x20, s12, s25, $0xb8;
	[tilespmem:$0x1DE20] =	vst v63  }
0x4e: {  	_ =	swait.ge [sflag:s21], $0x1000  }
0x4f: {  	[sflag:s21] =	ssyncset.done $0x0  }
0x50: {  	s13 =	simm.s32 $0x280;
	[sflag:s21] =	ssyncadd.s32 $0xFFFFF000  }
0x51: {  	[tilespmem:s24], [sflag:$0x1] =	stream.indirect.gather [spmem:s2], $0x20, s13, s25, $0xb8;
	[tilespmem:$0x1DE20] =	vst v63  }
0x52: {  	_ =	swait.ge [sflag:s21], $0x1000  }
0x53: {  	[sflag:s21] =	ssyncset.done $0x0  }
0x54: {  	s12 =	simm.s32 $0x300;
	[sflag:s21] =	ssyncadd.s32 $0xFFFFF000  }
0x55: {  	[tilespmem:s28], [sflag:$0x1] =	stream.indirect.gather [spmem:s2], $0x20, s12, s25, $0xb8;
	[tilespmem:$0x1DE20] =	vst v63  }
0x56: {  	_ =	swait.ge [sflag:s21], $0x1000  }
0x57: {  	[sflag:s21] =	ssyncset.done $0x0  }
0x58: {  	s13 =	simm.s32 $0x380;
	[sflag:s21] =	ssyncadd.s32 $0xFFFFF000  }
0x59: {  	[tilespmem:s30], [sflag:$0x1] =	stream.indirect.gather [spmem:s2], $0x20, s13, s25, $0xb8;
	[tilespmem:$0x1DE20] =	vst v63  }
0x5a: {  	_ =	swait.ge [sflag:s21], $0x1000  }
0x5b: {  	[sflag:s21] =	ssyncset.done $0x0  }
0x5c: {  	s12 =	simm.s32 $0x400;
	[sflag:s21] =	ssyncadd.s32 $0xFFFFF000  }
0x5d: {  	[tilespmem:s1], [sflag:$0x1] =	stream.indirect.gather [spmem:s2], $0x20, s12, s25, $0xb8;
	[tilespmem:$0x1DE20] =	vst v63  }
0x5e: {  	_ =	swait.ge [sflag:s21], $0x1000  }
0x5f: {  	[sflag:s21] =	ssyncset.done $0x0  }
0x60: {  	s13 =	simm.s32 $0x480;
	[sflag:s21] =	ssyncadd.s32 $0xFFFFF000  }
0x61: {  	[tilespmem:s9], [sflag:$0x1] =	stream.indirect.gather [spmem:s2], $0x20, s13, s25, $0xb8;
	[tilespmem:$0x1DE20] =	vst v63  }
0x62: {  	_ =	swait.ge [sflag:s21], $0x1000  }
0x63: {  	[sflag:s21] =	ssyncset.done $0x0  }
0x64: {  	s12 =	simm.s32 $0x500;
	[sflag:s21] =	ssyncadd.s32 $0xFFFFF000  }
0x65: {  	[tilespmem:s18], [sflag:$0x1] =	stream.indirect.gather [spmem:s2], $0x20, s12, s25, $0xb8;
	[tilespmem:$0x1DE20] =	vst v63  }
0x66: {  	_ =	swait.ge [sflag:s21], $0x1000  }
0x67: {  	[sflag:s21] =	ssyncset.done $0x0  }
0x68: {  	s13 =	simm.s32 $0x580;
	[sflag:s21] =	ssyncadd.s32 $0xFFFFF000  }
0x69: {  	[tilespmem:s26], [sflag:$0x1] =	stream.indirect.gather [spmem:s2], $0x20, s13, s25, $0xb8;
	[tilespmem:$0x1DE20] =	vst v63  }
0x6a: {  	_ =	swait.ge [sflag:s21], $0x1000  }
0x6b: {  	[sflag:s21] =	ssyncset.done $0x0  }
0x6c: {  	s12 =	simm.s32 $0x600;
	[sflag:s21] =	ssyncadd.s32 $0xFFFFF000  }
0x6d: {  	[tilespmem:s29], [sflag:$0x1] =	stream.indirect.gather [spmem:s2], $0x20, s12, s25, $0xb8;
	[tilespmem:$0x1DE20] =	vst v63  }
0x6e: {  	_ =	swait.ge [sflag:s21], $0x1000  }
0x6f: {  	[sflag:s21] =	ssyncset.done $0x0  }
0x70: {  	s13 =	simm.s32 $0x680;
	[sflag:s21] =	ssyncadd.s32 $0xFFFFF000  }
0x71: {  	[tilespmem:s31], [sflag:$0x1] =	stream.indirect.gather [spmem:s2], $0x20, s13, s25, $0xb8;
	[tilespmem:$0x1DE20] =	vst v63  }
0x72: {  	_ =	swait.ge [sflag:s21], $0x1000  }
0x73: {  	[sflag:s21] =	ssyncset.done $0x0  }
0x74: {  	s11 =	simm.s32 $0x1400;
	s12 =	simm.s32 $0x700;
	[sflag:s21] =	ssyncadd.s32 $0xFFFFF000  }
.LBB2_4:
0x75: {  	[tilespmem:s0], [sflag:$0x1] =	stream.indirect.gather [spmem:s2], $0x20, s12, s25, $0xb8;
	[tilespmem:$0x1DE20] =	vst v63  }
0x76: {  	s12 =	smov.u32 s11  }
0x77: {  	p0 =	sne.s32 s11, $0x11800;
	s11 =	sadd.s32 $0x1400, s11;
	_ =	swait.ge [sflag:s21], $0x1000  }
0x78: {  	s12 =	sshra.s32 s12, $0x2;
	[sflag:s21] =	ssyncset.done $0x0  }
0x79: {  	s13 =	sadd.s32 $0x280, s12;
	[sflag:s21] =	ssyncadd.s32 $0xFFFFF000  }
0x7a: {  	[tilespmem:s24], [sflag:$0x1] =	stream.indirect.gather [spmem:s2], $0x20, s13, s25, $0xb8;
	[tilespmem:$0x1DE20] =	vst v63  }
0x7b: {  	_ =	swait.ge [sflag:s21], $0x1000  }
0x7c: {  	[sflag:s21] =	ssyncset.done $0x0  }
0x7d: {  	s13 =	sadd.s32 $0x300, s12;
	[sflag:s21] =	ssyncadd.s32 $0xFFFFF000  }
0x7e: {  	[tilespmem:s28], [sflag:$0x1] =	stream.indirect.gather [spmem:s2], $0x20, s13, s25, $0xb8;
	[tilespmem:$0x1DE20] =	vst v63  }
0x7f: {  	_ =	swait.ge [sflag:s21], $0x1000  }
0x80: {  	[sflag:s21] =	ssyncset.done $0x0  }
0x81: {  	s13 =	sadd.s32 $0x380, s12;
	[sflag:s21] =	ssyncadd.s32 $0xFFFFF000  }
0x82: {  	[tilespmem:s30], [sflag:$0x1] =	stream.indirect.gather [spmem:s2], $0x20, s13, s25, $0xb8;
	[tilespmem:$0x1DE20] =	vst v63  }
0x83: {  	_ =	swait.ge [sflag:s21], $0x1000  }
0x84: {  	[sflag:s21] =	ssyncset.done $0x0  }
0x85: {  	s13 =	sadd.s32 $0x400, s12;
	[sflag:s21] =	ssyncadd.s32 $0xFFFFF000  }
0x86: {  	[tilespmem:s1], [sflag:$0x1] =	stream.indirect.gather [spmem:s2], $0x20, s13, s25, $0xb8;
	[tilespmem:$0x1DE20] =	vst v63  }
0x87: {  	_ =	swait.ge [sflag:s21], $0x1000  }
0x88: {  	[sflag:s21] =	ssyncset.done $0x0  }
0x89: {  	s13 =	sadd.s32 $0x480, s12;
	[sflag:s21] =	ssyncadd.s32 $0xFFFFF000  }
0x8a: {  	[tilespmem:s9], [sflag:$0x1] =	stream.indirect.gather [spmem:s2], $0x20, s13, s25, $0xb8;
	[tilespmem:$0x1DE20] =	vst v63  }
0x8b: {  	_ =	swait.ge [sflag:s21], $0x1000  }
0x8c: {  	[sflag:s21] =	ssyncset.done $0x0  }
0x8d: {  	s13 =	sadd.s32 $0x500, s12;
	[sflag:s21] =	ssyncadd.s32 $0xFFFFF000  }
0x8e: {  	[tilespmem:s18], [sflag:$0x1] =	stream.indirect.gather [spmem:s2], $0x20, s13, s25, $0xb8;
	[tilespmem:$0x1DE20] =	vst v63  }
0x8f: {  	_ =	swait.ge [sflag:s21], $0x1000  }
0x90: {  	[sflag:s21] =	ssyncset.done $0x0  }
0x91: {  	s13 =	sadd.s32 $0x580, s12;
	[sflag:s21] =	ssyncadd.s32 $0xFFFFF000  }
0x92: {  	[tilespmem:s26], [sflag:$0x1] =	stream.indirect.gather [spmem:s2], $0x20, s13, s25, $0xb8;
	[tilespmem:$0x1DE20] =	vst v63  }
0x93: {  	_ =	swait.ge [sflag:s21], $0x1000  }
0x94: {  	[sflag:s21] =	ssyncset.done $0x0  }
0x95: {  	s13 =	sadd.s32 $0x600, s12;
	[sflag:s21] =	ssyncadd.s32 $0xFFFFF000  }
0x96: {  	[tilespmem:s29], [sflag:$0x1] =	stream.indirect.gather [spmem:s2], $0x20, s13, s25, $0xb8;
	[tilespmem:$0x1DE20] =	vst v63  }
0x97: {  	_ =	swait.ge [sflag:s21], $0x1000  }
0x98: {  	[sflag:s21] =	ssyncset.done $0x0  }
.Ltmp1:
0x99: {  	s13 =	sadd.s32 $0x680, s12;
	[sflag:s21] =	ssyncadd.s32 $0xFFFFF000;
	(pc) =	sbr.rel @p0 .LBB2_4-.Ltmp1, $4  }
0x9a: {  	[tilespmem:s31], [sflag:$0x1] =	stream.indirect.gather [spmem:s2], $0x20, s13, s25, $0xb8;
	[tilespmem:$0x1DE20] =	vst v63  }
0x9b: {  	_ =	swait.ge [sflag:s21], $0x1000  }
0x9c: {  	[sflag:s21] =	ssyncset.done $0x0  }
0x9d: {  	s12 =	sadd.s32 $0x700, s12;
	[sflag:s21] =	ssyncadd.s32 $0xFFFFF000  }
0x9e: {  	[tilespmem:s0], [sflag:$0x1] =	stream.indirect.gather [spmem:s2], $0x20, s12, s25, $0xb8;
	[tilespmem:$0x1DE20] =	vst v63  }
0x9f: {  	_ =	swait.ge [sflag:s21], $0x1000  }
0xa0: {  	[sflag:s21] =	ssyncset.done $0x0  }
0xa1: {  	s11 =	simm.s32 $0x4D80;
	[sflag:s21] =	ssyncadd.s32 $0xFFFFF000  }
0xa2: {  	[tilespmem:s24], [sflag:$0x1] =	stream.indirect.gather [spmem:s2], $0x20, s11, s25, $0xb8;
	[tilespmem:$0x1DE20] =	vst v63  }
0xa3: {  	_ =	swait.ge [sflag:s21], $0x1000  }
0xa4: {  	[sflag:s21] =	ssyncset.done $0x0  }
0xa5: {  	s12 =	simm.s32 $0x4E00;
	[sflag:s21] =	ssyncadd.s32 $0xFFFFF000  }
0xa6: {  	[tilespmem:s28], [sflag:$0x1] =	stream.indirect.gather [spmem:s2], $0x20, s12, s25, $0xb8;
	[tilespmem:$0x1DE20] =	vst v63  }
0xa7: {  	_ =	swait.ge [sflag:s21], $0x1000  }
0xa8: {  	[sflag:s21] =	ssyncset.done $0x0  }
0xa9: {  	s13 =	simm.s32 $0x4E80;
	[sflag:s21] =	ssyncadd.s32 $0xFFFFF000  }
0xaa: {  	[tilespmem:s30], [sflag:$0x1] =	stream.indirect.gather [spmem:s2], $0x20, s13, s25, $0xb8;
	[tilespmem:$0x1DE20] =	vst v63  }
0xab: {  	_ =	swait.ge [sflag:s21], $0x1000  }
0xac: {  	[sflag:s21] =	ssyncset.done $0x0  }
0xad: {  	s12 =	simm.s32 $0x4F00;
	[sflag:s21] =	ssyncadd.s32 $0xFFFFF000  }
0xae: {  	[tilespmem:s1], [sflag:$0x1] =	stream.indirect.gather [spmem:s2], $0x20, s12, s25, $0xb8;
	[tilespmem:$0x1DE20] =	vst v63  }
0xaf: {  	_ =	swait.ge [sflag:s21], $0x1000  }
0xb0: {  	[sflag:s21] =	ssyncset.done $0x0  }
0xb1: {  	s13 =	simm.s32 $0x4F80;
	[sflag:s21] =	ssyncadd.s32 $0xFFFFF000  }
0xb2: {  	[tilespmem:s9], [sflag:$0x1] =	stream.indirect.gather [spmem:s2], $0x20, s13, s25, $0xb8;
	[tilespmem:$0x1DE20] =	vst v63  }
0xb3: {  	_ =	swait.ge [sflag:s21], $0x1000  }
0xb4: {  	[sflag:s21] =	ssyncset.done $0x0  }
0xb5: {  	[sflag:s21] =	ssyncadd.s32 $0xFFFFF000  }
0xb6: {  	_ =	swait.ge [sflag:s21], $0x1000  }
0xb7: {  	[sflag:s21] =	ssyncset.done $0x0  }
0xb8: {  	[sflag:s21] =	ssyncadd.s32 $0xFFFFF000  }
0xb9: {  	_ =	swait.ge [sflag:s21], $0x1000  }
0xba: {  	[sflag:s21] =	ssyncset.done $0x0  }
0xbb: {  	[sflag:s21] =	ssyncadd.s32 $0xFFFFF000  }
0xbc: {  	_ =	swait.ge [sflag:s21], $0x1000  }
0xbd: {  	[sflag:s21] =	ssyncset.done $0x0  }
0xbe: {  	[sflag:s21] =	ssyncadd.s32 $0xFFFFF000  }
0xbf: {  	_ =	swait.ge [sflag:s21], $0x1000  }
0xc0: {  	[sflag:s21] =	ssyncset.done $0x0  }
0xc1: {  	[sflag:s21] =	ssyncadd.s32 $0xFFFFF000  }
0xc2: {  	[bflag:$0x0] =	sbarrier.arrive $0xFFFF  }
0xc3: {  	s12 =	sshrl.u32 s4, $0x3;
	s13 =	rddreg [dreg:$0x8]  }
0xc4: {  	[hbm:s13@s23], [sflag:s10] =	dma.strided [spmem:s12@s22], $0x200, s21, $0x4   }
0xc5: {  	_ =	swait.ge [sflag:s19], $0x200  }
0xc6: {  	[sflag:s19] =	ssyncset.done $0x0  }
0xc7: {  	s12 =	sshrl.u32 s5, $0x3;
	s13 =	rddreg [dreg:$0x9];
	[sflag:s19] =	ssyncadd.s32 $0xFFFFFE00  }
0xc8: {  	[hbm:s13@s23], [sflag:s10] =	dma.strided [spmem:s12@s22], $0x200, s21, $0x4   }
0xc9: {  	_ =	swait.ge [sflag:s19], $0x200  }
0xca: {  	[sflag:s19] =	ssyncset.done $0x0  }
0xcb: {  	s13 =	sshrl.u32 s6, $0x3;
	[sflag:s19] =	ssyncadd.s32 $0xFFFFFE00  }
0xcc: {  	[hbm:s14@s23], [sflag:s10] =	dma.strided [spmem:s13@s22], $0x200, s21, $0x4   }
0xcd: {  	_ =	swait.ge [sflag:s19], $0x200  }
0xce: {  	[sflag:s19] =	ssyncset.done $0x0  }
0xcf: {  	s12 =	sshrl.u32 s7, $0x3;
	[sflag:s19] =	ssyncadd.s32 $0xFFFFFE00  }
0xd0: {  	[hbm:s15@s23], [sflag:s10] =	dma.strided [spmem:s12@s22], $0x200, s21, $0x4   }
0xd1: {  	s3 =	sadd.s32 $0x1, s3;
	_ =	swait.ge [sflag:s19], $0x200  }
0xd2: {  	p0 =	sne.s32 s3, s17;
	[sflag:s19] =	ssyncset.done $0x0  }
.Ltmp2:
0xd3: {  	s13 =	sshrl.u32 s8, $0x3;
	[sflag:s19] =	ssyncadd.s32 $0xFFFFFE00;
	(pc) =	sbr.rel @p0 .LBB2_1-.Ltmp2, $4  }
0xd4: {  	[hbm:s16@s23], [sflag:s10] =	dma.strided [spmem:s13@s22], $0x200, s21, $0x4   }
0xd5: {  	_ =	swait.ge [sflag:s19], $0x200  }
0xd6: {  	[sflag:s19] =	ssyncset.done $0x0  }
0xd7: {  	[sflag:s19] =	ssyncadd.s32 $0xFFFFFE00  }
0xd8: {  	_ =	sfence.sel $0x180000  }
0xd9: {  	[bflag:$0x0] =	sbarrier.arrive $0xFFFF  }
0xda: {  	_ =	strace $0x90000053  }
0xdb: {  	s0 =	stileid.u32;
	[bflag:$0x2] =	sbarrier.arrive $0xFFFF  }
0xdc: {  	p0 =	sne.s32 s0, $0x0;
	s0 =	rddreg [dreg:$0x4]  }
0xdd: {  	s0 =	sadd.s32 @!p0 $0x100000, s0  }
0xde: {  	[sflag:s0] =	ssyncadd.tile.s32 @!p0 $0x1;
	_ =	shalt  }
.Lfunc_end2:
_tile_overlayer_lowered:
.L_overlay_start_2:
0xdf: {  	(tag) =	ssettag $0x2  }
0xe0: {  	s0 =	rddreg [dreg:$0x0];
	s2 =	stileid.u32  }
0xe1: {  	s1 =	rddreg [dreg:$0x1];
	p0 =	sne.s32 s2, $0x0  }
0xe2: {  	s3 =	rddreg [dreg:$0x2];
	[bflag:$0x3] =	sbarrier.arrive $0xFFFF;
	s2 =	simm.s32 @!p0 $0x1C02  }
0xe3: {  	[timem:s3], [sflag:s2] =	dma.local @!p0 [hbm:s0], s1  }
0xe4: {  	s0 =	simm.s32 @!p0 $0x2  }
0xe5: {  	_ =	swait.ge @!p0 [sflag:s0], s1  }
0xe6: {  	s1 =	ssub.s32 @!p0 $0x0, s1;
	[sflag:s0] =	ssyncset.done @!p0 $0x0  }
0xe7: {  	[sflag:s0] =	ssyncadd.s32 @!p0 s1  }
0xe8: {  	[bflag:$0x3] =	sbarrier.arrive $0xFFFF  }
0xe9: {  	_ =	shalt  }

</sc_bundles>
